<compile_context>
chip_gen: v7x
topology: tpu7x:2x2x1
jax: 0.10.2.dev20260603
libtpu: 0.0.44.dev20260713+nightly
codegen_flags: <defaults>
</compile_context>

<pallas_src>
import functools

import jax
import jax.numpy as jnp
from jax import lax
from jax.experimental import pallas as pl
from jax.experimental.pallas import tpu as pltpu
from jax.experimental.pallas import tpu_sc as plsc

N = 10000
E = 320000
IN_DIM = 128
HID = 100
OUT_DIM = 40

NPAD = 10240
NT = 32
ROWS_PER_TILE = NPAD // 16
CHUNK = 128
NCHUNK = 80
EPAD = NT * NCHUNK * CHUNK
F1 = 112
F3 = 48
BLK = 1024
GRID = NPAD // BLK


def _ln(h, g, b):
    mu = jnp.mean(h, axis=-1, keepdims=True)
    d = h - mu
    var = jnp.mean(d * d, axis=-1, keepdims=True)
    return d * lax.rsqrt(var + 1e-5) * g + b


def _k1_body(x_ref, w1_ref, b1_ref, g1_ref, lb1_ref, w2_ref, b2_ref, g2_ref,
             lb2_ref, wrel_ref, wself_ref, rb_ref, t1_ref, xs_ref):
    x = x_ref[...]
    h = jnp.dot(x, w1_ref[...], preferred_element_type=jnp.float32) + b1_ref[...]
    h = jnp.maximum(_ln(h, g1_ref[...], lb1_ref[...]), 0.0)
    h = jnp.dot(h, w2_ref[...], preferred_element_type=jnp.float32) + b2_ref[...]
    h = jnp.maximum(_ln(h, g2_ref[...], lb2_ref[...]), 0.0)
    t = jnp.dot(h, wrel_ref[...], preferred_element_type=jnp.float32)
    col = lax.broadcasted_iota(jnp.int32, (BLK, F1), 1)
    t1_ref[...] = t + (col == HID).astype(jnp.float32)
    xs_ref[...] = jnp.dot(h, wself_ref[...], preferred_element_type=jnp.float32) + rb_ref[...]


def _k1(x_pad, w1, b1, g1, lb1, w2, b2, g2, lb2, wrelp, wselfp, rbp):
    full = lambda shape: pl.BlockSpec(shape, lambda i: (0, 0))
    return pl.pallas_call(
        _k1_body,
        grid=(GRID,),
        in_specs=[
            pl.BlockSpec((BLK, IN_DIM), lambda i: (i, 0)),
            full((IN_DIM, HID)), full((1, HID)), full((1, HID)), full((1, HID)),
            full((HID, HID)), full((1, HID)), full((1, HID)), full((1, HID)),
            full((HID, F1)), full((HID, F1)), full((1, F1)),
        ],
        out_specs=[pl.BlockSpec((BLK, F1), lambda i: (i, 0)),
                   pl.BlockSpec((BLK, F1), lambda i: (i, 0))],
        out_shape=[jax.ShapeDtypeStruct((NPAD, F1), jnp.float32),
                   jax.ShapeDtypeStruct((NPAD, F1), jnp.float32)],
    )(x_pad, w1, b1, g1, lb1, w2, b2, g2, lb2, wrelp, wselfp, rbp)


def _k2_body(acc_ref, xs_ref, c1w_ref, t2_ref):
    s = acc_ref[0] + acc_ref[1]
    deg = s[:, HID:HID + 1]
    xr = jnp.maximum(xs_ref[...] + s * (1.0 / jnp.maximum(deg, 1.0)), 0.0)
    dinv = lax.rsqrt(deg + 1.0)
    t2 = jnp.dot(xr, c1w_ref[...], preferred_element_type=jnp.float32) * dinv
    col = lax.broadcasted_iota(jnp.int32, (BLK, F1), 1)
    t2_ref[...] = jnp.where(col == HID, dinv, t2)


def _k2(acc1, xselfb, c1wp):
    return pl.pallas_call(
        _k2_body,
        grid=(GRID,),
        in_specs=[
            pl.BlockSpec((2, BLK, F1), lambda i: (0, i, 0)),
            pl.BlockSpec((BLK, F1), lambda i: (i, 0)),
            pl.BlockSpec((F1, F1), lambda i: (0, 0)),
        ],
        out_specs=pl.BlockSpec((BLK, F1), lambda i: (i, 0)),
        out_shape=jax.ShapeDtypeStruct((NPAD, F1), jnp.float32),
    )(acc1, xselfb, c1wp)


def _k3_body(acc_ref, t2_ref, c1b_ref, c2w_ref, t3_ref):
    s = acc_ref[0] + acc_ref[1]
    t2 = t2_ref[...]
    dinv = t2[:, HID:HID + 1]
    xc = jnp.maximum(dinv * (s + t2) + c1b_ref[...], 0.0)
    t3 = jnp.dot(xc, c2w_ref[...], preferred_element_type=jnp.float32) * dinv
    col = lax.broadcasted_iota(jnp.int32, (BLK, F3), 1)
    t3_ref[...] = jnp.where(col == OUT_DIM, dinv, t3)


def _k3(acc2, table2, c1bp, c2wp):
    return pl.pallas_call(
        _k3_body,
        grid=(GRID,),
        in_specs=[
            pl.BlockSpec((2, BLK, F1), lambda i: (0, i, 0)),
            pl.BlockSpec((BLK, F1), lambda i: (i, 0)),
            pl.BlockSpec((1, F1), lambda i: (0, 0)),
            pl.BlockSpec((F1, F3), lambda i: (0, 0)),
        ],
        out_specs=pl.BlockSpec((BLK, F3), lambda i: (i, 0)),
        out_shape=jax.ShapeDtypeStruct((NPAD, F3), jnp.float32),
    )(acc2, table2, c1bp, c2wp)


def _k4_body(acc_ref, t3_ref, c2b_ref, out_ref):
    s = acc_ref[0] + acc_ref[1]
    t3 = t3_ref[...]
    dinv = t3[:, OUT_DIM:OUT_DIM + 1]
    logits = dinv * (s[:, :OUT_DIM] + t3[:, :OUT_DIM]) + c2b_ref[...]
    m = jnp.max(logits, axis=-1, keepdims=True)
    lse = jnp.log(jnp.sum(jnp.exp(logits - m), axis=-1, keepdims=True)) + m
    out_ref[...] = logits - lse


def _k4(acc3, table3, c2br):
    return pl.pallas_call(
        _k4_body,
        grid=(GRID,),
        in_specs=[
            pl.BlockSpec((2, BLK, F3), lambda i: (0, i, 0)),
            pl.BlockSpec((BLK, F3), lambda i: (i, 0)),
            pl.BlockSpec((1, OUT_DIM), lambda i: (0, 0)),
        ],
        out_specs=pl.BlockSpec((BLK, OUT_DIM), lambda i: (i, 0)),
        out_shape=jax.ShapeDtypeStruct((NPAD, OUT_DIM), jnp.float32),
    )(acc3, table3, c2br)


def _sc_pass(table, src3, dst3, zeros):
    f = table.shape[1]
    mesh = plsc.VectorSubcoreMesh(core_axis_name="c", subcore_axis_name="s",
                                  num_cores=2, num_subcores=16)

    @functools.partial(
        pl.kernel,
        out_type=jax.ShapeDtypeStruct((2, NPAD, f), jnp.float32),
        mesh=mesh,
        compiler_params=pltpu.CompilerParams(use_tc_tiling_on_sc=False),
        scratch_types=[
            pltpu.VMEM((NCHUNK, CHUNK), jnp.int32),
            pltpu.VMEM((NCHUNK, CHUNK), jnp.int32),
            pltpu.VMEM((CHUNK, f), jnp.float32),
            pltpu.VMEM((CHUNK, f), jnp.float32),
            pltpu.VMEM_SHARED((NPAD, f), jnp.float32),
            pltpu.SemaphoreType.DMA, pltpu.SemaphoreType.DMA,
            pltpu.SemaphoreType.DMA, pltpu.SemaphoreType.DMA,
        ],
    )
    def run(table_hbm, src_hbm, dst_hbm, zeros_hbm, out_hbm,
            src_all, dst_all, rows_a, rows_b, acc_sh,
            semg_a, semg_b, sems_a, sems_b):
        cid = lax.axis_index("c")
        sid = lax.axis_index("s")
        wid = cid * 16 + sid
        for k in range(16):
            @pl.when(sid == k)
            def _():
                pltpu.sync_copy(zeros_hbm,
                                acc_sh.at[pl.ds(k * ROWS_PER_TILE, ROWS_PER_TILE)])
        ia = pltpu.async_copy(src_hbm.at[wid], src_all, semg_a)
        ib = pltpu.async_copy(dst_hbm.at[wid], dst_all, semg_b)
        plsc.subcore_barrier()
        ia.wait()
        ib.wait()

        rows = [rows_a, rows_b]
        semg = [semg_a, semg_b]
        sems = [sems_a, sems_b]
        pltpu.async_copy(table_hbm.at[src_all.at[0]], rows_a, semg_a)

        def pair(i, carry):
            for p in (0, 1):
                j = 2 * i + p
                cur, nxt = p, 1 - p
                pltpu.make_async_copy(table_hbm.at[src_all.at[j]], rows[cur],
                                      semg[cur]).wait()

                @pl.when(j >= 1)
                def _():
                    pltpu.make_async_copy(rows[nxt],
                                          acc_sh.at[dst_all.at[j - 1]],
                                          sems[nxt]).wait()

                pltpu.async_copy(rows[cur], acc_sh.at[dst_all.at[j]],
                                 sems[cur], add=True)

                @pl.when(j + 1 < NCHUNK)
                def _():
                    pltpu.async_copy(table_hbm.at[src_all.at[j + 1]],
                                     rows[nxt], semg[nxt])
            return carry

        lax.fori_loop(0, NCHUNK // 2, pair, 0)
        pltpu.make_async_copy(rows[1], acc_sh.at[dst_all.at[NCHUNK - 1]],
                              sems[1]).wait()
        plsc.subcore_barrier()
        for k in range(16):
            @pl.when(sid == k)
            def _():
                pltpu.sync_copy(acc_sh.at[pl.ds(k * ROWS_PER_TILE, ROWS_PER_TILE)],
                                out_hbm.at[cid, pl.ds(k * ROWS_PER_TILE, ROWS_PER_TILE)])

    return run(table, src3, dst3, zeros)


def kernel(data_x, data_edge_index, data_edge_attr, t_w1, t_b1, ln1_g, ln1_b,
           t_w2, t_b2, ln2_g, ln2_b, rgcn_wrel, rgcn_wself, rgcn_b, c1_w,
           c1_b, c2_w, c2_b):
    f32 = jnp.float32
    x_pad = jnp.pad(data_x, ((0, NPAD - N), (0, 0)))
    row = lambda v: v.reshape(1, -1).astype(f32)
    wrelp = jnp.pad(rgcn_wrel[0], ((0, 0), (0, F1 - HID)))
    wselfp = jnp.pad(rgcn_wself, ((0, 0), (0, F1 - HID)))
    rbp = row(jnp.pad(rgcn_b, (0, F1 - HID)))
    c1wp = jnp.pad(c1_w, ((0, F1 - HID), (0, F1 - HID)))
    c1bp = row(jnp.pad(c1_b, (0, F1 - HID)))
    c2wp = jnp.pad(c2_w, ((0, F1 - HID), (0, F3 - OUT_DIM)))
    c2br = row(c2_b)

    pad = N + (jnp.arange(EPAD - E, dtype=jnp.int32) % (NPAD - N))
    src3 = jnp.concatenate([data_edge_index[0].astype(jnp.int32), pad]
                           ).reshape(NT, NCHUNK, CHUNK)
    dst3 = jnp.concatenate([data_edge_index[1].astype(jnp.int32), pad]
                           ).reshape(NT, NCHUNK, CHUNK)
    zeros1 = jnp.zeros((ROWS_PER_TILE, F1), f32)
    zeros3 = jnp.zeros((ROWS_PER_TILE, F3), f32)

    table1, xselfb = _k1(x_pad, t_w1, row(t_b1), row(ln1_g), row(ln1_b),
                         t_w2, row(t_b2), row(ln2_g), row(ln2_b),
                         wrelp, wselfp, rbp)
    acc1 = _sc_pass(table1, src3, dst3, zeros1)
    table2 = _k2(acc1, xselfb, c1wp)
    acc2 = _sc_pass(table2, src3, dst3, zeros1)
    table3 = _k3(acc2, table2, c1bp, c2wp)
    acc3 = _sc_pass(table3, src3, dst3, zeros3)
    out = _k4(acc3, table3, c2br)
    return out[:N]

# --- scband reference (transcript-rebuilt; emitter-appended) ---
"""Pipeline reference for scband-gcn-11579231830735 (READ-ONLY COPY).

The authoritative reference and input builder live on the scoring server;
editing this copy changes nothing except your own understanding.
"""

import jax, jax.numpy as jnp
import numpy as np

N = 10000
E = 320000
IN_DIM = 128
HID = 100
OUT_DIM = 40


def _layer_norm(x, g, b):
    mu = jnp.mean(x, axis=-1, keepdims=True)
    var = jnp.mean((x - mu) ** 2, axis=-1, keepdims=True)
    return (x - mu) / jnp.sqrt(var + 1e-5) * g + b


def _rgcn(x, edge_index, edge_attr, wrel, wself, b):
    src = edge_index[0]
    dst = edge_index[1]
    # per-relation transform of source embeddings (n_relations=1)
    transformed = jnp.einsum('nd,rde->rne', x, wrel)
    msg = transformed[edge_attr, src]
    agg = jnp.zeros((x.shape[0], wrel.shape[2]), dtype=x.dtype).at[dst].add(msg)
    deg = jnp.zeros((x.shape[0],), dtype=x.dtype).at[dst].add(1.0)
    agg = agg / jnp.maximum(deg, 1.0)[:, None]
    return x @ wself + agg + b


def _gcn_conv(x, edge_index, w, b):
    n = x.shape[0]
    xw = x @ w
    loop = jnp.arange(n)
    src = jnp.concatenate([edge_index[0], loop])
    dst = jnp.concatenate([edge_index[1], loop])
    deg = jnp.zeros((n,), dtype=x.dtype).at[dst].add(1.0)
    dinv = jax.lax.rsqrt(deg)
    norm = dinv[src] * dinv[dst]
    msg = xw[src] * norm[:, None]
    out = jnp.zeros((n, w.shape[1]), dtype=x.dtype).at[dst].add(msg)
    return out + b


def setup_inputs(seed: int = 0) -> dict:
    key = jax.random.key(seed)
    ks = jax.random.split(key, 20)

    def w(k, shape, fan_in):
        return jax.random.normal(k, shape, dtype=jnp.float32) * (1.0 / np.sqrt(fan_in))

    inp = {}
    inp['data_x'] = jax.random.normal(ks[0], (N, IN_DIM), dtype=jnp.float32)
    inp['data_edge_index'] = jax.random.randint(ks[1], (2, E), 0, N, dtype=jnp.int32)
    inp['data_edge_attr'] = jnp.zeros((E,), dtype=jnp.int32)
    inp['t_w1'] = w(ks[2], (IN_DIM, HID), IN_DIM)
    inp['t_b1'] = jnp.zeros((HID,), jnp.float32)
    inp['ln1_g'] = jnp.ones((HID,), jnp.float32)
    inp['ln1_b'] = jnp.zeros((HID,), jnp.float32)
    inp['t_w2'] = w(ks[3], (HID, HID), HID)
    inp['t_b2'] = jnp.zeros((HID,), jnp.float32)
    inp['ln2_g'] = jnp.ones((HID,), jnp.float32)
    inp['ln2_b'] = jnp.zeros((HID,), jnp.float32)
    inp['rgcn_wrel'] = w(ks[4], (1, HID, HID), HID)
    inp['rgcn_wself'] = w(ks[5], (HID, HID), HID)
    inp['rgcn_b'] = jnp.zeros((HID,), jnp.float32)
    inp['c1_w'] = w(ks[6], (HID, HID), HID)
    inp['c1_b'] = jnp.zeros((HID,), jnp.float32)
    inp['c2_w'] = w(ks[7], (HID, OUT_DIM), HID)
    inp['c2_b'] = jnp.zeros((OUT_DIM,), jnp.float32)
    return inp


def reference(data_x, data_edge_index, data_edge_attr, t_w1, t_b1, ln1_g, ln1_b, t_w2, t_b2, ln2_g, ln2_b, rgcn_wrel, rgcn_wself, rgcn_b, c1_w, c1_b, c2_w, c2_b):
    # transform MLP: Linear -> LayerNorm -> ReLU (x2)
    x = jax.nn.relu(_layer_norm(data_x @ t_w1 + t_b1, ln1_g, ln1_b))
    x = jax.nn.relu(_layer_norm(x @ t_w2 + t_b2, ln2_g, ln2_b))
    # RGCN (1 relation, 1 layer)
    x = _rgcn(x, data_edge_index, data_edge_attr, rgcn_wrel, rgcn_wself, rgcn_b)
    x = jax.nn.relu(x)
    # dropout in eval mode = identity
    x = _gcn_conv(x, data_edge_index, c1_w, c1_b)
    x = jax.nn.relu(x)
    x = _gcn_conv(x, data_edge_index, c2_w, c2_b)
    return jax.nn.log_softmax(x, axis=1)

if __name__ == "__main__":
    import jax
    _d = setup_inputs()
    print(jax.jit(kernel)(*tuple(_d.values())))

</pallas_src>

<mosaic_0001>
#map = affine_map<(d0, d1) -> (0, 0)>
#map1 = affine_map<(d0, d1) -> (0, 0, 0)>
module attributes {stable_mosaic.version = 14 : i64} {
  func.func @run(%arg0: i32, %arg1: i32, %arg2: memref<10240x48xf32, #tpu.memory_space<hbm>>, %arg3: memref<32x80x128xi32, #tpu.memory_space<hbm>>, %arg4: memref<32x80x128xi32, #tpu.memory_space<hbm>>, %arg5: memref<640x48xf32, #tpu.memory_space<hbm>>, %arg6: memref<2x10240x48xf32, #tpu.memory_space<hbm>>, %arg7: memref<80x128xi32, #tpu.memory_space<vmem>>, %arg8: memref<80x128xi32, #tpu.memory_space<vmem>>, %arg9: memref<128x48xf32, #tpu.memory_space<vmem>>, %arg10: memref<128x48xf32, #tpu.memory_space<vmem>>, %arg11: memref<10240x48xf32, #tpu.memory_space<vmem_shared>>, %arg12: memref<!tpu.dma_semaphore, #tpu.memory_space<semaphore_mem>>, %arg13: memref<!tpu.dma_semaphore, #tpu.memory_space<semaphore_mem>>, %arg14: memref<!tpu.dma_semaphore, #tpu.memory_space<semaphore_mem>>, %arg15: memref<!tpu.dma_semaphore, #tpu.memory_space<semaphore_mem>>) attributes {dimension_semantics = [#tpu.dimension_semantics<core_parallel>, #tpu.dimension_semantics<subcore_parallel>], iteration_bounds = array<i64: 2, 16>, scalar_prefetch = 0 : i64, scratch_operands = 9 : i64, tpu.core_type = #tpu.core_type<sc_vector_subcore>, window_params = [{transform_indices = #map}, {transform_indices = #map1}, {transform_indices = #map1}, {transform_indices = #map}, {transform_indices = #map1}]} {
    %mul3A = arith.constant 16 : i32
    %mul3A_0 = arith.muli %arg0, %mul3A : i32
    %add3A = arith.addi %mul3A_0, %arg1 : i32
    %eq3A = arith.constant 0 : i32
    %eq3A_1 = arith.cmpi eq, %arg1, %eq3A : i32
    %convert_element_type3A = arith.extui %eq3A_1 : i1 to i32
    %cond3A = arith.constant 0 : i32
    %cond3A_2 = arith.cmpi ne, %convert_element_type3A, %cond3A : i32
    scf.if %cond3A_2 {
      "tpu.region"() ({
        %run_scoped3A = tpu.sem_alloc : memref<!tpu.dma_semaphore, #tpu.memory_space<semaphore_mem>>
        %dma_start3A_208 = arith.constant 0 : i32
        %dma_start3A_209 = arith.constant 0 : i32
        %dma_start3A_210 = tpu.memref_slice %arg11[%dma_start3A_208, %dma_start3A_209] : memref<10240x48xf32, #tpu.memory_space<vmem_shared>> -> memref<640x48xf32, #tpu.memory_space<vmem_shared>>
        tpu.enqueue_dma source(%arg5 : memref<640x48xf32, #tpu.memory_space<hbm>>) target(%dma_start3A_210 : memref<640x48xf32, #tpu.memory_space<vmem_shared>>) target_semaphore(%run_scoped3A : memref<!tpu.dma_semaphore, #tpu.memory_space<semaphore_mem>>)
        %dma_wait3A_211 = arith.constant 0 : i32
        %dma_wait3A_212 = arith.constant 0 : i32
        %dma_wait3A_213 = tpu.memref_slice %arg11[%dma_wait3A_211, %dma_wait3A_212] : memref<10240x48xf32, #tpu.memory_space<vmem_shared>> -> memref<640x48xf32, #tpu.memory_space<vmem_shared>>
        tpu.wait_dma2 semaphore(%run_scoped3A : memref<!tpu.dma_semaphore, #tpu.memory_space<semaphore_mem>>) src(%arg5 : memref<640x48xf32, #tpu.memory_space<hbm>>) dst(%dma_wait3A_213 : memref<640x48xf32, #tpu.memory_space<vmem_shared>>)
        tpu.yield
      }) : () -> ()
    } else {
    }
    %eq3A_3 = arith.constant 1 : i32
    %eq3A_4 = arith.cmpi eq, %arg1, %eq3A_3 : i32
    %convert_element_type3A_5 = arith.extui %eq3A_4 : i1 to i32
    %cond3A_6 = arith.constant 0 : i32
    %cond3A_7 = arith.cmpi ne, %convert_element_type3A_5, %cond3A_6 : i32
    scf.if %cond3A_7 {
      "tpu.region"() ({
        %run_scoped3A = tpu.sem_alloc : memref<!tpu.dma_semaphore, #tpu.memory_space<semaphore_mem>>
        %dma_start3A_208 = arith.constant 640 : i32
        %dma_start3A_209 = arith.constant 0 : i32
        %dma_start3A_210 = tpu.memref_slice %arg11[%dma_start3A_208, %dma_start3A_209] : memref<10240x48xf32, #tpu.memory_space<vmem_shared>> -> memref<640x48xf32, #tpu.memory_space<vmem_shared>>
        tpu.enqueue_dma source(%arg5 : memref<640x48xf32, #tpu.memory_space<hbm>>) target(%dma_start3A_210 : memref<640x48xf32, #tpu.memory_space<vmem_shared>>) target_semaphore(%run_scoped3A : memref<!tpu.dma_semaphore, #tpu.memory_space<semaphore_mem>>)
        %dma_wait3A_211 = arith.constant 640 : i32
        %dma_wait3A_212 = arith.constant 0 : i32
        %dma_wait3A_213 = tpu.memref_slice %arg11[%dma_wait3A_211, %dma_wait3A_212] : memref<10240x48xf32, #tpu.memory_space<vmem_shared>> -> memref<640x48xf32, #tpu.memory_space<vmem_shared>>
        tpu.wait_dma2 semaphore(%run_scoped3A : memref<!tpu.dma_semaphore, #tpu.memory_space<semaphore_mem>>) src(%arg5 : memref<640x48xf32, #tpu.memory_space<hbm>>) dst(%dma_wait3A_213 : memref<640x48xf32, #tpu.memory_space<vmem_shared>>)
        tpu.yield
      }) : () -> ()
    } else {
    }
    %eq3A_8 = arith.constant 2 : i32
    %eq3A_9 = arith.cmpi eq, %arg1, %eq3A_8 : i32
    %convert_element_type3A_10 = arith.extui %eq3A_9 : i1 to i32
    %cond3A_11 = arith.constant 0 : i32
    %cond3A_12 = arith.cmpi ne, %convert_element_type3A_10, %cond3A_11 : i32
    scf.if %cond3A_12 {
      "tpu.region"() ({
        %run_scoped3A = tpu.sem_alloc : memref<!tpu.dma_semaphore, #tpu.memory_space<semaphore_mem>>
        %dma_start3A_208 = arith.constant 1280 : i32
        %dma_start3A_209 = arith.constant 0 : i32
        %dma_start3A_210 = tpu.memref_slice %arg11[%dma_start3A_208, %dma_start3A_209] : memref<10240x48xf32, #tpu.memory_space<vmem_shared>> -> memref<640x48xf32, #tpu.memory_space<vmem_shared>>
        tpu.enqueue_dma source(%arg5 : memref<640x48xf32, #tpu.memory_space<hbm>>) target(%dma_start3A_210 : memref<640x48xf32, #tpu.memory_space<vmem_shared>>) target_semaphore(%run_scoped3A : memref<!tpu.dma_semaphore, #tpu.memory_space<semaphore_mem>>)
        %dma_wait3A_211 = arith.constant 1280 : i32
        %dma_wait3A_212 = arith.constant 0 : i32
        %dma_wait3A_213 = tpu.memref_slice %arg11[%dma_wait3A_211, %dma_wait3A_212] : memref<10240x48xf32, #tpu.memory_space<vmem_shared>> -> memref<640x48xf32, #tpu.memory_space<vmem_shared>>
        tpu.wait_dma2 semaphore(%run_scoped3A : memref<!tpu.dma_semaphore, #tpu.memory_space<semaphore_mem>>) src(%arg5 : memref<640x48xf32, #tpu.memory_space<hbm>>) dst(%dma_wait3A_213 : memref<640x48xf32, #tpu.memory_space<vmem_shared>>)
        tpu.yield
      }) : () -> ()
    } else {
    }
    %eq3A_13 = arith.constant 3 : i32
    %eq3A_14 = arith.cmpi eq, %arg1, %eq3A_13 : i32
    %convert_element_type3A_15 = arith.extui %eq3A_14 : i1 to i32
    %cond3A_16 = arith.constant 0 : i32
    %cond3A_17 = arith.cmpi ne, %convert_element_type3A_15, %cond3A_16 : i32
    scf.if %cond3A_17 {
      "tpu.region"() ({
        %run_scoped3A = tpu.sem_alloc : memref<!tpu.dma_semaphore, #tpu.memory_space<semaphore_mem>>
        %dma_start3A_208 = arith.constant 1920 : i32
        %dma_start3A_209 = arith.constant 0 : i32
        %dma_start3A_210 = tpu.memref_slice %arg11[%dma_start3A_208, %dma_start3A_209] : memref<10240x48xf32, #tpu.memory_space<vmem_shared>> -> memref<640x48xf32, #tpu.memory_space<vmem_shared>>
        tpu.enqueue_dma source(%arg5 : memref<640x48xf32, #tpu.memory_space<hbm>>) target(%dma_start3A_210 : memref<640x48xf32, #tpu.memory_space<vmem_shared>>) target_semaphore(%run_scoped3A : memref<!tpu.dma_semaphore, #tpu.memory_space<semaphore_mem>>)
        %dma_wait3A_211 = arith.constant 1920 : i32
        %dma_wait3A_212 = arith.constant 0 : i32
        %dma_wait3A_213 = tpu.memref_slice %arg11[%dma_wait3A_211, %dma_wait3A_212] : memref<10240x48xf32, #tpu.memory_space<vmem_shared>> -> memref<640x48xf32, #tpu.memory_space<vmem_shared>>
        tpu.wait_dma2 semaphore(%run_scoped3A : memref<!tpu.dma_semaphore, #tpu.memory_space<semaphore_mem>>) src(%arg5 : memref<640x48xf32, #tpu.memory_space<hbm>>) dst(%dma_wait3A_213 : memref<640x48xf32, #tpu.memory_space<vmem_shared>>)
        tpu.yield
      }) : () -> ()
    } else {
    }
    %eq3A_18 = arith.constant 4 : i32
    %eq3A_19 = arith.cmpi eq, %arg1, %eq3A_18 : i32
    %convert_element_type3A_20 = arith.extui %eq3A_19 : i1 to i32
    %cond3A_21 = arith.constant 0 : i32
    %cond3A_22 = arith.cmpi ne, %convert_element_type3A_20, %cond3A_21 : i32
    scf.if %cond3A_22 {
      "tpu.region"() ({
        %run_scoped3A = tpu.sem_alloc : memref<!tpu.dma_semaphore, #tpu.memory_space<semaphore_mem>>
        %dma_start3A_208 = arith.constant 2560 : i32
        %dma_start3A_209 = arith.constant 0 : i32
        %dma_start3A_210 = tpu.memref_slice %arg11[%dma_start3A_208, %dma_start3A_209] : memref<10240x48xf32, #tpu.memory_space<vmem_shared>> -> memref<640x48xf32, #tpu.memory_space<vmem_shared>>
        tpu.enqueue_dma source(%arg5 : memref<640x48xf32, #tpu.memory_space<hbm>>) target(%dma_start3A_210 : memref<640x48xf32, #tpu.memory_space<vmem_shared>>) target_semaphore(%run_scoped3A : memref<!tpu.dma_semaphore, #tpu.memory_space<semaphore_mem>>)
        %dma_wait3A_211 = arith.constant 2560 : i32
        %dma_wait3A_212 = arith.constant 0 : i32
        %dma_wait3A_213 = tpu.memref_slice %arg11[%dma_wait3A_211, %dma_wait3A_212] : memref<10240x48xf32, #tpu.memory_space<vmem_shared>> -> memref<640x48xf32, #tpu.memory_space<vmem_shared>>
        tpu.wait_dma2 semaphore(%run_scoped3A : memref<!tpu.dma_semaphore, #tpu.memory_space<semaphore_mem>>) src(%arg5 : memref<640x48xf32, #tpu.memory_space<hbm>>) dst(%dma_wait3A_213 : memref<640x48xf32, #tpu.memory_space<vmem_shared>>)
        tpu.yield
      }) : () -> ()
    } else {
    }
    %eq3A_23 = arith.constant 5 : i32
    %eq3A_24 = arith.cmpi eq, %arg1, %eq3A_23 : i32
    %convert_element_type3A_25 = arith.extui %eq3A_24 : i1 to i32
    %cond3A_26 = arith.constant 0 : i32
    %cond3A_27 = arith.cmpi ne, %convert_element_type3A_25, %cond3A_26 : i32
    scf.if %cond3A_27 {
      "tpu.region"() ({
        %run_scoped3A = tpu.sem_alloc : memref<!tpu.dma_semaphore, #tpu.memory_space<semaphore_mem>>
        %dma_start3A_208 = arith.constant 3200 : i32
        %dma_start3A_209 = arith.constant 0 : i32
        %dma_start3A_210 = tpu.memref_slice %arg11[%dma_start3A_208, %dma_start3A_209] : memref<10240x48xf32, #tpu.memory_space<vmem_shared>> -> memref<640x48xf32, #tpu.memory_space<vmem_shared>>
        tpu.enqueue_dma source(%arg5 : memref<640x48xf32, #tpu.memory_space<hbm>>) target(%dma_start3A_210 : memref<640x48xf32, #tpu.memory_space<vmem_shared>>) target_semaphore(%run_scoped3A : memref<!tpu.dma_semaphore, #tpu.memory_space<semaphore_mem>>)
        %dma_wait3A_211 = arith.constant 3200 : i32
        %dma_wait3A_212 = arith.constant 0 : i32
        %dma_wait3A_213 = tpu.memref_slice %arg11[%dma_wait3A_211, %dma_wait3A_212] : memref<10240x48xf32, #tpu.memory_space<vmem_shared>> -> memref<640x48xf32, #tpu.memory_space<vmem_shared>>
        tpu.wait_dma2 semaphore(%run_scoped3A : memref<!tpu.dma_semaphore, #tpu.memory_space<semaphore_mem>>) src(%arg5 : memref<640x48xf32, #tpu.memory_space<hbm>>) dst(%dma_wait3A_213 : memref<640x48xf32, #tpu.memory_space<vmem_shared>>)
        tpu.yield
      }) : () -> ()
    } else {
    }
    %eq3A_28 = arith.constant 6 : i32
    %eq3A_29 = arith.cmpi eq, %arg1, %eq3A_28 : i32
    %convert_element_type3A_30 = arith.extui %eq3A_29 : i1 to i32
    %cond3A_31 = arith.constant 0 : i32
    %cond3A_32 = arith.cmpi ne, %convert_element_type3A_30, %cond3A_31 : i32
    scf.if %cond3A_32 {
      "tpu.region"() ({
        %run_scoped3A = tpu.sem_alloc : memref<!tpu.dma_semaphore, #tpu.memory_space<semaphore_mem>>
        %dma_start3A_208 = arith.constant 3840 : i32
        %dma_start3A_209 = arith.constant 0 : i32
        %dma_start3A_210 = tpu.memref_slice %arg11[%dma_start3A_208, %dma_start3A_209] : memref<10240x48xf32, #tpu.memory_space<vmem_shared>> -> memref<640x48xf32, #tpu.memory_space<vmem_shared>>
        tpu.enqueue_dma source(%arg5 : memref<640x48xf32, #tpu.memory_space<hbm>>) target(%dma_start3A_210 : memref<640x48xf32, #tpu.memory_space<vmem_shared>>) target_semaphore(%run_scoped3A : memref<!tpu.dma_semaphore, #tpu.memory_space<semaphore_mem>>)
        %dma_wait3A_211 = arith.constant 3840 : i32
        %dma_wait3A_212 = arith.constant 0 : i32
        %dma_wait3A_213 = tpu.memref_slice %arg11[%dma_wait3A_211, %dma_wait3A_212] : memref<10240x48xf32, #tpu.memory_space<vmem_shared>> -> memref<640x48xf32, #tpu.memory_space<vmem_shared>>
        tpu.wait_dma2 semaphore(%run_scoped3A : memref<!tpu.dma_semaphore, #tpu.memory_space<semaphore_mem>>) src(%arg5 : memref<640x48xf32, #tpu.memory_space<hbm>>) dst(%dma_wait3A_213 : memref<640x48xf32, #tpu.memory_space<vmem_shared>>)
        tpu.yield
      }) : () -> ()
    } else {
    }
    %eq3A_33 = arith.constant 7 : i32
    %eq3A_34 = arith.cmpi eq, %arg1, %eq3A_33 : i32
    %convert_element_type3A_35 = arith.extui %eq3A_34 : i1 to i32
    %cond3A_36 = arith.constant 0 : i32
    %cond3A_37 = arith.cmpi ne, %convert_element_type3A_35, %cond3A_36 : i32
    scf.if %cond3A_37 {
      "tpu.region"() ({
        %run_scoped3A = tpu.sem_alloc : memref<!tpu.dma_semaphore, #tpu.memory_space<semaphore_mem>>
        %dma_start3A_208 = arith.constant 4480 : i32
        %dma_start3A_209 = arith.constant 0 : i32
        %dma_start3A_210 = tpu.memref_slice %arg11[%dma_start3A_208, %dma_start3A_209] : memref<10240x48xf32, #tpu.memory_space<vmem_shared>> -> memref<640x48xf32, #tpu.memory_space<vmem_shared>>
        tpu.enqueue_dma source(%arg5 : memref<640x48xf32, #tpu.memory_space<hbm>>) target(%dma_start3A_210 : memref<640x48xf32, #tpu.memory_space<vmem_shared>>) target_semaphore(%run_scoped3A : memref<!tpu.dma_semaphore, #tpu.memory_space<semaphore_mem>>)
        %dma_wait3A_211 = arith.constant 4480 : i32
        %dma_wait3A_212 = arith.constant 0 : i32
        %dma_wait3A_213 = tpu.memref_slice %arg11[%dma_wait3A_211, %dma_wait3A_212] : memref<10240x48xf32, #tpu.memory_space<vmem_shared>> -> memref<640x48xf32, #tpu.memory_space<vmem_shared>>
        tpu.wait_dma2 semaphore(%run_scoped3A : memref<!tpu.dma_semaphore, #tpu.memory_space<semaphore_mem>>) src(%arg5 : memref<640x48xf32, #tpu.memory_space<hbm>>) dst(%dma_wait3A_213 : memref<640x48xf32, #tpu.memory_space<vmem_shared>>)
        tpu.yield
      }) : () -> ()
    } else {
    }
    %eq3A_38 = arith.constant 8 : i32
    %eq3A_39 = arith.cmpi eq, %arg1, %eq3A_38 : i32
    %convert_element_type3A_40 = arith.extui %eq3A_39 : i1 to i32
    %cond3A_41 = arith.constant 0 : i32
    %cond3A_42 = arith.cmpi ne, %convert_element_type3A_40, %cond3A_41 : i32
    scf.if %cond3A_42 {
      "tpu.region"() ({
        %run_scoped3A = tpu.sem_alloc : memref<!tpu.dma_semaphore, #tpu.memory_space<semaphore_mem>>
        %dma_start3A_208 = arith.constant 5120 : i32
        %dma_start3A_209 = arith.constant 0 : i32
        %dma_start3A_210 = tpu.memref_slice %arg11[%dma_start3A_208, %dma_start3A_209] : memref<10240x48xf32, #tpu.memory_space<vmem_shared>> -> memref<640x48xf32, #tpu.memory_space<vmem_shared>>
        tpu.enqueue_dma source(%arg5 : memref<640x48xf32, #tpu.memory_space<hbm>>) target(%dma_start3A_210 : memref<640x48xf32, #tpu.memory_space<vmem_shared>>) target_semaphore(%run_scoped3A : memref<!tpu.dma_semaphore, #tpu.memory_space<semaphore_mem>>)
        %dma_wait3A_211 = arith.constant 5120 : i32
        %dma_wait3A_212 = arith.constant 0 : i32
        %dma_wait3A_213 = tpu.memref_slice %arg11[%dma_wait3A_211, %dma_wait3A_212] : memref<10240x48xf32, #tpu.memory_space<vmem_shared>> -> memref<640x48xf32, #tpu.memory_space<vmem_shared>>
        tpu.wait_dma2 semaphore(%run_scoped3A : memref<!tpu.dma_semaphore, #tpu.memory_space<semaphore_mem>>) src(%arg5 : memref<640x48xf32, #tpu.memory_space<hbm>>) dst(%dma_wait3A_213 : memref<640x48xf32, #tpu.memory_space<vmem_shared>>)
        tpu.yield
      }) : () -> ()
    } else {
    }
    %eq3A_43 = arith.constant 9 : i32
    %eq3A_44 = arith.cmpi eq, %arg1, %eq3A_43 : i32
    %convert_element_type3A_45 = arith.extui %eq3A_44 : i1 to i32
    %cond3A_46 = arith.constant 0 : i32
    %cond3A_47 = arith.cmpi ne, %convert_element_type3A_45, %cond3A_46 : i32
    scf.if %cond3A_47 {
      "tpu.region"() ({
        %run_scoped3A = tpu.sem_alloc : memref<!tpu.dma_semaphore, #tpu.memory_space<semaphore_mem>>
        %dma_start3A_208 = arith.constant 5760 : i32
        %dma_start3A_209 = arith.constant 0 : i32
        %dma_start3A_210 = tpu.memref_slice %arg11[%dma_start3A_208, %dma_start3A_209] : memref<10240x48xf32, #tpu.memory_space<vmem_shared>> -> memref<640x48xf32, #tpu.memory_space<vmem_shared>>
        tpu.enqueue_dma source(%arg5 : memref<640x48xf32, #tpu.memory_space<hbm>>) target(%dma_start3A_210 : memref<640x48xf32, #tpu.memory_space<vmem_shared>>) target_semaphore(%run_scoped3A : memref<!tpu.dma_semaphore, #tpu.memory_space<semaphore_mem>>)
        %dma_wait3A_211 = arith.constant 5760 : i32
        %dma_wait3A_212 = arith.constant 0 : i32
        %dma_wait3A_213 = tpu.memref_slice %arg11[%dma_wait3A_211, %dma_wait3A_212] : memref<10240x48xf32, #tpu.memory_space<vmem_shared>> -> memref<640x48xf32, #tpu.memory_space<vmem_shared>>
        tpu.wait_dma2 semaphore(%run_scoped3A : memref<!tpu.dma_semaphore, #tpu.memory_space<semaphore_mem>>) src(%arg5 : memref<640x48xf32, #tpu.memory_space<hbm>>) dst(%dma_wait3A_213 : memref<640x48xf32, #tpu.memory_space<vmem_shared>>)
        tpu.yield
      }) : () -> ()
    } else {
    }
    %eq3A_48 = arith.constant 10 : i32
    %eq3A_49 = arith.cmpi eq, %arg1, %eq3A_48 : i32
    %convert_element_type3A_50 = arith.extui %eq3A_49 : i1 to i32
    %cond3A_51 = arith.constant 0 : i32
    %cond3A_52 = arith.cmpi ne, %convert_element_type3A_50, %cond3A_51 : i32
    scf.if %cond3A_52 {
      "tpu.region"() ({
        %run_scoped3A = tpu.sem_alloc : memref<!tpu.dma_semaphore, #tpu.memory_space<semaphore_mem>>
        %dma_start3A_208 = arith.constant 6400 : i32
        %dma_start3A_209 = arith.constant 0 : i32
        %dma_start3A_210 = tpu.memref_slice %arg11[%dma_start3A_208, %dma_start3A_209] : memref<10240x48xf32, #tpu.memory_space<vmem_shared>> -> memref<640x48xf32, #tpu.memory_space<vmem_shared>>
        tpu.enqueue_dma source(%arg5 : memref<640x48xf32, #tpu.memory_space<hbm>>) target(%dma_start3A_210 : memref<640x48xf32, #tpu.memory_space<vmem_shared>>) target_semaphore(%run_scoped3A : memref<!tpu.dma_semaphore, #tpu.memory_space<semaphore_mem>>)
        %dma_wait3A_211 = arith.constant 6400 : i32
        %dma_wait3A_212 = arith.constant 0 : i32
        %dma_wait3A_213 = tpu.memref_slice %arg11[%dma_wait3A_211, %dma_wait3A_212] : memref<10240x48xf32, #tpu.memory_space<vmem_shared>> -> memref<640x48xf32, #tpu.memory_space<vmem_shared>>
        tpu.wait_dma2 semaphore(%run_scoped3A : memref<!tpu.dma_semaphore, #tpu.memory_space<semaphore_mem>>) src(%arg5 : memref<640x48xf32, #tpu.memory_space<hbm>>) dst(%dma_wait3A_213 : memref<640x48xf32, #tpu.memory_space<vmem_shared>>)
        tpu.yield
      }) : () -> ()
    } else {
    }
    %eq3A_53 = arith.constant 11 : i32
    %eq3A_54 = arith.cmpi eq, %arg1, %eq3A_53 : i32
    %convert_element_type3A_55 = arith.extui %eq3A_54 : i1 to i32
    %cond3A_56 = arith.constant 0 : i32
    %cond3A_57 = arith.cmpi ne, %convert_element_type3A_55, %cond3A_56 : i32
    scf.if %cond3A_57 {
      "tpu.region"() ({
        %run_scoped3A = tpu.sem_alloc : memref<!tpu.dma_semaphore, #tpu.memory_space<semaphore_mem>>
        %dma_start3A_208 = arith.constant 7040 : i32
        %dma_start3A_209 = arith.constant 0 : i32
        %dma_start3A_210 = tpu.memref_slice %arg11[%dma_start3A_208, %dma_start3A_209] : memref<10240x48xf32, #tpu.memory_space<vmem_shared>> -> memref<640x48xf32, #tpu.memory_space<vmem_shared>>
        tpu.enqueue_dma source(%arg5 : memref<640x48xf32, #tpu.memory_space<hbm>>) target(%dma_start3A_210 : memref<640x48xf32, #tpu.memory_space<vmem_shared>>) target_semaphore(%run_scoped3A : memref<!tpu.dma_semaphore, #tpu.memory_space<semaphore_mem>>)
        %dma_wait3A_211 = arith.constant 7040 : i32
        %dma_wait3A_212 = arith.constant 0 : i32
        %dma_wait3A_213 = tpu.memref_slice %arg11[%dma_wait3A_211, %dma_wait3A_212] : memref<10240x48xf32, #tpu.memory_space<vmem_shared>> -> memref<640x48xf32, #tpu.memory_space<vmem_shared>>
        tpu.wait_dma2 semaphore(%run_scoped3A : memref<!tpu.dma_semaphore, #tpu.memory_space<semaphore_mem>>) src(%arg5 : memref<640x48xf32, #tpu.memory_space<hbm>>) dst(%dma_wait3A_213 : memref<640x48xf32, #tpu.memory_space<vmem_shared>>)
        tpu.yield
      }) : () -> ()
    } else {
    }
    %eq3A_58 = arith.constant 12 : i32
    %eq3A_59 = arith.cmpi eq, %arg1, %eq3A_58 : i32
    %convert_element_type3A_60 = arith.extui %eq3A_59 : i1 to i32
    %cond3A_61 = arith.constant 0 : i32
    %cond3A_62 = arith.cmpi ne, %convert_element_type3A_60, %cond3A_61 : i32
    scf.if %cond3A_62 {
      "tpu.region"() ({
        %run_scoped3A = tpu.sem_alloc : memref<!tpu.dma_semaphore, #tpu.memory_space<semaphore_mem>>
        %dma_start3A_208 = arith.constant 7680 : i32
        %dma_start3A_209 = arith.constant 0 : i32
        %dma_start3A_210 = tpu.memref_slice %arg11[%dma_start3A_208, %dma_start3A_209] : memref<10240x48xf32, #tpu.memory_space<vmem_shared>> -> memref<640x48xf32, #tpu.memory_space<vmem_shared>>
        tpu.enqueue_dma source(%arg5 : memref<640x48xf32, #tpu.memory_space<hbm>>) target(%dma_start3A_210 : memref<640x48xf32, #tpu.memory_space<vmem_shared>>) target_semaphore(%run_scoped3A : memref<!tpu.dma_semaphore, #tpu.memory_space<semaphore_mem>>)
        %dma_wait3A_211 = arith.constant 7680 : i32
        %dma_wait3A_212 = arith.constant 0 : i32
        %dma_wait3A_213 = tpu.memref_slice %arg11[%dma_wait3A_211, %dma_wait3A_212] : memref<10240x48xf32, #tpu.memory_space<vmem_shared>> -> memref<640x48xf32, #tpu.memory_space<vmem_shared>>
        tpu.wait_dma2 semaphore(%run_scoped3A : memref<!tpu.dma_semaphore, #tpu.memory_space<semaphore_mem>>) src(%arg5 : memref<640x48xf32, #tpu.memory_space<hbm>>) dst(%dma_wait3A_213 : memref<640x48xf32, #tpu.memory_space<vmem_shared>>)
        tpu.yield
      }) : () -> ()
    } else {
    }
    %eq3A_63 = arith.constant 13 : i32
    %eq3A_64 = arith.cmpi eq, %arg1, %eq3A_63 : i32
    %convert_element_type3A_65 = arith.extui %eq3A_64 : i1 to i32
    %cond3A_66 = arith.constant 0 : i32
    %cond3A_67 = arith.cmpi ne, %convert_element_type3A_65, %cond3A_66 : i32
    scf.if %cond3A_67 {
      "tpu.region"() ({
        %run_scoped3A = tpu.sem_alloc : memref<!tpu.dma_semaphore, #tpu.memory_space<semaphore_mem>>
        %dma_start3A_208 = arith.constant 8320 : i32
        %dma_start3A_209 = arith.constant 0 : i32
        %dma_start3A_210 = tpu.memref_slice %arg11[%dma_start3A_208, %dma_start3A_209] : memref<10240x48xf32, #tpu.memory_space<vmem_shared>> -> memref<640x48xf32, #tpu.memory_space<vmem_shared>>
        tpu.enqueue_dma source(%arg5 : memref<640x48xf32, #tpu.memory_space<hbm>>) target(%dma_start3A_210 : memref<640x48xf32, #tpu.memory_space<vmem_shared>>) target_semaphore(%run_scoped3A : memref<!tpu.dma_semaphore, #tpu.memory_space<semaphore_mem>>)
        %dma_wait3A_211 = arith.constant 8320 : i32
        %dma_wait3A_212 = arith.constant 0 : i32
        %dma_wait3A_213 = tpu.memref_slice %arg11[%dma_wait3A_211, %dma_wait3A_212] : memref<10240x48xf32, #tpu.memory_space<vmem_shared>> -> memref<640x48xf32, #tpu.memory_space<vmem_shared>>
        tpu.wait_dma2 semaphore(%run_scoped3A : memref<!tpu.dma_semaphore, #tpu.memory_space<semaphore_mem>>) src(%arg5 : memref<640x48xf32, #tpu.memory_space<hbm>>) dst(%dma_wait3A_213 : memref<640x48xf32, #tpu.memory_space<vmem_shared>>)
        tpu.yield
      }) : () -> ()
    } else {
    }
    %eq3A_68 = arith.constant 14 : i32
    %eq3A_69 = arith.cmpi eq, %arg1, %eq3A_68 : i32
    %convert_element_type3A_70 = arith.extui %eq3A_69 : i1 to i32
    %cond3A_71 = arith.constant 0 : i32
    %cond3A_72 = arith.cmpi ne, %convert_element_type3A_70, %cond3A_71 : i32
    scf.if %cond3A_72 {
      "tpu.region"() ({
        %run_scoped3A = tpu.sem_alloc : memref<!tpu.dma_semaphore, #tpu.memory_space<semaphore_mem>>
        %dma_start3A_208 = arith.constant 8960 : i32
        %dma_start3A_209 = arith.constant 0 : i32
        %dma_start3A_210 = tpu.memref_slice %arg11[%dma_start3A_208, %dma_start3A_209] : memref<10240x48xf32, #tpu.memory_space<vmem_shared>> -> memref<640x48xf32, #tpu.memory_space<vmem_shared>>
        tpu.enqueue_dma source(%arg5 : memref<640x48xf32, #tpu.memory_space<hbm>>) target(%dma_start3A_210 : memref<640x48xf32, #tpu.memory_space<vmem_shared>>) target_semaphore(%run_scoped3A : memref<!tpu.dma_semaphore, #tpu.memory_space<semaphore_mem>>)
        %dma_wait3A_211 = arith.constant 8960 : i32
        %dma_wait3A_212 = arith.constant 0 : i32
        %dma_wait3A_213 = tpu.memref_slice %arg11[%dma_wait3A_211, %dma_wait3A_212] : memref<10240x48xf32, #tpu.memory_space<vmem_shared>> -> memref<640x48xf32, #tpu.memory_space<vmem_shared>>
        tpu.wait_dma2 semaphore(%run_scoped3A : memref<!tpu.dma_semaphore, #tpu.memory_space<semaphore_mem>>) src(%arg5 : memref<640x48xf32, #tpu.memory_space<hbm>>) dst(%dma_wait3A_213 : memref<640x48xf32, #tpu.memory_space<vmem_shared>>)
        tpu.yield
      }) : () -> ()
    } else {
    }
    %eq3A_73 = arith.constant 15 : i32
    %eq3A_74 = arith.cmpi eq, %arg1, %eq3A_73 : i32
    %convert_element_type3A_75 = arith.extui %eq3A_74 : i1 to i32
    %cond3A_76 = arith.constant 0 : i32
    %cond3A_77 = arith.cmpi ne, %convert_element_type3A_75, %cond3A_76 : i32
    scf.if %cond3A_77 {
      "tpu.region"() ({
        %run_scoped3A = tpu.sem_alloc : memref<!tpu.dma_semaphore, #tpu.memory_space<semaphore_mem>>
        %dma_start3A_208 = arith.constant 9600 : i32
        %dma_start3A_209 = arith.constant 0 : i32
        %dma_start3A_210 = tpu.memref_slice %arg11[%dma_start3A_208, %dma_start3A_209] : memref<10240x48xf32, #tpu.memory_space<vmem_shared>> -> memref<640x48xf32, #tpu.memory_space<vmem_shared>>
        tpu.enqueue_dma source(%arg5 : memref<640x48xf32, #tpu.memory_space<hbm>>) target(%dma_start3A_210 : memref<640x48xf32, #tpu.memory_space<vmem_shared>>) target_semaphore(%run_scoped3A : memref<!tpu.dma_semaphore, #tpu.memory_space<semaphore_mem>>)
        %dma_wait3A_211 = arith.constant 9600 : i32
        %dma_wait3A_212 = arith.constant 0 : i32
        %dma_wait3A_213 = tpu.memref_slice %arg11[%dma_wait3A_211, %dma_wait3A_212] : memref<10240x48xf32, #tpu.memory_space<vmem_shared>> -> memref<640x48xf32, #tpu.memory_space<vmem_shared>>
        tpu.wait_dma2 semaphore(%run_scoped3A : memref<!tpu.dma_semaphore, #tpu.memory_space<semaphore_mem>>) src(%arg5 : memref<640x48xf32, #tpu.memory_space<hbm>>) dst(%dma_wait3A_213 : memref<640x48xf32, #tpu.memory_space<vmem_shared>>)
        tpu.yield
      }) : () -> ()
    } else {
    }
    %dma_start3A = arith.constant 0 : i32
    %dma_start3A_78 = arith.constant 0 : i32
    %dma_start3A_79 = tpu.memref_slice %arg3[%add3A, %dma_start3A, %dma_start3A_78] : memref<32x80x128xi32, #tpu.memory_space<hbm>> -> memref<1x80x128xi32, #tpu.memory_space<hbm>>
    %dma_start3A_80 = tpu.memref_squeeze %dma_start3A_79 : memref<1x80x128xi32, #tpu.memory_space<hbm>> -> memref<80x128xi32, #tpu.memory_space<hbm>>
    %dma_start3A_81 = arith.constant 0 : i32
    %dma_start3A_82 = arith.constant 0 : i32
    %dma_start3A_83 = tpu.memref_slice %arg3[%add3A, %dma_start3A_81, %dma_start3A_82] : memref<32x80x128xi32, #tpu.memory_space<hbm>> -> memref<1x80x128xi32, #tpu.memory_space<hbm>>
    %dma_start3A_84 = tpu.memref_squeeze %dma_start3A_83 : memref<1x80x128xi32, #tpu.memory_space<hbm>> -> memref<80x128xi32, #tpu.memory_space<hbm>>
    tpu.enqueue_dma source(%dma_start3A_84 : memref<80x128xi32, #tpu.memory_space<hbm>>) target(%arg7 : memref<80x128xi32, #tpu.memory_space<vmem>>) target_semaphore(%arg12 : memref<!tpu.dma_semaphore, #tpu.memory_space<semaphore_mem>>)
    %dma_start3A_85 = arith.constant 0 : i32
    %dma_start3A_86 = arith.constant 0 : i32
    %dma_start3A_87 = tpu.memref_slice %arg4[%add3A, %dma_start3A_85, %dma_start3A_86] : memref<32x80x128xi32, #tpu.memory_space<hbm>> -> memref<1x80x128xi32, #tpu.memory_space<hbm>>
    %dma_start3A_88 = tpu.memref_squeeze %dma_start3A_87 : memref<1x80x128xi32, #tpu.memory_space<hbm>> -> memref<80x128xi32, #tpu.memory_space<hbm>>
    %dma_start3A_89 = arith.constant 0 : i32
    %dma_start3A_90 = arith.constant 0 : i32
    %dma_start3A_91 = tpu.memref_slice %arg4[%add3A, %dma_start3A_89, %dma_start3A_90] : memref<32x80x128xi32, #tpu.memory_space<hbm>> -> memref<1x80x128xi32, #tpu.memory_space<hbm>>
    %dma_start3A_92 = tpu.memref_squeeze %dma_start3A_91 : memref<1x80x128xi32, #tpu.memory_space<hbm>> -> memref<80x128xi32, #tpu.memory_space<hbm>>
    tpu.enqueue_dma source(%dma_start3A_92 : memref<80x128xi32, #tpu.memory_space<hbm>>) target(%arg8 : memref<80x128xi32, #tpu.memory_space<vmem>>) target_semaphore(%arg13 : memref<!tpu.dma_semaphore, #tpu.memory_space<semaphore_mem>>)
    %barrier3A = arith.constant 0 : index
    tpu.barrier barrier_id(%barrier3A)
    %dma_wait3A = arith.constant 0 : i32
    %dma_wait3A_93 = arith.constant 0 : i32
    %dma_wait3A_94 = tpu.memref_slice %arg3[%add3A, %dma_wait3A, %dma_wait3A_93] : memref<32x80x128xi32, #tpu.memory_space<hbm>> -> memref<1x80x128xi32, #tpu.memory_space<hbm>>
    %dma_wait3A_95 = tpu.memref_squeeze %dma_wait3A_94 : memref<1x80x128xi32, #tpu.memory_space<hbm>> -> memref<80x128xi32, #tpu.memory_space<hbm>>
    %dma_wait3A_96 = arith.constant 0 : i32
    %dma_wait3A_97 = arith.constant 0 : i32
    %dma_wait3A_98 = tpu.memref_slice %arg3[%add3A, %dma_wait3A_96, %dma_wait3A_97] : memref<32x80x128xi32, #tpu.memory_space<hbm>> -> memref<1x80x128xi32, #tpu.memory_space<hbm>>
    %dma_wait3A_99 = tpu.memref_squeeze %dma_wait3A_98 : memref<1x80x128xi32, #tpu.memory_space<hbm>> -> memref<80x128xi32, #tpu.memory_space<hbm>>
    tpu.wait_dma2 semaphore(%arg12 : memref<!tpu.dma_semaphore, #tpu.memory_space<semaphore_mem>>) src(%dma_wait3A_99 : memref<80x128xi32, #tpu.memory_space<hbm>>) dst(%arg7 : memref<80x128xi32, #tpu.memory_space<vmem>>)
    %dma_wait3A_100 = arith.constant 0 : i32
    %dma_wait3A_101 = arith.constant 0 : i32
    %dma_wait3A_102 = tpu.memref_slice %arg4[%add3A, %dma_wait3A_100, %dma_wait3A_101] : memref<32x80x128xi32, #tpu.memory_space<hbm>> -> memref<1x80x128xi32, #tpu.memory_space<hbm>>
    %dma_wait3A_103 = tpu.memref_squeeze %dma_wait3A_102 : memref<1x80x128xi32, #tpu.memory_space<hbm>> -> memref<80x128xi32, #tpu.memory_space<hbm>>
    %dma_wait3A_104 = arith.constant 0 : i32
    %dma_wait3A_105 = arith.constant 0 : i32
    %dma_wait3A_106 = tpu.memref_slice %arg4[%add3A, %dma_wait3A_104, %dma_wait3A_105] : memref<32x80x128xi32, #tpu.memory_space<hbm>> -> memref<1x80x128xi32, #tpu.memory_space<hbm>>
    %dma_wait3A_107 = tpu.memref_squeeze %dma_wait3A_106 : memref<1x80x128xi32, #tpu.memory_space<hbm>> -> memref<80x128xi32, #tpu.memory_space<hbm>>
    tpu.wait_dma2 semaphore(%arg13 : memref<!tpu.dma_semaphore, #tpu.memory_space<semaphore_mem>>) src(%dma_wait3A_107 : memref<80x128xi32, #tpu.memory_space<hbm>>) dst(%arg8 : memref<80x128xi32, #tpu.memory_space<vmem>>)
    %dma_start3A_108 = arith.constant 0 : i32
    %dma_start3A_109 = arith.constant 0 : i32
    %dma_start3A_110 = tpu.memref_slice %arg7[%dma_start3A_108, %dma_start3A_109] : memref<80x128xi32, #tpu.memory_space<vmem>> -> memref<1x128xi32, #tpu.memory_space<vmem>>
    %dma_start3A_111 = tpu.memref_squeeze %dma_start3A_110 : memref<1x128xi32, #tpu.memory_space<vmem>> -> memref<128xi32, #tpu.memory_space<vmem>>
    %dma_start3A_112 = arith.constant 0 : i32
    %dma_start3A_113 = arith.constant 0 : i32
    %dma_start3A_114 = tpu.memref_slice %arg2[%dma_start3A_112, %dma_start3A_113] : memref<10240x48xf32, #tpu.memory_space<hbm>> -> memref<10240x48xf32, #tpu.memory_space<hbm>>
    tpu.enqueue_indirect_dma source(%dma_start3A_114 : memref<10240x48xf32, #tpu.memory_space<hbm>>) target(%arg9 : memref<128x48xf32, #tpu.memory_space<vmem>>) offsets(%dma_start3A_111 : memref<128xi32, #tpu.memory_space<vmem>>) semaphore(%arg12 : memref<!tpu.dma_semaphore, #tpu.memory_space<semaphore_mem>>)
    %scan3A = arith.constant 0 : i32
    %scan3A_115 = arith.constant 0 : i32
    %scan3A_116 = arith.constant 40 : i32
    %scan3A_117 = arith.addi %scan3A_115, %scan3A_116 : i32
    %scan3A_118 = arith.constant 1 : i32
    scf.for %scan3A_208 = %scan3A_115 to %scan3A_117 step %scan3A_118  : i32 {
      %mul3A_209 = arith.constant 2 : i32
      %mul3A_210 = arith.muli %mul3A_209, %scan3A_208 : i32
      %add3A_211 = arith.constant 0 : i32
      %add3A_212 = arith.addi %mul3A_210, %add3A_211 : i32
      %dma_wait3A_213 = arith.constant 0 : i32
      %dma_wait3A_214 = tpu.memref_slice %arg7[%add3A_212, %dma_wait3A_213] : memref<80x128xi32, #tpu.memory_space<vmem>> -> memref<1x128xi32, #tpu.memory_space<vmem>>
      %dma_wait3A_215 = tpu.memref_squeeze %dma_wait3A_214 : memref<1x128xi32, #tpu.memory_space<vmem>> -> memref<128xi32, #tpu.memory_space<vmem>>
      %dma_wait3A_216 = arith.constant 0 : i32
      %dma_wait3A_217 = arith.constant 0 : i32
      %dma_wait3A_218 = tpu.memref_slice %arg2[%dma_wait3A_216, %dma_wait3A_217] : memref<10240x48xf32, #tpu.memory_space<hbm>> -> memref<10240x48xf32, #tpu.memory_space<hbm>>
      tpu.wait_indirect_dma semaphore(%arg12 : memref<!tpu.dma_semaphore, #tpu.memory_space<semaphore_mem>>) src(%dma_wait3A_218 : memref<10240x48xf32, #tpu.memory_space<hbm>>) dst(%arg9 : memref<128x48xf32, #tpu.memory_space<vmem>>)
      %ge3A = arith.constant 1 : i32
      %ge3A_219 = arith.cmpi sge, %add3A_212, %ge3A : i32
      %convert_element_type3A_220 = arith.extui %ge3A_219 : i1 to i32
      %cond3A_221 = arith.constant 0 : i32
      %cond3A_222 = arith.cmpi ne, %convert_element_type3A_220, %cond3A_221 : i32
      scf.if %cond3A_222 {
        %sub3A = arith.constant 1 : i32
        %sub3A_263 = arith.subi %add3A_212, %sub3A : i32
        %dma_wait3A_264 = arith.constant 0 : i32
        %dma_wait3A_265 = tpu.memref_slice %arg8[%sub3A_263, %dma_wait3A_264] : memref<80x128xi32, #tpu.memory_space<vmem>> -> memref<1x128xi32, #tpu.memory_space<vmem>>
        %dma_wait3A_266 = tpu.memref_squeeze %dma_wait3A_265 : memref<1x128xi32, #tpu.memory_space<vmem>> -> memref<128xi32, #tpu.memory_space<vmem>>
        %dma_wait3A_267 = arith.constant 0 : i32
        %dma_wait3A_268 = arith.constant 0 : i32
        %dma_wait3A_269 = tpu.memref_slice %arg11[%dma_wait3A_267, %dma_wait3A_268] : memref<10240x48xf32, #tpu.memory_space<vmem_shared>> -> memref<10240x48xf32, #tpu.memory_space<vmem_shared>>
        tpu.wait_indirect_dma semaphore(%arg15 : memref<!tpu.dma_semaphore, #tpu.memory_space<semaphore_mem>>) src(%arg10 : memref<128x48xf32, #tpu.memory_space<vmem>>) dst(%dma_wait3A_269 : memref<10240x48xf32, #tpu.memory_space<vmem_shared>>)
      } else {
      }
      %dma_start3A_223 = arith.constant 0 : i32
      %dma_start3A_224 = tpu.memref_slice %arg8[%add3A_212, %dma_start3A_223] : memref<80x128xi32, #tpu.memory_space<vmem>> -> memref<1x128xi32, #tpu.memory_space<vmem>>
      %dma_start3A_225 = tpu.memref_squeeze %dma_start3A_224 : memref<1x128xi32, #tpu.memory_space<vmem>> -> memref<128xi32, #tpu.memory_space<vmem>>
      %dma_start3A_226 = arith.constant 0 : i32
      %dma_start3A_227 = arith.constant 0 : i32
      %dma_start3A_228 = tpu.memref_slice %arg11[%dma_start3A_226, %dma_start3A_227] : memref<10240x48xf32, #tpu.memory_space<vmem_shared>> -> memref<10240x48xf32, #tpu.memory_space<vmem_shared>>
      tpu.enqueue_indirect_dma source(%arg9 : memref<128x48xf32, #tpu.memory_space<vmem>>) target(%dma_start3A_228 : memref<10240x48xf32, #tpu.memory_space<vmem_shared>>) offsets(%dma_start3A_225 : memref<128xi32, #tpu.memory_space<vmem>>) semaphore(%arg14 : memref<!tpu.dma_semaphore, #tpu.memory_space<semaphore_mem>>) {add = true}
      %add3A_229 = arith.constant 1 : i32
      %add3A_230 = arith.addi %add3A_212, %add3A_229 : i32
      %lt3A = arith.constant 80 : i32
      %lt3A_231 = arith.cmpi slt, %add3A_230, %lt3A : i32
      %convert_element_type3A_232 = arith.extui %lt3A_231 : i1 to i32
      %cond3A_233 = arith.constant 0 : i32
      %cond3A_234 = arith.cmpi ne, %convert_element_type3A_232, %cond3A_233 : i32
      scf.if %cond3A_234 {
        %add3A_263 = arith.constant 1 : i32
        %add3A_264 = arith.addi %add3A_212, %add3A_263 : i32
        %dma_start3A_265 = arith.constant 0 : i32
        %dma_start3A_266 = tpu.memref_slice %arg7[%add3A_264, %dma_start3A_265] : memref<80x128xi32, #tpu.memory_space<vmem>> -> memref<1x128xi32, #tpu.memory_space<vmem>>
        %dma_start3A_267 = tpu.memref_squeeze %dma_start3A_266 : memref<1x128xi32, #tpu.memory_space<vmem>> -> memref<128xi32, #tpu.memory_space<vmem>>
        %dma_start3A_268 = arith.constant 0 : i32
        %dma_start3A_269 = arith.constant 0 : i32
        %dma_start3A_270 = tpu.memref_slice %arg2[%dma_start3A_268, %dma_start3A_269] : memref<10240x48xf32, #tpu.memory_space<hbm>> -> memref<10240x48xf32, #tpu.memory_space<hbm>>
        tpu.enqueue_indirect_dma source(%dma_start3A_270 : memref<10240x48xf32, #tpu.memory_space<hbm>>) target(%arg10 : memref<128x48xf32, #tpu.memory_space<vmem>>) offsets(%dma_start3A_267 : memref<128xi32, #tpu.memory_space<vmem>>) semaphore(%arg13 : memref<!tpu.dma_semaphore, #tpu.memory_space<semaphore_mem>>)
      } else {
      }
      %mul3A_235 = arith.constant 2 : i32
      %mul3A_236 = arith.muli %mul3A_235, %scan3A_208 : i32
      %add3A_237 = arith.constant 1 : i32
      %add3A_238 = arith.addi %mul3A_236, %add3A_237 : i32
      %dma_wait3A_239 = arith.constant 0 : i32
      %dma_wait3A_240 = tpu.memref_slice %arg7[%add3A_238, %dma_wait3A_239] : memref<80x128xi32, #tpu.memory_space<vmem>> -> memref<1x128xi32, #tpu.memory_space<vmem>>
      %dma_wait3A_241 = tpu.memref_squeeze %dma_wait3A_240 : memref<1x128xi32, #tpu.memory_space<vmem>> -> memref<128xi32, #tpu.memory_space<vmem>>
      %dma_wait3A_242 = arith.constant 0 : i32
      %dma_wait3A_243 = arith.constant 0 : i32
      %dma_wait3A_244 = tpu.memref_slice %arg2[%dma_wait3A_242, %dma_wait3A_243] : memref<10240x48xf32, #tpu.memory_space<hbm>> -> memref<10240x48xf32, #tpu.memory_space<hbm>>
      tpu.wait_indirect_dma semaphore(%arg13 : memref<!tpu.dma_semaphore, #tpu.memory_space<semaphore_mem>>) src(%dma_wait3A_244 : memref<10240x48xf32, #tpu.memory_space<hbm>>) dst(%arg10 : memref<128x48xf32, #tpu.memory_space<vmem>>)
      %ge3A_245 = arith.constant 1 : i32
      %ge3A_246 = arith.cmpi sge, %add3A_238, %ge3A_245 : i32
      %convert_element_type3A_247 = arith.extui %ge3A_246 : i1 to i32
      %cond3A_248 = arith.constant 0 : i32
      %cond3A_249 = arith.cmpi ne, %convert_element_type3A_247, %cond3A_248 : i32
      scf.if %cond3A_249 {
        %sub3A = arith.constant 1 : i32
        %sub3A_263 = arith.subi %add3A_238, %sub3A : i32
        %dma_wait3A_264 = arith.constant 0 : i32
        %dma_wait3A_265 = tpu.memref_slice %arg8[%sub3A_263, %dma_wait3A_264] : memref<80x128xi32, #tpu.memory_space<vmem>> -> memref<1x128xi32, #tpu.memory_space<vmem>>
        %dma_wait3A_266 = tpu.memref_squeeze %dma_wait3A_265 : memref<1x128xi32, #tpu.memory_space<vmem>> -> memref<128xi32, #tpu.memory_space<vmem>>
        %dma_wait3A_267 = arith.constant 0 : i32
        %dma_wait3A_268 = arith.constant 0 : i32
        %dma_wait3A_269 = tpu.memref_slice %arg11[%dma_wait3A_267, %dma_wait3A_268] : memref<10240x48xf32, #tpu.memory_space<vmem_shared>> -> memref<10240x48xf32, #tpu.memory_space<vmem_shared>>
        tpu.wait_indirect_dma semaphore(%arg14 : memref<!tpu.dma_semaphore, #tpu.memory_space<semaphore_mem>>) src(%arg9 : memref<128x48xf32, #tpu.memory_space<vmem>>) dst(%dma_wait3A_269 : memref<10240x48xf32, #tpu.memory_space<vmem_shared>>)
      } else {
      }
      %dma_start3A_250 = arith.constant 0 : i32
      %dma_start3A_251 = tpu.memref_slice %arg8[%add3A_238, %dma_start3A_250] : memref<80x128xi32, #tpu.memory_space<vmem>> -> memref<1x128xi32, #tpu.memory_space<vmem>>
      %dma_start3A_252 = tpu.memref_squeeze %dma_start3A_251 : memref<1x128xi32, #tpu.memory_space<vmem>> -> memref<128xi32, #tpu.memory_space<vmem>>
      %dma_start3A_253 = arith.constant 0 : i32
      %dma_start3A_254 = arith.constant 0 : i32
      %dma_start3A_255 = tpu.memref_slice %arg11[%dma_start3A_253, %dma_start3A_254] : memref<10240x48xf32, #tpu.memory_space<vmem_shared>> -> memref<10240x48xf32, #tpu.memory_space<vmem_shared>>
      tpu.enqueue_indirect_dma source(%arg10 : memref<128x48xf32, #tpu.memory_space<vmem>>) target(%dma_start3A_255 : memref<10240x48xf32, #tpu.memory_space<vmem_shared>>) offsets(%dma_start3A_252 : memref<128xi32, #tpu.memory_space<vmem>>) semaphore(%arg15 : memref<!tpu.dma_semaphore, #tpu.memory_space<semaphore_mem>>) {add = true}
      %add3A_256 = arith.constant 1 : i32
      %add3A_257 = arith.addi %add3A_238, %add3A_256 : i32
      %lt3A_258 = arith.constant 80 : i32
      %lt3A_259 = arith.cmpi slt, %add3A_257, %lt3A_258 : i32
      %convert_element_type3A_260 = arith.extui %lt3A_259 : i1 to i32
      %cond3A_261 = arith.constant 0 : i32
      %cond3A_262 = arith.cmpi ne, %convert_element_type3A_260, %cond3A_261 : i32
      scf.if %cond3A_262 {
        %add3A_263 = arith.constant 1 : i32
        %add3A_264 = arith.addi %add3A_238, %add3A_263 : i32
        %dma_start3A_265 = arith.constant 0 : i32
        %dma_start3A_266 = tpu.memref_slice %arg7[%add3A_264, %dma_start3A_265] : memref<80x128xi32, #tpu.memory_space<vmem>> -> memref<1x128xi32, #tpu.memory_space<vmem>>
        %dma_start3A_267 = tpu.memref_squeeze %dma_start3A_266 : memref<1x128xi32, #tpu.memory_space<vmem>> -> memref<128xi32, #tpu.memory_space<vmem>>
        %dma_start3A_268 = arith.constant 0 : i32
        %dma_start3A_269 = arith.constant 0 : i32
        %dma_start3A_270 = tpu.memref_slice %arg2[%dma_start3A_268, %dma_start3A_269] : memref<10240x48xf32, #tpu.memory_space<hbm>> -> memref<10240x48xf32, #tpu.memory_space<hbm>>
        tpu.enqueue_indirect_dma source(%dma_start3A_270 : memref<10240x48xf32, #tpu.memory_space<hbm>>) target(%arg9 : memref<128x48xf32, #tpu.memory_space<vmem>>) offsets(%dma_start3A_267 : memref<128xi32, #tpu.memory_space<vmem>>) semaphore(%arg12 : memref<!tpu.dma_semaphore, #tpu.memory_space<semaphore_mem>>)
      } else {
      }
    }
    %scan3A_119 = arith.constant 40 : i32
    %dma_wait3A_120 = arith.constant 79 : i32
    %dma_wait3A_121 = arith.constant 0 : i32
    %dma_wait3A_122 = tpu.memref_slice %arg8[%dma_wait3A_120, %dma_wait3A_121] : memref<80x128xi32, #tpu.memory_space<vmem>> -> memref<1x128xi32, #tpu.memory_space<vmem>>
    %dma_wait3A_123 = tpu.memref_squeeze %dma_wait3A_122 : memref<1x128xi32, #tpu.memory_space<vmem>> -> memref<128xi32, #tpu.memory_space<vmem>>
    %dma_wait3A_124 = arith.constant 0 : i32
    %dma_wait3A_125 = arith.constant 0 : i32
    %dma_wait3A_126 = tpu.memref_slice %arg11[%dma_wait3A_124, %dma_wait3A_125] : memref<10240x48xf32, #tpu.memory_space<vmem_shared>> -> memref<10240x48xf32, #tpu.memory_space<vmem_shared>>
    tpu.wait_indirect_dma semaphore(%arg15 : memref<!tpu.dma_semaphore, #tpu.memory_space<semaphore_mem>>) src(%arg10 : memref<128x48xf32, #tpu.memory_space<vmem>>) dst(%dma_wait3A_126 : memref<10240x48xf32, #tpu.memory_space<vmem_shared>>)
    %barrier3A_127 = arith.constant 0 : index
    tpu.barrier barrier_id(%barrier3A_127)
    %eq3A_128 = arith.constant 0 : i32
    %eq3A_129 = arith.cmpi eq, %arg1, %eq3A_128 : i32
    %convert_element_type3A_130 = arith.extui %eq3A_129 : i1 to i32
    %cond3A_131 = arith.constant 0 : i32
    %cond3A_132 = arith.cmpi ne, %convert_element_type3A_130, %cond3A_131 : i32
    scf.if %cond3A_132 {
      "tpu.region"() ({
        %run_scoped3A = tpu.sem_alloc : memref<!tpu.dma_semaphore, #tpu.memory_space<semaphore_mem>>
        %dma_start3A_208 = arith.constant 0 : i32
        %dma_start3A_209 = arith.constant 0 : i32
        %dma_start3A_210 = tpu.memref_slice %arg6[%arg0, %dma_start3A_208, %dma_start3A_209] : memref<2x10240x48xf32, #tpu.memory_space<hbm>> -> memref<1x640x48xf32, #tpu.memory_space<hbm>>
        %dma_start3A_211 = tpu.memref_squeeze %dma_start3A_210 : memref<1x640x48xf32, #tpu.memory_space<hbm>> -> memref<640x48xf32, #tpu.memory_space<hbm>>
        %dma_start3A_212 = arith.constant 0 : i32
        %dma_start3A_213 = arith.constant 0 : i32
        %dma_start3A_214 = tpu.memref_slice %arg11[%dma_start3A_212, %dma_start3A_213] : memref<10240x48xf32, #tpu.memory_space<vmem_shared>> -> memref<640x48xf32, #tpu.memory_space<vmem_shared>>
        tpu.enqueue_dma source(%dma_start3A_214 : memref<640x48xf32, #tpu.memory_space<vmem_shared>>) target(%dma_start3A_211 : memref<640x48xf32, #tpu.memory_space<hbm>>) target_semaphore(%run_scoped3A : memref<!tpu.dma_semaphore, #tpu.memory_space<semaphore_mem>>)
        %dma_wait3A_215 = arith.constant 0 : i32
        %dma_wait3A_216 = arith.constant 0 : i32
        %dma_wait3A_217 = tpu.memref_slice %arg6[%arg0, %dma_wait3A_215, %dma_wait3A_216] : memref<2x10240x48xf32, #tpu.memory_space<hbm>> -> memref<1x640x48xf32, #tpu.memory_space<hbm>>
        %dma_wait3A_218 = tpu.memref_squeeze %dma_wait3A_217 : memref<1x640x48xf32, #tpu.memory_space<hbm>> -> memref<640x48xf32, #tpu.memory_space<hbm>>
        %dma_wait3A_219 = arith.constant 0 : i32
        %dma_wait3A_220 = arith.constant 0 : i32
        %dma_wait3A_221 = tpu.memref_slice %arg11[%dma_wait3A_219, %dma_wait3A_220] : memref<10240x48xf32, #tpu.memory_space<vmem_shared>> -> memref<640x48xf32, #tpu.memory_space<vmem_shared>>
        tpu.wait_dma2 semaphore(%run_scoped3A : memref<!tpu.dma_semaphore, #tpu.memory_space<semaphore_mem>>) src(%dma_wait3A_221 : memref<640x48xf32, #tpu.memory_space<vmem_shared>>) dst(%dma_wait3A_218 : memref<640x48xf32, #tpu.memory_space<hbm>>)
        tpu.yield
      }) : () -> ()
    } else {
    }
    %eq3A_133 = arith.constant 1 : i32
    %eq3A_134 = arith.cmpi eq, %arg1, %eq3A_133 : i32
    %convert_element_type3A_135 = arith.extui %eq3A_134 : i1 to i32
    %cond3A_136 = arith.constant 0 : i32
    %cond3A_137 = arith.cmpi ne, %convert_element_type3A_135, %cond3A_136 : i32
    scf.if %cond3A_137 {
      "tpu.region"() ({
        %run_scoped3A = tpu.sem_alloc : memref<!tpu.dma_semaphore, #tpu.memory_space<semaphore_mem>>
        %dma_start3A_208 = arith.constant 640 : i32
        %dma_start3A_209 = arith.constant 0 : i32
        %dma_start3A_210 = tpu.memref_slice %arg6[%arg0, %dma_start3A_208, %dma_start3A_209] : memref<2x10240x48xf32, #tpu.memory_space<hbm>> -> memref<1x640x48xf32, #tpu.memory_space<hbm>>
        %dma_start3A_211 = tpu.memref_squeeze %dma_start3A_210 : memref<1x640x48xf32, #tpu.memory_space<hbm>> -> memref<640x48xf32, #tpu.memory_space<hbm>>
        %dma_start3A_212 = arith.constant 640 : i32
        %dma_start3A_213 = arith.constant 0 : i32
        %dma_start3A_214 = tpu.memref_slice %arg11[%dma_start3A_212, %dma_start3A_213] : memref<10240x48xf32, #tpu.memory_space<vmem_shared>> -> memref<640x48xf32, #tpu.memory_space<vmem_shared>>
        tpu.enqueue_dma source(%dma_start3A_214 : memref<640x48xf32, #tpu.memory_space<vmem_shared>>) target(%dma_start3A_211 : memref<640x48xf32, #tpu.memory_space<hbm>>) target_semaphore(%run_scoped3A : memref<!tpu.dma_semaphore, #tpu.memory_space<semaphore_mem>>)
        %dma_wait3A_215 = arith.constant 640 : i32
        %dma_wait3A_216 = arith.constant 0 : i32
        %dma_wait3A_217 = tpu.memref_slice %arg6[%arg0, %dma_wait3A_215, %dma_wait3A_216] : memref<2x10240x48xf32, #tpu.memory_space<hbm>> -> memref<1x640x48xf32, #tpu.memory_space<hbm>>
        %dma_wait3A_218 = tpu.memref_squeeze %dma_wait3A_217 : memref<1x640x48xf32, #tpu.memory_space<hbm>> -> memref<640x48xf32, #tpu.memory_space<hbm>>
        %dma_wait3A_219 = arith.constant 640 : i32
        %dma_wait3A_220 = arith.constant 0 : i32
        %dma_wait3A_221 = tpu.memref_slice %arg11[%dma_wait3A_219, %dma_wait3A_220] : memref<10240x48xf32, #tpu.memory_space<vmem_shared>> -> memref<640x48xf32, #tpu.memory_space<vmem_shared>>
        tpu.wait_dma2 semaphore(%run_scoped3A : memref<!tpu.dma_semaphore, #tpu.memory_space<semaphore_mem>>) src(%dma_wait3A_221 : memref<640x48xf32, #tpu.memory_space<vmem_shared>>) dst(%dma_wait3A_218 : memref<640x48xf32, #tpu.memory_space<hbm>>)
        tpu.yield
      }) : () -> ()
    } else {
    }
    %eq3A_138 = arith.constant 2 : i32
    %eq3A_139 = arith.cmpi eq, %arg1, %eq3A_138 : i32
    %convert_element_type3A_140 = arith.extui %eq3A_139 : i1 to i32
    %cond3A_141 = arith.constant 0 : i32
    %cond3A_142 = arith.cmpi ne, %convert_element_type3A_140, %cond3A_141 : i32
    scf.if %cond3A_142 {
      "tpu.region"() ({
        %run_scoped3A = tpu.sem_alloc : memref<!tpu.dma_semaphore, #tpu.memory_space<semaphore_mem>>
        %dma_start3A_208 = arith.constant 1280 : i32
        %dma_start3A_209 = arith.constant 0 : i32
        %dma_start3A_210 = tpu.memref_slice %arg6[%arg0, %dma_start3A_208, %dma_start3A_209] : memref<2x10240x48xf32, #tpu.memory_space<hbm>> -> memref<1x640x48xf32, #tpu.memory_space<hbm>>
        %dma_start3A_211 = tpu.memref_squeeze %dma_start3A_210 : memref<1x640x48xf32, #tpu.memory_space<hbm>> -> memref<640x48xf32, #tpu.memory_space<hbm>>
        %dma_start3A_212 = arith.constant 1280 : i32
        %dma_start3A_213 = arith.constant 0 : i32
        %dma_start3A_214 = tpu.memref_slice %arg11[%dma_start3A_212, %dma_start3A_213] : memref<10240x48xf32, #tpu.memory_space<vmem_shared>> -> memref<640x48xf32, #tpu.memory_space<vmem_shared>>
        tpu.enqueue_dma source(%dma_start3A_214 : memref<640x48xf32, #tpu.memory_space<vmem_shared>>) target(%dma_start3A_211 : memref<640x48xf32, #tpu.memory_space<hbm>>) target_semaphore(%run_scoped3A : memref<!tpu.dma_semaphore, #tpu.memory_space<semaphore_mem>>)
        %dma_wait3A_215 = arith.constant 1280 : i32
        %dma_wait3A_216 = arith.constant 0 : i32
        %dma_wait3A_217 = tpu.memref_slice %arg6[%arg0, %dma_wait3A_215, %dma_wait3A_216] : memref<2x10240x48xf32, #tpu.memory_space<hbm>> -> memref<1x640x48xf32, #tpu.memory_space<hbm>>
        %dma_wait3A_218 = tpu.memref_squeeze %dma_wait3A_217 : memref<1x640x48xf32, #tpu.memory_space<hbm>> -> memref<640x48xf32, #tpu.memory_space<hbm>>
        %dma_wait3A_219 = arith.constant 1280 : i32
        %dma_wait3A_220 = arith.constant 0 : i32
        %dma_wait3A_221 = tpu.memref_slice %arg11[%dma_wait3A_219, %dma_wait3A_220] : memref<10240x48xf32, #tpu.memory_space<vmem_shared>> -> memref<640x48xf32, #tpu.memory_space<vmem_shared>>
        tpu.wait_dma2 semaphore(%run_scoped3A : memref<!tpu.dma_semaphore, #tpu.memory_space<semaphore_mem>>) src(%dma_wait3A_221 : memref<640x48xf32, #tpu.memory_space<vmem_shared>>) dst(%dma_wait3A_218 : memref<640x48xf32, #tpu.memory_space<hbm>>)
        tpu.yield
      }) : () -> ()
    } else {
    }
    %eq3A_143 = arith.constant 3 : i32
    %eq3A_144 = arith.cmpi eq, %arg1, %eq3A_143 : i32
    %convert_element_type3A_145 = arith.extui %eq3A_144 : i1 to i32
    %cond3A_146 = arith.constant 0 : i32
    %cond3A_147 = arith.cmpi ne, %convert_element_type3A_145, %cond3A_146 : i32
    scf.if %cond3A_147 {
      "tpu.region"() ({
        %run_scoped3A = tpu.sem_alloc : memref<!tpu.dma_semaphore, #tpu.memory_space<semaphore_mem>>
        %dma_start3A_208 = arith.constant 1920 : i32
        %dma_start3A_209 = arith.constant 0 : i32
        %dma_start3A_210 = tpu.memref_slice %arg6[%arg0, %dma_start3A_208, %dma_start3A_209] : memref<2x10240x48xf32, #tpu.memory_space<hbm>> -> memref<1x640x48xf32, #tpu.memory_space<hbm>>
        %dma_start3A_211 = tpu.memref_squeeze %dma_start3A_210 : memref<1x640x48xf32, #tpu.memory_space<hbm>> -> memref<640x48xf32, #tpu.memory_space<hbm>>
        %dma_start3A_212 = arith.constant 1920 : i32
        %dma_start3A_213 = arith.constant 0 : i32
        %dma_start3A_214 = tpu.memref_slice %arg11[%dma_start3A_212, %dma_start3A_213] : memref<10240x48xf32, #tpu.memory_space<vmem_shared>> -> memref<640x48xf32, #tpu.memory_space<vmem_shared>>
        tpu.enqueue_dma source(%dma_start3A_214 : memref<640x48xf32, #tpu.memory_space<vmem_shared>>) target(%dma_start3A_211 : memref<640x48xf32, #tpu.memory_space<hbm>>) target_semaphore(%run_scoped3A : memref<!tpu.dma_semaphore, #tpu.memory_space<semaphore_mem>>)
        %dma_wait3A_215 = arith.constant 1920 : i32
        %dma_wait3A_216 = arith.constant 0 : i32
        %dma_wait3A_217 = tpu.memref_slice %arg6[%arg0, %dma_wait3A_215, %dma_wait3A_216] : memref<2x10240x48xf32, #tpu.memory_space<hbm>> -> memref<1x640x48xf32, #tpu.memory_space<hbm>>
        %dma_wait3A_218 = tpu.memref_squeeze %dma_wait3A_217 : memref<1x640x48xf32, #tpu.memory_space<hbm>> -> memref<640x48xf32, #tpu.memory_space<hbm>>
        %dma_wait3A_219 = arith.constant 1920 : i32
        %dma_wait3A_220 = arith.constant 0 : i32
        %dma_wait3A_221 = tpu.memref_slice %arg11[%dma_wait3A_219, %dma_wait3A_220] : memref<10240x48xf32, #tpu.memory_space<vmem_shared>> -> memref<640x48xf32, #tpu.memory_space<vmem_shared>>
        tpu.wait_dma2 semaphore(%run_scoped3A : memref<!tpu.dma_semaphore, #tpu.memory_space<semaphore_mem>>) src(%dma_wait3A_221 : memref<640x48xf32, #tpu.memory_space<vmem_shared>>) dst(%dma_wait3A_218 : memref<640x48xf32, #tpu.memory_space<hbm>>)
        tpu.yield
      }) : () -> ()
    } else {
    }
    %eq3A_148 = arith.constant 4 : i32
    %eq3A_149 = arith.cmpi eq, %arg1, %eq3A_148 : i32
    %convert_element_type3A_150 = arith.extui %eq3A_149 : i1 to i32
    %cond3A_151 = arith.constant 0 : i32
    %cond3A_152 = arith.cmpi ne, %convert_element_type3A_150, %cond3A_151 : i32
    scf.if %cond3A_152 {
      "tpu.region"() ({
        %run_scoped3A = tpu.sem_alloc : memref<!tpu.dma_semaphore, #tpu.memory_space<semaphore_mem>>
        %dma_start3A_208 = arith.constant 2560 : i32
        %dma_start3A_209 = arith.constant 0 : i32
        %dma_start3A_210 = tpu.memref_slice %arg6[%arg0, %dma_start3A_208, %dma_start3A_209] : memref<2x10240x48xf32, #tpu.memory_space<hbm>> -> memref<1x640x48xf32, #tpu.memory_space<hbm>>
        %dma_start3A_211 = tpu.memref_squeeze %dma_start3A_210 : memref<1x640x48xf32, #tpu.memory_space<hbm>> -> memref<640x48xf32, #tpu.memory_space<hbm>>
        %dma_start3A_212 = arith.constant 2560 : i32
        %dma_start3A_213 = arith.constant 0 : i32
        %dma_start3A_214 = tpu.memref_slice %arg11[%dma_start3A_212, %dma_start3A_213] : memref<10240x48xf32, #tpu.memory_space<vmem_shared>> -> memref<640x48xf32, #tpu.memory_space<vmem_shared>>
        tpu.enqueue_dma source(%dma_start3A_214 : memref<640x48xf32, #tpu.memory_space<vmem_shared>>) target(%dma_start3A_211 : memref<640x48xf32, #tpu.memory_space<hbm>>) target_semaphore(%run_scoped3A : memref<!tpu.dma_semaphore, #tpu.memory_space<semaphore_mem>>)
        %dma_wait3A_215 = arith.constant 2560 : i32
        %dma_wait3A_216 = arith.constant 0 : i32
        %dma_wait3A_217 = tpu.memref_slice %arg6[%arg0, %dma_wait3A_215, %dma_wait3A_216] : memref<2x10240x48xf32, #tpu.memory_space<hbm>> -> memref<1x640x48xf32, #tpu.memory_space<hbm>>
        %dma_wait3A_218 = tpu.memref_squeeze %dma_wait3A_217 : memref<1x640x48xf32, #tpu.memory_space<hbm>> -> memref<640x48xf32, #tpu.memory_space<hbm>>
        %dma_wait3A_219 = arith.constant 2560 : i32
        %dma_wait3A_220 = arith.constant 0 : i32
        %dma_wait3A_221 = tpu.memref_slice %arg11[%dma_wait3A_219, %dma_wait3A_220] : memref<10240x48xf32, #tpu.memory_space<vmem_shared>> -> memref<640x48xf32, #tpu.memory_space<vmem_shared>>
        tpu.wait_dma2 semaphore(%run_scoped3A : memref<!tpu.dma_semaphore, #tpu.memory_space<semaphore_mem>>) src(%dma_wait3A_221 : memref<640x48xf32, #tpu.memory_space<vmem_shared>>) dst(%dma_wait3A_218 : memref<640x48xf32, #tpu.memory_space<hbm>>)
        tpu.yield
      }) : () -> ()
    } else {
    }
    %eq3A_153 = arith.constant 5 : i32
    %eq3A_154 = arith.cmpi eq, %arg1, %eq3A_153 : i32
    %convert_element_type3A_155 = arith.extui %eq3A_154 : i1 to i32
    %cond3A_156 = arith.constant 0 : i32
    %cond3A_157 = arith.cmpi ne, %convert_element_type3A_155, %cond3A_156 : i32
    scf.if %cond3A_157 {
      "tpu.region"() ({
        %run_scoped3A = tpu.sem_alloc : memref<!tpu.dma_semaphore, #tpu.memory_space<semaphore_mem>>
        %dma_start3A_208 = arith.constant 3200 : i32
        %dma_start3A_209 = arith.constant 0 : i32
        %dma_start3A_210 = tpu.memref_slice %arg6[%arg0, %dma_start3A_208, %dma_start3A_209] : memref<2x10240x48xf32, #tpu.memory_space<hbm>> -> memref<1x640x48xf32, #tpu.memory_space<hbm>>
        %dma_start3A_211 = tpu.memref_squeeze %dma_start3A_210 : memref<1x640x48xf32, #tpu.memory_space<hbm>> -> memref<640x48xf32, #tpu.memory_space<hbm>>
        %dma_start3A_212 = arith.constant 3200 : i32
        %dma_start3A_213 = arith.constant 0 : i32
        %dma_start3A_214 = tpu.memref_slice %arg11[%dma_start3A_212, %dma_start3A_213] : memref<10240x48xf32, #tpu.memory_space<vmem_shared>> -> memref<640x48xf32, #tpu.memory_space<vmem_shared>>
        tpu.enqueue_dma source(%dma_start3A_214 : memref<640x48xf32, #tpu.memory_space<vmem_shared>>) target(%dma_start3A_211 : memref<640x48xf32, #tpu.memory_space<hbm>>) target_semaphore(%run_scoped3A : memref<!tpu.dma_semaphore, #tpu.memory_space<semaphore_mem>>)
        %dma_wait3A_215 = arith.constant 3200 : i32
        %dma_wait3A_216 = arith.constant 0 : i32
        %dma_wait3A_217 = tpu.memref_slice %arg6[%arg0, %dma_wait3A_215, %dma_wait3A_216] : memref<2x10240x48xf32, #tpu.memory_space<hbm>> -> memref<1x640x48xf32, #tpu.memory_space<hbm>>
        %dma_wait3A_218 = tpu.memref_squeeze %dma_wait3A_217 : memref<1x640x48xf32, #tpu.memory_space<hbm>> -> memref<640x48xf32, #tpu.memory_space<hbm>>
        %dma_wait3A_219 = arith.constant 3200 : i32
        %dma_wait3A_220 = arith.constant 0 : i32
        %dma_wait3A_221 = tpu.memref_slice %arg11[%dma_wait3A_219, %dma_wait3A_220] : memref<10240x48xf32, #tpu.memory_space<vmem_shared>> -> memref<640x48xf32, #tpu.memory_space<vmem_shared>>
        tpu.wait_dma2 semaphore(%run_scoped3A : memref<!tpu.dma_semaphore, #tpu.memory_space<semaphore_mem>>) src(%dma_wait3A_221 : memref<640x48xf32, #tpu.memory_space<vmem_shared>>) dst(%dma_wait3A_218 : memref<640x48xf32, #tpu.memory_space<hbm>>)
        tpu.yield
      }) : () -> ()
    } else {
    }
    %eq3A_158 = arith.constant 6 : i32
    %eq3A_159 = arith.cmpi eq, %arg1, %eq3A_158 : i32
    %convert_element_type3A_160 = arith.extui %eq3A_159 : i1 to i32
    %cond3A_161 = arith.constant 0 : i32
    %cond3A_162 = arith.cmpi ne, %convert_element_type3A_160, %cond3A_161 : i32
    scf.if %cond3A_162 {
      "tpu.region"() ({
        %run_scoped3A = tpu.sem_alloc : memref<!tpu.dma_semaphore, #tpu.memory_space<semaphore_mem>>
        %dma_start3A_208 = arith.constant 3840 : i32
        %dma_start3A_209 = arith.constant 0 : i32
        %dma_start3A_210 = tpu.memref_slice %arg6[%arg0, %dma_start3A_208, %dma_start3A_209] : memref<2x10240x48xf32, #tpu.memory_space<hbm>> -> memref<1x640x48xf32, #tpu.memory_space<hbm>>
        %dma_start3A_211 = tpu.memref_squeeze %dma_start3A_210 : memref<1x640x48xf32, #tpu.memory_space<hbm>> -> memref<640x48xf32, #tpu.memory_space<hbm>>
        %dma_start3A_212 = arith.constant 3840 : i32
        %dma_start3A_213 = arith.constant 0 : i32
        %dma_start3A_214 = tpu.memref_slice %arg11[%dma_start3A_212, %dma_start3A_213] : memref<10240x48xf32, #tpu.memory_space<vmem_shared>> -> memref<640x48xf32, #tpu.memory_space<vmem_shared>>
        tpu.enqueue_dma source(%dma_start3A_214 : memref<640x48xf32, #tpu.memory_space<vmem_shared>>) target(%dma_start3A_211 : memref<640x48xf32, #tpu.memory_space<hbm>>) target_semaphore(%run_scoped3A : memref<!tpu.dma_semaphore, #tpu.memory_space<semaphore_mem>>)
        %dma_wait3A_215 = arith.constant 3840 : i32
        %dma_wait3A_216 = arith.constant 0 : i32
        %dma_wait3A_217 = tpu.memref_slice %arg6[%arg0, %dma_wait3A_215, %dma_wait3A_216] : memref<2x10240x48xf32, #tpu.memory_space<hbm>> -> memref<1x640x48xf32, #tpu.memory_space<hbm>>
        %dma_wait3A_218 = tpu.memref_squeeze %dma_wait3A_217 : memref<1x640x48xf32, #tpu.memory_space<hbm>> -> memref<640x48xf32, #tpu.memory_space<hbm>>
        %dma_wait3A_219 = arith.constant 3840 : i32
        %dma_wait3A_220 = arith.constant 0 : i32
        %dma_wait3A_221 = tpu.memref_slice %arg11[%dma_wait3A_219, %dma_wait3A_220] : memref<10240x48xf32, #tpu.memory_space<vmem_shared>> -> memref<640x48xf32, #tpu.memory_space<vmem_shared>>
        tpu.wait_dma2 semaphore(%run_scoped3A : memref<!tpu.dma_semaphore, #tpu.memory_space<semaphore_mem>>) src(%dma_wait3A_221 : memref<640x48xf32, #tpu.memory_space<vmem_shared>>) dst(%dma_wait3A_218 : memref<640x48xf32, #tpu.memory_space<hbm>>)
        tpu.yield
      }) : () -> ()
    } else {
    }
    %eq3A_163 = arith.constant 7 : i32
    %eq3A_164 = arith.cmpi eq, %arg1, %eq3A_163 : i32
    %convert_element_type3A_165 = arith.extui %eq3A_164 : i1 to i32
    %cond3A_166 = arith.constant 0 : i32
    %cond3A_167 = arith.cmpi ne, %convert_element_type3A_165, %cond3A_166 : i32
    scf.if %cond3A_167 {
      "tpu.region"() ({
        %run_scoped3A = tpu.sem_alloc : memref<!tpu.dma_semaphore, #tpu.memory_space<semaphore_mem>>
        %dma_start3A_208 = arith.constant 4480 : i32
        %dma_start3A_209 = arith.constant 0 : i32
        %dma_start3A_210 = tpu.memref_slice %arg6[%arg0, %dma_start3A_208, %dma_start3A_209] : memref<2x10240x48xf32, #tpu.memory_space<hbm>> -> memref<1x640x48xf32, #tpu.memory_space<hbm>>
        %dma_start3A_211 = tpu.memref_squeeze %dma_start3A_210 : memref<1x640x48xf32, #tpu.memory_space<hbm>> -> memref<640x48xf32, #tpu.memory_space<hbm>>
        %dma_start3A_212 = arith.constant 4480 : i32
        %dma_start3A_213 = arith.constant 0 : i32
        %dma_start3A_214 = tpu.memref_slice %arg11[%dma_start3A_212, %dma_start3A_213] : memref<10240x48xf32, #tpu.memory_space<vmem_shared>> -> memref<640x48xf32, #tpu.memory_space<vmem_shared>>
        tpu.enqueue_dma source(%dma_start3A_214 : memref<640x48xf32, #tpu.memory_space<vmem_shared>>) target(%dma_start3A_211 : memref<640x48xf32, #tpu.memory_space<hbm>>) target_semaphore(%run_scoped3A : memref<!tpu.dma_semaphore, #tpu.memory_space<semaphore_mem>>)
        %dma_wait3A_215 = arith.constant 4480 : i32
        %dma_wait3A_216 = arith.constant 0 : i32
        %dma_wait3A_217 = tpu.memref_slice %arg6[%arg0, %dma_wait3A_215, %dma_wait3A_216] : memref<2x10240x48xf32, #tpu.memory_space<hbm>> -> memref<1x640x48xf32, #tpu.memory_space<hbm>>
        %dma_wait3A_218 = tpu.memref_squeeze %dma_wait3A_217 : memref<1x640x48xf32, #tpu.memory_space<hbm>> -> memref<640x48xf32, #tpu.memory_space<hbm>>
        %dma_wait3A_219 = arith.constant 4480 : i32
        %dma_wait3A_220 = arith.constant 0 : i32
        %dma_wait3A_221 = tpu.memref_slice %arg11[%dma_wait3A_219, %dma_wait3A_220] : memref<10240x48xf32, #tpu.memory_space<vmem_shared>> -> memref<640x48xf32, #tpu.memory_space<vmem_shared>>
        tpu.wait_dma2 semaphore(%run_scoped3A : memref<!tpu.dma_semaphore, #tpu.memory_space<semaphore_mem>>) src(%dma_wait3A_221 : memref<640x48xf32, #tpu.memory_space<vmem_shared>>) dst(%dma_wait3A_218 : memref<640x48xf32, #tpu.memory_space<hbm>>)
        tpu.yield
      }) : () -> ()
    } else {
    }
    %eq3A_168 = arith.constant 8 : i32
    %eq3A_169 = arith.cmpi eq, %arg1, %eq3A_168 : i32
    %convert_element_type3A_170 = arith.extui %eq3A_169 : i1 to i32
    %cond3A_171 = arith.constant 0 : i32
    %cond3A_172 = arith.cmpi ne, %convert_element_type3A_170, %cond3A_171 : i32
    scf.if %cond3A_172 {
      "tpu.region"() ({
        %run_scoped3A = tpu.sem_alloc : memref<!tpu.dma_semaphore, #tpu.memory_space<semaphore_mem>>
        %dma_start3A_208 = arith.constant 5120 : i32
        %dma_start3A_209 = arith.constant 0 : i32
        %dma_start3A_210 = tpu.memref_slice %arg6[%arg0, %dma_start3A_208, %dma_start3A_209] : memref<2x10240x48xf32, #tpu.memory_space<hbm>> -> memref<1x640x48xf32, #tpu.memory_space<hbm>>
        %dma_start3A_211 = tpu.memref_squeeze %dma_start3A_210 : memref<1x640x48xf32, #tpu.memory_space<hbm>> -> memref<640x48xf32, #tpu.memory_space<hbm>>
        %dma_start3A_212 = arith.constant 5120 : i32
        %dma_start3A_213 = arith.constant 0 : i32
        %dma_start3A_214 = tpu.memref_slice %arg11[%dma_start3A_212, %dma_start3A_213] : memref<10240x48xf32, #tpu.memory_space<vmem_shared>> -> memref<640x48xf32, #tpu.memory_space<vmem_shared>>
        tpu.enqueue_dma source(%dma_start3A_214 : memref<640x48xf32, #tpu.memory_space<vmem_shared>>) target(%dma_start3A_211 : memref<640x48xf32, #tpu.memory_space<hbm>>) target_semaphore(%run_scoped3A : memref<!tpu.dma_semaphore, #tpu.memory_space<semaphore_mem>>)
        %dma_wait3A_215 = arith.constant 5120 : i32
        %dma_wait3A_216 = arith.constant 0 : i32
        %dma_wait3A_217 = tpu.memref_slice %arg6[%arg0, %dma_wait3A_215, %dma_wait3A_216] : memref<2x10240x48xf32, #tpu.memory_space<hbm>> -> memref<1x640x48xf32, #tpu.memory_space<hbm>>
        %dma_wait3A_218 = tpu.memref_squeeze %dma_wait3A_217 : memref<1x640x48xf32, #tpu.memory_space<hbm>> -> memref<640x48xf32, #tpu.memory_space<hbm>>
        %dma_wait3A_219 = arith.constant 5120 : i32
        %dma_wait3A_220 = arith.constant 0 : i32
        %dma_wait3A_221 = tpu.memref_slice %arg11[%dma_wait3A_219, %dma_wait3A_220] : memref<10240x48xf32, #tpu.memory_space<vmem_shared>> -> memref<640x48xf32, #tpu.memory_space<vmem_shared>>
        tpu.wait_dma2 semaphore(%run_scoped3A : memref<!tpu.dma_semaphore, #tpu.memory_space<semaphore_mem>>) src(%dma_wait3A_221 : memref<640x48xf32, #tpu.memory_space<vmem_shared>>) dst(%dma_wait3A_218 : memref<640x48xf32, #tpu.memory_space<hbm>>)
        tpu.yield
      }) : () -> ()
    } else {
    }
    %eq3A_173 = arith.constant 9 : i32
    %eq3A_174 = arith.cmpi eq, %arg1, %eq3A_173 : i32
    %convert_element_type3A_175 = arith.extui %eq3A_174 : i1 to i32
    %cond3A_176 = arith.constant 0 : i32
    %cond3A_177 = arith.cmpi ne, %convert_element_type3A_175, %cond3A_176 : i32
    scf.if %cond3A_177 {
      "tpu.region"() ({
        %run_scoped3A = tpu.sem_alloc : memref<!tpu.dma_semaphore, #tpu.memory_space<semaphore_mem>>
        %dma_start3A_208 = arith.constant 5760 : i32
        %dma_start3A_209 = arith.constant 0 : i32
        %dma_start3A_210 = tpu.memref_slice %arg6[%arg0, %dma_start3A_208, %dma_start3A_209] : memref<2x10240x48xf32, #tpu.memory_space<hbm>> -> memref<1x640x48xf32, #tpu.memory_space<hbm>>
        %dma_start3A_211 = tpu.memref_squeeze %dma_start3A_210 : memref<1x640x48xf32, #tpu.memory_space<hbm>> -> memref<640x48xf32, #tpu.memory_space<hbm>>
        %dma_start3A_212 = arith.constant 5760 : i32
        %dma_start3A_213 = arith.constant 0 : i32
        %dma_start3A_214 = tpu.memref_slice %arg11[%dma_start3A_212, %dma_start3A_213] : memref<10240x48xf32, #tpu.memory_space<vmem_shared>> -> memref<640x48xf32, #tpu.memory_space<vmem_shared>>
        tpu.enqueue_dma source(%dma_start3A_214 : memref<640x48xf32, #tpu.memory_space<vmem_shared>>) target(%dma_start3A_211 : memref<640x48xf32, #tpu.memory_space<hbm>>) target_semaphore(%run_scoped3A : memref<!tpu.dma_semaphore, #tpu.memory_space<semaphore_mem>>)
        %dma_wait3A_215 = arith.constant 5760 : i32
        %dma_wait3A_216 = arith.constant 0 : i32
        %dma_wait3A_217 = tpu.memref_slice %arg6[%arg0, %dma_wait3A_215, %dma_wait3A_216] : memref<2x10240x48xf32, #tpu.memory_space<hbm>> -> memref<1x640x48xf32, #tpu.memory_space<hbm>>
        %dma_wait3A_218 = tpu.memref_squeeze %dma_wait3A_217 : memref<1x640x48xf32, #tpu.memory_space<hbm>> -> memref<640x48xf32, #tpu.memory_space<hbm>>
        %dma_wait3A_219 = arith.constant 5760 : i32
        %dma_wait3A_220 = arith.constant 0 : i32
        %dma_wait3A_221 = tpu.memref_slice %arg11[%dma_wait3A_219, %dma_wait3A_220] : memref<10240x48xf32, #tpu.memory_space<vmem_shared>> -> memref<640x48xf32, #tpu.memory_space<vmem_shared>>
        tpu.wait_dma2 semaphore(%run_scoped3A : memref<!tpu.dma_semaphore, #tpu.memory_space<semaphore_mem>>) src(%dma_wait3A_221 : memref<640x48xf32, #tpu.memory_space<vmem_shared>>) dst(%dma_wait3A_218 : memref<640x48xf32, #tpu.memory_space<hbm>>)
        tpu.yield
      }) : () -> ()
    } else {
    }
    %eq3A_178 = arith.constant 10 : i32
    %eq3A_179 = arith.cmpi eq, %arg1, %eq3A_178 : i32
    %convert_element_type3A_180 = arith.extui %eq3A_179 : i1 to i32
    %cond3A_181 = arith.constant 0 : i32
    %cond3A_182 = arith.cmpi ne, %convert_element_type3A_180, %cond3A_181 : i32
    scf.if %cond3A_182 {
      "tpu.region"() ({
        %run_scoped3A = tpu.sem_alloc : memref<!tpu.dma_semaphore, #tpu.memory_space<semaphore_mem>>
        %dma_start3A_208 = arith.constant 6400 : i32
        %dma_start3A_209 = arith.constant 0 : i32
        %dma_start3A_210 = tpu.memref_slice %arg6[%arg0, %dma_start3A_208, %dma_start3A_209] : memref<2x10240x48xf32, #tpu.memory_space<hbm>> -> memref<1x640x48xf32, #tpu.memory_space<hbm>>
        %dma_start3A_211 = tpu.memref_squeeze %dma_start3A_210 : memref<1x640x48xf32, #tpu.memory_space<hbm>> -> memref<640x48xf32, #tpu.memory_space<hbm>>
        %dma_start3A_212 = arith.constant 6400 : i32
        %dma_start3A_213 = arith.constant 0 : i32
        %dma_start3A_214 = tpu.memref_slice %arg11[%dma_start3A_212, %dma_start3A_213] : memref<10240x48xf32, #tpu.memory_space<vmem_shared>> -> memref<640x48xf32, #tpu.memory_space<vmem_shared>>
        tpu.enqueue_dma source(%dma_start3A_214 : memref<640x48xf32, #tpu.memory_space<vmem_shared>>) target(%dma_start3A_211 : memref<640x48xf32, #tpu.memory_space<hbm>>) target_semaphore(%run_scoped3A : memref<!tpu.dma_semaphore, #tpu.memory_space<semaphore_mem>>)
        %dma_wait3A_215 = arith.constant 6400 : i32
        %dma_wait3A_216 = arith.constant 0 : i32
        %dma_wait3A_217 = tpu.memref_slice %arg6[%arg0, %dma_wait3A_215, %dma_wait3A_216] : memref<2x10240x48xf32, #tpu.memory_space<hbm>> -> memref<1x640x48xf32, #tpu.memory_space<hbm>>
        %dma_wait3A_218 = tpu.memref_squeeze %dma_wait3A_217 : memref<1x640x48xf32, #tpu.memory_space<hbm>> -> memref<640x48xf32, #tpu.memory_space<hbm>>
        %dma_wait3A_219 = arith.constant 6400 : i32
        %dma_wait3A_220 = arith.constant 0 : i32
        %dma_wait3A_221 = tpu.memref_slice %arg11[%dma_wait3A_219, %dma_wait3A_220] : memref<10240x48xf32, #tpu.memory_space<vmem_shared>> -> memref<640x48xf32, #tpu.memory_space<vmem_shared>>
        tpu.wait_dma2 semaphore(%run_scoped3A : memref<!tpu.dma_semaphore, #tpu.memory_space<semaphore_mem>>) src(%dma_wait3A_221 : memref<640x48xf32, #tpu.memory_space<vmem_shared>>) dst(%dma_wait3A_218 : memref<640x48xf32, #tpu.memory_space<hbm>>)
        tpu.yield
      }) : () -> ()
    } else {
    }
    %eq3A_183 = arith.constant 11 : i32
    %eq3A_184 = arith.cmpi eq, %arg1, %eq3A_183 : i32
    %convert_element_type3A_185 = arith.extui %eq3A_184 : i1 to i32
    %cond3A_186 = arith.constant 0 : i32
    %cond3A_187 = arith.cmpi ne, %convert_element_type3A_185, %cond3A_186 : i32
    scf.if %cond3A_187 {
      "tpu.region"() ({
        %run_scoped3A = tpu.sem_alloc : memref<!tpu.dma_semaphore, #tpu.memory_space<semaphore_mem>>
        %dma_start3A_208 = arith.constant 7040 : i32
        %dma_start3A_209 = arith.constant 0 : i32
        %dma_start3A_210 = tpu.memref_slice %arg6[%arg0, %dma_start3A_208, %dma_start3A_209] : memref<2x10240x48xf32, #tpu.memory_space<hbm>> -> memref<1x640x48xf32, #tpu.memory_space<hbm>>
        %dma_start3A_211 = tpu.memref_squeeze %dma_start3A_210 : memref<1x640x48xf32, #tpu.memory_space<hbm>> -> memref<640x48xf32, #tpu.memory_space<hbm>>
        %dma_start3A_212 = arith.constant 7040 : i32
        %dma_start3A_213 = arith.constant 0 : i32
        %dma_start3A_214 = tpu.memref_slice %arg11[%dma_start3A_212, %dma_start3A_213] : memref<10240x48xf32, #tpu.memory_space<vmem_shared>> -> memref<640x48xf32, #tpu.memory_space<vmem_shared>>
        tpu.enqueue_dma source(%dma_start3A_214 : memref<640x48xf32, #tpu.memory_space<vmem_shared>>) target(%dma_start3A_211 : memref<640x48xf32, #tpu.memory_space<hbm>>) target_semaphore(%run_scoped3A : memref<!tpu.dma_semaphore, #tpu.memory_space<semaphore_mem>>)
        %dma_wait3A_215 = arith.constant 7040 : i32
        %dma_wait3A_216 = arith.constant 0 : i32
        %dma_wait3A_217 = tpu.memref_slice %arg6[%arg0, %dma_wait3A_215, %dma_wait3A_216] : memref<2x10240x48xf32, #tpu.memory_space<hbm>> -> memref<1x640x48xf32, #tpu.memory_space<hbm>>
        %dma_wait3A_218 = tpu.memref_squeeze %dma_wait3A_217 : memref<1x640x48xf32, #tpu.memory_space<hbm>> -> memref<640x48xf32, #tpu.memory_space<hbm>>
        %dma_wait3A_219 = arith.constant 7040 : i32
        %dma_wait3A_220 = arith.constant 0 : i32
        %dma_wait3A_221 = tpu.memref_slice %arg11[%dma_wait3A_219, %dma_wait3A_220] : memref<10240x48xf32, #tpu.memory_space<vmem_shared>> -> memref<640x48xf32, #tpu.memory_space<vmem_shared>>
        tpu.wait_dma2 semaphore(%run_scoped3A : memref<!tpu.dma_semaphore, #tpu.memory_space<semaphore_mem>>) src(%dma_wait3A_221 : memref<640x48xf32, #tpu.memory_space<vmem_shared>>) dst(%dma_wait3A_218 : memref<640x48xf32, #tpu.memory_space<hbm>>)
        tpu.yield
      }) : () -> ()
    } else {
    }
    %eq3A_188 = arith.constant 12 : i32
    %eq3A_189 = arith.cmpi eq, %arg1, %eq3A_188 : i32
    %convert_element_type3A_190 = arith.extui %eq3A_189 : i1 to i32
    %cond3A_191 = arith.constant 0 : i32
    %cond3A_192 = arith.cmpi ne, %convert_element_type3A_190, %cond3A_191 : i32
    scf.if %cond3A_192 {
      "tpu.region"() ({
        %run_scoped3A = tpu.sem_alloc : memref<!tpu.dma_semaphore, #tpu.memory_space<semaphore_mem>>
        %dma_start3A_208 = arith.constant 7680 : i32
        %dma_start3A_209 = arith.constant 0 : i32
        %dma_start3A_210 = tpu.memref_slice %arg6[%arg0, %dma_start3A_208, %dma_start3A_209] : memref<2x10240x48xf32, #tpu.memory_space<hbm>> -> memref<1x640x48xf32, #tpu.memory_space<hbm>>
        %dma_start3A_211 = tpu.memref_squeeze %dma_start3A_210 : memref<1x640x48xf32, #tpu.memory_space<hbm>> -> memref<640x48xf32, #tpu.memory_space<hbm>>
        %dma_start3A_212 = arith.constant 7680 : i32
        %dma_start3A_213 = arith.constant 0 : i32
        %dma_start3A_214 = tpu.memref_slice %arg11[%dma_start3A_212, %dma_start3A_213] : memref<10240x48xf32, #tpu.memory_space<vmem_shared>> -> memref<640x48xf32, #tpu.memory_space<vmem_shared>>
        tpu.enqueue_dma source(%dma_start3A_214 : memref<640x48xf32, #tpu.memory_space<vmem_shared>>) target(%dma_start3A_211 : memref<640x48xf32, #tpu.memory_space<hbm>>) target_semaphore(%run_scoped3A : memref<!tpu.dma_semaphore, #tpu.memory_space<semaphore_mem>>)
        %dma_wait3A_215 = arith.constant 7680 : i32
        %dma_wait3A_216 = arith.constant 0 : i32
        %dma_wait3A_217 = tpu.memref_slice %arg6[%arg0, %dma_wait3A_215, %dma_wait3A_216] : memref<2x10240x48xf32, #tpu.memory_space<hbm>> -> memref<1x640x48xf32, #tpu.memory_space<hbm>>
        %dma_wait3A_218 = tpu.memref_squeeze %dma_wait3A_217 : memref<1x640x48xf32, #tpu.memory_space<hbm>> -> memref<640x48xf32, #tpu.memory_space<hbm>>
        %dma_wait3A_219 = arith.constant 7680 : i32
        %dma_wait3A_220 = arith.constant 0 : i32
        %dma_wait3A_221 = tpu.memref_slice %arg11[%dma_wait3A_219, %dma_wait3A_220] : memref<10240x48xf32, #tpu.memory_space<vmem_shared>> -> memref<640x48xf32, #tpu.memory_space<vmem_shared>>
        tpu.wait_dma2 semaphore(%run_scoped3A : memref<!tpu.dma_semaphore, #tpu.memory_space<semaphore_mem>>) src(%dma_wait3A_221 : memref<640x48xf32, #tpu.memory_space<vmem_shared>>) dst(%dma_wait3A_218 : memref<640x48xf32, #tpu.memory_space<hbm>>)
        tpu.yield
      }) : () -> ()
    } else {
    }
    %eq3A_193 = arith.constant 13 : i32
    %eq3A_194 = arith.cmpi eq, %arg1, %eq3A_193 : i32
    %convert_element_type3A_195 = arith.extui %eq3A_194 : i1 to i32
    %cond3A_196 = arith.constant 0 : i32
    %cond3A_197 = arith.cmpi ne, %convert_element_type3A_195, %cond3A_196 : i32
    scf.if %cond3A_197 {
      "tpu.region"() ({
        %run_scoped3A = tpu.sem_alloc : memref<!tpu.dma_semaphore, #tpu.memory_space<semaphore_mem>>
        %dma_start3A_208 = arith.constant 8320 : i32
        %dma_start3A_209 = arith.constant 0 : i32
        %dma_start3A_210 = tpu.memref_slice %arg6[%arg0, %dma_start3A_208, %dma_start3A_209] : memref<2x10240x48xf32, #tpu.memory_space<hbm>> -> memref<1x640x48xf32, #tpu.memory_space<hbm>>
        %dma_start3A_211 = tpu.memref_squeeze %dma_start3A_210 : memref<1x640x48xf32, #tpu.memory_space<hbm>> -> memref<640x48xf32, #tpu.memory_space<hbm>>
        %dma_start3A_212 = arith.constant 8320 : i32
        %dma_start3A_213 = arith.constant 0 : i32
        %dma_start3A_214 = tpu.memref_slice %arg11[%dma_start3A_212, %dma_start3A_213] : memref<10240x48xf32, #tpu.memory_space<vmem_shared>> -> memref<640x48xf32, #tpu.memory_space<vmem_shared>>
        tpu.enqueue_dma source(%dma_start3A_214 : memref<640x48xf32, #tpu.memory_space<vmem_shared>>) target(%dma_start3A_211 : memref<640x48xf32, #tpu.memory_space<hbm>>) target_semaphore(%run_scoped3A : memref<!tpu.dma_semaphore, #tpu.memory_space<semaphore_mem>>)
        %dma_wait3A_215 = arith.constant 8320 : i32
        %dma_wait3A_216 = arith.constant 0 : i32
        %dma_wait3A_217 = tpu.memref_slice %arg6[%arg0, %dma_wait3A_215, %dma_wait3A_216] : memref<2x10240x48xf32, #tpu.memory_space<hbm>> -> memref<1x640x48xf32, #tpu.memory_space<hbm>>
        %dma_wait3A_218 = tpu.memref_squeeze %dma_wait3A_217 : memref<1x640x48xf32, #tpu.memory_space<hbm>> -> memref<640x48xf32, #tpu.memory_space<hbm>>
        %dma_wait3A_219 = arith.constant 8320 : i32
        %dma_wait3A_220 = arith.constant 0 : i32
        %dma_wait3A_221 = tpu.memref_slice %arg11[%dma_wait3A_219, %dma_wait3A_220] : memref<10240x48xf32, #tpu.memory_space<vmem_shared>> -> memref<640x48xf32, #tpu.memory_space<vmem_shared>>
        tpu.wait_dma2 semaphore(%run_scoped3A : memref<!tpu.dma_semaphore, #tpu.memory_space<semaphore_mem>>) src(%dma_wait3A_221 : memref<640x48xf32, #tpu.memory_space<vmem_shared>>) dst(%dma_wait3A_218 : memref<640x48xf32, #tpu.memory_space<hbm>>)
        tpu.yield
      }) : () -> ()
    } else {
    }
    %eq3A_198 = arith.constant 14 : i32
    %eq3A_199 = arith.cmpi eq, %arg1, %eq3A_198 : i32
    %convert_element_type3A_200 = arith.extui %eq3A_199 : i1 to i32
    %cond3A_201 = arith.constant 0 : i32
    %cond3A_202 = arith.cmpi ne, %convert_element_type3A_200, %cond3A_201 : i32
    scf.if %cond3A_202 {
      "tpu.region"() ({
        %run_scoped3A = tpu.sem_alloc : memref<!tpu.dma_semaphore, #tpu.memory_space<semaphore_mem>>
        %dma_start3A_208 = arith.constant 8960 : i32
        %dma_start3A_209 = arith.constant 0 : i32
        %dma_start3A_210 = tpu.memref_slice %arg6[%arg0, %dma_start3A_208, %dma_start3A_209] : memref<2x10240x48xf32, #tpu.memory_space<hbm>> -> memref<1x640x48xf32, #tpu.memory_space<hbm>>
        %dma_start3A_211 = tpu.memref_squeeze %dma_start3A_210 : memref<1x640x48xf32, #tpu.memory_space<hbm>> -> memref<640x48xf32, #tpu.memory_space<hbm>>
        %dma_start3A_212 = arith.constant 8960 : i32
        %dma_start3A_213 = arith.constant 0 : i32
        %dma_start3A_214 = tpu.memref_slice %arg11[%dma_start3A_212, %dma_start3A_213] : memref<10240x48xf32, #tpu.memory_space<vmem_shared>> -> memref<640x48xf32, #tpu.memory_space<vmem_shared>>
        tpu.enqueue_dma source(%dma_start3A_214 : memref<640x48xf32, #tpu.memory_space<vmem_shared>>) target(%dma_start3A_211 : memref<640x48xf32, #tpu.memory_space<hbm>>) target_semaphore(%run_scoped3A : memref<!tpu.dma_semaphore, #tpu.memory_space<semaphore_mem>>)
        %dma_wait3A_215 = arith.constant 8960 : i32
        %dma_wait3A_216 = arith.constant 0 : i32
        %dma_wait3A_217 = tpu.memref_slice %arg6[%arg0, %dma_wait3A_215, %dma_wait3A_216] : memref<2x10240x48xf32, #tpu.memory_space<hbm>> -> memref<1x640x48xf32, #tpu.memory_space<hbm>>
        %dma_wait3A_218 = tpu.memref_squeeze %dma_wait3A_217 : memref<1x640x48xf32, #tpu.memory_space<hbm>> -> memref<640x48xf32, #tpu.memory_space<hbm>>
        %dma_wait3A_219 = arith.constant 8960 : i32
        %dma_wait3A_220 = arith.constant 0 : i32
        %dma_wait3A_221 = tpu.memref_slice %arg11[%dma_wait3A_219, %dma_wait3A_220] : memref<10240x48xf32, #tpu.memory_space<vmem_shared>> -> memref<640x48xf32, #tpu.memory_space<vmem_shared>>
        tpu.wait_dma2 semaphore(%run_scoped3A : memref<!tpu.dma_semaphore, #tpu.memory_space<semaphore_mem>>) src(%dma_wait3A_221 : memref<640x48xf32, #tpu.memory_space<vmem_shared>>) dst(%dma_wait3A_218 : memref<640x48xf32, #tpu.memory_space<hbm>>)
        tpu.yield
      }) : () -> ()
    } else {
    }
    %eq3A_203 = arith.constant 15 : i32
    %eq3A_204 = arith.cmpi eq, %arg1, %eq3A_203 : i32
    %convert_element_type3A_205 = arith.extui %eq3A_204 : i1 to i32
    %cond3A_206 = arith.constant 0 : i32
    %cond3A_207 = arith.cmpi ne, %convert_element_type3A_205, %cond3A_206 : i32
    scf.if %cond3A_207 {
      "tpu.region"() ({
        %run_scoped3A = tpu.sem_alloc : memref<!tpu.dma_semaphore, #tpu.memory_space<semaphore_mem>>
        %dma_start3A_208 = arith.constant 9600 : i32
        %dma_start3A_209 = arith.constant 0 : i32
        %dma_start3A_210 = tpu.memref_slice %arg6[%arg0, %dma_start3A_208, %dma_start3A_209] : memref<2x10240x48xf32, #tpu.memory_space<hbm>> -> memref<1x640x48xf32, #tpu.memory_space<hbm>>
        %dma_start3A_211 = tpu.memref_squeeze %dma_start3A_210 : memref<1x640x48xf32, #tpu.memory_space<hbm>> -> memref<640x48xf32, #tpu.memory_space<hbm>>
        %dma_start3A_212 = arith.constant 9600 : i32
        %dma_start3A_213 = arith.constant 0 : i32
        %dma_start3A_214 = tpu.memref_slice %arg11[%dma_start3A_212, %dma_start3A_213] : memref<10240x48xf32, #tpu.memory_space<vmem_shared>> -> memref<640x48xf32, #tpu.memory_space<vmem_shared>>
        tpu.enqueue_dma source(%dma_start3A_214 : memref<640x48xf32, #tpu.memory_space<vmem_shared>>) target(%dma_start3A_211 : memref<640x48xf32, #tpu.memory_space<hbm>>) target_semaphore(%run_scoped3A : memref<!tpu.dma_semaphore, #tpu.memory_space<semaphore_mem>>)
        %dma_wait3A_215 = arith.constant 9600 : i32
        %dma_wait3A_216 = arith.constant 0 : i32
        %dma_wait3A_217 = tpu.memref_slice %arg6[%arg0, %dma_wait3A_215, %dma_wait3A_216] : memref<2x10240x48xf32, #tpu.memory_space<hbm>> -> memref<1x640x48xf32, #tpu.memory_space<hbm>>
        %dma_wait3A_218 = tpu.memref_squeeze %dma_wait3A_217 : memref<1x640x48xf32, #tpu.memory_space<hbm>> -> memref<640x48xf32, #tpu.memory_space<hbm>>
        %dma_wait3A_219 = arith.constant 9600 : i32
        %dma_wait3A_220 = arith.constant 0 : i32
        %dma_wait3A_221 = tpu.memref_slice %arg11[%dma_wait3A_219, %dma_wait3A_220] : memref<10240x48xf32, #tpu.memory_space<vmem_shared>> -> memref<640x48xf32, #tpu.memory_space<vmem_shared>>
        tpu.wait_dma2 semaphore(%run_scoped3A : memref<!tpu.dma_semaphore, #tpu.memory_space<semaphore_mem>>) src(%dma_wait3A_221 : memref<640x48xf32, #tpu.memory_space<vmem_shared>>) dst(%dma_wait3A_218 : memref<640x48xf32, #tpu.memory_space<hbm>>)
        tpu.yield
      }) : () -> ()
    } else {
    }
    return
  }
}

#map = affine_map<(d0, d1) -> (0, 0)>
#map1 = affine_map<(d0, d1) -> (0, 0, 0)>
module attributes {stable_mosaic.version = 14 : i64} {
  func.func @run(%arg0: i32, %arg1: i32, %arg2: memref<10240x112xf32, #tpu.memory_space<hbm>>, %arg3: memref<32x80x128xi32, #tpu.memory_space<hbm>>, %arg4: memref<32x80x128xi32, #tpu.memory_space<hbm>>, %arg5: memref<640x112xf32, #tpu.memory_space<hbm>>, %arg6: memref<2x10240x112xf32, #tpu.memory_space<hbm>>, %arg7: memref<80x128xi32, #tpu.memory_space<vmem>>, %arg8: memref<80x128xi32, #tpu.memory_space<vmem>>, %arg9: memref<128x112xf32, #tpu.memory_space<vmem>>, %arg10: memref<128x112xf32, #tpu.memory_space<vmem>>, %arg11: memref<10240x112xf32, #tpu.memory_space<vmem_shared>>, %arg12: memref<!tpu.dma_semaphore, #tpu.memory_space<semaphore_mem>>, %arg13: memref<!tpu.dma_semaphore, #tpu.memory_space<semaphore_mem>>, %arg14: memref<!tpu.dma_semaphore, #tpu.memory_space<semaphore_mem>>, %arg15: memref<!tpu.dma_semaphore, #tpu.memory_space<semaphore_mem>>) attributes {dimension_semantics = [#tpu.dimension_semantics<core_parallel>, #tpu.dimension_semantics<subcore_parallel>], iteration_bounds = array<i64: 2, 16>, scalar_prefetch = 0 : i64, scratch_operands = 9 : i64, tpu.core_type = #tpu.core_type<sc_vector_subcore>, window_params = [{transform_indices = #map}, {transform_indices = #map1}, {transform_indices = #map1}, {transform_indices = #map}, {transform_indices = #map1}]} {
    %mul3A = arith.constant 16 : i32
    %mul3A_0 = arith.muli %arg0, %mul3A : i32
    %add3A = arith.addi %mul3A_0, %arg1 : i32
    %eq3A = arith.constant 0 : i32
    %eq3A_1 = arith.cmpi eq, %arg1, %eq3A : i32
    %convert_element_type3A = arith.extui %eq3A_1 : i1 to i32
    %cond3A = arith.constant 0 : i32
    %cond3A_2 = arith.cmpi ne, %convert_element_type3A, %cond3A : i32
    scf.if %cond3A_2 {
      "tpu.region"() ({
        %run_scoped3A = tpu.sem_alloc : memref<!tpu.dma_semaphore, #tpu.memory_space<semaphore_mem>>
        %dma_start3A_208 = arith.constant 0 : i32
        %dma_start3A_209 = arith.constant 0 : i32
        %dma_start3A_210 = tpu.memref_slice %arg11[%dma_start3A_208, %dma_start3A_209] : memref<10240x112xf32, #tpu.memory_space<vmem_shared>> -> memref<640x112xf32, #tpu.memory_space<vmem_shared>>
        tpu.enqueue_dma source(%arg5 : memref<640x112xf32, #tpu.memory_space<hbm>>) target(%dma_start3A_210 : memref<640x112xf32, #tpu.memory_space<vmem_shared>>) target_semaphore(%run_scoped3A : memref<!tpu.dma_semaphore, #tpu.memory_space<semaphore_mem>>)
        %dma_wait3A_211 = arith.constant 0 : i32
        %dma_wait3A_212 = arith.constant 0 : i32
        %dma_wait3A_213 = tpu.memref_slice %arg11[%dma_wait3A_211, %dma_wait3A_212] : memref<10240x112xf32, #tpu.memory_space<vmem_shared>> -> memref<640x112xf32, #tpu.memory_space<vmem_shared>>
        tpu.wait_dma2 semaphore(%run_scoped3A : memref<!tpu.dma_semaphore, #tpu.memory_space<semaphore_mem>>) src(%arg5 : memref<640x112xf32, #tpu.memory_space<hbm>>) dst(%dma_wait3A_213 : memref<640x112xf32, #tpu.memory_space<vmem_shared>>)
        tpu.yield
      }) : () -> ()
    } else {
    }
    %eq3A_3 = arith.constant 1 : i32
    %eq3A_4 = arith.cmpi eq, %arg1, %eq3A_3 : i32
    %convert_element_type3A_5 = arith.extui %eq3A_4 : i1 to i32
    %cond3A_6 = arith.constant 0 : i32
    %cond3A_7 = arith.cmpi ne, %convert_element_type3A_5, %cond3A_6 : i32
    scf.if %cond3A_7 {
      "tpu.region"() ({
        %run_scoped3A = tpu.sem_alloc : memref<!tpu.dma_semaphore, #tpu.memory_space<semaphore_mem>>
        %dma_start3A_208 = arith.constant 640 : i32
        %dma_start3A_209 = arith.constant 0 : i32
        %dma_start3A_210 = tpu.memref_slice %arg11[%dma_start3A_208, %dma_start3A_209] : memref<10240x112xf32, #tpu.memory_space<vmem_shared>> -> memref<640x112xf32, #tpu.memory_space<vmem_shared>>
        tpu.enqueue_dma source(%arg5 : memref<640x112xf32, #tpu.memory_space<hbm>>) target(%dma_start3A_210 : memref<640x112xf32, #tpu.memory_space<vmem_shared>>) target_semaphore(%run_scoped3A : memref<!tpu.dma_semaphore, #tpu.memory_space<semaphore_mem>>)
        %dma_wait3A_211 = arith.constant 640 : i32
        %dma_wait3A_212 = arith.constant 0 : i32
        %dma_wait3A_213 = tpu.memref_slice %arg11[%dma_wait3A_211, %dma_wait3A_212] : memref<10240x112xf32, #tpu.memory_space<vmem_shared>> -> memref<640x112xf32, #tpu.memory_space<vmem_shared>>
        tpu.wait_dma2 semaphore(%run_scoped3A : memref<!tpu.dma_semaphore, #tpu.memory_space<semaphore_mem>>) src(%arg5 : memref<640x112xf32, #tpu.memory_space<hbm>>) dst(%dma_wait3A_213 : memref<640x112xf32, #tpu.memory_space<vmem_shared>>)
        tpu.yield
      }) : () -> ()
    } else {
    }
    %eq3A_8 = arith.constant 2 : i32
    %eq3A_9 = arith.cmpi eq, %arg1, %eq3A_8 : i32
    %convert_element_type3A_10 = arith.extui %eq3A_9 : i1 to i32
    %cond3A_11 = arith.constant 0 : i32
    %cond3A_12 = arith.cmpi ne, %convert_element_type3A_10, %cond3A_11 : i32
    scf.if %cond3A_12 {
      "tpu.region"() ({
        %run_scoped3A = tpu.sem_alloc : memref<!tpu.dma_semaphore, #tpu.memory_space<semaphore_mem>>
        %dma_start3A_208 = arith.constant 1280 : i32
        %dma_start3A_209 = arith.constant 0 : i32
        %dma_start3A_210 = tpu.memref_slice %arg11[%dma_start3A_208, %dma_start3A_209] : memref<10240x112xf32, #tpu.memory_space<vmem_shared>> -> memref<640x112xf32, #tpu.memory_space<vmem_shared>>
        tpu.enqueue_dma source(%arg5 : memref<640x112xf32, #tpu.memory_space<hbm>>) target(%dma_start3A_210 : memref<640x112xf32, #tpu.memory_space<vmem_shared>>) target_semaphore(%run_scoped3A : memref<!tpu.dma_semaphore, #tpu.memory_space<semaphore_mem>>)
        %dma_wait3A_211 = arith.constant 1280 : i32
        %dma_wait3A_212 = arith.constant 0 : i32
        %dma_wait3A_213 = tpu.memref_slice %arg11[%dma_wait3A_211, %dma_wait3A_212] : memref<10240x112xf32, #tpu.memory_space<vmem_shared>> -> memref<640x112xf32, #tpu.memory_space<vmem_shared>>
        tpu.wait_dma2 semaphore(%run_scoped3A : memref<!tpu.dma_semaphore, #tpu.memory_space<semaphore_mem>>) src(%arg5 : memref<640x112xf32, #tpu.memory_space<hbm>>) dst(%dma_wait3A_213 : memref<640x112xf32, #tpu.memory_space<vmem_shared>>)
        tpu.yield
      }) : () -> ()
    } else {
    }
    %eq3A_13 = arith.constant 3 : i32
    %eq3A_14 = arith.cmpi eq, %arg1, %eq3A_13 : i32
    %convert_element_type3A_15 = arith.extui %eq3A_14 : i1 to i32
    %cond3A_16 = arith.constant 0 : i32
    %cond3A_17 = arith.cmpi ne, %convert_element_type3A_15, %cond3A_16 : i32
    scf.if %cond3A_17 {
      "tpu.region"() ({
        %run_scoped3A = tpu.sem_alloc : memref<!tpu.dma_semaphore, #tpu.memory_space<semaphore_mem>>
        %dma_start3A_208 = arith.constant 1920 : i32
        %dma_start3A_209 = arith.constant 0 : i32
        %dma_start3A_210 = tpu.memref_slice %arg11[%dma_start3A_208, %dma_start3A_209] : memref<10240x112xf32, #tpu.memory_space<vmem_shared>> -> memref<640x112xf32, #tpu.memory_space<vmem_shared>>
        tpu.enqueue_dma source(%arg5 : memref<640x112xf32, #tpu.memory_space<hbm>>) target(%dma_start3A_210 : memref<640x112xf32, #tpu.memory_space<vmem_shared>>) target_semaphore(%run_scoped3A : memref<!tpu.dma_semaphore, #tpu.memory_space<semaphore_mem>>)
        %dma_wait3A_211 = arith.constant 1920 : i32
        %dma_wait3A_212 = arith.constant 0 : i32
        %dma_wait3A_213 = tpu.memref_slice %arg11[%dma_wait3A_211, %dma_wait3A_212] : memref<10240x112xf32, #tpu.memory_space<vmem_shared>> -> memref<640x112xf32, #tpu.memory_space<vmem_shared>>
        tpu.wait_dma2 semaphore(%run_scoped3A : memref<!tpu.dma_semaphore, #tpu.memory_space<semaphore_mem>>) src(%arg5 : memref<640x112xf32, #tpu.memory_space<hbm>>) dst(%dma_wait3A_213 : memref<640x112xf32, #tpu.memory_space<vmem_shared>>)
        tpu.yield
      }) : () -> ()
    } else {
    }
    %eq3A_18 = arith.constant 4 : i32
    %eq3A_19 = arith.cmpi eq, %arg1, %eq3A_18 : i32
    %convert_element_type3A_20 = arith.extui %eq3A_19 : i1 to i32
    %cond3A_21 = arith.constant 0 : i32
    %cond3A_22 = arith.cmpi ne, %convert_element_type3A_20, %cond3A_21 : i32
    scf.if %cond3A_22 {
      "tpu.region"() ({
        %run_scoped3A = tpu.sem_alloc : memref<!tpu.dma_semaphore, #tpu.memory_space<semaphore_mem>>
        %dma_start3A_208 = arith.constant 2560 : i32
        %dma_start3A_209 = arith.constant 0 : i32
        %dma_start3A_210 = tpu.memref_slice %arg11[%dma_start3A_208, %dma_start3A_209] : memref<10240x112xf32, #tpu.memory_space<vmem_shared>> -> memref<640x112xf32, #tpu.memory_space<vmem_shared>>
        tpu.enqueue_dma source(%arg5 : memref<640x112xf32, #tpu.memory_space<hbm>>) target(%dma_start3A_210 : memref<640x112xf32, #tpu.memory_space<vmem_shared>>) target_semaphore(%run_scoped3A : memref<!tpu.dma_semaphore, #tpu.memory_space<semaphore_mem>>)
        %dma_wait3A_211 = arith.constant 2560 : i32
        %dma_wait3A_212 = arith.constant 0 : i32
        %dma_wait3A_213 = tpu.memref_slice %arg11[%dma_wait3A_211, %dma_wait3A_212] : memref<10240x112xf32, #tpu.memory_space<vmem_shared>> -> memref<640x112xf32, #tpu.memory_space<vmem_shared>>
        tpu.wait_dma2 semaphore(%run_scoped3A : memref<!tpu.dma_semaphore, #tpu.memory_space<semaphore_mem>>) src(%arg5 : memref<640x112xf32, #tpu.memory_space<hbm>>) dst(%dma_wait3A_213 : memref<640x112xf32, #tpu.memory_space<vmem_shared>>)
        tpu.yield
      }) : () -> ()
    } else {
    }
    %eq3A_23 = arith.constant 5 : i32
    %eq3A_24 = arith.cmpi eq, %arg1, %eq3A_23 : i32
    %convert_element_type3A_25 = arith.extui %eq3A_24 : i1 to i32
    %cond3A_26 = arith.constant 0 : i32
    %cond3A_27 = arith.cmpi ne, %convert_element_type3A_25, %cond3A_26 : i32
    scf.if %cond3A_27 {
      "tpu.region"() ({
        %run_scoped3A = tpu.sem_alloc : memref<!tpu.dma_semaphore, #tpu.memory_space<semaphore_mem>>
        %dma_start3A_208 = arith.constant 3200 : i32
        %dma_start3A_209 = arith.constant 0 : i32
        %dma_start3A_210 = tpu.memref_slice %arg11[%dma_start3A_208, %dma_start3A_209] : memref<10240x112xf32, #tpu.memory_space<vmem_shared>> -> memref<640x112xf32, #tpu.memory_space<vmem_shared>>
        tpu.enqueue_dma source(%arg5 : memref<640x112xf32, #tpu.memory_space<hbm>>) target(%dma_start3A_210 : memref<640x112xf32, #tpu.memory_space<vmem_shared>>) target_semaphore(%run_scoped3A : memref<!tpu.dma_semaphore, #tpu.memory_space<semaphore_mem>>)
        %dma_wait3A_211 = arith.constant 3200 : i32
        %dma_wait3A_212 = arith.constant 0 : i32
        %dma_wait3A_213 = tpu.memref_slice %arg11[%dma_wait3A_211, %dma_wait3A_212] : memref<10240x112xf32, #tpu.memory_space<vmem_shared>> -> memref<640x112xf32, #tpu.memory_space<vmem_shared>>
        tpu.wait_dma2 semaphore(%run_scoped3A : memref<!tpu.dma_semaphore, #tpu.memory_space<semaphore_mem>>) src(%arg5 : memref<640x112xf32, #tpu.memory_space<hbm>>) dst(%dma_wait3A_213 : memref<640x112xf32, #tpu.memory_space<vmem_shared>>)
        tpu.yield
      }) : () -> ()
    } else {
    }
    %eq3A_28 = arith.constant 6 : i32
    %eq3A_29 = arith.cmpi eq, %arg1, %eq3A_28 : i32
    %convert_element_type3A_30 = arith.extui %eq3A_29 : i1 to i32
    %cond3A_31 = arith.constant 0 : i32
    %cond3A_32 = arith.cmpi ne, %convert_element_type3A_30, %cond3A_31 : i32
    scf.if %cond3A_32 {
      "tpu.region"() ({
        %run_scoped3A = tpu.sem_alloc : memref<!tpu.dma_semaphore, #tpu.memory_space<semaphore_mem>>
        %dma_start3A_208 = arith.constant 3840 : i32
        %dma_start3A_209 = arith.constant 0 : i32
        %dma_start3A_210 = tpu.memref_slice %arg11[%dma_start3A_208, %dma_start3A_209] : memref<10240x112xf32, #tpu.memory_space<vmem_shared>> -> memref<640x112xf32, #tpu.memory_space<vmem_shared>>
        tpu.enqueue_dma source(%arg5 : memref<640x112xf32, #tpu.memory_space<hbm>>) target(%dma_start3A_210 : memref<640x112xf32, #tpu.memory_space<vmem_shared>>) target_semaphore(%run_scoped3A : memref<!tpu.dma_semaphore, #tpu.memory_space<semaphore_mem>>)
        %dma_wait3A_211 = arith.constant 3840 : i32
        %dma_wait3A_212 = arith.constant 0 : i32
        %dma_wait3A_213 = tpu.memref_slice %arg11[%dma_wait3A_211, %dma_wait3A_212] : memref<10240x112xf32, #tpu.memory_space<vmem_shared>> -> memref<640x112xf32, #tpu.memory_space<vmem_shared>>
        tpu.wait_dma2 semaphore(%run_scoped3A : memref<!tpu.dma_semaphore, #tpu.memory_space<semaphore_mem>>) src(%arg5 : memref<640x112xf32, #tpu.memory_space<hbm>>) dst(%dma_wait3A_213 : memref<640x112xf32, #tpu.memory_space<vmem_shared>>)
        tpu.yield
      }) : () -> ()
    } else {
    }
    %eq3A_33 = arith.constant 7 : i32
    %eq3A_34 = arith.cmpi eq, %arg1, %eq3A_33 : i32
    %convert_element_type3A_35 = arith.extui %eq3A_34 : i1 to i32
    %cond3A_36 = arith.constant 0 : i32
    %cond3A_37 = arith.cmpi ne, %convert_element_type3A_35, %cond3A_36 : i32
    scf.if %cond3A_37 {
      "tpu.region"() ({
        %run_scoped3A = tpu.sem_alloc : memref<!tpu.dma_semaphore, #tpu.memory_space<semaphore_mem>>
        %dma_start3A_208 = arith.constant 4480 : i32
        %dma_start3A_209 = arith.constant 0 : i32
        %dma_start3A_210 = tpu.memref_slice %arg11[%dma_start3A_208, %dma_start3A_209] : memref<10240x112xf32, #tpu.memory_space<vmem_shared>> -> memref<640x112xf32, #tpu.memory_space<vmem_shared>>
        tpu.enqueue_dma source(%arg5 : memref<640x112xf32, #tpu.memory_space<hbm>>) target(%dma_start3A_210 : memref<640x112xf32, #tpu.memory_space<vmem_shared>>) target_semaphore(%run_scoped3A : memref<!tpu.dma_semaphore, #tpu.memory_space<semaphore_mem>>)
        %dma_wait3A_211 = arith.constant 4480 : i32
        %dma_wait3A_212 = arith.constant 0 : i32
        %dma_wait3A_213 = tpu.memref_slice %arg11[%dma_wait3A_211, %dma_wait3A_212] : memref<10240x112xf32, #tpu.memory_space<vmem_shared>> -> memref<640x112xf32, #tpu.memory_space<vmem_shared>>
        tpu.wait_dma2 semaphore(%run_scoped3A : memref<!tpu.dma_semaphore, #tpu.memory_space<semaphore_mem>>) src(%arg5 : memref<640x112xf32, #tpu.memory_space<hbm>>) dst(%dma_wait3A_213 : memref<640x112xf32, #tpu.memory_space<vmem_shared>>)
        tpu.yield
      }) : () -> ()
    } else {
    }
    %eq3A_38 = arith.constant 8 : i32
    %eq3A_39 = arith.cmpi eq, %arg1, %eq3A_38 : i32
    %convert_element_type3A_40 = arith.extui %eq3A_39 : i1 to i32
    %cond3A_41 = arith.constant 0 : i32
    %cond3A_42 = arith.cmpi ne, %convert_element_type3A_40, %cond3A_41 : i32
    scf.if %cond3A_42 {
      "tpu.region"() ({
        %run_scoped3A = tpu.sem_alloc : memref<!tpu.dma_semaphore, #tpu.memory_space<semaphore_mem>>
        %dma_start3A_208 = arith.constant 5120 : i32
        %dma_start3A_209 = arith.constant 0 : i32
        %dma_start3A_210 = tpu.memref_slice %arg11[%dma_start3A_208, %dma_start3A_209] : memref<10240x112xf32, #tpu.memory_space<vmem_shared>> -> memref<640x112xf32, #tpu.memory_space<vmem_shared>>
        tpu.enqueue_dma source(%arg5 : memref<640x112xf32, #tpu.memory_space<hbm>>) target(%dma_start3A_210 : memref<640x112xf32, #tpu.memory_space<vmem_shared>>) target_semaphore(%run_scoped3A : memref<!tpu.dma_semaphore, #tpu.memory_space<semaphore_mem>>)
        %dma_wait3A_211 = arith.constant 5120 : i32
        %dma_wait3A_212 = arith.constant 0 : i32
        %dma_wait3A_213 = tpu.memref_slice %arg11[%dma_wait3A_211, %dma_wait3A_212] : memref<10240x112xf32, #tpu.memory_space<vmem_shared>> -> memref<640x112xf32, #tpu.memory_space<vmem_shared>>
        tpu.wait_dma2 semaphore(%run_scoped3A : memref<!tpu.dma_semaphore, #tpu.memory_space<semaphore_mem>>) src(%arg5 : memref<640x112xf32, #tpu.memory_space<hbm>>) dst(%dma_wait3A_213 : memref<640x112xf32, #tpu.memory_space<vmem_shared>>)
        tpu.yield
      }) : () -> ()
    } else {
    }
    %eq3A_43 = arith.constant 9 : i32
    %eq3A_44 = arith.cmpi eq, %arg1, %eq3A_43 : i32
    %convert_element_type3A_45 = arith.extui %eq3A_44 : i1 to i32
    %cond3A_46 = arith.constant 0 : i32
    %cond3A_47 = arith.cmpi ne, %convert_element_type3A_45, %cond3A_46 : i32
    scf.if %cond3A_47 {
      "tpu.region"() ({
        %run_scoped3A = tpu.sem_alloc : memref<!tpu.dma_semaphore, #tpu.memory_space<semaphore_mem>>
        %dma_start3A_208 = arith.constant 5760 : i32
        %dma_start3A_209 = arith.constant 0 : i32
        %dma_start3A_210 = tpu.memref_slice %arg11[%dma_start3A_208, %dma_start3A_209] : memref<10240x112xf32, #tpu.memory_space<vmem_shared>> -> memref<640x112xf32, #tpu.memory_space<vmem_shared>>
        tpu.enqueue_dma source(%arg5 : memref<640x112xf32, #tpu.memory_space<hbm>>) target(%dma_start3A_210 : memref<640x112xf32, #tpu.memory_space<vmem_shared>>) target_semaphore(%run_scoped3A : memref<!tpu.dma_semaphore, #tpu.memory_space<semaphore_mem>>)
        %dma_wait3A_211 = arith.constant 5760 : i32
        %dma_wait3A_212 = arith.constant 0 : i32
        %dma_wait3A_213 = tpu.memref_slice %arg11[%dma_wait3A_211, %dma_wait3A_212] : memref<10240x112xf32, #tpu.memory_space<vmem_shared>> -> memref<640x112xf32, #tpu.memory_space<vmem_shared>>
        tpu.wait_dma2 semaphore(%run_scoped3A : memref<!tpu.dma_semaphore, #tpu.memory_space<semaphore_mem>>) src(%arg5 : memref<640x112xf32, #tpu.memory_space<hbm>>) dst(%dma_wait3A_213 : memref<640x112xf32, #tpu.memory_space<vmem_shared>>)
        tpu.yield
      }) : () -> ()
    } else {
    }
    %eq3A_48 = arith.constant 10 : i32
    %eq3A_49 = arith.cmpi eq, %arg1, %eq3A_48 : i32
    %convert_element_type3A_50 = arith.extui %eq3A_49 : i1 to i32
    %cond3A_51 = arith.constant 0 : i32
    %cond3A_52 = arith.cmpi ne, %convert_element_type3A_50, %cond3A_51 : i32
    scf.if %cond3A_52 {
      "tpu.region"() ({
        %run_scoped3A = tpu.sem_alloc : memref<!tpu.dma_semaphore, #tpu.memory_space<semaphore_mem>>
        %dma_start3A_208 = arith.constant 6400 : i32
        %dma_start3A_209 = arith.constant 0 : i32
        %dma_start3A_210 = tpu.memref_slice %arg11[%dma_start3A_208, %dma_start3A_209] : memref<10240x112xf32, #tpu.memory_space<vmem_shared>> -> memref<640x112xf32, #tpu.memory_space<vmem_shared>>
        tpu.enqueue_dma source(%arg5 : memref<640x112xf32, #tpu.memory_space<hbm>>) target(%dma_start3A_210 : memref<640x112xf32, #tpu.memory_space<vmem_shared>>) target_semaphore(%run_scoped3A : memref<!tpu.dma_semaphore, #tpu.memory_space<semaphore_mem>>)
        %dma_wait3A_211 = arith.constant 6400 : i32
        %dma_wait3A_212 = arith.constant 0 : i32
        %dma_wait3A_213 = tpu.memref_slice %arg11[%dma_wait3A_211, %dma_wait3A_212] : memref<10240x112xf32, #tpu.memory_space<vmem_shared>> -> memref<640x112xf32, #tpu.memory_space<vmem_shared>>
        tpu.wait_dma2 semaphore(%run_scoped3A : memref<!tpu.dma_semaphore, #tpu.memory_space<semaphore_mem>>) src(%arg5 : memref<640x112xf32, #tpu.memory_space<hbm>>) dst(%dma_wait3A_213 : memref<640x112xf32, #tpu.memory_space<vmem_shared>>)
        tpu.yield
      }) : () -> ()
    } else {
    }
    %eq3A_53 = arith.constant 11 : i32
    %eq3A_54 = arith.cmpi eq, %arg1, %eq3A_53 : i32
    %convert_element_type3A_55 = arith.extui %eq3A_54 : i1 to i32
    %cond3A_56 = arith.constant 0 : i32
    %cond3A_57 = arith.cmpi ne, %convert_element_type3A_55, %cond3A_56 : i32
    scf.if %cond3A_57 {
      "tpu.region"() ({
        %run_scoped3A = tpu.sem_alloc : memref<!tpu.dma_semaphore, #tpu.memory_space<semaphore_mem>>
        %dma_start3A_208 = arith.constant 7040 : i32
        %dma_start3A_209 = arith.constant 0 : i32
        %dma_start3A_210 = tpu.memref_slice %arg11[%dma_start3A_208, %dma_start3A_209] : memref<10240x112xf32, #tpu.memory_space<vmem_shared>> -> memref<640x112xf32, #tpu.memory_space<vmem_shared>>
        tpu.enqueue_dma source(%arg5 : memref<640x112xf32, #tpu.memory_space<hbm>>) target(%dma_start3A_210 : memref<640x112xf32, #tpu.memory_space<vmem_shared>>) target_semaphore(%run_scoped3A : memref<!tpu.dma_semaphore, #tpu.memory_space<semaphore_mem>>)
        %dma_wait3A_211 = arith.constant 7040 : i32
        %dma_wait3A_212 = arith.constant 0 : i32
        %dma_wait3A_213 = tpu.memref_slice %arg11[%dma_wait3A_211, %dma_wait3A_212] : memref<10240x112xf32, #tpu.memory_space<vmem_shared>> -> memref<640x112xf32, #tpu.memory_space<vmem_shared>>
        tpu.wait_dma2 semaphore(%run_scoped3A : memref<!tpu.dma_semaphore, #tpu.memory_space<semaphore_mem>>) src(%arg5 : memref<640x112xf32, #tpu.memory_space<hbm>>) dst(%dma_wait3A_213 : memref<640x112xf32, #tpu.memory_space<vmem_shared>>)
        tpu.yield
      }) : () -> ()
    } else {
    }
    %eq3A_58 = arith.constant 12 : i32
    %eq3A_59 = arith.cmpi eq, %arg1, %eq3A_58 : i32
    %convert_element_type3A_60 = arith.extui %eq3A_59 : i1 to i32
    %cond3A_61 = arith.constant 0 : i32
    %cond3A_62 = arith.cmpi ne, %convert_element_type3A_60, %cond3A_61 : i32
    scf.if %cond3A_62 {
      "tpu.region"() ({
        %run_scoped3A = tpu.sem_alloc : memref<!tpu.dma_semaphore, #tpu.memory_space<semaphore_mem>>
        %dma_start3A_208 = arith.constant 7680 : i32
        %dma_start3A_209 = arith.constant 0 : i32
        %dma_start3A_210 = tpu.memref_slice %arg11[%dma_start3A_208, %dma_start3A_209] : memref<10240x112xf32, #tpu.memory_space<vmem_shared>> -> memref<640x112xf32, #tpu.memory_space<vmem_shared>>
        tpu.enqueue_dma source(%arg5 : memref<640x112xf32, #tpu.memory_space<hbm>>) target(%dma_start3A_210 : memref<640x112xf32, #tpu.memory_space<vmem_shared>>) target_semaphore(%run_scoped3A : memref<!tpu.dma_semaphore, #tpu.memory_space<semaphore_mem>>)
        %dma_wait3A_211 = arith.constant 7680 : i32
        %dma_wait3A_212 = arith.constant 0 : i32
        %dma_wait3A_213 = tpu.memref_slice %arg11[%dma_wait3A_211, %dma_wait3A_212] : memref<10240x112xf32, #tpu.memory_space<vmem_shared>> -> memref<640x112xf32, #tpu.memory_space<vmem_shared>>
        tpu.wait_dma2 semaphore(%run_scoped3A : memref<!tpu.dma_semaphore, #tpu.memory_space<semaphore_mem>>) src(%arg5 : memref<640x112xf32, #tpu.memory_space<hbm>>) dst(%dma_wait3A_213 : memref<640x112xf32, #tpu.memory_space<vmem_shared>>)
        tpu.yield
      }) : () -> ()
    } else {
    }
    %eq3A_63 = arith.constant 13 : i32
    %eq3A_64 = arith.cmpi eq, %arg1, %eq3A_63 : i32
    %convert_element_type3A_65 = arith.extui %eq3A_64 : i1 to i32
    %cond3A_66 = arith.constant 0 : i32
    %cond3A_67 = arith.cmpi ne, %convert_element_type3A_65, %cond3A_66 : i32
    scf.if %cond3A_67 {
      "tpu.region"() ({
        %run_scoped3A = tpu.sem_alloc : memref<!tpu.dma_semaphore, #tpu.memory_space<semaphore_mem>>
        %dma_start3A_208 = arith.constant 8320 : i32
        %dma_start3A_209 = arith.constant 0 : i32
        %dma_start3A_210 = tpu.memref_slice %arg11[%dma_start3A_208, %dma_start3A_209] : memref<10240x112xf32, #tpu.memory_space<vmem_shared>> -> memref<640x112xf32, #tpu.memory_space<vmem_shared>>
        tpu.enqueue_dma source(%arg5 : memref<640x112xf32, #tpu.memory_space<hbm>>) target(%dma_start3A_210 : memref<640x112xf32, #tpu.memory_space<vmem_shared>>) target_semaphore(%run_scoped3A : memref<!tpu.dma_semaphore, #tpu.memory_space<semaphore_mem>>)
        %dma_wait3A_211 = arith.constant 8320 : i32
        %dma_wait3A_212 = arith.constant 0 : i32
        %dma_wait3A_213 = tpu.memref_slice %arg11[%dma_wait3A_211, %dma_wait3A_212] : memref<10240x112xf32, #tpu.memory_space<vmem_shared>> -> memref<640x112xf32, #tpu.memory_space<vmem_shared>>
        tpu.wait_dma2 semaphore(%run_scoped3A : memref<!tpu.dma_semaphore, #tpu.memory_space<semaphore_mem>>) src(%arg5 : memref<640x112xf32, #tpu.memory_space<hbm>>) dst(%dma_wait3A_213 : memref<640x112xf32, #tpu.memory_space<vmem_shared>>)
        tpu.yield
      }) : () -> ()
    } else {
    }
    %eq3A_68 = arith.constant 14 : i32
    %eq3A_69 = arith.cmpi eq, %arg1, %eq3A_68 : i32
    %convert_element_type3A_70 = arith.extui %eq3A_69 : i1 to i32
    %cond3A_71 = arith.constant 0 : i32
    %cond3A_72 = arith.cmpi ne, %convert_element_type3A_70, %cond3A_71 : i32
    scf.if %cond3A_72 {
      "tpu.region"() ({
        %run_scoped3A = tpu.sem_alloc : memref<!tpu.dma_semaphore, #tpu.memory_space<semaphore_mem>>
        %dma_start3A_208 = arith.constant 8960 : i32
        %dma_start3A_209 = arith.constant 0 : i32
        %dma_start3A_210 = tpu.memref_slice %arg11[%dma_start3A_208, %dma_start3A_209] : memref<10240x112xf32, #tpu.memory_space<vmem_shared>> -> memref<640x112xf32, #tpu.memory_space<vmem_shared>>
        tpu.enqueue_dma source(%arg5 : memref<640x112xf32, #tpu.memory_space<hbm>>) target(%dma_start3A_210 : memref<640x112xf32, #tpu.memory_space<vmem_shared>>) target_semaphore(%run_scoped3A : memref<!tpu.dma_semaphore, #tpu.memory_space<semaphore_mem>>)
        %dma_wait3A_211 = arith.constant 8960 : i32
        %dma_wait3A_212 = arith.constant 0 : i32
        %dma_wait3A_213 = tpu.memref_slice %arg11[%dma_wait3A_211, %dma_wait3A_212] : memref<10240x112xf32, #tpu.memory_space<vmem_shared>> -> memref<640x112xf32, #tpu.memory_space<vmem_shared>>
        tpu.wait_dma2 semaphore(%run_scoped3A : memref<!tpu.dma_semaphore, #tpu.memory_space<semaphore_mem>>) src(%arg5 : memref<640x112xf32, #tpu.memory_space<hbm>>) dst(%dma_wait3A_213 : memref<640x112xf32, #tpu.memory_space<vmem_shared>>)
        tpu.yield
      }) : () -> ()
    } else {
    }
    %eq3A_73 = arith.constant 15 : i32
    %eq3A_74 = arith.cmpi eq, %arg1, %eq3A_73 : i32
    %convert_element_type3A_75 = arith.extui %eq3A_74 : i1 to i32
    %cond3A_76 = arith.constant 0 : i32
    %cond3A_77 = arith.cmpi ne, %convert_element_type3A_75, %cond3A_76 : i32
    scf.if %cond3A_77 {
      "tpu.region"() ({
        %run_scoped3A = tpu.sem_alloc : memref<!tpu.dma_semaphore, #tpu.memory_space<semaphore_mem>>
        %dma_start3A_208 = arith.constant 9600 : i32
        %dma_start3A_209 = arith.constant 0 : i32
        %dma_start3A_210 = tpu.memref_slice %arg11[%dma_start3A_208, %dma_start3A_209] : memref<10240x112xf32, #tpu.memory_space<vmem_shared>> -> memref<640x112xf32, #tpu.memory_space<vmem_shared>>
        tpu.enqueue_dma source(%arg5 : memref<640x112xf32, #tpu.memory_space<hbm>>) target(%dma_start3A_210 : memref<640x112xf32, #tpu.memory_space<vmem_shared>>) target_semaphore(%run_scoped3A : memref<!tpu.dma_semaphore, #tpu.memory_space<semaphore_mem>>)
        %dma_wait3A_211 = arith.constant 9600 : i32
        %dma_wait3A_212 = arith.constant 0 : i32
        %dma_wait3A_213 = tpu.memref_slice %arg11[%dma_wait3A_211, %dma_wait3A_212] : memref<10240x112xf32, #tpu.memory_space<vmem_shared>> -> memref<640x112xf32, #tpu.memory_space<vmem_shared>>
        tpu.wait_dma2 semaphore(%run_scoped3A : memref<!tpu.dma_semaphore, #tpu.memory_space<semaphore_mem>>) src(%arg5 : memref<640x112xf32, #tpu.memory_space<hbm>>) dst(%dma_wait3A_213 : memref<640x112xf32, #tpu.memory_space<vmem_shared>>)
        tpu.yield
      }) : () -> ()
    } else {
    }
    %dma_start3A = arith.constant 0 : i32
    %dma_start3A_78 = arith.constant 0 : i32
    %dma_start3A_79 = tpu.memref_slice %arg3[%add3A, %dma_start3A, %dma_start3A_78] : memref<32x80x128xi32, #tpu.memory_space<hbm>> -> memref<1x80x128xi32, #tpu.memory_space<hbm>>
    %dma_start3A_80 = tpu.memref_squeeze %dma_start3A_79 : memref<1x80x128xi32, #tpu.memory_space<hbm>> -> memref<80x128xi32, #tpu.memory_space<hbm>>
    %dma_start3A_81 = arith.constant 0 : i32
    %dma_start3A_82 = arith.constant 0 : i32
    %dma_start3A_83 = tpu.memref_slice %arg3[%add3A, %dma_start3A_81, %dma_start3A_82] : memref<32x80x128xi32, #tpu.memory_space<hbm>> -> memref<1x80x128xi32, #tpu.memory_space<hbm>>
    %dma_start3A_84 = tpu.memref_squeeze %dma_start3A_83 : memref<1x80x128xi32, #tpu.memory_space<hbm>> -> memref<80x128xi32, #tpu.memory_space<hbm>>
    tpu.enqueue_dma source(%dma_start3A_84 : memref<80x128xi32, #tpu.memory_space<hbm>>) target(%arg7 : memref<80x128xi32, #tpu.memory_space<vmem>>) target_semaphore(%arg12 : memref<!tpu.dma_semaphore, #tpu.memory_space<semaphore_mem>>)
    %dma_start3A_85 = arith.constant 0 : i32
    %dma_start3A_86 = arith.constant 0 : i32
    %dma_start3A_87 = tpu.memref_slice %arg4[%add3A, %dma_start3A_85, %dma_start3A_86] : memref<32x80x128xi32, #tpu.memory_space<hbm>> -> memref<1x80x128xi32, #tpu.memory_space<hbm>>
    %dma_start3A_88 = tpu.memref_squeeze %dma_start3A_87 : memref<1x80x128xi32, #tpu.memory_space<hbm>> -> memref<80x128xi32, #tpu.memory_space<hbm>>
    %dma_start3A_89 = arith.constant 0 : i32
    %dma_start3A_90 = arith.constant 0 : i32
    %dma_start3A_91 = tpu.memref_slice %arg4[%add3A, %dma_start3A_89, %dma_start3A_90] : memref<32x80x128xi32, #tpu.memory_space<hbm>> -> memref<1x80x128xi32, #tpu.memory_space<hbm>>
    %dma_start3A_92 = tpu.memref_squeeze %dma_start3A_91 : memref<1x80x128xi32, #tpu.memory_space<hbm>> -> memref<80x128xi32, #tpu.memory_space<hbm>>
    tpu.enqueue_dma source(%dma_start3A_92 : memref<80x128xi32, #tpu.memory_space<hbm>>) target(%arg8 : memref<80x128xi32, #tpu.memory_space<vmem>>) target_semaphore(%arg13 : memref<!tpu.dma_semaphore, #tpu.memory_space<semaphore_mem>>)
    %barrier3A = arith.constant 0 : index
    tpu.barrier barrier_id(%barrier3A)
    %dma_wait3A = arith.constant 0 : i32
    %dma_wait3A_93 = arith.constant 0 : i32
    %dma_wait3A_94 = tpu.memref_slice %arg3[%add3A, %dma_wait3A, %dma_wait3A_93] : memref<32x80x128xi32, #tpu.memory_space<hbm>> -> memref<1x80x128xi32, #tpu.memory_space<hbm>>
    %dma_wait3A_95 = tpu.memref_squeeze %dma_wait3A_94 : memref<1x80x128xi32, #tpu.memory_space<hbm>> -> memref<80x128xi32, #tpu.memory_space<hbm>>
    %dma_wait3A_96 = arith.constant 0 : i32
    %dma_wait3A_97 = arith.constant 0 : i32
    %dma_wait3A_98 = tpu.memref_slice %arg3[%add3A, %dma_wait3A_96, %dma_wait3A_97] : memref<32x80x128xi32, #tpu.memory_space<hbm>> -> memref<1x80x128xi32, #tpu.memory_space<hbm>>
    %dma_wait3A_99 = tpu.memref_squeeze %dma_wait3A_98 : memref<1x80x128xi32, #tpu.memory_space<hbm>> -> memref<80x128xi32, #tpu.memory_space<hbm>>
    tpu.wait_dma2 semaphore(%arg12 : memref<!tpu.dma_semaphore, #tpu.memory_space<semaphore_mem>>) src(%dma_wait3A_99 : memref<80x128xi32, #tpu.memory_space<hbm>>) dst(%arg7 : memref<80x128xi32, #tpu.memory_space<vmem>>)
    %dma_wait3A_100 = arith.constant 0 : i32
    %dma_wait3A_101 = arith.constant 0 : i32
    %dma_wait3A_102 = tpu.memref_slice %arg4[%add3A, %dma_wait3A_100, %dma_wait3A_101] : memref<32x80x128xi32, #tpu.memory_space<hbm>> -> memref<1x80x128xi32, #tpu.memory_space<hbm>>
    %dma_wait3A_103 = tpu.memref_squeeze %dma_wait3A_102 : memref<1x80x128xi32, #tpu.memory_space<hbm>> -> memref<80x128xi32, #tpu.memory_space<hbm>>
    %dma_wait3A_104 = arith.constant 0 : i32
    %dma_wait3A_105 = arith.constant 0 : i32
    %dma_wait3A_106 = tpu.memref_slice %arg4[%add3A, %dma_wait3A_104, %dma_wait3A_105] : memref<32x80x128xi32, #tpu.memory_space<hbm>> -> memref<1x80x128xi32, #tpu.memory_space<hbm>>
    %dma_wait3A_107 = tpu.memref_squeeze %dma_wait3A_106 : memref<1x80x128xi32, #tpu.memory_space<hbm>> -> memref<80x128xi32, #tpu.memory_space<hbm>>
    tpu.wait_dma2 semaphore(%arg13 : memref<!tpu.dma_semaphore, #tpu.memory_space<semaphore_mem>>) src(%dma_wait3A_107 : memref<80x128xi32, #tpu.memory_space<hbm>>) dst(%arg8 : memref<80x128xi32, #tpu.memory_space<vmem>>)
    %dma_start3A_108 = arith.constant 0 : i32
    %dma_start3A_109 = arith.constant 0 : i32
    %dma_start3A_110 = tpu.memref_slice %arg7[%dma_start3A_108, %dma_start3A_109] : memref<80x128xi32, #tpu.memory_space<vmem>> -> memref<1x128xi32, #tpu.memory_space<vmem>>
    %dma_start3A_111 = tpu.memref_squeeze %dma_start3A_110 : memref<1x128xi32, #tpu.memory_space<vmem>> -> memref<128xi32, #tpu.memory_space<vmem>>
    %dma_start3A_112 = arith.constant 0 : i32
    %dma_start3A_113 = arith.constant 0 : i32
    %dma_start3A_114 = tpu.memref_slice %arg2[%dma_start3A_112, %dma_start3A_113] : memref<10240x112xf32, #tpu.memory_space<hbm>> -> memref<10240x112xf32, #tpu.memory_space<hbm>>
    tpu.enqueue_indirect_dma source(%dma_start3A_114 : memref<10240x112xf32, #tpu.memory_space<hbm>>) target(%arg9 : memref<128x112xf32, #tpu.memory_space<vmem>>) offsets(%dma_start3A_111 : memref<128xi32, #tpu.memory_space<vmem>>) semaphore(%arg12 : memref<!tpu.dma_semaphore, #tpu.memory_space<semaphore_mem>>)
    %scan3A = arith.constant 0 : i32
    %scan3A_115 = arith.constant 0 : i32
    %scan3A_116 = arith.constant 40 : i32
    %scan3A_117 = arith.addi %scan3A_115, %scan3A_116 : i32
    %scan3A_118 = arith.constant 1 : i32
    scf.for %scan3A_208 = %scan3A_115 to %scan3A_117 step %scan3A_118  : i32 {
      %mul3A_209 = arith.constant 2 : i32
      %mul3A_210 = arith.muli %mul3A_209, %scan3A_208 : i32
      %add3A_211 = arith.constant 0 : i32
      %add3A_212 = arith.addi %mul3A_210, %add3A_211 : i32
      %dma_wait3A_213 = arith.constant 0 : i32
      %dma_wait3A_214 = tpu.memref_slice %arg7[%add3A_212, %dma_wait3A_213] : memref<80x128xi32, #tpu.memory_space<vmem>> -> memref<1x128xi32, #tpu.memory_space<vmem>>
      %dma_wait3A_215 = tpu.memref_squeeze %dma_wait3A_214 : memref<1x128xi32, #tpu.memory_space<vmem>> -> memref<128xi32, #tpu.memory_space<vmem>>
      %dma_wait3A_216 = arith.constant 0 : i32
      %dma_wait3A_217 = arith.constant 0 : i32
      %dma_wait3A_218 = tpu.memref_slice %arg2[%dma_wait3A_216, %dma_wait3A_217] : memref<10240x112xf32, #tpu.memory_space<hbm>> -> memref<10240x112xf32, #tpu.memory_space<hbm>>
      tpu.wait_indirect_dma semaphore(%arg12 : memref<!tpu.dma_semaphore, #tpu.memory_space<semaphore_mem>>) src(%dma_wait3A_218 : memref<10240x112xf32, #tpu.memory_space<hbm>>) dst(%arg9 : memref<128x112xf32, #tpu.memory_space<vmem>>)
      %ge3A = arith.constant 1 : i32
      %ge3A_219 = arith.cmpi sge, %add3A_212, %ge3A : i32
      %convert_element_type3A_220 = arith.extui %ge3A_219 : i1 to i32
      %cond3A_221 = arith.constant 0 : i32
      %cond3A_222 = arith.cmpi ne, %convert_element_type3A_220, %cond3A_221 : i32
      scf.if %cond3A_222 {
        %sub3A = arith.constant 1 : i32
        %sub3A_263 = arith.subi %add3A_212, %sub3A : i32
        %dma_wait3A_264 = arith.constant 0 : i32
        %dma_wait3A_265 = tpu.memref_slice %arg8[%sub3A_263, %dma_wait3A_264] : memref<80x128xi32, #tpu.memory_space<vmem>> -> memref<1x128xi32, #tpu.memory_space<vmem>>
        %dma_wait3A_266 = tpu.memref_squeeze %dma_wait3A_265 : memref<1x128xi32, #tpu.memory_space<vmem>> -> memref<128xi32, #tpu.memory_space<vmem>>
        %dma_wait3A_267 = arith.constant 0 : i32
        %dma_wait3A_268 = arith.constant 0 : i32
        %dma_wait3A_269 = tpu.memref_slice %arg11[%dma_wait3A_267, %dma_wait3A_268] : memref<10240x112xf32, #tpu.memory_space<vmem_shared>> -> memref<10240x112xf32, #tpu.memory_space<vmem_shared>>
        tpu.wait_indirect_dma semaphore(%arg15 : memref<!tpu.dma_semaphore, #tpu.memory_space<semaphore_mem>>) src(%arg10 : memref<128x112xf32, #tpu.memory_space<vmem>>) dst(%dma_wait3A_269 : memref<10240x112xf32, #tpu.memory_space<vmem_shared>>)
      } else {
      }
      %dma_start3A_223 = arith.constant 0 : i32
      %dma_start3A_224 = tpu.memref_slice %arg8[%add3A_212, %dma_start3A_223] : memref<80x128xi32, #tpu.memory_space<vmem>> -> memref<1x128xi32, #tpu.memory_space<vmem>>
      %dma_start3A_225 = tpu.memref_squeeze %dma_start3A_224 : memref<1x128xi32, #tpu.memory_space<vmem>> -> memref<128xi32, #tpu.memory_space<vmem>>
      %dma_start3A_226 = arith.constant 0 : i32
      %dma_start3A_227 = arith.constant 0 : i32
      %dma_start3A_228 = tpu.memref_slice %arg11[%dma_start3A_226, %dma_start3A_227] : memref<10240x112xf32, #tpu.memory_space<vmem_shared>> -> memref<10240x112xf32, #tpu.memory_space<vmem_shared>>
      tpu.enqueue_indirect_dma source(%arg9 : memref<128x112xf32, #tpu.memory_space<vmem>>) target(%dma_start3A_228 : memref<10240x112xf32, #tpu.memory_space<vmem_shared>>) offsets(%dma_start3A_225 : memref<128xi32, #tpu.memory_space<vmem>>) semaphore(%arg14 : memref<!tpu.dma_semaphore, #tpu.memory_space<semaphore_mem>>) {add = true}
      %add3A_229 = arith.constant 1 : i32
      %add3A_230 = arith.addi %add3A_212, %add3A_229 : i32
      %lt3A = arith.constant 80 : i32
      %lt3A_231 = arith.cmpi slt, %add3A_230, %lt3A : i32
      %convert_element_type3A_232 = arith.extui %lt3A_231 : i1 to i32
      %cond3A_233 = arith.constant 0 : i32
      %cond3A_234 = arith.cmpi ne, %convert_element_type3A_232, %cond3A_233 : i32
      scf.if %cond3A_234 {
        %add3A_263 = arith.constant 1 : i32
        %add3A_264 = arith.addi %add3A_212, %add3A_263 : i32
        %dma_start3A_265 = arith.constant 0 : i32
        %dma_start3A_266 = tpu.memref_slice %arg7[%add3A_264, %dma_start3A_265] : memref<80x128xi32, #tpu.memory_space<vmem>> -> memref<1x128xi32, #tpu.memory_space<vmem>>
        %dma_start3A_267 = tpu.memref_squeeze %dma_start3A_266 : memref<1x128xi32, #tpu.memory_space<vmem>> -> memref<128xi32, #tpu.memory_space<vmem>>
        %dma_start3A_268 = arith.constant 0 : i32
        %dma_start3A_269 = arith.constant 0 : i32
        %dma_start3A_270 = tpu.memref_slice %arg2[%dma_start3A_268, %dma_start3A_269] : memref<10240x112xf32, #tpu.memory_space<hbm>> -> memref<10240x112xf32, #tpu.memory_space<hbm>>
        tpu.enqueue_indirect_dma source(%dma_start3A_270 : memref<10240x112xf32, #tpu.memory_space<hbm>>) target(%arg10 : memref<128x112xf32, #tpu.memory_space<vmem>>) offsets(%dma_start3A_267 : memref<128xi32, #tpu.memory_space<vmem>>) semaphore(%arg13 : memref<!tpu.dma_semaphore, #tpu.memory_space<semaphore_mem>>)
      } else {
      }
      %mul3A_235 = arith.constant 2 : i32
      %mul3A_236 = arith.muli %mul3A_235, %scan3A_208 : i32
      %add3A_237 = arith.constant 1 : i32
      %add3A_238 = arith.addi %mul3A_236, %add3A_237 : i32
      %dma_wait3A_239 = arith.constant 0 : i32
      %dma_wait3A_240 = tpu.memref_slice %arg7[%add3A_238, %dma_wait3A_239] : memref<80x128xi32, #tpu.memory_space<vmem>> -> memref<1x128xi32, #tpu.memory_space<vmem>>
      %dma_wait3A_241 = tpu.memref_squeeze %dma_wait3A_240 : memref<1x128xi32, #tpu.memory_space<vmem>> -> memref<128xi32, #tpu.memory_space<vmem>>
      %dma_wait3A_242 = arith.constant 0 : i32
      %dma_wait3A_243 = arith.constant 0 : i32
      %dma_wait3A_244 = tpu.memref_slice %arg2[%dma_wait3A_242, %dma_wait3A_243] : memref<10240x112xf32, #tpu.memory_space<hbm>> -> memref<10240x112xf32, #tpu.memory_space<hbm>>
      tpu.wait_indirect_dma semaphore(%arg13 : memref<!tpu.dma_semaphore, #tpu.memory_space<semaphore_mem>>) src(%dma_wait3A_244 : memref<10240x112xf32, #tpu.memory_space<hbm>>) dst(%arg10 : memref<128x112xf32, #tpu.memory_space<vmem>>)
      %ge3A_245 = arith.constant 1 : i32
      %ge3A_246 = arith.cmpi sge, %add3A_238, %ge3A_245 : i32
      %convert_element_type3A_247 = arith.extui %ge3A_246 : i1 to i32
      %cond3A_248 = arith.constant 0 : i32
      %cond3A_249 = arith.cmpi ne, %convert_element_type3A_247, %cond3A_248 : i32
      scf.if %cond3A_249 {
        %sub3A = arith.constant 1 : i32
        %sub3A_263 = arith.subi %add3A_238, %sub3A : i32
        %dma_wait3A_264 = arith.constant 0 : i32
        %dma_wait3A_265 = tpu.memref_slice %arg8[%sub3A_263, %dma_wait3A_264] : memref<80x128xi32, #tpu.memory_space<vmem>> -> memref<1x128xi32, #tpu.memory_space<vmem>>
        %dma_wait3A_266 = tpu.memref_squeeze %dma_wait3A_265 : memref<1x128xi32, #tpu.memory_space<vmem>> -> memref<128xi32, #tpu.memory_space<vmem>>
        %dma_wait3A_267 = arith.constant 0 : i32
        %dma_wait3A_268 = arith.constant 0 : i32
        %dma_wait3A_269 = tpu.memref_slice %arg11[%dma_wait3A_267, %dma_wait3A_268] : memref<10240x112xf32, #tpu.memory_space<vmem_shared>> -> memref<10240x112xf32, #tpu.memory_space<vmem_shared>>
        tpu.wait_indirect_dma semaphore(%arg14 : memref<!tpu.dma_semaphore, #tpu.memory_space<semaphore_mem>>) src(%arg9 : memref<128x112xf32, #tpu.memory_space<vmem>>) dst(%dma_wait3A_269 : memref<10240x112xf32, #tpu.memory_space<vmem_shared>>)
      } else {
      }
      %dma_start3A_250 = arith.constant 0 : i32
      %dma_start3A_251 = tpu.memref_slice %arg8[%add3A_238, %dma_start3A_250] : memref<80x128xi32, #tpu.memory_space<vmem>> -> memref<1x128xi32, #tpu.memory_space<vmem>>
      %dma_start3A_252 = tpu.memref_squeeze %dma_start3A_251 : memref<1x128xi32, #tpu.memory_space<vmem>> -> memref<128xi32, #tpu.memory_space<vmem>>
      %dma_start3A_253 = arith.constant 0 : i32
      %dma_start3A_254 = arith.constant 0 : i32
      %dma_start3A_255 = tpu.memref_slice %arg11[%dma_start3A_253, %dma_start3A_254] : memref<10240x112xf32, #tpu.memory_space<vmem_shared>> -> memref<10240x112xf32, #tpu.memory_space<vmem_shared>>
      tpu.enqueue_indirect_dma source(%arg10 : memref<128x112xf32, #tpu.memory_space<vmem>>) target(%dma_start3A_255 : memref<10240x112xf32, #tpu.memory_space<vmem_shared>>) offsets(%dma_start3A_252 : memref<128xi32, #tpu.memory_space<vmem>>) semaphore(%arg15 : memref<!tpu.dma_semaphore, #tpu.memory_space<semaphore_mem>>) {add = true}
      %add3A_256 = arith.constant 1 : i32
      %add3A_257 = arith.addi %add3A_238, %add3A_256 : i32
      %lt3A_258 = arith.constant 80 : i32
      %lt3A_259 = arith.cmpi slt, %add3A_257, %lt3A_258 : i32
      %convert_element_type3A_260 = arith.extui %lt3A_259 : i1 to i32
      %cond3A_261 = arith.constant 0 : i32
      %cond3A_262 = arith.cmpi ne, %convert_element_type3A_260, %cond3A_261 : i32
      scf.if %cond3A_262 {
        %add3A_263 = arith.constant 1 : i32
        %add3A_264 = arith.addi %add3A_238, %add3A_263 : i32
        %dma_start3A_265 = arith.constant 0 : i32
        %dma_start3A_266 = tpu.memref_slice %arg7[%add3A_264, %dma_start3A_265] : memref<80x128xi32, #tpu.memory_space<vmem>> -> memref<1x128xi32, #tpu.memory_space<vmem>>
        %dma_start3A_267 = tpu.memref_squeeze %dma_start3A_266 : memref<1x128xi32, #tpu.memory_space<vmem>> -> memref<128xi32, #tpu.memory_space<vmem>>
        %dma_start3A_268 = arith.constant 0 : i32
        %dma_start3A_269 = arith.constant 0 : i32
        %dma_start3A_270 = tpu.memref_slice %arg2[%dma_start3A_268, %dma_start3A_269] : memref<10240x112xf32, #tpu.memory_space<hbm>> -> memref<10240x112xf32, #tpu.memory_space<hbm>>
        tpu.enqueue_indirect_dma source(%dma_start3A_270 : memref<10240x112xf32, #tpu.memory_space<hbm>>) target(%arg9 : memref<128x112xf32, #tpu.memory_space<vmem>>) offsets(%dma_start3A_267 : memref<128xi32, #tpu.memory_space<vmem>>) semaphore(%arg12 : memref<!tpu.dma_semaphore, #tpu.memory_space<semaphore_mem>>)
      } else {
      }
    }
    %scan3A_119 = arith.constant 40 : i32
    %dma_wait3A_120 = arith.constant 79 : i32
    %dma_wait3A_121 = arith.constant 0 : i32
    %dma_wait3A_122 = tpu.memref_slice %arg8[%dma_wait3A_120, %dma_wait3A_121] : memref<80x128xi32, #tpu.memory_space<vmem>> -> memref<1x128xi32, #tpu.memory_space<vmem>>
    %dma_wait3A_123 = tpu.memref_squeeze %dma_wait3A_122 : memref<1x128xi32, #tpu.memory_space<vmem>> -> memref<128xi32, #tpu.memory_space<vmem>>
    %dma_wait3A_124 = arith.constant 0 : i32
    %dma_wait3A_125 = arith.constant 0 : i32
    %dma_wait3A_126 = tpu.memref_slice %arg11[%dma_wait3A_124, %dma_wait3A_125] : memref<10240x112xf32, #tpu.memory_space<vmem_shared>> -> memref<10240x112xf32, #tpu.memory_space<vmem_shared>>
    tpu.wait_indirect_dma semaphore(%arg15 : memref<!tpu.dma_semaphore, #tpu.memory_space<semaphore_mem>>) src(%arg10 : memref<128x112xf32, #tpu.memory_space<vmem>>) dst(%dma_wait3A_126 : memref<10240x112xf32, #tpu.memory_space<vmem_shared>>)
    %barrier3A_127 = arith.constant 0 : index
    tpu.barrier barrier_id(%barrier3A_127)
    %eq3A_128 = arith.constant 0 : i32
    %eq3A_129 = arith.cmpi eq, %arg1, %eq3A_128 : i32
    %convert_element_type3A_130 = arith.extui %eq3A_129 : i1 to i32
    %cond3A_131 = arith.constant 0 : i32
    %cond3A_132 = arith.cmpi ne, %convert_element_type3A_130, %cond3A_131 : i32
    scf.if %cond3A_132 {
      "tpu.region"() ({
        %run_scoped3A = tpu.sem_alloc : memref<!tpu.dma_semaphore, #tpu.memory_space<semaphore_mem>>
        %dma_start3A_208 = arith.constant 0 : i32
        %dma_start3A_209 = arith.constant 0 : i32
        %dma_start3A_210 = tpu.memref_slice %arg6[%arg0, %dma_start3A_208, %dma_start3A_209] : memref<2x10240x112xf32, #tpu.memory_space<hbm>> -> memref<1x640x112xf32, #tpu.memory_space<hbm>>
        %dma_start3A_211 = tpu.memref_squeeze %dma_start3A_210 : memref<1x640x112xf32, #tpu.memory_space<hbm>> -> memref<640x112xf32, #tpu.memory_space<hbm>>
        %dma_start3A_212 = arith.constant 0 : i32
        %dma_start3A_213 = arith.constant 0 : i32
        %dma_start3A_214 = tpu.memref_slice %arg11[%dma_start3A_212, %dma_start3A_213] : memref<10240x112xf32, #tpu.memory_space<vmem_shared>> -> memref<640x112xf32, #tpu.memory_space<vmem_shared>>
        tpu.enqueue_dma source(%dma_start3A_214 : memref<640x112xf32, #tpu.memory_space<vmem_shared>>) target(%dma_start3A_211 : memref<640x112xf32, #tpu.memory_space<hbm>>) target_semaphore(%run_scoped3A : memref<!tpu.dma_semaphore, #tpu.memory_space<semaphore_mem>>)
        %dma_wait3A_215 = arith.constant 0 : i32
        %dma_wait3A_216 = arith.constant 0 : i32
        %dma_wait3A_217 = tpu.memref_slice %arg6[%arg0, %dma_wait3A_215, %dma_wait3A_216] : memref<2x10240x112xf32, #tpu.memory_space<hbm>> -> memref<1x640x112xf32, #tpu.memory_space<hbm>>
        %dma_wait3A_218 = tpu.memref_squeeze %dma_wait3A_217 : memref<1x640x112xf32, #tpu.memory_space<hbm>> -> memref<640x112xf32, #tpu.memory_space<hbm>>
        %dma_wait3A_219 = arith.constant 0 : i32
        %dma_wait3A_220 = arith.constant 0 : i32
        %dma_wait3A_221 = tpu.memref_slice %arg11[%dma_wait3A_219, %dma_wait3A_220] : memref<10240x112xf32, #tpu.memory_space<vmem_shared>> -> memref<640x112xf32, #tpu.memory_space<vmem_shared>>
        tpu.wait_dma2 semaphore(%run_scoped3A : memref<!tpu.dma_semaphore, #tpu.memory_space<semaphore_mem>>) src(%dma_wait3A_221 : memref<640x112xf32, #tpu.memory_space<vmem_shared>>) dst(%dma_wait3A_218 : memref<640x112xf32, #tpu.memory_space<hbm>>)
        tpu.yield
      }) : () -> ()
    } else {
    }
    %eq3A_133 = arith.constant 1 : i32
    %eq3A_134 = arith.cmpi eq, %arg1, %eq3A_133 : i32
    %convert_element_type3A_135 = arith.extui %eq3A_134 : i1 to i32
    %cond3A_136 = arith.constant 0 : i32
    %cond3A_137 = arith.cmpi ne, %convert_element_type3A_135, %cond3A_136 : i32
    scf.if %cond3A_137 {
      "tpu.region"() ({
        %run_scoped3A = tpu.sem_alloc : memref<!tpu.dma_semaphore, #tpu.memory_space<semaphore_mem>>
        %dma_start3A_208 = arith.constant 640 : i32
        %dma_start3A_209 = arith.constant 0 : i32
        %dma_start3A_210 = tpu.memref_slice %arg6[%arg0, %dma_start3A_208, %dma_start3A_209] : memref<2x10240x112xf32, #tpu.memory_space<hbm>> -> memref<1x640x112xf32, #tpu.memory_space<hbm>>
        %dma_start3A_211 = tpu.memref_squeeze %dma_start3A_210 : memref<1x640x112xf32, #tpu.memory_space<hbm>> -> memref<640x112xf32, #tpu.memory_space<hbm>>
        %dma_start3A_212 = arith.constant 640 : i32
        %dma_start3A_213 = arith.constant 0 : i32
        %dma_start3A_214 = tpu.memref_slice %arg11[%dma_start3A_212, %dma_start3A_213] : memref<10240x112xf32, #tpu.memory_space<vmem_shared>> -> memref<640x112xf32, #tpu.memory_space<vmem_shared>>
        tpu.enqueue_dma source(%dma_start3A_214 : memref<640x112xf32, #tpu.memory_space<vmem_shared>>) target(%dma_start3A_211 : memref<640x112xf32, #tpu.memory_space<hbm>>) target_semaphore(%run_scoped3A : memref<!tpu.dma_semaphore, #tpu.memory_space<semaphore_mem>>)
        %dma_wait3A_215 = arith.constant 640 : i32
        %dma_wait3A_216 = arith.constant 0 : i32
        %dma_wait3A_217 = tpu.memref_slice %arg6[%arg0, %dma_wait3A_215, %dma_wait3A_216] : memref<2x10240x112xf32, #tpu.memory_space<hbm>> -> memref<1x640x112xf32, #tpu.memory_space<hbm>>
        %dma_wait3A_218 = tpu.memref_squeeze %dma_wait3A_217 : memref<1x640x112xf32, #tpu.memory_space<hbm>> -> memref<640x112xf32, #tpu.memory_space<hbm>>
        %dma_wait3A_219 = arith.constant 640 : i32
        %dma_wait3A_220 = arith.constant 0 : i32
        %dma_wait3A_221 = tpu.memref_slice %arg11[%dma_wait3A_219, %dma_wait3A_220] : memref<10240x112xf32, #tpu.memory_space<vmem_shared>> -> memref<640x112xf32, #tpu.memory_space<vmem_shared>>
        tpu.wait_dma2 semaphore(%run_scoped3A : memref<!tpu.dma_semaphore, #tpu.memory_space<semaphore_mem>>) src(%dma_wait3A_221 : memref<640x112xf32, #tpu.memory_space<vmem_shared>>) dst(%dma_wait3A_218 : memref<640x112xf32, #tpu.memory_space<hbm>>)
        tpu.yield
      }) : () -> ()
    } else {
    }
    %eq3A_138 = arith.constant 2 : i32
    %eq3A_139 = arith.cmpi eq, %arg1, %eq3A_138 : i32
    %convert_element_type3A_140 = arith.extui %eq3A_139 : i1 to i32
    %cond3A_141 = arith.constant 0 : i32
    %cond3A_142 = arith.cmpi ne, %convert_element_type3A_140, %cond3A_141 : i32
    scf.if %cond3A_142 {
      "tpu.region"() ({
        %run_scoped3A = tpu.sem_alloc : memref<!tpu.dma_semaphore, #tpu.memory_space<semaphore_mem>>
        %dma_start3A_208 = arith.constant 1280 : i32
        %dma_start3A_209 = arith.constant 0 : i32
        %dma_start3A_210 = tpu.memref_slice %arg6[%arg0, %dma_start3A_208, %dma_start3A_209] : memref<2x10240x112xf32, #tpu.memory_space<hbm>> -> memref<1x640x112xf32, #tpu.memory_space<hbm>>
        %dma_start3A_211 = tpu.memref_squeeze %dma_start3A_210 : memref<1x640x112xf32, #tpu.memory_space<hbm>> -> memref<640x112xf32, #tpu.memory_space<hbm>>
        %dma_start3A_212 = arith.constant 1280 : i32
        %dma_start3A_213 = arith.constant 0 : i32
        %dma_start3A_214 = tpu.memref_slice %arg11[%dma_start3A_212, %dma_start3A_213] : memref<10240x112xf32, #tpu.memory_space<vmem_shared>> -> memref<640x112xf32, #tpu.memory_space<vmem_shared>>
        tpu.enqueue_dma source(%dma_start3A_214 : memref<640x112xf32, #tpu.memory_space<vmem_shared>>) target(%dma_start3A_211 : memref<640x112xf32, #tpu.memory_space<hbm>>) target_semaphore(%run_scoped3A : memref<!tpu.dma_semaphore, #tpu.memory_space<semaphore_mem>>)
        %dma_wait3A_215 = arith.constant 1280 : i32
        %dma_wait3A_216 = arith.constant 0 : i32
        %dma_wait3A_217 = tpu.memref_slice %arg6[%arg0, %dma_wait3A_215, %dma_wait3A_216] : memref<2x10240x112xf32, #tpu.memory_space<hbm>> -> memref<1x640x112xf32, #tpu.memory_space<hbm>>
        %dma_wait3A_218 = tpu.memref_squeeze %dma_wait3A_217 : memref<1x640x112xf32, #tpu.memory_space<hbm>> -> memref<640x112xf32, #tpu.memory_space<hbm>>
        %dma_wait3A_219 = arith.constant 1280 : i32
        %dma_wait3A_220 = arith.constant 0 : i32
        %dma_wait3A_221 = tpu.memref_slice %arg11[%dma_wait3A_219, %dma_wait3A_220] : memref<10240x112xf32, #tpu.memory_space<vmem_shared>> -> memref<640x112xf32, #tpu.memory_space<vmem_shared>>
        tpu.wait_dma2 semaphore(%run_scoped3A : memref<!tpu.dma_semaphore, #tpu.memory_space<semaphore_mem>>) src(%dma_wait3A_221 : memref<640x112xf32, #tpu.memory_space<vmem_shared>>) dst(%dma_wait3A_218 : memref<640x112xf32, #tpu.memory_space<hbm>>)
        tpu.yield
      }) : () -> ()
    } else {
    }
    %eq3A_143 = arith.constant 3 : i32
    %eq3A_144 = arith.cmpi eq, %arg1, %eq3A_143 : i32
    %convert_element_type3A_145 = arith.extui %eq3A_144 : i1 to i32
    %cond3A_146 = arith.constant 0 : i32
    %cond3A_147 = arith.cmpi ne, %convert_element_type3A_145, %cond3A_146 : i32
    scf.if %cond3A_147 {
      "tpu.region"() ({
        %run_scoped3A = tpu.sem_alloc : memref<!tpu.dma_semaphore, #tpu.memory_space<semaphore_mem>>
        %dma_start3A_208 = arith.constant 1920 : i32
        %dma_start3A_209 = arith.constant 0 : i32
        %dma_start3A_210 = tpu.memref_slice %arg6[%arg0, %dma_start3A_208, %dma_start3A_209] : memref<2x10240x112xf32, #tpu.memory_space<hbm>> -> memref<1x640x112xf32, #tpu.memory_space<hbm>>
        %dma_start3A_211 = tpu.memref_squeeze %dma_start3A_210 : memref<1x640x112xf32, #tpu.memory_space<hbm>> -> memref<640x112xf32, #tpu.memory_space<hbm>>
        %dma_start3A_212 = arith.constant 1920 : i32
        %dma_start3A_213 = arith.constant 0 : i32
        %dma_start3A_214 = tpu.memref_slice %arg11[%dma_start3A_212, %dma_start3A_213] : memref<10240x112xf32, #tpu.memory_space<vmem_shared>> -> memref<640x112xf32, #tpu.memory_space<vmem_shared>>
        tpu.enqueue_dma source(%dma_start3A_214 : memref<640x112xf32, #tpu.memory_space<vmem_shared>>) target(%dma_start3A_211 : memref<640x112xf32, #tpu.memory_space<hbm>>) target_semaphore(%run_scoped3A : memref<!tpu.dma_semaphore, #tpu.memory_space<semaphore_mem>>)
        %dma_wait3A_215 = arith.constant 1920 : i32
        %dma_wait3A_216 = arith.constant 0 : i32
        %dma_wait3A_217 = tpu.memref_slice %arg6[%arg0, %dma_wait3A_215, %dma_wait3A_216] : memref<2x10240x112xf32, #tpu.memory_space<hbm>> -> memref<1x640x112xf32, #tpu.memory_space<hbm>>
        %dma_wait3A_218 = tpu.memref_squeeze %dma_wait3A_217 : memref<1x640x112xf32, #tpu.memory_space<hbm>> -> memref<640x112xf32, #tpu.memory_space<hbm>>
        %dma_wait3A_219 = arith.constant 1920 : i32
        %dma_wait3A_220 = arith.constant 0 : i32
        %dma_wait3A_221 = tpu.memref_slice %arg11[%dma_wait3A_219, %dma_wait3A_220] : memref<10240x112xf32, #tpu.memory_space<vmem_shared>> -> memref<640x112xf32, #tpu.memory_space<vmem_shared>>
        tpu.wait_dma2 semaphore(%run_scoped3A : memref<!tpu.dma_semaphore, #tpu.memory_space<semaphore_mem>>) src(%dma_wait3A_221 : memref<640x112xf32, #tpu.memory_space<vmem_shared>>) dst(%dma_wait3A_218 : memref<640x112xf32, #tpu.memory_space<hbm>>)
        tpu.yield
      }) : () -> ()
    } else {
    }
    %eq3A_148 = arith.constant 4 : i32
    %eq3A_149 = arith.cmpi eq, %arg1, %eq3A_148 : i32
    %convert_element_type3A_150 = arith.extui %eq3A_149 : i1 to i32
    %cond3A_151 = arith.constant 0 : i32
    %cond3A_152 = arith.cmpi ne, %convert_element_type3A_150, %cond3A_151 : i32
    scf.if %cond3A_152 {
      "tpu.region"() ({
        %run_scoped3A = tpu.sem_alloc : memref<!tpu.dma_semaphore, #tpu.memory_space<semaphore_mem>>
        %dma_start3A_208 = arith.constant 2560 : i32
        %dma_start3A_209 = arith.constant 0 : i32
        %dma_start3A_210 = tpu.memref_slice %arg6[%arg0, %dma_start3A_208, %dma_start3A_209] : memref<2x10240x112xf32, #tpu.memory_space<hbm>> -> memref<1x640x112xf32, #tpu.memory_space<hbm>>
        %dma_start3A_211 = tpu.memref_squeeze %dma_start3A_210 : memref<1x640x112xf32, #tpu.memory_space<hbm>> -> memref<640x112xf32, #tpu.memory_space<hbm>>
        %dma_start3A_212 = arith.constant 2560 : i32
        %dma_start3A_213 = arith.constant 0 : i32
        %dma_start3A_214 = tpu.memref_slice %arg11[%dma_start3A_212, %dma_start3A_213] : memref<10240x112xf32, #tpu.memory_space<vmem_shared>> -> memref<640x112xf32, #tpu.memory_space<vmem_shared>>
        tpu.enqueue_dma source(%dma_start3A_214 : memref<640x112xf32, #tpu.memory_space<vmem_shared>>) target(%dma_start3A_211 : memref<640x112xf32, #tpu.memory_space<hbm>>) target_semaphore(%run_scoped3A : memref<!tpu.dma_semaphore, #tpu.memory_space<semaphore_mem>>)
        %dma_wait3A_215 = arith.constant 2560 : i32
        %dma_wait3A_216 = arith.constant 0 : i32
        %dma_wait3A_217 = tpu.memref_slice %arg6[%arg0, %dma_wait3A_215, %dma_wait3A_216] : memref<2x10240x112xf32, #tpu.memory_space<hbm>> -> memref<1x640x112xf32, #tpu.memory_space<hbm>>
        %dma_wait3A_218 = tpu.memref_squeeze %dma_wait3A_217 : memref<1x640x112xf32, #tpu.memory_space<hbm>> -> memref<640x112xf32, #tpu.memory_space<hbm>>
        %dma_wait3A_219 = arith.constant 2560 : i32
        %dma_wait3A_220 = arith.constant 0 : i32
        %dma_wait3A_221 = tpu.memref_slice %arg11[%dma_wait3A_219, %dma_wait3A_220] : memref<10240x112xf32, #tpu.memory_space<vmem_shared>> -> memref<640x112xf32, #tpu.memory_space<vmem_shared>>
        tpu.wait_dma2 semaphore(%run_scoped3A : memref<!tpu.dma_semaphore, #tpu.memory_space<semaphore_mem>>) src(%dma_wait3A_221 : memref<640x112xf32, #tpu.memory_space<vmem_shared>>) dst(%dma_wait3A_218 : memref<640x112xf32, #tpu.memory_space<hbm>>)
        tpu.yield
      }) : () -> ()
    } else {
    }
    %eq3A_153 = arith.constant 5 : i32
    %eq3A_154 = arith.cmpi eq, %arg1, %eq3A_153 : i32
    %convert_element_type3A_155 = arith.extui %eq3A_154 : i1 to i32
    %cond3A_156 = arith.constant 0 : i32
    %cond3A_157 = arith.cmpi ne, %convert_element_type3A_155, %cond3A_156 : i32
    scf.if %cond3A_157 {
      "tpu.region"() ({
        %run_scoped3A = tpu.sem_alloc : memref<!tpu.dma_semaphore, #tpu.memory_space<semaphore_mem>>
        %dma_start3A_208 = arith.constant 3200 : i32
        %dma_start3A_209 = arith.constant 0 : i32
        %dma_start3A_210 = tpu.memref_slice %arg6[%arg0, %dma_start3A_208, %dma_start3A_209] : memref<2x10240x112xf32, #tpu.memory_space<hbm>> -> memref<1x640x112xf32, #tpu.memory_space<hbm>>
        %dma_start3A_211 = tpu.memref_squeeze %dma_start3A_210 : memref<1x640x112xf32, #tpu.memory_space<hbm>> -> memref<640x112xf32, #tpu.memory_space<hbm>>
        %dma_start3A_212 = arith.constant 3200 : i32
        %dma_start3A_213 = arith.constant 0 : i32
        %dma_start3A_214 = tpu.memref_slice %arg11[%dma_start3A_212, %dma_start3A_213] : memref<10240x112xf32, #tpu.memory_space<vmem_shared>> -> memref<640x112xf32, #tpu.memory_space<vmem_shared>>
        tpu.enqueue_dma source(%dma_start3A_214 : memref<640x112xf32, #tpu.memory_space<vmem_shared>>) target(%dma_start3A_211 : memref<640x112xf32, #tpu.memory_space<hbm>>) target_semaphore(%run_scoped3A : memref<!tpu.dma_semaphore, #tpu.memory_space<semaphore_mem>>)
        %dma_wait3A_215 = arith.constant 3200 : i32
        %dma_wait3A_216 = arith.constant 0 : i32
        %dma_wait3A_217 = tpu.memref_slice %arg6[%arg0, %dma_wait3A_215, %dma_wait3A_216] : memref<2x10240x112xf32, #tpu.memory_space<hbm>> -> memref<1x640x112xf32, #tpu.memory_space<hbm>>
        %dma_wait3A_218 = tpu.memref_squeeze %dma_wait3A_217 : memref<1x640x112xf32, #tpu.memory_space<hbm>> -> memref<640x112xf32, #tpu.memory_space<hbm>>
        %dma_wait3A_219 = arith.constant 3200 : i32
        %dma_wait3A_220 = arith.constant 0 : i32
        %dma_wait3A_221 = tpu.memref_slice %arg11[%dma_wait3A_219, %dma_wait3A_220] : memref<10240x112xf32, #tpu.memory_space<vmem_shared>> -> memref<640x112xf32, #tpu.memory_space<vmem_shared>>
        tpu.wait_dma2 semaphore(%run_scoped3A : memref<!tpu.dma_semaphore, #tpu.memory_space<semaphore_mem>>) src(%dma_wait3A_221 : memref<640x112xf32, #tpu.memory_space<vmem_shared>>) dst(%dma_wait3A_218 : memref<640x112xf32, #tpu.memory_space<hbm>>)
        tpu.yield
      }) : () -> ()
    } else {
    }
    %eq3A_158 = arith.constant 6 : i32
    %eq3A_159 = arith.cmpi eq, %arg1, %eq3A_158 : i32
    %convert_element_type3A_160 = arith.extui %eq3A_159 : i1 to i32
    %cond3A_161 = arith.constant 0 : i32
    %cond3A_162 = arith.cmpi ne, %convert_element_type3A_160, %cond3A_161 : i32
    scf.if %cond3A_162 {
      "tpu.region"() ({
        %run_scoped3A = tpu.sem_alloc : memref<!tpu.dma_semaphore, #tpu.memory_space<semaphore_mem>>
        %dma_start3A_208 = arith.constant 3840 : i32
        %dma_start3A_209 = arith.constant 0 : i32
        %dma_start3A_210 = tpu.memref_slice %arg6[%arg0, %dma_start3A_208, %dma_start3A_209] : memref<2x10240x112xf32, #tpu.memory_space<hbm>> -> memref<1x640x112xf32, #tpu.memory_space<hbm>>
        %dma_start3A_211 = tpu.memref_squeeze %dma_start3A_210 : memref<1x640x112xf32, #tpu.memory_space<hbm>> -> memref<640x112xf32, #tpu.memory_space<hbm>>
        %dma_start3A_212 = arith.constant 3840 : i32
        %dma_start3A_213 = arith.constant 0 : i32
        %dma_start3A_214 = tpu.memref_slice %arg11[%dma_start3A_212, %dma_start3A_213] : memref<10240x112xf32, #tpu.memory_space<vmem_shared>> -> memref<640x112xf32, #tpu.memory_space<vmem_shared>>
        tpu.enqueue_dma source(%dma_start3A_214 : memref<640x112xf32, #tpu.memory_space<vmem_shared>>) target(%dma_start3A_211 : memref<640x112xf32, #tpu.memory_space<hbm>>) target_semaphore(%run_scoped3A : memref<!tpu.dma_semaphore, #tpu.memory_space<semaphore_mem>>)
        %dma_wait3A_215 = arith.constant 3840 : i32
        %dma_wait3A_216 = arith.constant 0 : i32
        %dma_wait3A_217 = tpu.memref_slice %arg6[%arg0, %dma_wait3A_215, %dma_wait3A_216] : memref<2x10240x112xf32, #tpu.memory_space<hbm>> -> memref<1x640x112xf32, #tpu.memory_space<hbm>>
        %dma_wait3A_218 = tpu.memref_squeeze %dma_wait3A_217 : memref<1x640x112xf32, #tpu.memory_space<hbm>> -> memref<640x112xf32, #tpu.memory_space<hbm>>
        %dma_wait3A_219 = arith.constant 3840 : i32
        %dma_wait3A_220 = arith.constant 0 : i32
        %dma_wait3A_221 = tpu.memref_slice %arg11[%dma_wait3A_219, %dma_wait3A_220] : memref<10240x112xf32, #tpu.memory_space<vmem_shared>> -> memref<640x112xf32, #tpu.memory_space<vmem_shared>>
        tpu.wait_dma2 semaphore(%run_scoped3A : memref<!tpu.dma_semaphore, #tpu.memory_space<semaphore_mem>>) src(%dma_wait3A_221 : memref<640x112xf32, #tpu.memory_space<vmem_shared>>) dst(%dma_wait3A_218 : memref<640x112xf32, #tpu.memory_space<hbm>>)
        tpu.yield
      }) : () -> ()
    } else {
    }
    %eq3A_163 = arith.constant 7 : i32
    %eq3A_164 = arith.cmpi eq, %arg1, %eq3A_163 : i32
    %convert_element_type3A_165 = arith.extui %eq3A_164 : i1 to i32
    %cond3A_166 = arith.constant 0 : i32
    %cond3A_167 = arith.cmpi ne, %convert_element_type3A_165, %cond3A_166 : i32
    scf.if %cond3A_167 {
      "tpu.region"() ({
        %run_scoped3A = tpu.sem_alloc : memref<!tpu.dma_semaphore, #tpu.memory_space<semaphore_mem>>
        %dma_start3A_208 = arith.constant 4480 : i32
        %dma_start3A_209 = arith.constant 0 : i32
        %dma_start3A_210 = tpu.memref_slice %arg6[%arg0, %dma_start3A_208, %dma_start3A_209] : memref<2x10240x112xf32, #tpu.memory_space<hbm>> -> memref<1x640x112xf32, #tpu.memory_space<hbm>>
        %dma_start3A_211 = tpu.memref_squeeze %dma_start3A_210 : memref<1x640x112xf32, #tpu.memory_space<hbm>> -> memref<640x112xf32, #tpu.memory_space<hbm>>
        %dma_start3A_212 = arith.constant 4480 : i32
        %dma_start3A_213 = arith.constant 0 : i32
        %dma_start3A_214 = tpu.memref_slice %arg11[%dma_start3A_212, %dma_start3A_213] : memref<10240x112xf32, #tpu.memory_space<vmem_shared>> -> memref<640x112xf32, #tpu.memory_space<vmem_shared>>
        tpu.enqueue_dma source(%dma_start3A_214 : memref<640x112xf32, #tpu.memory_space<vmem_shared>>) target(%dma_start3A_211 : memref<640x112xf32, #tpu.memory_space<hbm>>) target_semaphore(%run_scoped3A : memref<!tpu.dma_semaphore, #tpu.memory_space<semaphore_mem>>)
        %dma_wait3A_215 = arith.constant 4480 : i32
        %dma_wait3A_216 = arith.constant 0 : i32
        %dma_wait3A_217 = tpu.memref_slice %arg6[%arg0, %dma_wait3A_215, %dma_wait3A_216] : memref<2x10240x112xf32, #tpu.memory_space<hbm>> -> memref<1x640x112xf32, #tpu.memory_space<hbm>>
        %dma_wait3A_218 = tpu.memref_squeeze %dma_wait3A_217 : memref<1x640x112xf32, #tpu.memory_space<hbm>> -> memref<640x112xf32, #tpu.memory_space<hbm>>
        %dma_wait3A_219 = arith.constant 4480 : i32
        %dma_wait3A_220 = arith.constant 0 : i32
        %dma_wait3A_221 = tpu.memref_slice %arg11[%dma_wait3A_219, %dma_wait3A_220] : memref<10240x112xf32, #tpu.memory_space<vmem_shared>> -> memref<640x112xf32, #tpu.memory_space<vmem_shared>>
        tpu.wait_dma2 semaphore(%run_scoped3A : memref<!tpu.dma_semaphore, #tpu.memory_space<semaphore_mem>>) src(%dma_wait3A_221 : memref<640x112xf32, #tpu.memory_space<vmem_shared>>) dst(%dma_wait3A_218 : memref<640x112xf32, #tpu.memory_space<hbm>>)
        tpu.yield
      }) : () -> ()
    } else {
    }
    %eq3A_168 = arith.constant 8 : i32
    %eq3A_169 = arith.cmpi eq, %arg1, %eq3A_168 : i32
    %convert_element_type3A_170 = arith.extui %eq3A_169 : i1 to i32
    %cond3A_171 = arith.constant 0 : i32
    %cond3A_172 = arith.cmpi ne, %convert_element_type3A_170, %cond3A_171 : i32
    scf.if %cond3A_172 {
      "tpu.region"() ({
        %run_scoped3A = tpu.sem_alloc : memref<!tpu.dma_semaphore, #tpu.memory_space<semaphore_mem>>
        %dma_start3A_208 = arith.constant 5120 : i32
        %dma_start3A_209 = arith.constant 0 : i32
        %dma_start3A_210 = tpu.memref_slice %arg6[%arg0, %dma_start3A_208, %dma_start3A_209] : memref<2x10240x112xf32, #tpu.memory_space<hbm>> -> memref<1x640x112xf32, #tpu.memory_space<hbm>>
        %dma_start3A_211 = tpu.memref_squeeze %dma_start3A_210 : memref<1x640x112xf32, #tpu.memory_space<hbm>> -> memref<640x112xf32, #tpu.memory_space<hbm>>
        %dma_start3A_212 = arith.constant 5120 : i32
        %dma_start3A_213 = arith.constant 0 : i32
        %dma_start3A_214 = tpu.memref_slice %arg11[%dma_start3A_212, %dma_start3A_213] : memref<10240x112xf32, #tpu.memory_space<vmem_shared>> -> memref<640x112xf32, #tpu.memory_space<vmem_shared>>
        tpu.enqueue_dma source(%dma_start3A_214 : memref<640x112xf32, #tpu.memory_space<vmem_shared>>) target(%dma_start3A_211 : memref<640x112xf32, #tpu.memory_space<hbm>>) target_semaphore(%run_scoped3A : memref<!tpu.dma_semaphore, #tpu.memory_space<semaphore_mem>>)
        %dma_wait3A_215 = arith.constant 5120 : i32
        %dma_wait3A_216 = arith.constant 0 : i32
        %dma_wait3A_217 = tpu.memref_slice %arg6[%arg0, %dma_wait3A_215, %dma_wait3A_216] : memref<2x10240x112xf32, #tpu.memory_space<hbm>> -> memref<1x640x112xf32, #tpu.memory_space<hbm>>
        %dma_wait3A_218 = tpu.memref_squeeze %dma_wait3A_217 : memref<1x640x112xf32, #tpu.memory_space<hbm>> -> memref<640x112xf32, #tpu.memory_space<hbm>>
        %dma_wait3A_219 = arith.constant 5120 : i32
        %dma_wait3A_220 = arith.constant 0 : i32
        %dma_wait3A_221 = tpu.memref_slice %arg11[%dma_wait3A_219, %dma_wait3A_220] : memref<10240x112xf32, #tpu.memory_space<vmem_shared>> -> memref<640x112xf32, #tpu.memory_space<vmem_shared>>
        tpu.wait_dma2 semaphore(%run_scoped3A : memref<!tpu.dma_semaphore, #tpu.memory_space<semaphore_mem>>) src(%dma_wait3A_221 : memref<640x112xf32, #tpu.memory_space<vmem_shared>>) dst(%dma_wait3A_218 : memref<640x112xf32, #tpu.memory_space<hbm>>)
        tpu.yield
      }) : () -> ()
    } else {
    }
    %eq3A_173 = arith.constant 9 : i32
    %eq3A_174 = arith.cmpi eq, %arg1, %eq3A_173 : i32
    %convert_element_type3A_175 = arith.extui %eq3A_174 : i1 to i32
    %cond3A_176 = arith.constant 0 : i32
    %cond3A_177 = arith.cmpi ne, %convert_element_type3A_175, %cond3A_176 : i32
    scf.if %cond3A_177 {
      "tpu.region"() ({
        %run_scoped3A = tpu.sem_alloc : memref<!tpu.dma_semaphore, #tpu.memory_space<semaphore_mem>>
        %dma_start3A_208 = arith.constant 5760 : i32
        %dma_start3A_209 = arith.constant 0 : i32
        %dma_start3A_210 = tpu.memref_slice %arg6[%arg0, %dma_start3A_208, %dma_start3A_209] : memref<2x10240x112xf32, #tpu.memory_space<hbm>> -> memref<1x640x112xf32, #tpu.memory_space<hbm>>
        %dma_start3A_211 = tpu.memref_squeeze %dma_start3A_210 : memref<1x640x112xf32, #tpu.memory_space<hbm>> -> memref<640x112xf32, #tpu.memory_space<hbm>>
        %dma_start3A_212 = arith.constant 5760 : i32
        %dma_start3A_213 = arith.constant 0 : i32
        %dma_start3A_214 = tpu.memref_slice %arg11[%dma_start3A_212, %dma_start3A_213] : memref<10240x112xf32, #tpu.memory_space<vmem_shared>> -> memref<640x112xf32, #tpu.memory_space<vmem_shared>>
        tpu.enqueue_dma source(%dma_start3A_214 : memref<640x112xf32, #tpu.memory_space<vmem_shared>>) target(%dma_start3A_211 : memref<640x112xf32, #tpu.memory_space<hbm>>) target_semaphore(%run_scoped3A : memref<!tpu.dma_semaphore, #tpu.memory_space<semaphore_mem>>)
        %dma_wait3A_215 = arith.constant 5760 : i32
        %dma_wait3A_216 = arith.constant 0 : i32
        %dma_wait3A_217 = tpu.memref_slice %arg6[%arg0, %dma_wait3A_215, %dma_wait3A_216] : memref<2x10240x112xf32, #tpu.memory_space<hbm>> -> memref<1x640x112xf32, #tpu.memory_space<hbm>>
        %dma_wait3A_218 = tpu.memref_squeeze %dma_wait3A_217 : memref<1x640x112xf32, #tpu.memory_space<hbm>> -> memref<640x112xf32, #tpu.memory_space<hbm>>
        %dma_wait3A_219 = arith.constant 5760 : i32
        %dma_wait3A_220 = arith.constant 0 : i32
        %dma_wait3A_221 = tpu.memref_slice %arg11[%dma_wait3A_219, %dma_wait3A_220] : memref<10240x112xf32, #tpu.memory_space<vmem_shared>> -> memref<640x112xf32, #tpu.memory_space<vmem_shared>>
        tpu.wait_dma2 semaphore(%run_scoped3A : memref<!tpu.dma_semaphore, #tpu.memory_space<semaphore_mem>>) src(%dma_wait3A_221 : memref<640x112xf32, #tpu.memory_space<vmem_shared>>) dst(%dma_wait3A_218 : memref<640x112xf32, #tpu.memory_space<hbm>>)
        tpu.yield
      }) : () -> ()
    } else {
    }
    %eq3A_178 = arith.constant 10 : i32
    %eq3A_179 = arith.cmpi eq, %arg1, %eq3A_178 : i32
    %convert_element_type3A_180 = arith.extui %eq3A_179 : i1 to i32
    %cond3A_181 = arith.constant 0 : i32
    %cond3A_182 = arith.cmpi ne, %convert_element_type3A_180, %cond3A_181 : i32
    scf.if %cond3A_182 {
      "tpu.region"() ({
        %run_scoped3A = tpu.sem_alloc : memref<!tpu.dma_semaphore, #tpu.memory_space<semaphore_mem>>
        %dma_start3A_208 = arith.constant 6400 : i32
        %dma_start3A_209 = arith.constant 0 : i32
        %dma_start3A_210 = tpu.memref_slice %arg6[%arg0, %dma_start3A_208, %dma_start3A_209] : memref<2x10240x112xf32, #tpu.memory_space<hbm>> -> memref<1x640x112xf32, #tpu.memory_space<hbm>>
        %dma_start3A_211 = tpu.memref_squeeze %dma_start3A_210 : memref<1x640x112xf32, #tpu.memory_space<hbm>> -> memref<640x112xf32, #tpu.memory_space<hbm>>
        %dma_start3A_212 = arith.constant 6400 : i32
        %dma_start3A_213 = arith.constant 0 : i32
        %dma_start3A_214 = tpu.memref_slice %arg11[%dma_start3A_212, %dma_start3A_213] : memref<10240x112xf32, #tpu.memory_space<vmem_shared>> -> memref<640x112xf32, #tpu.memory_space<vmem_shared>>
        tpu.enqueue_dma source(%dma_start3A_214 : memref<640x112xf32, #tpu.memory_space<vmem_shared>>) target(%dma_start3A_211 : memref<640x112xf32, #tpu.memory_space<hbm>>) target_semaphore(%run_scoped3A : memref<!tpu.dma_semaphore, #tpu.memory_space<semaphore_mem>>)
        %dma_wait3A_215 = arith.constant 6400 : i32
        %dma_wait3A_216 = arith.constant 0 : i32
        %dma_wait3A_217 = tpu.memref_slice %arg6[%arg0, %dma_wait3A_215, %dma_wait3A_216] : memref<2x10240x112xf32, #tpu.memory_space<hbm>> -> memref<1x640x112xf32, #tpu.memory_space<hbm>>
        %dma_wait3A_218 = tpu.memref_squeeze %dma_wait3A_217 : memref<1x640x112xf32, #tpu.memory_space<hbm>> -> memref<640x112xf32, #tpu.memory_space<hbm>>
        %dma_wait3A_219 = arith.constant 6400 : i32
        %dma_wait3A_220 = arith.constant 0 : i32
        %dma_wait3A_221 = tpu.memref_slice %arg11[%dma_wait3A_219, %dma_wait3A_220] : memref<10240x112xf32, #tpu.memory_space<vmem_shared>> -> memref<640x112xf32, #tpu.memory_space<vmem_shared>>
        tpu.wait_dma2 semaphore(%run_scoped3A : memref<!tpu.dma_semaphore, #tpu.memory_space<semaphore_mem>>) src(%dma_wait3A_221 : memref<640x112xf32, #tpu.memory_space<vmem_shared>>) dst(%dma_wait3A_218 : memref<640x112xf32, #tpu.memory_space<hbm>>)
        tpu.yield
      }) : () -> ()
    } else {
    }
    %eq3A_183 = arith.constant 11 : i32
    %eq3A_184 = arith.cmpi eq, %arg1, %eq3A_183 : i32
    %convert_element_type3A_185 = arith.extui %eq3A_184 : i1 to i32
    %cond3A_186 = arith.constant 0 : i32
    %cond3A_187 = arith.cmpi ne, %convert_element_type3A_185, %cond3A_186 : i32
    scf.if %cond3A_187 {
      "tpu.region"() ({
        %run_scoped3A = tpu.sem_alloc : memref<!tpu.dma_semaphore, #tpu.memory_space<semaphore_mem>>
        %dma_start3A_208 = arith.constant 7040 : i32
        %dma_start3A_209 = arith.constant 0 : i32
        %dma_start3A_210 = tpu.memref_slice %arg6[%arg0, %dma_start3A_208, %dma_start3A_209] : memref<2x10240x112xf32, #tpu.memory_space<hbm>> -> memref<1x640x112xf32, #tpu.memory_space<hbm>>
        %dma_start3A_211 = tpu.memref_squeeze %dma_start3A_210 : memref<1x640x112xf32, #tpu.memory_space<hbm>> -> memref<640x112xf32, #tpu.memory_space<hbm>>
        %dma_start3A_212 = arith.constant 7040 : i32
        %dma_start3A_213 = arith.constant 0 : i32
        %dma_start3A_214 = tpu.memref_slice %arg11[%dma_start3A_212, %dma_start3A_213] : memref<10240x112xf32, #tpu.memory_space<vmem_shared>> -> memref<640x112xf32, #tpu.memory_space<vmem_shared>>
        tpu.enqueue_dma source(%dma_start3A_214 : memref<640x112xf32, #tpu.memory_space<vmem_shared>>) target(%dma_start3A_211 : memref<640x112xf32, #tpu.memory_space<hbm>>) target_semaphore(%run_scoped3A : memref<!tpu.dma_semaphore, #tpu.memory_space<semaphore_mem>>)
        %dma_wait3A_215 = arith.constant 7040 : i32
        %dma_wait3A_216 = arith.constant 0 : i32
        %dma_wait3A_217 = tpu.memref_slice %arg6[%arg0, %dma_wait3A_215, %dma_wait3A_216] : memref<2x10240x112xf32, #tpu.memory_space<hbm>> -> memref<1x640x112xf32, #tpu.memory_space<hbm>>
        %dma_wait3A_218 = tpu.memref_squeeze %dma_wait3A_217 : memref<1x640x112xf32, #tpu.memory_space<hbm>> -> memref<640x112xf32, #tpu.memory_space<hbm>>
        %dma_wait3A_219 = arith.constant 7040 : i32
        %dma_wait3A_220 = arith.constant 0 : i32
        %dma_wait3A_221 = tpu.memref_slice %arg11[%dma_wait3A_219, %dma_wait3A_220] : memref<10240x112xf32, #tpu.memory_space<vmem_shared>> -> memref<640x112xf32, #tpu.memory_space<vmem_shared>>
        tpu.wait_dma2 semaphore(%run_scoped3A : memref<!tpu.dma_semaphore, #tpu.memory_space<semaphore_mem>>) src(%dma_wait3A_221 : memref<640x112xf32, #tpu.memory_space<vmem_shared>>) dst(%dma_wait3A_218 : memref<640x112xf32, #tpu.memory_space<hbm>>)
        tpu.yield
      }) : () -> ()
    } else {
    }
    %eq3A_188 = arith.constant 12 : i32
    %eq3A_189 = arith.cmpi eq, %arg1, %eq3A_188 : i32
    %convert_element_type3A_190 = arith.extui %eq3A_189 : i1 to i32
    %cond3A_191 = arith.constant 0 : i32
    %cond3A_192 = arith.cmpi ne, %convert_element_type3A_190, %cond3A_191 : i32
    scf.if %cond3A_192 {
      "tpu.region"() ({
        %run_scoped3A = tpu.sem_alloc : memref<!tpu.dma_semaphore, #tpu.memory_space<semaphore_mem>>
        %dma_start3A_208 = arith.constant 7680 : i32
        %dma_start3A_209 = arith.constant 0 : i32
        %dma_start3A_210 = tpu.memref_slice %arg6[%arg0, %dma_start3A_208, %dma_start3A_209] : memref<2x10240x112xf32, #tpu.memory_space<hbm>> -> memref<1x640x112xf32, #tpu.memory_space<hbm>>
        %dma_start3A_211 = tpu.memref_squeeze %dma_start3A_210 : memref<1x640x112xf32, #tpu.memory_space<hbm>> -> memref<640x112xf32, #tpu.memory_space<hbm>>
        %dma_start3A_212 = arith.constant 7680 : i32
        %dma_start3A_213 = arith.constant 0 : i32
        %dma_start3A_214 = tpu.memref_slice %arg11[%dma_start3A_212, %dma_start3A_213] : memref<10240x112xf32, #tpu.memory_space<vmem_shared>> -> memref<640x112xf32, #tpu.memory_space<vmem_shared>>
        tpu.enqueue_dma source(%dma_start3A_214 : memref<640x112xf32, #tpu.memory_space<vmem_shared>>) target(%dma_start3A_211 : memref<640x112xf32, #tpu.memory_space<hbm>>) target_semaphore(%run_scoped3A : memref<!tpu.dma_semaphore, #tpu.memory_space<semaphore_mem>>)
        %dma_wait3A_215 = arith.constant 7680 : i32
        %dma_wait3A_216 = arith.constant 0 : i32
        %dma_wait3A_217 = tpu.memref_slice %arg6[%arg0, %dma_wait3A_215, %dma_wait3A_216] : memref<2x10240x112xf32, #tpu.memory_space<hbm>> -> memref<1x640x112xf32, #tpu.memory_space<hbm>>
        %dma_wait3A_218 = tpu.memref_squeeze %dma_wait3A_217 : memref<1x640x112xf32, #tpu.memory_space<hbm>> -> memref<640x112xf32, #tpu.memory_space<hbm>>
        %dma_wait3A_219 = arith.constant 7680 : i32
        %dma_wait3A_220 = arith.constant 0 : i32
        %dma_wait3A_221 = tpu.memref_slice %arg11[%dma_wait3A_219, %dma_wait3A_220] : memref<10240x112xf32, #tpu.memory_space<vmem_shared>> -> memref<640x112xf32, #tpu.memory_space<vmem_shared>>
        tpu.wait_dma2 semaphore(%run_scoped3A : memref<!tpu.dma_semaphore, #tpu.memory_space<semaphore_mem>>) src(%dma_wait3A_221 : memref<640x112xf32, #tpu.memory_space<vmem_shared>>) dst(%dma_wait3A_218 : memref<640x112xf32, #tpu.memory_space<hbm>>)
        tpu.yield
      }) : () -> ()
    } else {
    }
    %eq3A_193 = arith.constant 13 : i32
    %eq3A_194 = arith.cmpi eq, %arg1, %eq3A_193 : i32
    %convert_element_type3A_195 = arith.extui %eq3A_194 : i1 to i32
    %cond3A_196 = arith.constant 0 : i32
    %cond3A_197 = arith.cmpi ne, %convert_element_type3A_195, %cond3A_196 : i32
    scf.if %cond3A_197 {
      "tpu.region"() ({
        %run_scoped3A = tpu.sem_alloc : memref<!tpu.dma_semaphore, #tpu.memory_space<semaphore_mem>>
        %dma_start3A_208 = arith.constant 8320 : i32
        %dma_start3A_209 = arith.constant 0 : i32
        %dma_start3A_210 = tpu.memref_slice %arg6[%arg0, %dma_start3A_208, %dma_start3A_209] : memref<2x10240x112xf32, #tpu.memory_space<hbm>> -> memref<1x640x112xf32, #tpu.memory_space<hbm>>
        %dma_start3A_211 = tpu.memref_squeeze %dma_start3A_210 : memref<1x640x112xf32, #tpu.memory_space<hbm>> -> memref<640x112xf32, #tpu.memory_space<hbm>>
        %dma_start3A_212 = arith.constant 8320 : i32
        %dma_start3A_213 = arith.constant 0 : i32
        %dma_start3A_214 = tpu.memref_slice %arg11[%dma_start3A_212, %dma_start3A_213] : memref<10240x112xf32, #tpu.memory_space<vmem_shared>> -> memref<640x112xf32, #tpu.memory_space<vmem_shared>>
        tpu.enqueue_dma source(%dma_start3A_214 : memref<640x112xf32, #tpu.memory_space<vmem_shared>>) target(%dma_start3A_211 : memref<640x112xf32, #tpu.memory_space<hbm>>) target_semaphore(%run_scoped3A : memref<!tpu.dma_semaphore, #tpu.memory_space<semaphore_mem>>)
        %dma_wait3A_215 = arith.constant 8320 : i32
        %dma_wait3A_216 = arith.constant 0 : i32
        %dma_wait3A_217 = tpu.memref_slice %arg6[%arg0, %dma_wait3A_215, %dma_wait3A_216] : memref<2x10240x112xf32, #tpu.memory_space<hbm>> -> memref<1x640x112xf32, #tpu.memory_space<hbm>>
        %dma_wait3A_218 = tpu.memref_squeeze %dma_wait3A_217 : memref<1x640x112xf32, #tpu.memory_space<hbm>> -> memref<640x112xf32, #tpu.memory_space<hbm>>
        %dma_wait3A_219 = arith.constant 8320 : i32
        %dma_wait3A_220 = arith.constant 0 : i32
        %dma_wait3A_221 = tpu.memref_slice %arg11[%dma_wait3A_219, %dma_wait3A_220] : memref<10240x112xf32, #tpu.memory_space<vmem_shared>> -> memref<640x112xf32, #tpu.memory_space<vmem_shared>>
        tpu.wait_dma2 semaphore(%run_scoped3A : memref<!tpu.dma_semaphore, #tpu.memory_space<semaphore_mem>>) src(%dma_wait3A_221 : memref<640x112xf32, #tpu.memory_space<vmem_shared>>) dst(%dma_wait3A_218 : memref<640x112xf32, #tpu.memory_space<hbm>>)
        tpu.yield
      }) : () -> ()
    } else {
    }
    %eq3A_198 = arith.constant 14 : i32
    %eq3A_199 = arith.cmpi eq, %arg1, %eq3A_198 : i32
    %convert_element_type3A_200 = arith.extui %eq3A_199 : i1 to i32
    %cond3A_201 = arith.constant 0 : i32
    %cond3A_202 = arith.cmpi ne, %convert_element_type3A_200, %cond3A_201 : i32
    scf.if %cond3A_202 {
      "tpu.region"() ({
        %run_scoped3A = tpu.sem_alloc : memref<!tpu.dma_semaphore, #tpu.memory_space<semaphore_mem>>
        %dma_start3A_208 = arith.constant 8960 : i32
        %dma_start3A_209 = arith.constant 0 : i32
        %dma_start3A_210 = tpu.memref_slice %arg6[%arg0, %dma_start3A_208, %dma_start3A_209] : memref<2x10240x112xf32, #tpu.memory_space<hbm>> -> memref<1x640x112xf32, #tpu.memory_space<hbm>>
        %dma_start3A_211 = tpu.memref_squeeze %dma_start3A_210 : memref<1x640x112xf32, #tpu.memory_space<hbm>> -> memref<640x112xf32, #tpu.memory_space<hbm>>
        %dma_start3A_212 = arith.constant 8960 : i32
        %dma_start3A_213 = arith.constant 0 : i32
        %dma_start3A_214 = tpu.memref_slice %arg11[%dma_start3A_212, %dma_start3A_213] : memref<10240x112xf32, #tpu.memory_space<vmem_shared>> -> memref<640x112xf32, #tpu.memory_space<vmem_shared>>
        tpu.enqueue_dma source(%dma_start3A_214 : memref<640x112xf32, #tpu.memory_space<vmem_shared>>) target(%dma_start3A_211 : memref<640x112xf32, #tpu.memory_space<hbm>>) target_semaphore(%run_scoped3A : memref<!tpu.dma_semaphore, #tpu.memory_space<semaphore_mem>>)
        %dma_wait3A_215 = arith.constant 8960 : i32
        %dma_wait3A_216 = arith.constant 0 : i32
        %dma_wait3A_217 = tpu.memref_slice %arg6[%arg0, %dma_wait3A_215, %dma_wait3A_216] : memref<2x10240x112xf32, #tpu.memory_space<hbm>> -> memref<1x640x112xf32, #tpu.memory_space<hbm>>
        %dma_wait3A_218 = tpu.memref_squeeze %dma_wait3A_217 : memref<1x640x112xf32, #tpu.memory_space<hbm>> -> memref<640x112xf32, #tpu.memory_space<hbm>>
        %dma_wait3A_219 = arith.constant 8960 : i32
        %dma_wait3A_220 = arith.constant 0 : i32
        %dma_wait3A_221 = tpu.memref_slice %arg11[%dma_wait3A_219, %dma_wait3A_220] : memref<10240x112xf32, #tpu.memory_space<vmem_shared>> -> memref<640x112xf32, #tpu.memory_space<vmem_shared>>
        tpu.wait_dma2 semaphore(%run_scoped3A : memref<!tpu.dma_semaphore, #tpu.memory_space<semaphore_mem>>) src(%dma_wait3A_221 : memref<640x112xf32, #tpu.memory_space<vmem_shared>>) dst(%dma_wait3A_218 : memref<640x112xf32, #tpu.memory_space<hbm>>)
        tpu.yield
      }) : () -> ()
    } else {
    }
    %eq3A_203 = arith.constant 15 : i32
    %eq3A_204 = arith.cmpi eq, %arg1, %eq3A_203 : i32
    %convert_element_type3A_205 = arith.extui %eq3A_204 : i1 to i32
    %cond3A_206 = arith.constant 0 : i32
    %cond3A_207 = arith.cmpi ne, %convert_element_type3A_205, %cond3A_206 : i32
    scf.if %cond3A_207 {
      "tpu.region"() ({
        %run_scoped3A = tpu.sem_alloc : memref<!tpu.dma_semaphore, #tpu.memory_space<semaphore_mem>>
        %dma_start3A_208 = arith.constant 9600 : i32
        %dma_start3A_209 = arith.constant 0 : i32
        %dma_start3A_210 = tpu.memref_slice %arg6[%arg0, %dma_start3A_208, %dma_start3A_209] : memref<2x10240x112xf32, #tpu.memory_space<hbm>> -> memref<1x640x112xf32, #tpu.memory_space<hbm>>
        %dma_start3A_211 = tpu.memref_squeeze %dma_start3A_210 : memref<1x640x112xf32, #tpu.memory_space<hbm>> -> memref<640x112xf32, #tpu.memory_space<hbm>>
        %dma_start3A_212 = arith.constant 9600 : i32
        %dma_start3A_213 = arith.constant 0 : i32
        %dma_start3A_214 = tpu.memref_slice %arg11[%dma_start3A_212, %dma_start3A_213] : memref<10240x112xf32, #tpu.memory_space<vmem_shared>> -> memref<640x112xf32, #tpu.memory_space<vmem_shared>>
        tpu.enqueue_dma source(%dma_start3A_214 : memref<640x112xf32, #tpu.memory_space<vmem_shared>>) target(%dma_start3A_211 : memref<640x112xf32, #tpu.memory_space<hbm>>) target_semaphore(%run_scoped3A : memref<!tpu.dma_semaphore, #tpu.memory_space<semaphore_mem>>)
        %dma_wait3A_215 = arith.constant 9600 : i32
        %dma_wait3A_216 = arith.constant 0 : i32
        %dma_wait3A_217 = tpu.memref_slice %arg6[%arg0, %dma_wait3A_215, %dma_wait3A_216] : memref<2x10240x112xf32, #tpu.memory_space<hbm>> -> memref<1x640x112xf32, #tpu.memory_space<hbm>>
        %dma_wait3A_218 = tpu.memref_squeeze %dma_wait3A_217 : memref<1x640x112xf32, #tpu.memory_space<hbm>> -> memref<640x112xf32, #tpu.memory_space<hbm>>
        %dma_wait3A_219 = arith.constant 9600 : i32
        %dma_wait3A_220 = arith.constant 0 : i32
        %dma_wait3A_221 = tpu.memref_slice %arg11[%dma_wait3A_219, %dma_wait3A_220] : memref<10240x112xf32, #tpu.memory_space<vmem_shared>> -> memref<640x112xf32, #tpu.memory_space<vmem_shared>>
        tpu.wait_dma2 semaphore(%run_scoped3A : memref<!tpu.dma_semaphore, #tpu.memory_space<semaphore_mem>>) src(%dma_wait3A_221 : memref<640x112xf32, #tpu.memory_space<vmem_shared>>) dst(%dma_wait3A_218 : memref<640x112xf32, #tpu.memory_space<hbm>>)
        tpu.yield
      }) : () -> ()
    } else {
    }
    return
  }
}

#map = affine_map<(d0, d1) -> (0, 0)>
#map1 = affine_map<(d0, d1) -> (0, 0, 0)>
module attributes {stable_mosaic.version = 14 : i64} {
  func.func @run(%arg0: i32, %arg1: i32, %arg2: memref<10240x112xf32, #tpu.memory_space<hbm>>, %arg3: memref<32x80x128xi32, #tpu.memory_space<hbm>>, %arg4: memref<32x80x128xi32, #tpu.memory_space<hbm>>, %arg5: memref<640x112xf32, #tpu.memory_space<hbm>>, %arg6: memref<2x10240x112xf32, #tpu.memory_space<hbm>>, %arg7: memref<80x128xi32, #tpu.memory_space<vmem>>, %arg8: memref<80x128xi32, #tpu.memory_space<vmem>>, %arg9: memref<128x112xf32, #tpu.memory_space<vmem>>, %arg10: memref<128x112xf32, #tpu.memory_space<vmem>>, %arg11: memref<10240x112xf32, #tpu.memory_space<vmem_shared>>, %arg12: memref<!tpu.dma_semaphore, #tpu.memory_space<semaphore_mem>>, %arg13: memref<!tpu.dma_semaphore, #tpu.memory_space<semaphore_mem>>, %arg14: memref<!tpu.dma_semaphore, #tpu.memory_space<semaphore_mem>>, %arg15: memref<!tpu.dma_semaphore, #tpu.memory_space<semaphore_mem>>) attributes {dimension_semantics = [#tpu.dimension_semantics<core_parallel>, #tpu.dimension_semantics<subcore_parallel>], iteration_bounds = array<i64: 2, 16>, scalar_prefetch = 0 : i64, scratch_operands = 9 : i64, tpu.core_type = #tpu.core_type<sc_vector_subcore>, window_params = [{transform_indices = #map}, {transform_indices = #map1}, {transform_indices = #map1}, {transform_indices = #map}, {transform_indices = #map1}]} {
    %mul3A = arith.constant 16 : i32
    %mul3A_0 = arith.muli %arg0, %mul3A : i32
    %add3A = arith.addi %mul3A_0, %arg1 : i32
    %eq3A = arith.constant 0 : i32
    %eq3A_1 = arith.cmpi eq, %arg1, %eq3A : i32
    %convert_element_type3A = arith.extui %eq3A_1 : i1 to i32
    %cond3A = arith.constant 0 : i32
    %cond3A_2 = arith.cmpi ne, %convert_element_type3A, %cond3A : i32
    scf.if %cond3A_2 {
      "tpu.region"() ({
        %run_scoped3A = tpu.sem_alloc : memref<!tpu.dma_semaphore, #tpu.memory_space<semaphore_mem>>
        %dma_start3A_208 = arith.constant 0 : i32
        %dma_start3A_209 = arith.constant 0 : i32
        %dma_start3A_210 = tpu.memref_slice %arg11[%dma_start3A_208, %dma_start3A_209] : memref<10240x112xf32, #tpu.memory_space<vmem_shared>> -> memref<640x112xf32, #tpu.memory_space<vmem_shared>>
        tpu.enqueue_dma source(%arg5 : memref<640x112xf32, #tpu.memory_space<hbm>>) target(%dma_start3A_210 : memref<640x112xf32, #tpu.memory_space<vmem_shared>>) target_semaphore(%run_scoped3A : memref<!tpu.dma_semaphore, #tpu.memory_space<semaphore_mem>>)
        %dma_wait3A_211 = arith.constant 0 : i32
        %dma_wait3A_212 = arith.constant 0 : i32
        %dma_wait3A_213 = tpu.memref_slice %arg11[%dma_wait3A_211, %dma_wait3A_212] : memref<10240x112xf32, #tpu.memory_space<vmem_shared>> -> memref<640x112xf32, #tpu.memory_space<vmem_shared>>
        tpu.wait_dma2 semaphore(%run_scoped3A : memref<!tpu.dma_semaphore, #tpu.memory_space<semaphore_mem>>) src(%arg5 : memref<640x112xf32, #tpu.memory_space<hbm>>) dst(%dma_wait3A_213 : memref<640x112xf32, #tpu.memory_space<vmem_shared>>)
        tpu.yield
      }) : () -> ()
    } else {
    }
    %eq3A_3 = arith.constant 1 : i32
    %eq3A_4 = arith.cmpi eq, %arg1, %eq3A_3 : i32
    %convert_element_type3A_5 = arith.extui %eq3A_4 : i1 to i32
    %cond3A_6 = arith.constant 0 : i32
    %cond3A_7 = arith.cmpi ne, %convert_element_type3A_5, %cond3A_6 : i32
    scf.if %cond3A_7 {
      "tpu.region"() ({
        %run_scoped3A = tpu.sem_alloc : memref<!tpu.dma_semaphore, #tpu.memory_space<semaphore_mem>>
        %dma_start3A_208 = arith.constant 640 : i32
        %dma_start3A_209 = arith.constant 0 : i32
        %dma_start3A_210 = tpu.memref_slice %arg11[%dma_start3A_208, %dma_start3A_209] : memref<10240x112xf32, #tpu.memory_space<vmem_shared>> -> memref<640x112xf32, #tpu.memory_space<vmem_shared>>
        tpu.enqueue_dma source(%arg5 : memref<640x112xf32, #tpu.memory_space<hbm>>) target(%dma_start3A_210 : memref<640x112xf32, #tpu.memory_space<vmem_shared>>) target_semaphore(%run_scoped3A : memref<!tpu.dma_semaphore, #tpu.memory_space<semaphore_mem>>)
        %dma_wait3A_211 = arith.constant 640 : i32
        %dma_wait3A_212 = arith.constant 0 : i32
        %dma_wait3A_213 = tpu.memref_slice %arg11[%dma_wait3A_211, %dma_wait3A_212] : memref<10240x112xf32, #tpu.memory_space<vmem_shared>> -> memref<640x112xf32, #tpu.memory_space<vmem_shared>>
        tpu.wait_dma2 semaphore(%run_scoped3A : memref<!tpu.dma_semaphore, #tpu.memory_space<semaphore_mem>>) src(%arg5 : memref<640x112xf32, #tpu.memory_space<hbm>>) dst(%dma_wait3A_213 : memref<640x112xf32, #tpu.memory_space<vmem_shared>>)
        tpu.yield
      }) : () -> ()
    } else {
    }
    %eq3A_8 = arith.constant 2 : i32
    %eq3A_9 = arith.cmpi eq, %arg1, %eq3A_8 : i32
    %convert_element_type3A_10 = arith.extui %eq3A_9 : i1 to i32
    %cond3A_11 = arith.constant 0 : i32
    %cond3A_12 = arith.cmpi ne, %convert_element_type3A_10, %cond3A_11 : i32
    scf.if %cond3A_12 {
      "tpu.region"() ({
        %run_scoped3A = tpu.sem_alloc : memref<!tpu.dma_semaphore, #tpu.memory_space<semaphore_mem>>
        %dma_start3A_208 = arith.constant 1280 : i32
        %dma_start3A_209 = arith.constant 0 : i32
        %dma_start3A_210 = tpu.memref_slice %arg11[%dma_start3A_208, %dma_start3A_209] : memref<10240x112xf32, #tpu.memory_space<vmem_shared>> -> memref<640x112xf32, #tpu.memory_space<vmem_shared>>
        tpu.enqueue_dma source(%arg5 : memref<640x112xf32, #tpu.memory_space<hbm>>) target(%dma_start3A_210 : memref<640x112xf32, #tpu.memory_space<vmem_shared>>) target_semaphore(%run_scoped3A : memref<!tpu.dma_semaphore, #tpu.memory_space<semaphore_mem>>)
        %dma_wait3A_211 = arith.constant 1280 : i32
        %dma_wait3A_212 = arith.constant 0 : i32
        %dma_wait3A_213 = tpu.memref_slice %arg11[%dma_wait3A_211, %dma_wait3A_212] : memref<10240x112xf32, #tpu.memory_space<vmem_shared>> -> memref<640x112xf32, #tpu.memory_space<vmem_shared>>
        tpu.wait_dma2 semaphore(%run_scoped3A : memref<!tpu.dma_semaphore, #tpu.memory_space<semaphore_mem>>) src(%arg5 : memref<640x112xf32, #tpu.memory_space<hbm>>) dst(%dma_wait3A_213 : memref<640x112xf32, #tpu.memory_space<vmem_shared>>)
        tpu.yield
      }) : () -> ()
    } else {
    }
    %eq3A_13 = arith.constant 3 : i32
    %eq3A_14 = arith.cmpi eq, %arg1, %eq3A_13 : i32
    %convert_element_type3A_15 = arith.extui %eq3A_14 : i1 to i32
    %cond3A_16 = arith.constant 0 : i32
    %cond3A_17 = arith.cmpi ne, %convert_element_type3A_15, %cond3A_16 : i32
    scf.if %cond3A_17 {
      "tpu.region"() ({
        %run_scoped3A = tpu.sem_alloc : memref<!tpu.dma_semaphore, #tpu.memory_space<semaphore_mem>>
        %dma_start3A_208 = arith.constant 1920 : i32
        %dma_start3A_209 = arith.constant 0 : i32
        %dma_start3A_210 = tpu.memref_slice %arg11[%dma_start3A_208, %dma_start3A_209] : memref<10240x112xf32, #tpu.memory_space<vmem_shared>> -> memref<640x112xf32, #tpu.memory_space<vmem_shared>>
        tpu.enqueue_dma source(%arg5 : memref<640x112xf32, #tpu.memory_space<hbm>>) target(%dma_start3A_210 : memref<640x112xf32, #tpu.memory_space<vmem_shared>>) target_semaphore(%run_scoped3A : memref<!tpu.dma_semaphore, #tpu.memory_space<semaphore_mem>>)
        %dma_wait3A_211 = arith.constant 1920 : i32
        %dma_wait3A_212 = arith.constant 0 : i32
        %dma_wait3A_213 = tpu.memref_slice %arg11[%dma_wait3A_211, %dma_wait3A_212] : memref<10240x112xf32, #tpu.memory_space<vmem_shared>> -> memref<640x112xf32, #tpu.memory_space<vmem_shared>>
        tpu.wait_dma2 semaphore(%run_scoped3A : memref<!tpu.dma_semaphore, #tpu.memory_space<semaphore_mem>>) src(%arg5 : memref<640x112xf32, #tpu.memory_space<hbm>>) dst(%dma_wait3A_213 : memref<640x112xf32, #tpu.memory_space<vmem_shared>>)
        tpu.yield
      }) : () -> ()
    } else {
    }
    %eq3A_18 = arith.constant 4 : i32
    %eq3A_19 = arith.cmpi eq, %arg1, %eq3A_18 : i32
    %convert_element_type3A_20 = arith.extui %eq3A_19 : i1 to i32
    %cond3A_21 = arith.constant 0 : i32
    %cond3A_22 = arith.cmpi ne, %convert_element_type3A_20, %cond3A_21 : i32
    scf.if %cond3A_22 {
      "tpu.region"() ({
        %run_scoped3A = tpu.sem_alloc : memref<!tpu.dma_semaphore, #tpu.memory_space<semaphore_mem>>
        %dma_start3A_208 = arith.constant 2560 : i32
        %dma_start3A_209 = arith.constant 0 : i32
        %dma_start3A_210 = tpu.memref_slice %arg11[%dma_start3A_208, %dma_start3A_209] : memref<10240x112xf32, #tpu.memory_space<vmem_shared>> -> memref<640x112xf32, #tpu.memory_space<vmem_shared>>
        tpu.enqueue_dma source(%arg5 : memref<640x112xf32, #tpu.memory_space<hbm>>) target(%dma_start3A_210 : memref<640x112xf32, #tpu.memory_space<vmem_shared>>) target_semaphore(%run_scoped3A : memref<!tpu.dma_semaphore, #tpu.memory_space<semaphore_mem>>)
        %dma_wait3A_211 = arith.constant 2560 : i32
        %dma_wait3A_212 = arith.constant 0 : i32
        %dma_wait3A_213 = tpu.memref_slice %arg11[%dma_wait3A_211, %dma_wait3A_212] : memref<10240x112xf32, #tpu.memory_space<vmem_shared>> -> memref<640x112xf32, #tpu.memory_space<vmem_shared>>
        tpu.wait_dma2 semaphore(%run_scoped3A : memref<!tpu.dma_semaphore, #tpu.memory_space<semaphore_mem>>) src(%arg5 : memref<640x112xf32, #tpu.memory_space<hbm>>) dst(%dma_wait3A_213 : memref<640x112xf32, #tpu.memory_space<vmem_shared>>)
        tpu.yield
      }) : () -> ()
    } else {
    }
    %eq3A_23 = arith.constant 5 : i32
    %eq3A_24 = arith.cmpi eq, %arg1, %eq3A_23 : i32
    %convert_element_type3A_25 = arith.extui %eq3A_24 : i1 to i32
    %cond3A_26 = arith.constant 0 : i32
    %cond3A_27 = arith.cmpi ne, %convert_element_type3A_25, %cond3A_26 : i32
    scf.if %cond3A_27 {
      "tpu.region"() ({
        %run_scoped3A = tpu.sem_alloc : memref<!tpu.dma_semaphore, #tpu.memory_space<semaphore_mem>>
        %dma_start3A_208 = arith.constant 3200 : i32
        %dma_start3A_209 = arith.constant 0 : i32
        %dma_start3A_210 = tpu.memref_slice %arg11[%dma_start3A_208, %dma_start3A_209] : memref<10240x112xf32, #tpu.memory_space<vmem_shared>> -> memref<640x112xf32, #tpu.memory_space<vmem_shared>>
        tpu.enqueue_dma source(%arg5 : memref<640x112xf32, #tpu.memory_space<hbm>>) target(%dma_start3A_210 : memref<640x112xf32, #tpu.memory_space<vmem_shared>>) target_semaphore(%run_scoped3A : memref<!tpu.dma_semaphore, #tpu.memory_space<semaphore_mem>>)
        %dma_wait3A_211 = arith.constant 3200 : i32
        %dma_wait3A_212 = arith.constant 0 : i32
        %dma_wait3A_213 = tpu.memref_slice %arg11[%dma_wait3A_211, %dma_wait3A_212] : memref<10240x112xf32, #tpu.memory_space<vmem_shared>> -> memref<640x112xf32, #tpu.memory_space<vmem_shared>>
        tpu.wait_dma2 semaphore(%run_scoped3A : memref<!tpu.dma_semaphore, #tpu.memory_space<semaphore_mem>>) src(%arg5 : memref<640x112xf32, #tpu.memory_space<hbm>>) dst(%dma_wait3A_213 : memref<640x112xf32, #tpu.memory_space<vmem_shared>>)
        tpu.yield
      }) : () -> ()
    } else {
    }
    %eq3A_28 = arith.constant 6 : i32
    %eq3A_29 = arith.cmpi eq, %arg1, %eq3A_28 : i32
    %convert_element_type3A_30 = arith.extui %eq3A_29 : i1 to i32
    %cond3A_31 = arith.constant 0 : i32
    %cond3A_32 = arith.cmpi ne, %convert_element_type3A_30, %cond3A_31 : i32
    scf.if %cond3A_32 {
      "tpu.region"() ({
        %run_scoped3A = tpu.sem_alloc : memref<!tpu.dma_semaphore, #tpu.memory_space<semaphore_mem>>
        %dma_start3A_208 = arith.constant 3840 : i32
        %dma_start3A_209 = arith.constant 0 : i32
        %dma_start3A_210 = tpu.memref_slice %arg11[%dma_start3A_208, %dma_start3A_209] : memref<10240x112xf32, #tpu.memory_space<vmem_shared>> -> memref<640x112xf32, #tpu.memory_space<vmem_shared>>
        tpu.enqueue_dma source(%arg5 : memref<640x112xf32, #tpu.memory_space<hbm>>) target(%dma_start3A_210 : memref<640x112xf32, #tpu.memory_space<vmem_shared>>) target_semaphore(%run_scoped3A : memref<!tpu.dma_semaphore, #tpu.memory_space<semaphore_mem>>)
        %dma_wait3A_211 = arith.constant 3840 : i32
        %dma_wait3A_212 = arith.constant 0 : i32
        %dma_wait3A_213 = tpu.memref_slice %arg11[%dma_wait3A_211, %dma_wait3A_212] : memref<10240x112xf32, #tpu.memory_space<vmem_shared>> -> memref<640x112xf32, #tpu.memory_space<vmem_shared>>
        tpu.wait_dma2 semaphore(%run_scoped3A : memref<!tpu.dma_semaphore, #tpu.memory_space<semaphore_mem>>) src(%arg5 : memref<640x112xf32, #tpu.memory_space<hbm>>) dst(%dma_wait3A_213 : memref<640x112xf32, #tpu.memory_space<vmem_shared>>)
        tpu.yield
      }) : () -> ()
    } else {
    }
    %eq3A_33 = arith.constant 7 : i32
    %eq3A_34 = arith.cmpi eq, %arg1, %eq3A_33 : i32
    %convert_element_type3A_35 = arith.extui %eq3A_34 : i1 to i32
    %cond3A_36 = arith.constant 0 : i32
    %cond3A_37 = arith.cmpi ne, %convert_element_type3A_35, %cond3A_36 : i32
    scf.if %cond3A_37 {
      "tpu.region"() ({
        %run_scoped3A = tpu.sem_alloc : memref<!tpu.dma_semaphore, #tpu.memory_space<semaphore_mem>>
        %dma_start3A_208 = arith.constant 4480 : i32
        %dma_start3A_209 = arith.constant 0 : i32
        %dma_start3A_210 = tpu.memref_slice %arg11[%dma_start3A_208, %dma_start3A_209] : memref<10240x112xf32, #tpu.memory_space<vmem_shared>> -> memref<640x112xf32, #tpu.memory_space<vmem_shared>>
        tpu.enqueue_dma source(%arg5 : memref<640x112xf32, #tpu.memory_space<hbm>>) target(%dma_start3A_210 : memref<640x112xf32, #tpu.memory_space<vmem_shared>>) target_semaphore(%run_scoped3A : memref<!tpu.dma_semaphore, #tpu.memory_space<semaphore_mem>>)
        %dma_wait3A_211 = arith.constant 4480 : i32
        %dma_wait3A_212 = arith.constant 0 : i32
        %dma_wait3A_213 = tpu.memref_slice %arg11[%dma_wait3A_211, %dma_wait3A_212] : memref<10240x112xf32, #tpu.memory_space<vmem_shared>> -> memref<640x112xf32, #tpu.memory_space<vmem_shared>>
        tpu.wait_dma2 semaphore(%run_scoped3A : memref<!tpu.dma_semaphore, #tpu.memory_space<semaphore_mem>>) src(%arg5 : memref<640x112xf32, #tpu.memory_space<hbm>>) dst(%dma_wait3A_213 : memref<640x112xf32, #tpu.memory_space<vmem_shared>>)
        tpu.yield
      }) : () -> ()
    } else {
    }
    %eq3A_38 = arith.constant 8 : i32
    %eq3A_39 = arith.cmpi eq, %arg1, %eq3A_38 : i32
    %convert_element_type3A_40 = arith.extui %eq3A_39 : i1 to i32
    %cond3A_41 = arith.constant 0 : i32
    %cond3A_42 = arith.cmpi ne, %convert_element_type3A_40, %cond3A_41 : i32
    scf.if %cond3A_42 {
      "tpu.region"() ({
        %run_scoped3A = tpu.sem_alloc : memref<!tpu.dma_semaphore, #tpu.memory_space<semaphore_mem>>
        %dma_start3A_208 = arith.constant 5120 : i32
        %dma_start3A_209 = arith.constant 0 : i32
        %dma_start3A_210 = tpu.memref_slice %arg11[%dma_start3A_208, %dma_start3A_209] : memref<10240x112xf32, #tpu.memory_space<vmem_shared>> -> memref<640x112xf32, #tpu.memory_space<vmem_shared>>
        tpu.enqueue_dma source(%arg5 : memref<640x112xf32, #tpu.memory_space<hbm>>) target(%dma_start3A_210 : memref<640x112xf32, #tpu.memory_space<vmem_shared>>) target_semaphore(%run_scoped3A : memref<!tpu.dma_semaphore, #tpu.memory_space<semaphore_mem>>)
        %dma_wait3A_211 = arith.constant 5120 : i32
        %dma_wait3A_212 = arith.constant 0 : i32
        %dma_wait3A_213 = tpu.memref_slice %arg11[%dma_wait3A_211, %dma_wait3A_212] : memref<10240x112xf32, #tpu.memory_space<vmem_shared>> -> memref<640x112xf32, #tpu.memory_space<vmem_shared>>
        tpu.wait_dma2 semaphore(%run_scoped3A : memref<!tpu.dma_semaphore, #tpu.memory_space<semaphore_mem>>) src(%arg5 : memref<640x112xf32, #tpu.memory_space<hbm>>) dst(%dma_wait3A_213 : memref<640x112xf32, #tpu.memory_space<vmem_shared>>)
        tpu.yield
      }) : () -> ()
    } else {
    }
    %eq3A_43 = arith.constant 9 : i32
    %eq3A_44 = arith.cmpi eq, %arg1, %eq3A_43 : i32
    %convert_element_type3A_45 = arith.extui %eq3A_44 : i1 to i32
    %cond3A_46 = arith.constant 0 : i32
    %cond3A_47 = arith.cmpi ne, %convert_element_type3A_45, %cond3A_46 : i32
    scf.if %cond3A_47 {
      "tpu.region"() ({
        %run_scoped3A = tpu.sem_alloc : memref<!tpu.dma_semaphore, #tpu.memory_space<semaphore_mem>>
        %dma_start3A_208 = arith.constant 5760 : i32
        %dma_start3A_209 = arith.constant 0 : i32
        %dma_start3A_210 = tpu.memref_slice %arg11[%dma_start3A_208, %dma_start3A_209] : memref<10240x112xf32, #tpu.memory_space<vmem_shared>> -> memref<640x112xf32, #tpu.memory_space<vmem_shared>>
        tpu.enqueue_dma source(%arg5 : memref<640x112xf32, #tpu.memory_space<hbm>>) target(%dma_start3A_210 : memref<640x112xf32, #tpu.memory_space<vmem_shared>>) target_semaphore(%run_scoped3A : memref<!tpu.dma_semaphore, #tpu.memory_space<semaphore_mem>>)
        %dma_wait3A_211 = arith.constant 5760 : i32
        %dma_wait3A_212 = arith.constant 0 : i32
        %dma_wait3A_213 = tpu.memref_slice %arg11[%dma_wait3A_211, %dma_wait3A_212] : memref<10240x112xf32, #tpu.memory_space<vmem_shared>> -> memref<640x112xf32, #tpu.memory_space<vmem_shared>>
        tpu.wait_dma2 semaphore(%run_scoped3A : memref<!tpu.dma_semaphore, #tpu.memory_space<semaphore_mem>>) src(%arg5 : memref<640x112xf32, #tpu.memory_space<hbm>>) dst(%dma_wait3A_213 : memref<640x112xf32, #tpu.memory_space<vmem_shared>>)
        tpu.yield
      }) : () -> ()
    } else {
    }
    %eq3A_48 = arith.constant 10 : i32
    %eq3A_49 = arith.cmpi eq, %arg1, %eq3A_48 : i32
    %convert_element_type3A_50 = arith.extui %eq3A_49 : i1 to i32
    %cond3A_51 = arith.constant 0 : i32
    %cond3A_52 = arith.cmpi ne, %convert_element_type3A_50, %cond3A_51 : i32
    scf.if %cond3A_52 {
      "tpu.region"() ({
        %run_scoped3A = tpu.sem_alloc : memref<!tpu.dma_semaphore, #tpu.memory_space<semaphore_mem>>
        %dma_start3A_208 = arith.constant 6400 : i32
        %dma_start3A_209 = arith.constant 0 : i32
        %dma_start3A_210 = tpu.memref_slice %arg11[%dma_start3A_208, %dma_start3A_209] : memref<10240x112xf32, #tpu.memory_space<vmem_shared>> -> memref<640x112xf32, #tpu.memory_space<vmem_shared>>
        tpu.enqueue_dma source(%arg5 : memref<640x112xf32, #tpu.memory_space<hbm>>) target(%dma_start3A_210 : memref<640x112xf32, #tpu.memory_space<vmem_shared>>) target_semaphore(%run_scoped3A : memref<!tpu.dma_semaphore, #tpu.memory_space<semaphore_mem>>)
        %dma_wait3A_211 = arith.constant 6400 : i32
        %dma_wait3A_212 = arith.constant 0 : i32
        %dma_wait3A_213 = tpu.memref_slice %arg11[%dma_wait3A_211, %dma_wait3A_212] : memref<10240x112xf32, #tpu.memory_space<vmem_shared>> -> memref<640x112xf32, #tpu.memory_space<vmem_shared>>
        tpu.wait_dma2 semaphore(%run_scoped3A : memref<!tpu.dma_semaphore, #tpu.memory_space<semaphore_mem>>) src(%arg5 : memref<640x112xf32, #tpu.memory_space<hbm>>) dst(%dma_wait3A_213 : memref<640x112xf32, #tpu.memory_space<vmem_shared>>)
        tpu.yield
      }) : () -> ()
    } else {
    }
    %eq3A_53 = arith.constant 11 : i32
    %eq3A_54 = arith.cmpi eq, %arg1, %eq3A_53 : i32
    %convert_element_type3A_55 = arith.extui %eq3A_54 : i1 to i32
    %cond3A_56 = arith.constant 0 : i32
    %cond3A_57 = arith.cmpi ne, %convert_element_type3A_55, %cond3A_56 : i32
    scf.if %cond3A_57 {
      "tpu.region"() ({
        %run_scoped3A = tpu.sem_alloc : memref<!tpu.dma_semaphore, #tpu.memory_space<semaphore_mem>>
        %dma_start3A_208 = arith.constant 7040 : i32
        %dma_start3A_209 = arith.constant 0 : i32
        %dma_start3A_210 = tpu.memref_slice %arg11[%dma_start3A_208, %dma_start3A_209] : memref<10240x112xf32, #tpu.memory_space<vmem_shared>> -> memref<640x112xf32, #tpu.memory_space<vmem_shared>>
        tpu.enqueue_dma source(%arg5 : memref<640x112xf32, #tpu.memory_space<hbm>>) target(%dma_start3A_210 : memref<640x112xf32, #tpu.memory_space<vmem_shared>>) target_semaphore(%run_scoped3A : memref<!tpu.dma_semaphore, #tpu.memory_space<semaphore_mem>>)
        %dma_wait3A_211 = arith.constant 7040 : i32
        %dma_wait3A_212 = arith.constant 0 : i32
        %dma_wait3A_213 = tpu.memref_slice %arg11[%dma_wait3A_211, %dma_wait3A_212] : memref<10240x112xf32, #tpu.memory_space<vmem_shared>> -> memref<640x112xf32, #tpu.memory_space<vmem_shared>>
        tpu.wait_dma2 semaphore(%run_scoped3A : memref<!tpu.dma_semaphore, #tpu.memory_space<semaphore_mem>>) src(%arg5 : memref<640x112xf32, #tpu.memory_space<hbm>>) dst(%dma_wait3A_213 : memref<640x112xf32, #tpu.memory_space<vmem_shared>>)
        tpu.yield
      }) : () -> ()
    } else {
    }
    %eq3A_58 = arith.constant 12 : i32
    %eq3A_59 = arith.cmpi eq, %arg1, %eq3A_58 : i32
    %convert_element_type3A_60 = arith.extui %eq3A_59 : i1 to i32
    %cond3A_61 = arith.constant 0 : i32
    %cond3A_62 = arith.cmpi ne, %convert_element_type3A_60, %cond3A_61 : i32
    scf.if %cond3A_62 {
      "tpu.region"() ({
        %run_scoped3A = tpu.sem_alloc : memref<!tpu.dma_semaphore, #tpu.memory_space<semaphore_mem>>
        %dma_start3A_208 = arith.constant 7680 : i32
        %dma_start3A_209 = arith.constant 0 : i32
        %dma_start3A_210 = tpu.memref_slice %arg11[%dma_start3A_208, %dma_start3A_209] : memref<10240x112xf32, #tpu.memory_space<vmem_shared>> -> memref<640x112xf32, #tpu.memory_space<vmem_shared>>
        tpu.enqueue_dma source(%arg5 : memref<640x112xf32, #tpu.memory_space<hbm>>) target(%dma_start3A_210 : memref<640x112xf32, #tpu.memory_space<vmem_shared>>) target_semaphore(%run_scoped3A : memref<!tpu.dma_semaphore, #tpu.memory_space<semaphore_mem>>)
        %dma_wait3A_211 = arith.constant 7680 : i32
        %dma_wait3A_212 = arith.constant 0 : i32
        %dma_wait3A_213 = tpu.memref_slice %arg11[%dma_wait3A_211, %dma_wait3A_212] : memref<10240x112xf32, #tpu.memory_space<vmem_shared>> -> memref<640x112xf32, #tpu.memory_space<vmem_shared>>
        tpu.wait_dma2 semaphore(%run_scoped3A : memref<!tpu.dma_semaphore, #tpu.memory_space<semaphore_mem>>) src(%arg5 : memref<640x112xf32, #tpu.memory_space<hbm>>) dst(%dma_wait3A_213 : memref<640x112xf32, #tpu.memory_space<vmem_shared>>)
        tpu.yield
      }) : () -> ()
    } else {
    }
    %eq3A_63 = arith.constant 13 : i32
    %eq3A_64 = arith.cmpi eq, %arg1, %eq3A_63 : i32
    %convert_element_type3A_65 = arith.extui %eq3A_64 : i1 to i32
    %cond3A_66 = arith.constant 0 : i32
    %cond3A_67 = arith.cmpi ne, %convert_element_type3A_65, %cond3A_66 : i32
    scf.if %cond3A_67 {
      "tpu.region"() ({
        %run_scoped3A = tpu.sem_alloc : memref<!tpu.dma_semaphore, #tpu.memory_space<semaphore_mem>>
        %dma_start3A_208 = arith.constant 8320 : i32
        %dma_start3A_209 = arith.constant 0 : i32
        %dma_start3A_210 = tpu.memref_slice %arg11[%dma_start3A_208, %dma_start3A_209] : memref<10240x112xf32, #tpu.memory_space<vmem_shared>> -> memref<640x112xf32, #tpu.memory_space<vmem_shared>>
        tpu.enqueue_dma source(%arg5 : memref<640x112xf32, #tpu.memory_space<hbm>>) target(%dma_start3A_210 : memref<640x112xf32, #tpu.memory_space<vmem_shared>>) target_semaphore(%run_scoped3A : memref<!tpu.dma_semaphore, #tpu.memory_space<semaphore_mem>>)
        %dma_wait3A_211 = arith.constant 8320 : i32
        %dma_wait3A_212 = arith.constant 0 : i32
        %dma_wait3A_213 = tpu.memref_slice %arg11[%dma_wait3A_211, %dma_wait3A_212] : memref<10240x112xf32, #tpu.memory_space<vmem_shared>> -> memref<640x112xf32, #tpu.memory_space<vmem_shared>>
        tpu.wait_dma2 semaphore(%run_scoped3A : memref<!tpu.dma_semaphore, #tpu.memory_space<semaphore_mem>>) src(%arg5 : memref<640x112xf32, #tpu.memory_space<hbm>>) dst(%dma_wait3A_213 : memref<640x112xf32, #tpu.memory_space<vmem_shared>>)
        tpu.yield
      }) : () -> ()
    } else {
    }
    %eq3A_68 = arith.constant 14 : i32
    %eq3A_69 = arith.cmpi eq, %arg1, %eq3A_68 : i32
    %convert_element_type3A_70 = arith.extui %eq3A_69 : i1 to i32
    %cond3A_71 = arith.constant 0 : i32
    %cond3A_72 = arith.cmpi ne, %convert_element_type3A_70, %cond3A_71 : i32
    scf.if %cond3A_72 {
      "tpu.region"() ({
        %run_scoped3A = tpu.sem_alloc : memref<!tpu.dma_semaphore, #tpu.memory_space<semaphore_mem>>
        %dma_start3A_208 = arith.constant 8960 : i32
        %dma_start3A_209 = arith.constant 0 : i32
        %dma_start3A_210 = tpu.memref_slice %arg11[%dma_start3A_208, %dma_start3A_209] : memref<10240x112xf32, #tpu.memory_space<vmem_shared>> -> memref<640x112xf32, #tpu.memory_space<vmem_shared>>
        tpu.enqueue_dma source(%arg5 : memref<640x112xf32, #tpu.memory_space<hbm>>) target(%dma_start3A_210 : memref<640x112xf32, #tpu.memory_space<vmem_shared>>) target_semaphore(%run_scoped3A : memref<!tpu.dma_semaphore, #tpu.memory_space<semaphore_mem>>)
        %dma_wait3A_211 = arith.constant 8960 : i32
        %dma_wait3A_212 = arith.constant 0 : i32
        %dma_wait3A_213 = tpu.memref_slice %arg11[%dma_wait3A_211, %dma_wait3A_212] : memref<10240x112xf32, #tpu.memory_space<vmem_shared>> -> memref<640x112xf32, #tpu.memory_space<vmem_shared>>
        tpu.wait_dma2 semaphore(%run_scoped3A : memref<!tpu.dma_semaphore, #tpu.memory_space<semaphore_mem>>) src(%arg5 : memref<640x112xf32, #tpu.memory_space<hbm>>) dst(%dma_wait3A_213 : memref<640x112xf32, #tpu.memory_space<vmem_shared>>)
        tpu.yield
      }) : () -> ()
    } else {
    }
    %eq3A_73 = arith.constant 15 : i32
    %eq3A_74 = arith.cmpi eq, %arg1, %eq3A_73 : i32
    %convert_element_type3A_75 = arith.extui %eq3A_74 : i1 to i32
    %cond3A_76 = arith.constant 0 : i32
    %cond3A_77 = arith.cmpi ne, %convert_element_type3A_75, %cond3A_76 : i32
    scf.if %cond3A_77 {
      "tpu.region"() ({
        %run_scoped3A = tpu.sem_alloc : memref<!tpu.dma_semaphore, #tpu.memory_space<semaphore_mem>>
        %dma_start3A_208 = arith.constant 9600 : i32
        %dma_start3A_209 = arith.constant 0 : i32
        %dma_start3A_210 = tpu.memref_slice %arg11[%dma_start3A_208, %dma_start3A_209] : memref<10240x112xf32, #tpu.memory_space<vmem_shared>> -> memref<640x112xf32, #tpu.memory_space<vmem_shared>>
        tpu.enqueue_dma source(%arg5 : memref<640x112xf32, #tpu.memory_space<hbm>>) target(%dma_start3A_210 : memref<640x112xf32, #tpu.memory_space<vmem_shared>>) target_semaphore(%run_scoped3A : memref<!tpu.dma_semaphore, #tpu.memory_space<semaphore_mem>>)
        %dma_wait3A_211 = arith.constant 9600 : i32
        %dma_wait3A_212 = arith.constant 0 : i32
        %dma_wait3A_213 = tpu.memref_slice %arg11[%dma_wait3A_211, %dma_wait3A_212] : memref<10240x112xf32, #tpu.memory_space<vmem_shared>> -> memref<640x112xf32, #tpu.memory_space<vmem_shared>>
        tpu.wait_dma2 semaphore(%run_scoped3A : memref<!tpu.dma_semaphore, #tpu.memory_space<semaphore_mem>>) src(%arg5 : memref<640x112xf32, #tpu.memory_space<hbm>>) dst(%dma_wait3A_213 : memref<640x112xf32, #tpu.memory_space<vmem_shared>>)
        tpu.yield
      }) : () -> ()
    } else {
    }
    %dma_start3A = arith.constant 0 : i32
    %dma_start3A_78 = arith.constant 0 : i32
    %dma_start3A_79 = tpu.memref_slice %arg3[%add3A, %dma_start3A, %dma_start3A_78] : memref<32x80x128xi32, #tpu.memory_space<hbm>> -> memref<1x80x128xi32, #tpu.memory_space<hbm>>
    %dma_start3A_80 = tpu.memref_squeeze %dma_start3A_79 : memref<1x80x128xi32, #tpu.memory_space<hbm>> -> memref<80x128xi32, #tpu.memory_space<hbm>>
    %dma_start3A_81 = arith.constant 0 : i32
    %dma_start3A_82 = arith.constant 0 : i32
    %dma_start3A_83 = tpu.memref_slice %arg3[%add3A, %dma_start3A_81, %dma_start3A_82] : memref<32x80x128xi32, #tpu.memory_space<hbm>> -> memref<1x80x128xi32, #tpu.memory_space<hbm>>
    %dma_start3A_84 = tpu.memref_squeeze %dma_start3A_83 : memref<1x80x128xi32, #tpu.memory_space<hbm>> -> memref<80x128xi32, #tpu.memory_space<hbm>>
    tpu.enqueue_dma source(%dma_start3A_84 : memref<80x128xi32, #tpu.memory_space<hbm>>) target(%arg7 : memref<80x128xi32, #tpu.memory_space<vmem>>) target_semaphore(%arg12 : memref<!tpu.dma_semaphore, #tpu.memory_space<semaphore_mem>>)
    %dma_start3A_85 = arith.constant 0 : i32
    %dma_start3A_86 = arith.constant 0 : i32
    %dma_start3A_87 = tpu.memref_slice %arg4[%add3A, %dma_start3A_85, %dma_start3A_86] : memref<32x80x128xi32, #tpu.memory_space<hbm>> -> memref<1x80x128xi32, #tpu.memory_space<hbm>>
    %dma_start3A_88 = tpu.memref_squeeze %dma_start3A_87 : memref<1x80x128xi32, #tpu.memory_space<hbm>> -> memref<80x128xi32, #tpu.memory_space<hbm>>
    %dma_start3A_89 = arith.constant 0 : i32
    %dma_start3A_90 = arith.constant 0 : i32
    %dma_start3A_91 = tpu.memref_slice %arg4[%add3A, %dma_start3A_89, %dma_start3A_90] : memref<32x80x128xi32, #tpu.memory_space<hbm>> -> memref<1x80x128xi32, #tpu.memory_space<hbm>>
    %dma_start3A_92 = tpu.memref_squeeze %dma_start3A_91 : memref<1x80x128xi32, #tpu.memory_space<hbm>> -> memref<80x128xi32, #tpu.memory_space<hbm>>
    tpu.enqueue_dma source(%dma_start3A_92 : memref<80x128xi32, #tpu.memory_space<hbm>>) target(%arg8 : memref<80x128xi32, #tpu.memory_space<vmem>>) target_semaphore(%arg13 : memref<!tpu.dma_semaphore, #tpu.memory_space<semaphore_mem>>)
    %barrier3A = arith.constant 0 : index
    tpu.barrier barrier_id(%barrier3A)
    %dma_wait3A = arith.constant 0 : i32
    %dma_wait3A_93 = arith.constant 0 : i32
    %dma_wait3A_94 = tpu.memref_slice %arg3[%add3A, %dma_wait3A, %dma_wait3A_93] : memref<32x80x128xi32, #tpu.memory_space<hbm>> -> memref<1x80x128xi32, #tpu.memory_space<hbm>>
    %dma_wait3A_95 = tpu.memref_squeeze %dma_wait3A_94 : memref<1x80x128xi32, #tpu.memory_space<hbm>> -> memref<80x128xi32, #tpu.memory_space<hbm>>
    %dma_wait3A_96 = arith.constant 0 : i32
    %dma_wait3A_97 = arith.constant 0 : i32
    %dma_wait3A_98 = tpu.memref_slice %arg3[%add3A, %dma_wait3A_96, %dma_wait3A_97] : memref<32x80x128xi32, #tpu.memory_space<hbm>> -> memref<1x80x128xi32, #tpu.memory_space<hbm>>
    %dma_wait3A_99 = tpu.memref_squeeze %dma_wait3A_98 : memref<1x80x128xi32, #tpu.memory_space<hbm>> -> memref<80x128xi32, #tpu.memory_space<hbm>>
    tpu.wait_dma2 semaphore(%arg12 : memref<!tpu.dma_semaphore, #tpu.memory_space<semaphore_mem>>) src(%dma_wait3A_99 : memref<80x128xi32, #tpu.memory_space<hbm>>) dst(%arg7 : memref<80x128xi32, #tpu.memory_space<vmem>>)
    %dma_wait3A_100 = arith.constant 0 : i32
    %dma_wait3A_101 = arith.constant 0 : i32
    %dma_wait3A_102 = tpu.memref_slice %arg4[%add3A, %dma_wait3A_100, %dma_wait3A_101] : memref<32x80x128xi32, #tpu.memory_space<hbm>> -> memref<1x80x128xi32, #tpu.memory_space<hbm>>
    %dma_wait3A_103 = tpu.memref_squeeze %dma_wait3A_102 : memref<1x80x128xi32, #tpu.memory_space<hbm>> -> memref<80x128xi32, #tpu.memory_space<hbm>>
    %dma_wait3A_104 = arith.constant 0 : i32
    %dma_wait3A_105 = arith.constant 0 : i32
    %dma_wait3A_106 = tpu.memref_slice %arg4[%add3A, %dma_wait3A_104, %dma_wait3A_105] : memref<32x80x128xi32, #tpu.memory_space<hbm>> -> memref<1x80x128xi32, #tpu.memory_space<hbm>>
    %dma_wait3A_107 = tpu.memref_squeeze %dma_wait3A_106 : memref<1x80x128xi32, #tpu.memory_space<hbm>> -> memref<80x128xi32, #tpu.memory_space<hbm>>
    tpu.wait_dma2 semaphore(%arg13 : memref<!tpu.dma_semaphore, #tpu.memory_space<semaphore_mem>>) src(%dma_wait3A_107 : memref<80x128xi32, #tpu.memory_space<hbm>>) dst(%arg8 : memref<80x128xi32, #tpu.memory_space<vmem>>)
    %dma_start3A_108 = arith.constant 0 : i32
    %dma_start3A_109 = arith.constant 0 : i32
    %dma_start3A_110 = tpu.memref_slice %arg7[%dma_start3A_108, %dma_start3A_109] : memref<80x128xi32, #tpu.memory_space<vmem>> -> memref<1x128xi32, #tpu.memory_space<vmem>>
    %dma_start3A_111 = tpu.memref_squeeze %dma_start3A_110 : memref<1x128xi32, #tpu.memory_space<vmem>> -> memref<128xi32, #tpu.memory_space<vmem>>
    %dma_start3A_112 = arith.constant 0 : i32
    %dma_start3A_113 = arith.constant 0 : i32
    %dma_start3A_114 = tpu.memref_slice %arg2[%dma_start3A_112, %dma_start3A_113] : memref<10240x112xf32, #tpu.memory_space<hbm>> -> memref<10240x112xf32, #tpu.memory_space<hbm>>
    tpu.enqueue_indirect_dma source(%dma_start3A_114 : memref<10240x112xf32, #tpu.memory_space<hbm>>) target(%arg9 : memref<128x112xf32, #tpu.memory_space<vmem>>) offsets(%dma_start3A_111 : memref<128xi32, #tpu.memory_space<vmem>>) semaphore(%arg12 : memref<!tpu.dma_semaphore, #tpu.memory_space<semaphore_mem>>)
    %scan3A = arith.constant 0 : i32
    %scan3A_115 = arith.constant 0 : i32
    %scan3A_116 = arith.constant 40 : i32
    %scan3A_117 = arith.addi %scan3A_115, %scan3A_116 : i32
    %scan3A_118 = arith.constant 1 : i32
    scf.for %scan3A_208 = %scan3A_115 to %scan3A_117 step %scan3A_118  : i32 {
      %mul3A_209 = arith.constant 2 : i32
      %mul3A_210 = arith.muli %mul3A_209, %scan3A_208 : i32
      %add3A_211 = arith.constant 0 : i32
      %add3A_212 = arith.addi %mul3A_210, %add3A_211 : i32
      %dma_wait3A_213 = arith.constant 0 : i32
      %dma_wait3A_214 = tpu.memref_slice %arg7[%add3A_212, %dma_wait3A_213] : memref<80x128xi32, #tpu.memory_space<vmem>> -> memref<1x128xi32, #tpu.memory_space<vmem>>
      %dma_wait3A_215 = tpu.memref_squeeze %dma_wait3A_214 : memref<1x128xi32, #tpu.memory_space<vmem>> -> memref<128xi32, #tpu.memory_space<vmem>>
      %dma_wait3A_216 = arith.constant 0 : i32
      %dma_wait3A_217 = arith.constant 0 : i32
      %dma_wait3A_218 = tpu.memref_slice %arg2[%dma_wait3A_216, %dma_wait3A_217] : memref<10240x112xf32, #tpu.memory_space<hbm>> -> memref<10240x112xf32, #tpu.memory_space<hbm>>
      tpu.wait_indirect_dma semaphore(%arg12 : memref<!tpu.dma_semaphore, #tpu.memory_space<semaphore_mem>>) src(%dma_wait3A_218 : memref<10240x112xf32, #tpu.memory_space<hbm>>) dst(%arg9 : memref<128x112xf32, #tpu.memory_space<vmem>>)
      %ge3A = arith.constant 1 : i32
      %ge3A_219 = arith.cmpi sge, %add3A_212, %ge3A : i32
      %convert_element_type3A_220 = arith.extui %ge3A_219 : i1 to i32
      %cond3A_221 = arith.constant 0 : i32
      %cond3A_222 = arith.cmpi ne, %convert_element_type3A_220, %cond3A_221 : i32
      scf.if %cond3A_222 {
        %sub3A = arith.constant 1 : i32
        %sub3A_263 = arith.subi %add3A_212, %sub3A : i32
        %dma_wait3A_264 = arith.constant 0 : i32
        %dma_wait3A_265 = tpu.memref_slice %arg8[%sub3A_263, %dma_wait3A_264] : memref<80x128xi32, #tpu.memory_space<vmem>> -> memref<1x128xi32, #tpu.memory_space<vmem>>
        %dma_wait3A_266 = tpu.memref_squeeze %dma_wait3A_265 : memref<1x128xi32, #tpu.memory_space<vmem>> -> memref<128xi32, #tpu.memory_space<vmem>>
        %dma_wait3A_267 = arith.constant 0 : i32
        %dma_wait3A_268 = arith.constant 0 : i32
        %dma_wait3A_269 = tpu.memref_slice %arg11[%dma_wait3A_267, %dma_wait3A_268] : memref<10240x112xf32, #tpu.memory_space<vmem_shared>> -> memref<10240x112xf32, #tpu.memory_space<vmem_shared>>
        tpu.wait_indirect_dma semaphore(%arg15 : memref<!tpu.dma_semaphore, #tpu.memory_space<semaphore_mem>>) src(%arg10 : memref<128x112xf32, #tpu.memory_space<vmem>>) dst(%dma_wait3A_269 : memref<10240x112xf32, #tpu.memory_space<vmem_shared>>)
      } else {
      }
      %dma_start3A_223 = arith.constant 0 : i32
      %dma_start3A_224 = tpu.memref_slice %arg8[%add3A_212, %dma_start3A_223] : memref<80x128xi32, #tpu.memory_space<vmem>> -> memref<1x128xi32, #tpu.memory_space<vmem>>
      %dma_start3A_225 = tpu.memref_squeeze %dma_start3A_224 : memref<1x128xi32, #tpu.memory_space<vmem>> -> memref<128xi32, #tpu.memory_space<vmem>>
      %dma_start3A_226 = arith.constant 0 : i32
      %dma_start3A_227 = arith.constant 0 : i32
      %dma_start3A_228 = tpu.memref_slice %arg11[%dma_start3A_226, %dma_start3A_227] : memref<10240x112xf32, #tpu.memory_space<vmem_shared>> -> memref<10240x112xf32, #tpu.memory_space<vmem_shared>>
      tpu.enqueue_indirect_dma source(%arg9 : memref<128x112xf32, #tpu.memory_space<vmem>>) target(%dma_start3A_228 : memref<10240x112xf32, #tpu.memory_space<vmem_shared>>) offsets(%dma_start3A_225 : memref<128xi32, #tpu.memory_space<vmem>>) semaphore(%arg14 : memref<!tpu.dma_semaphore, #tpu.memory_space<semaphore_mem>>) {add = true}
      %add3A_229 = arith.constant 1 : i32
      %add3A_230 = arith.addi %add3A_212, %add3A_229 : i32
      %lt3A = arith.constant 80 : i32
      %lt3A_231 = arith.cmpi slt, %add3A_230, %lt3A : i32
      %convert_element_type3A_232 = arith.extui %lt3A_231 : i1 to i32
      %cond3A_233 = arith.constant 0 : i32
      %cond3A_234 = arith.cmpi ne, %convert_element_type3A_232, %cond3A_233 : i32
      scf.if %cond3A_234 {
        %add3A_263 = arith.constant 1 : i32
        %add3A_264 = arith.addi %add3A_212, %add3A_263 : i32
        %dma_start3A_265 = arith.constant 0 : i32
        %dma_start3A_266 = tpu.memref_slice %arg7[%add3A_264, %dma_start3A_265] : memref<80x128xi32, #tpu.memory_space<vmem>> -> memref<1x128xi32, #tpu.memory_space<vmem>>
        %dma_start3A_267 = tpu.memref_squeeze %dma_start3A_266 : memref<1x128xi32, #tpu.memory_space<vmem>> -> memref<128xi32, #tpu.memory_space<vmem>>
        %dma_start3A_268 = arith.constant 0 : i32
        %dma_start3A_269 = arith.constant 0 : i32
        %dma_start3A_270 = tpu.memref_slice %arg2[%dma_start3A_268, %dma_start3A_269] : memref<10240x112xf32, #tpu.memory_space<hbm>> -> memref<10240x112xf32, #tpu.memory_space<hbm>>
        tpu.enqueue_indirect_dma source(%dma_start3A_270 : memref<10240x112xf32, #tpu.memory_space<hbm>>) target(%arg10 : memref<128x112xf32, #tpu.memory_space<vmem>>) offsets(%dma_start3A_267 : memref<128xi32, #tpu.memory_space<vmem>>) semaphore(%arg13 : memref<!tpu.dma_semaphore, #tpu.memory_space<semaphore_mem>>)
      } else {
      }
      %mul3A_235 = arith.constant 2 : i32
      %mul3A_236 = arith.muli %mul3A_235, %scan3A_208 : i32
      %add3A_237 = arith.constant 1 : i32
      %add3A_238 = arith.addi %mul3A_236, %add3A_237 : i32
      %dma_wait3A_239 = arith.constant 0 : i32
      %dma_wait3A_240 = tpu.memref_slice %arg7[%add3A_238, %dma_wait3A_239] : memref<80x128xi32, #tpu.memory_space<vmem>> -> memref<1x128xi32, #tpu.memory_space<vmem>>
      %dma_wait3A_241 = tpu.memref_squeeze %dma_wait3A_240 : memref<1x128xi32, #tpu.memory_space<vmem>> -> memref<128xi32, #tpu.memory_space<vmem>>
      %dma_wait3A_242 = arith.constant 0 : i32
      %dma_wait3A_243 = arith.constant 0 : i32
      %dma_wait3A_244 = tpu.memref_slice %arg2[%dma_wait3A_242, %dma_wait3A_243] : memref<10240x112xf32, #tpu.memory_space<hbm>> -> memref<10240x112xf32, #tpu.memory_space<hbm>>
      tpu.wait_indirect_dma semaphore(%arg13 : memref<!tpu.dma_semaphore, #tpu.memory_space<semaphore_mem>>) src(%dma_wait3A_244 : memref<10240x112xf32, #tpu.memory_space<hbm>>) dst(%arg10 : memref<128x112xf32, #tpu.memory_space<vmem>>)
      %ge3A_245 = arith.constant 1 : i32
      %ge3A_246 = arith.cmpi sge, %add3A_238, %ge3A_245 : i32
      %convert_element_type3A_247 = arith.extui %ge3A_246 : i1 to i32
      %cond3A_248 = arith.constant 0 : i32
      %cond3A_249 = arith.cmpi ne, %convert_element_type3A_247, %cond3A_248 : i32
      scf.if %cond3A_249 {
        %sub3A = arith.constant 1 : i32
        %sub3A_263 = arith.subi %add3A_238, %sub3A : i32
        %dma_wait3A_264 = arith.constant 0 : i32
        %dma_wait3A_265 = tpu.memref_slice %arg8[%sub3A_263, %dma_wait3A_264] : memref<80x128xi32, #tpu.memory_space<vmem>> -> memref<1x128xi32, #tpu.memory_space<vmem>>
        %dma_wait3A_266 = tpu.memref_squeeze %dma_wait3A_265 : memref<1x128xi32, #tpu.memory_space<vmem>> -> memref<128xi32, #tpu.memory_space<vmem>>
        %dma_wait3A_267 = arith.constant 0 : i32
        %dma_wait3A_268 = arith.constant 0 : i32
        %dma_wait3A_269 = tpu.memref_slice %arg11[%dma_wait3A_267, %dma_wait3A_268] : memref<10240x112xf32, #tpu.memory_space<vmem_shared>> -> memref<10240x112xf32, #tpu.memory_space<vmem_shared>>
        tpu.wait_indirect_dma semaphore(%arg14 : memref<!tpu.dma_semaphore, #tpu.memory_space<semaphore_mem>>) src(%arg9 : memref<128x112xf32, #tpu.memory_space<vmem>>) dst(%dma_wait3A_269 : memref<10240x112xf32, #tpu.memory_space<vmem_shared>>)
      } else {
      }
      %dma_start3A_250 = arith.constant 0 : i32
      %dma_start3A_251 = tpu.memref_slice %arg8[%add3A_238, %dma_start3A_250] : memref<80x128xi32, #tpu.memory_space<vmem>> -> memref<1x128xi32, #tpu.memory_space<vmem>>
      %dma_start3A_252 = tpu.memref_squeeze %dma_start3A_251 : memref<1x128xi32, #tpu.memory_space<vmem>> -> memref<128xi32, #tpu.memory_space<vmem>>
      %dma_start3A_253 = arith.constant 0 : i32
      %dma_start3A_254 = arith.constant 0 : i32
      %dma_start3A_255 = tpu.memref_slice %arg11[%dma_start3A_253, %dma_start3A_254] : memref<10240x112xf32, #tpu.memory_space<vmem_shared>> -> memref<10240x112xf32, #tpu.memory_space<vmem_shared>>
      tpu.enqueue_indirect_dma source(%arg10 : memref<128x112xf32, #tpu.memory_space<vmem>>) target(%dma_start3A_255 : memref<10240x112xf32, #tpu.memory_space<vmem_shared>>) offsets(%dma_start3A_252 : memref<128xi32, #tpu.memory_space<vmem>>) semaphore(%arg15 : memref<!tpu.dma_semaphore, #tpu.memory_space<semaphore_mem>>) {add = true}
      %add3A_256 = arith.constant 1 : i32
      %add3A_257 = arith.addi %add3A_238, %add3A_256 : i32
      %lt3A_258 = arith.constant 80 : i32
      %lt3A_259 = arith.cmpi slt, %add3A_257, %lt3A_258 : i32
      %convert_element_type3A_260 = arith.extui %lt3A_259 : i1 to i32
      %cond3A_261 = arith.constant 0 : i32
      %cond3A_262 = arith.cmpi ne, %convert_element_type3A_260, %cond3A_261 : i32
      scf.if %cond3A_262 {
        %add3A_263 = arith.constant 1 : i32
        %add3A_264 = arith.addi %add3A_238, %add3A_263 : i32
        %dma_start3A_265 = arith.constant 0 : i32
        %dma_start3A_266 = tpu.memref_slice %arg7[%add3A_264, %dma_start3A_265] : memref<80x128xi32, #tpu.memory_space<vmem>> -> memref<1x128xi32, #tpu.memory_space<vmem>>
        %dma_start3A_267 = tpu.memref_squeeze %dma_start3A_266 : memref<1x128xi32, #tpu.memory_space<vmem>> -> memref<128xi32, #tpu.memory_space<vmem>>
        %dma_start3A_268 = arith.constant 0 : i32
        %dma_start3A_269 = arith.constant 0 : i32
        %dma_start3A_270 = tpu.memref_slice %arg2[%dma_start3A_268, %dma_start3A_269] : memref<10240x112xf32, #tpu.memory_space<hbm>> -> memref<10240x112xf32, #tpu.memory_space<hbm>>
        tpu.enqueue_indirect_dma source(%dma_start3A_270 : memref<10240x112xf32, #tpu.memory_space<hbm>>) target(%arg9 : memref<128x112xf32, #tpu.memory_space<vmem>>) offsets(%dma_start3A_267 : memref<128xi32, #tpu.memory_space<vmem>>) semaphore(%arg12 : memref<!tpu.dma_semaphore, #tpu.memory_space<semaphore_mem>>)
      } else {
      }
    }
    %scan3A_119 = arith.constant 40 : i32
    %dma_wait3A_120 = arith.constant 79 : i32
    %dma_wait3A_121 = arith.constant 0 : i32
    %dma_wait3A_122 = tpu.memref_slice %arg8[%dma_wait3A_120, %dma_wait3A_121] : memref<80x128xi32, #tpu.memory_space<vmem>> -> memref<1x128xi32, #tpu.memory_space<vmem>>
    %dma_wait3A_123 = tpu.memref_squeeze %dma_wait3A_122 : memref<1x128xi32, #tpu.memory_space<vmem>> -> memref<128xi32, #tpu.memory_space<vmem>>
    %dma_wait3A_124 = arith.constant 0 : i32
    %dma_wait3A_125 = arith.constant 0 : i32
    %dma_wait3A_126 = tpu.memref_slice %arg11[%dma_wait3A_124, %dma_wait3A_125] : memref<10240x112xf32, #tpu.memory_space<vmem_shared>> -> memref<10240x112xf32, #tpu.memory_space<vmem_shared>>
    tpu.wait_indirect_dma semaphore(%arg15 : memref<!tpu.dma_semaphore, #tpu.memory_space<semaphore_mem>>) src(%arg10 : memref<128x112xf32, #tpu.memory_space<vmem>>) dst(%dma_wait3A_126 : memref<10240x112xf32, #tpu.memory_space<vmem_shared>>)
    %barrier3A_127 = arith.constant 0 : index
    tpu.barrier barrier_id(%barrier3A_127)
    %eq3A_128 = arith.constant 0 : i32
    %eq3A_129 = arith.cmpi eq, %arg1, %eq3A_128 : i32
    %convert_element_type3A_130 = arith.extui %eq3A_129 : i1 to i32
    %cond3A_131 = arith.constant 0 : i32
    %cond3A_132 = arith.cmpi ne, %convert_element_type3A_130, %cond3A_131 : i32
    scf.if %cond3A_132 {
      "tpu.region"() ({
        %run_scoped3A = tpu.sem_alloc : memref<!tpu.dma_semaphore, #tpu.memory_space<semaphore_mem>>
        %dma_start3A_208 = arith.constant 0 : i32
        %dma_start3A_209 = arith.constant 0 : i32
        %dma_start3A_210 = tpu.memref_slice %arg6[%arg0, %dma_start3A_208, %dma_start3A_209] : memref<2x10240x112xf32, #tpu.memory_space<hbm>> -> memref<1x640x112xf32, #tpu.memory_space<hbm>>
        %dma_start3A_211 = tpu.memref_squeeze %dma_start3A_210 : memref<1x640x112xf32, #tpu.memory_space<hbm>> -> memref<640x112xf32, #tpu.memory_space<hbm>>
        %dma_start3A_212 = arith.constant 0 : i32
        %dma_start3A_213 = arith.constant 0 : i32
        %dma_start3A_214 = tpu.memref_slice %arg11[%dma_start3A_212, %dma_start3A_213] : memref<10240x112xf32, #tpu.memory_space<vmem_shared>> -> memref<640x112xf32, #tpu.memory_space<vmem_shared>>
        tpu.enqueue_dma source(%dma_start3A_214 : memref<640x112xf32, #tpu.memory_space<vmem_shared>>) target(%dma_start3A_211 : memref<640x112xf32, #tpu.memory_space<hbm>>) target_semaphore(%run_scoped3A : memref<!tpu.dma_semaphore, #tpu.memory_space<semaphore_mem>>)
        %dma_wait3A_215 = arith.constant 0 : i32
        %dma_wait3A_216 = arith.constant 0 : i32
        %dma_wait3A_217 = tpu.memref_slice %arg6[%arg0, %dma_wait3A_215, %dma_wait3A_216] : memref<2x10240x112xf32, #tpu.memory_space<hbm>> -> memref<1x640x112xf32, #tpu.memory_space<hbm>>
        %dma_wait3A_218 = tpu.memref_squeeze %dma_wait3A_217 : memref<1x640x112xf32, #tpu.memory_space<hbm>> -> memref<640x112xf32, #tpu.memory_space<hbm>>
        %dma_wait3A_219 = arith.constant 0 : i32
        %dma_wait3A_220 = arith.constant 0 : i32
        %dma_wait3A_221 = tpu.memref_slice %arg11[%dma_wait3A_219, %dma_wait3A_220] : memref<10240x112xf32, #tpu.memory_space<vmem_shared>> -> memref<640x112xf32, #tpu.memory_space<vmem_shared>>
        tpu.wait_dma2 semaphore(%run_scoped3A : memref<!tpu.dma_semaphore, #tpu.memory_space<semaphore_mem>>) src(%dma_wait3A_221 : memref<640x112xf32, #tpu.memory_space<vmem_shared>>) dst(%dma_wait3A_218 : memref<640x112xf32, #tpu.memory_space<hbm>>)
        tpu.yield
      }) : () -> ()
    } else {
    }
    %eq3A_133 = arith.constant 1 : i32
    %eq3A_134 = arith.cmpi eq, %arg1, %eq3A_133 : i32
    %convert_element_type3A_135 = arith.extui %eq3A_134 : i1 to i32
    %cond3A_136 = arith.constant 0 : i32
    %cond3A_137 = arith.cmpi ne, %convert_element_type3A_135, %cond3A_136 : i32
    scf.if %cond3A_137 {
      "tpu.region"() ({
        %run_scoped3A = tpu.sem_alloc : memref<!tpu.dma_semaphore, #tpu.memory_space<semaphore_mem>>
        %dma_start3A_208 = arith.constant 640 : i32
        %dma_start3A_209 = arith.constant 0 : i32
        %dma_start3A_210 = tpu.memref_slice %arg6[%arg0, %dma_start3A_208, %dma_start3A_209] : memref<2x10240x112xf32, #tpu.memory_space<hbm>> -> memref<1x640x112xf32, #tpu.memory_space<hbm>>
        %dma_start3A_211 = tpu.memref_squeeze %dma_start3A_210 : memref<1x640x112xf32, #tpu.memory_space<hbm>> -> memref<640x112xf32, #tpu.memory_space<hbm>>
        %dma_start3A_212 = arith.constant 640 : i32
        %dma_start3A_213 = arith.constant 0 : i32
        %dma_start3A_214 = tpu.memref_slice %arg11[%dma_start3A_212, %dma_start3A_213] : memref<10240x112xf32, #tpu.memory_space<vmem_shared>> -> memref<640x112xf32, #tpu.memory_space<vmem_shared>>
        tpu.enqueue_dma source(%dma_start3A_214 : memref<640x112xf32, #tpu.memory_space<vmem_shared>>) target(%dma_start3A_211 : memref<640x112xf32, #tpu.memory_space<hbm>>) target_semaphore(%run_scoped3A : memref<!tpu.dma_semaphore, #tpu.memory_space<semaphore_mem>>)
        %dma_wait3A_215 = arith.constant 640 : i32
        %dma_wait3A_216 = arith.constant 0 : i32
        %dma_wait3A_217 = tpu.memref_slice %arg6[%arg0, %dma_wait3A_215, %dma_wait3A_216] : memref<2x10240x112xf32, #tpu.memory_space<hbm>> -> memref<1x640x112xf32, #tpu.memory_space<hbm>>
        %dma_wait3A_218 = tpu.memref_squeeze %dma_wait3A_217 : memref<1x640x112xf32, #tpu.memory_space<hbm>> -> memref<640x112xf32, #tpu.memory_space<hbm>>
        %dma_wait3A_219 = arith.constant 640 : i32
        %dma_wait3A_220 = arith.constant 0 : i32
        %dma_wait3A_221 = tpu.memref_slice %arg11[%dma_wait3A_219, %dma_wait3A_220] : memref<10240x112xf32, #tpu.memory_space<vmem_shared>> -> memref<640x112xf32, #tpu.memory_space<vmem_shared>>
        tpu.wait_dma2 semaphore(%run_scoped3A : memref<!tpu.dma_semaphore, #tpu.memory_space<semaphore_mem>>) src(%dma_wait3A_221 : memref<640x112xf32, #tpu.memory_space<vmem_shared>>) dst(%dma_wait3A_218 : memref<640x112xf32, #tpu.memory_space<hbm>>)
        tpu.yield
      }) : () -> ()
    } else {
    }
    %eq3A_138 = arith.constant 2 : i32
    %eq3A_139 = arith.cmpi eq, %arg1, %eq3A_138 : i32
    %convert_element_type3A_140 = arith.extui %eq3A_139 : i1 to i32
    %cond3A_141 = arith.constant 0 : i32
    %cond3A_142 = arith.cmpi ne, %convert_element_type3A_140, %cond3A_141 : i32
    scf.if %cond3A_142 {
      "tpu.region"() ({
        %run_scoped3A = tpu.sem_alloc : memref<!tpu.dma_semaphore, #tpu.memory_space<semaphore_mem>>
        %dma_start3A_208 = arith.constant 1280 : i32
        %dma_start3A_209 = arith.constant 0 : i32
        %dma_start3A_210 = tpu.memref_slice %arg6[%arg0, %dma_start3A_208, %dma_start3A_209] : memref<2x10240x112xf32, #tpu.memory_space<hbm>> -> memref<1x640x112xf32, #tpu.memory_space<hbm>>
        %dma_start3A_211 = tpu.memref_squeeze %dma_start3A_210 : memref<1x640x112xf32, #tpu.memory_space<hbm>> -> memref<640x112xf32, #tpu.memory_space<hbm>>
        %dma_start3A_212 = arith.constant 1280 : i32
        %dma_start3A_213 = arith.constant 0 : i32
        %dma_start3A_214 = tpu.memref_slice %arg11[%dma_start3A_212, %dma_start3A_213] : memref<10240x112xf32, #tpu.memory_space<vmem_shared>> -> memref<640x112xf32, #tpu.memory_space<vmem_shared>>
        tpu.enqueue_dma source(%dma_start3A_214 : memref<640x112xf32, #tpu.memory_space<vmem_shared>>) target(%dma_start3A_211 : memref<640x112xf32, #tpu.memory_space<hbm>>) target_semaphore(%run_scoped3A : memref<!tpu.dma_semaphore, #tpu.memory_space<semaphore_mem>>)
        %dma_wait3A_215 = arith.constant 1280 : i32
        %dma_wait3A_216 = arith.constant 0 : i32
        %dma_wait3A_217 = tpu.memref_slice %arg6[%arg0, %dma_wait3A_215, %dma_wait3A_216] : memref<2x10240x112xf32, #tpu.memory_space<hbm>> -> memref<1x640x112xf32, #tpu.memory_space<hbm>>
        %dma_wait3A_218 = tpu.memref_squeeze %dma_wait3A_217 : memref<1x640x112xf32, #tpu.memory_space<hbm>> -> memref<640x112xf32, #tpu.memory_space<hbm>>
        %dma_wait3A_219 = arith.constant 1280 : i32
        %dma_wait3A_220 = arith.constant 0 : i32
        %dma_wait3A_221 = tpu.memref_slice %arg11[%dma_wait3A_219, %dma_wait3A_220] : memref<10240x112xf32, #tpu.memory_space<vmem_shared>> -> memref<640x112xf32, #tpu.memory_space<vmem_shared>>
        tpu.wait_dma2 semaphore(%run_scoped3A : memref<!tpu.dma_semaphore, #tpu.memory_space<semaphore_mem>>) src(%dma_wait3A_221 : memref<640x112xf32, #tpu.memory_space<vmem_shared>>) dst(%dma_wait3A_218 : memref<640x112xf32, #tpu.memory_space<hbm>>)
        tpu.yield
      }) : () -> ()
    } else {
    }
    %eq3A_143 = arith.constant 3 : i32
    %eq3A_144 = arith.cmpi eq, %arg1, %eq3A_143 : i32
    %convert_element_type3A_145 = arith.extui %eq3A_144 : i1 to i32
    %cond3A_146 = arith.constant 0 : i32
    %cond3A_147 = arith.cmpi ne, %convert_element_type3A_145, %cond3A_146 : i32
    scf.if %cond3A_147 {
      "tpu.region"() ({
        %run_scoped3A = tpu.sem_alloc : memref<!tpu.dma_semaphore, #tpu.memory_space<semaphore_mem>>
        %dma_start3A_208 = arith.constant 1920 : i32
        %dma_start3A_209 = arith.constant 0 : i32
        %dma_start3A_210 = tpu.memref_slice %arg6[%arg0, %dma_start3A_208, %dma_start3A_209] : memref<2x10240x112xf32, #tpu.memory_space<hbm>> -> memref<1x640x112xf32, #tpu.memory_space<hbm>>
        %dma_start3A_211 = tpu.memref_squeeze %dma_start3A_210 : memref<1x640x112xf32, #tpu.memory_space<hbm>> -> memref<640x112xf32, #tpu.memory_space<hbm>>
        %dma_start3A_212 = arith.constant 1920 : i32
        %dma_start3A_213 = arith.constant 0 : i32
        %dma_start3A_214 = tpu.memref_slice %arg11[%dma_start3A_212, %dma_start3A_213] : memref<10240x112xf32, #tpu.memory_space<vmem_shared>> -> memref<640x112xf32, #tpu.memory_space<vmem_shared>>
        tpu.enqueue_dma source(%dma_start3A_214 : memref<640x112xf32, #tpu.memory_space<vmem_shared>>) target(%dma_start3A_211 : memref<640x112xf32, #tpu.memory_space<hbm>>) target_semaphore(%run_scoped3A : memref<!tpu.dma_semaphore, #tpu.memory_space<semaphore_mem>>)
        %dma_wait3A_215 = arith.constant 1920 : i32
        %dma_wait3A_216 = arith.constant 0 : i32
        %dma_wait3A_217 = tpu.memref_slice %arg6[%arg0, %dma_wait3A_215, %dma_wait3A_216] : memref<2x10240x112xf32, #tpu.memory_space<hbm>> -> memref<1x640x112xf32, #tpu.memory_space<hbm>>
        %dma_wait3A_218 = tpu.memref_squeeze %dma_wait3A_217 : memref<1x640x112xf32, #tpu.memory_space<hbm>> -> memref<640x112xf32, #tpu.memory_space<hbm>>
        %dma_wait3A_219 = arith.constant 1920 : i32
        %dma_wait3A_220 = arith.constant 0 : i32
        %dma_wait3A_221 = tpu.memref_slice %arg11[%dma_wait3A_219, %dma_wait3A_220] : memref<10240x112xf32, #tpu.memory_space<vmem_shared>> -> memref<640x112xf32, #tpu.memory_space<vmem_shared>>
        tpu.wait_dma2 semaphore(%run_scoped3A : memref<!tpu.dma_semaphore, #tpu.memory_space<semaphore_mem>>) src(%dma_wait3A_221 : memref<640x112xf32, #tpu.memory_space<vmem_shared>>) dst(%dma_wait3A_218 : memref<640x112xf32, #tpu.memory_space<hbm>>)
        tpu.yield
      }) : () -> ()
    } else {
    }
    %eq3A_148 = arith.constant 4 : i32
    %eq3A_149 = arith.cmpi eq, %arg1, %eq3A_148 : i32
    %convert_element_type3A_150 = arith.extui %eq3A_149 : i1 to i32
    %cond3A_151 = arith.constant 0 : i32
    %cond3A_152 = arith.cmpi ne, %convert_element_type3A_150, %cond3A_151 : i32
    scf.if %cond3A_152 {
      "tpu.region"() ({
        %run_scoped3A = tpu.sem_alloc : memref<!tpu.dma_semaphore, #tpu.memory_space<semaphore_mem>>
        %dma_start3A_208 = arith.constant 2560 : i32
        %dma_start3A_209 = arith.constant 0 : i32
        %dma_start3A_210 = tpu.memref_slice %arg6[%arg0, %dma_start3A_208, %dma_start3A_209] : memref<2x10240x112xf32, #tpu.memory_space<hbm>> -> memref<1x640x112xf32, #tpu.memory_space<hbm>>
        %dma_start3A_211 = tpu.memref_squeeze %dma_start3A_210 : memref<1x640x112xf32, #tpu.memory_space<hbm>> -> memref<640x112xf32, #tpu.memory_space<hbm>>
        %dma_start3A_212 = arith.constant 2560 : i32
        %dma_start3A_213 = arith.constant 0 : i32
        %dma_start3A_214 = tpu.memref_slice %arg11[%dma_start3A_212, %dma_start3A_213] : memref<10240x112xf32, #tpu.memory_space<vmem_shared>> -> memref<640x112xf32, #tpu.memory_space<vmem_shared>>
        tpu.enqueue_dma source(%dma_start3A_214 : memref<640x112xf32, #tpu.memory_space<vmem_shared>>) target(%dma_start3A_211 : memref<640x112xf32, #tpu.memory_space<hbm>>) target_semaphore(%run_scoped3A : memref<!tpu.dma_semaphore, #tpu.memory_space<semaphore_mem>>)
        %dma_wait3A_215 = arith.constant 2560 : i32
        %dma_wait3A_216 = arith.constant 0 : i32
        %dma_wait3A_217 = tpu.memref_slice %arg6[%arg0, %dma_wait3A_215, %dma_wait3A_216] : memref<2x10240x112xf32, #tpu.memory_space<hbm>> -> memref<1x640x112xf32, #tpu.memory_space<hbm>>
        %dma_wait3A_218 = tpu.memref_squeeze %dma_wait3A_217 : memref<1x640x112xf32, #tpu.memory_space<hbm>> -> memref<640x112xf32, #tpu.memory_space<hbm>>
        %dma_wait3A_219 = arith.constant 2560 : i32
        %dma_wait3A_220 = arith.constant 0 : i32
        %dma_wait3A_221 = tpu.memref_slice %arg11[%dma_wait3A_219, %dma_wait3A_220] : memref<10240x112xf32, #tpu.memory_space<vmem_shared>> -> memref<640x112xf32, #tpu.memory_space<vmem_shared>>
        tpu.wait_dma2 semaphore(%run_scoped3A : memref<!tpu.dma_semaphore, #tpu.memory_space<semaphore_mem>>) src(%dma_wait3A_221 : memref<640x112xf32, #tpu.memory_space<vmem_shared>>) dst(%dma_wait3A_218 : memref<640x112xf32, #tpu.memory_space<hbm>>)
        tpu.yield
      }) : () -> ()
    } else {
    }
    %eq3A_153 = arith.constant 5 : i32
    %eq3A_154 = arith.cmpi eq, %arg1, %eq3A_153 : i32
    %convert_element_type3A_155 = arith.extui %eq3A_154 : i1 to i32
    %cond3A_156 = arith.constant 0 : i32
    %cond3A_157 = arith.cmpi ne, %convert_element_type3A_155, %cond3A_156 : i32
    scf.if %cond3A_157 {
      "tpu.region"() ({
        %run_scoped3A = tpu.sem_alloc : memref<!tpu.dma_semaphore, #tpu.memory_space<semaphore_mem>>
        %dma_start3A_208 = arith.constant 3200 : i32
        %dma_start3A_209 = arith.constant 0 : i32
        %dma_start3A_210 = tpu.memref_slice %arg6[%arg0, %dma_start3A_208, %dma_start3A_209] : memref<2x10240x112xf32, #tpu.memory_space<hbm>> -> memref<1x640x112xf32, #tpu.memory_space<hbm>>
        %dma_start3A_211 = tpu.memref_squeeze %dma_start3A_210 : memref<1x640x112xf32, #tpu.memory_space<hbm>> -> memref<640x112xf32, #tpu.memory_space<hbm>>
        %dma_start3A_212 = arith.constant 3200 : i32
        %dma_start3A_213 = arith.constant 0 : i32
        %dma_start3A_214 = tpu.memref_slice %arg11[%dma_start3A_212, %dma_start3A_213] : memref<10240x112xf32, #tpu.memory_space<vmem_shared>> -> memref<640x112xf32, #tpu.memory_space<vmem_shared>>
        tpu.enqueue_dma source(%dma_start3A_214 : memref<640x112xf32, #tpu.memory_space<vmem_shared>>) target(%dma_start3A_211 : memref<640x112xf32, #tpu.memory_space<hbm>>) target_semaphore(%run_scoped3A : memref<!tpu.dma_semaphore, #tpu.memory_space<semaphore_mem>>)
        %dma_wait3A_215 = arith.constant 3200 : i32
        %dma_wait3A_216 = arith.constant 0 : i32
        %dma_wait3A_217 = tpu.memref_slice %arg6[%arg0, %dma_wait3A_215, %dma_wait3A_216] : memref<2x10240x112xf32, #tpu.memory_space<hbm>> -> memref<1x640x112xf32, #tpu.memory_space<hbm>>
        %dma_wait3A_218 = tpu.memref_squeeze %dma_wait3A_217 : memref<1x640x112xf32, #tpu.memory_space<hbm>> -> memref<640x112xf32, #tpu.memory_space<hbm>>
        %dma_wait3A_219 = arith.constant 3200 : i32
        %dma_wait3A_220 = arith.constant 0 : i32
        %dma_wait3A_221 = tpu.memref_slice %arg11[%dma_wait3A_219, %dma_wait3A_220] : memref<10240x112xf32, #tpu.memory_space<vmem_shared>> -> memref<640x112xf32, #tpu.memory_space<vmem_shared>>
        tpu.wait_dma2 semaphore(%run_scoped3A : memref<!tpu.dma_semaphore, #tpu.memory_space<semaphore_mem>>) src(%dma_wait3A_221 : memref<640x112xf32, #tpu.memory_space<vmem_shared>>) dst(%dma_wait3A_218 : memref<640x112xf32, #tpu.memory_space<hbm>>)
        tpu.yield
      }) : () -> ()
    } else {
    }
    %eq3A_158 = arith.constant 6 : i32
    %eq3A_159 = arith.cmpi eq, %arg1, %eq3A_158 : i32
    %convert_element_type3A_160 = arith.extui %eq3A_159 : i1 to i32
    %cond3A_161 = arith.constant 0 : i32
    %cond3A_162 = arith.cmpi ne, %convert_element_type3A_160, %cond3A_161 : i32
    scf.if %cond3A_162 {
      "tpu.region"() ({
        %run_scoped3A = tpu.sem_alloc : memref<!tpu.dma_semaphore, #tpu.memory_space<semaphore_mem>>
        %dma_start3A_208 = arith.constant 3840 : i32
        %dma_start3A_209 = arith.constant 0 : i32
        %dma_start3A_210 = tpu.memref_slice %arg6[%arg0, %dma_start3A_208, %dma_start3A_209] : memref<2x10240x112xf32, #tpu.memory_space<hbm>> -> memref<1x640x112xf32, #tpu.memory_space<hbm>>
        %dma_start3A_211 = tpu.memref_squeeze %dma_start3A_210 : memref<1x640x112xf32, #tpu.memory_space<hbm>> -> memref<640x112xf32, #tpu.memory_space<hbm>>
        %dma_start3A_212 = arith.constant 3840 : i32
        %dma_start3A_213 = arith.constant 0 : i32
        %dma_start3A_214 = tpu.memref_slice %arg11[%dma_start3A_212, %dma_start3A_213] : memref<10240x112xf32, #tpu.memory_space<vmem_shared>> -> memref<640x112xf32, #tpu.memory_space<vmem_shared>>
        tpu.enqueue_dma source(%dma_start3A_214 : memref<640x112xf32, #tpu.memory_space<vmem_shared>>) target(%dma_start3A_211 : memref<640x112xf32, #tpu.memory_space<hbm>>) target_semaphore(%run_scoped3A : memref<!tpu.dma_semaphore, #tpu.memory_space<semaphore_mem>>)
        %dma_wait3A_215 = arith.constant 3840 : i32
        %dma_wait3A_216 = arith.constant 0 : i32
        %dma_wait3A_217 = tpu.memref_slice %arg6[%arg0, %dma_wait3A_215, %dma_wait3A_216] : memref<2x10240x112xf32, #tpu.memory_space<hbm>> -> memref<1x640x112xf32, #tpu.memory_space<hbm>>
        %dma_wait3A_218 = tpu.memref_squeeze %dma_wait3A_217 : memref<1x640x112xf32, #tpu.memory_space<hbm>> -> memref<640x112xf32, #tpu.memory_space<hbm>>
        %dma_wait3A_219 = arith.constant 3840 : i32
        %dma_wait3A_220 = arith.constant 0 : i32
        %dma_wait3A_221 = tpu.memref_slice %arg11[%dma_wait3A_219, %dma_wait3A_220] : memref<10240x112xf32, #tpu.memory_space<vmem_shared>> -> memref<640x112xf32, #tpu.memory_space<vmem_shared>>
        tpu.wait_dma2 semaphore(%run_scoped3A : memref<!tpu.dma_semaphore, #tpu.memory_space<semaphore_mem>>) src(%dma_wait3A_221 : memref<640x112xf32, #tpu.memory_space<vmem_shared>>) dst(%dma_wait3A_218 : memref<640x112xf32, #tpu.memory_space<hbm>>)
        tpu.yield
      }) : () -> ()
    } else {
    }
    %eq3A_163 = arith.constant 7 : i32
    %eq3A_164 = arith.cmpi eq, %arg1, %eq3A_163 : i32
    %convert_element_type3A_165 = arith.extui %eq3A_164 : i1 to i32
    %cond3A_166 = arith.constant 0 : i32
    %cond3A_167 = arith.cmpi ne, %convert_element_type3A_165, %cond3A_166 : i32
    scf.if %cond3A_167 {
      "tpu.region"() ({
        %run_scoped3A = tpu.sem_alloc : memref<!tpu.dma_semaphore, #tpu.memory_space<semaphore_mem>>
        %dma_start3A_208 = arith.constant 4480 : i32
        %dma_start3A_209 = arith.constant 0 : i32
        %dma_start3A_210 = tpu.memref_slice %arg6[%arg0, %dma_start3A_208, %dma_start3A_209] : memref<2x10240x112xf32, #tpu.memory_space<hbm>> -> memref<1x640x112xf32, #tpu.memory_space<hbm>>
        %dma_start3A_211 = tpu.memref_squeeze %dma_start3A_210 : memref<1x640x112xf32, #tpu.memory_space<hbm>> -> memref<640x112xf32, #tpu.memory_space<hbm>>
        %dma_start3A_212 = arith.constant 4480 : i32
        %dma_start3A_213 = arith.constant 0 : i32
        %dma_start3A_214 = tpu.memref_slice %arg11[%dma_start3A_212, %dma_start3A_213] : memref<10240x112xf32, #tpu.memory_space<vmem_shared>> -> memref<640x112xf32, #tpu.memory_space<vmem_shared>>
        tpu.enqueue_dma source(%dma_start3A_214 : memref<640x112xf32, #tpu.memory_space<vmem_shared>>) target(%dma_start3A_211 : memref<640x112xf32, #tpu.memory_space<hbm>>) target_semaphore(%run_scoped3A : memref<!tpu.dma_semaphore, #tpu.memory_space<semaphore_mem>>)
        %dma_wait3A_215 = arith.constant 4480 : i32
        %dma_wait3A_216 = arith.constant 0 : i32
        %dma_wait3A_217 = tpu.memref_slice %arg6[%arg0, %dma_wait3A_215, %dma_wait3A_216] : memref<2x10240x112xf32, #tpu.memory_space<hbm>> -> memref<1x640x112xf32, #tpu.memory_space<hbm>>
        %dma_wait3A_218 = tpu.memref_squeeze %dma_wait3A_217 : memref<1x640x112xf32, #tpu.memory_space<hbm>> -> memref<640x112xf32, #tpu.memory_space<hbm>>
        %dma_wait3A_219 = arith.constant 4480 : i32
        %dma_wait3A_220 = arith.constant 0 : i32
        %dma_wait3A_221 = tpu.memref_slice %arg11[%dma_wait3A_219, %dma_wait3A_220] : memref<10240x112xf32, #tpu.memory_space<vmem_shared>> -> memref<640x112xf32, #tpu.memory_space<vmem_shared>>
        tpu.wait_dma2 semaphore(%run_scoped3A : memref<!tpu.dma_semaphore, #tpu.memory_space<semaphore_mem>>) src(%dma_wait3A_221 : memref<640x112xf32, #tpu.memory_space<vmem_shared>>) dst(%dma_wait3A_218 : memref<640x112xf32, #tpu.memory_space<hbm>>)
        tpu.yield
      }) : () -> ()
    } else {
    }
    %eq3A_168 = arith.constant 8 : i32
    %eq3A_169 = arith.cmpi eq, %arg1, %eq3A_168 : i32
    %convert_element_type3A_170 = arith.extui %eq3A_169 : i1 to i32
    %cond3A_171 = arith.constant 0 : i32
    %cond3A_172 = arith.cmpi ne, %convert_element_type3A_170, %cond3A_171 : i32
    scf.if %cond3A_172 {
      "tpu.region"() ({
        %run_scoped3A = tpu.sem_alloc : memref<!tpu.dma_semaphore, #tpu.memory_space<semaphore_mem>>
        %dma_start3A_208 = arith.constant 5120 : i32
        %dma_start3A_209 = arith.constant 0 : i32
        %dma_start3A_210 = tpu.memref_slice %arg6[%arg0, %dma_start3A_208, %dma_start3A_209] : memref<2x10240x112xf32, #tpu.memory_space<hbm>> -> memref<1x640x112xf32, #tpu.memory_space<hbm>>
        %dma_start3A_211 = tpu.memref_squeeze %dma_start3A_210 : memref<1x640x112xf32, #tpu.memory_space<hbm>> -> memref<640x112xf32, #tpu.memory_space<hbm>>
        %dma_start3A_212 = arith.constant 5120 : i32
        %dma_start3A_213 = arith.constant 0 : i32
        %dma_start3A_214 = tpu.memref_slice %arg11[%dma_start3A_212, %dma_start3A_213] : memref<10240x112xf32, #tpu.memory_space<vmem_shared>> -> memref<640x112xf32, #tpu.memory_space<vmem_shared>>
        tpu.enqueue_dma source(%dma_start3A_214 : memref<640x112xf32, #tpu.memory_space<vmem_shared>>) target(%dma_start3A_211 : memref<640x112xf32, #tpu.memory_space<hbm>>) target_semaphore(%run_scoped3A : memref<!tpu.dma_semaphore, #tpu.memory_space<semaphore_mem>>)
        %dma_wait3A_215 = arith.constant 5120 : i32
        %dma_wait3A_216 = arith.constant 0 : i32
        %dma_wait3A_217 = tpu.memref_slice %arg6[%arg0, %dma_wait3A_215, %dma_wait3A_216] : memref<2x10240x112xf32, #tpu.memory_space<hbm>> -> memref<1x640x112xf32, #tpu.memory_space<hbm>>
        %dma_wait3A_218 = tpu.memref_squeeze %dma_wait3A_217 : memref<1x640x112xf32, #tpu.memory_space<hbm>> -> memref<640x112xf32, #tpu.memory_space<hbm>>
        %dma_wait3A_219 = arith.constant 5120 : i32
        %dma_wait3A_220 = arith.constant 0 : i32
        %dma_wait3A_221 = tpu.memref_slice %arg11[%dma_wait3A_219, %dma_wait3A_220] : memref<10240x112xf32, #tpu.memory_space<vmem_shared>> -> memref<640x112xf32, #tpu.memory_space<vmem_shared>>
        tpu.wait_dma2 semaphore(%run_scoped3A : memref<!tpu.dma_semaphore, #tpu.memory_space<semaphore_mem>>) src(%dma_wait3A_221 : memref<640x112xf32, #tpu.memory_space<vmem_shared>>) dst(%dma_wait3A_218 : memref<640x112xf32, #tpu.memory_space<hbm>>)
        tpu.yield
      }) : () -> ()
    } else {
    }
    %eq3A_173 = arith.constant 9 : i32
    %eq3A_174 = arith.cmpi eq, %arg1, %eq3A_173 : i32
    %convert_element_type3A_175 = arith.extui %eq3A_174 : i1 to i32
    %cond3A_176 = arith.constant 0 : i32
    %cond3A_177 = arith.cmpi ne, %convert_element_type3A_175, %cond3A_176 : i32
    scf.if %cond3A_177 {
      "tpu.region"() ({
        %run_scoped3A = tpu.sem_alloc : memref<!tpu.dma_semaphore, #tpu.memory_space<semaphore_mem>>
        %dma_start3A_208 = arith.constant 5760 : i32
        %dma_start3A_209 = arith.constant 0 : i32
        %dma_start3A_210 = tpu.memref_slice %arg6[%arg0, %dma_start3A_208, %dma_start3A_209] : memref<2x10240x112xf32, #tpu.memory_space<hbm>> -> memref<1x640x112xf32, #tpu.memory_space<hbm>>
        %dma_start3A_211 = tpu.memref_squeeze %dma_start3A_210 : memref<1x640x112xf32, #tpu.memory_space<hbm>> -> memref<640x112xf32, #tpu.memory_space<hbm>>
        %dma_start3A_212 = arith.constant 5760 : i32
        %dma_start3A_213 = arith.constant 0 : i32
        %dma_start3A_214 = tpu.memref_slice %arg11[%dma_start3A_212, %dma_start3A_213] : memref<10240x112xf32, #tpu.memory_space<vmem_shared>> -> memref<640x112xf32, #tpu.memory_space<vmem_shared>>
        tpu.enqueue_dma source(%dma_start3A_214 : memref<640x112xf32, #tpu.memory_space<vmem_shared>>) target(%dma_start3A_211 : memref<640x112xf32, #tpu.memory_space<hbm>>) target_semaphore(%run_scoped3A : memref<!tpu.dma_semaphore, #tpu.memory_space<semaphore_mem>>)
        %dma_wait3A_215 = arith.constant 5760 : i32
        %dma_wait3A_216 = arith.constant 0 : i32
        %dma_wait3A_217 = tpu.memref_slice %arg6[%arg0, %dma_wait3A_215, %dma_wait3A_216] : memref<2x10240x112xf32, #tpu.memory_space<hbm>> -> memref<1x640x112xf32, #tpu.memory_space<hbm>>
        %dma_wait3A_218 = tpu.memref_squeeze %dma_wait3A_217 : memref<1x640x112xf32, #tpu.memory_space<hbm>> -> memref<640x112xf32, #tpu.memory_space<hbm>>
        %dma_wait3A_219 = arith.constant 5760 : i32
        %dma_wait3A_220 = arith.constant 0 : i32
        %dma_wait3A_221 = tpu.memref_slice %arg11[%dma_wait3A_219, %dma_wait3A_220] : memref<10240x112xf32, #tpu.memory_space<vmem_shared>> -> memref<640x112xf32, #tpu.memory_space<vmem_shared>>
        tpu.wait_dma2 semaphore(%run_scoped3A : memref<!tpu.dma_semaphore, #tpu.memory_space<semaphore_mem>>) src(%dma_wait3A_221 : memref<640x112xf32, #tpu.memory_space<vmem_shared>>) dst(%dma_wait3A_218 : memref<640x112xf32, #tpu.memory_space<hbm>>)
        tpu.yield
      }) : () -> ()
    } else {
    }
    %eq3A_178 = arith.constant 10 : i32
    %eq3A_179 = arith.cmpi eq, %arg1, %eq3A_178 : i32
    %convert_element_type3A_180 = arith.extui %eq3A_179 : i1 to i32
    %cond3A_181 = arith.constant 0 : i32
    %cond3A_182 = arith.cmpi ne, %convert_element_type3A_180, %cond3A_181 : i32
    scf.if %cond3A_182 {
      "tpu.region"() ({
        %run_scoped3A = tpu.sem_alloc : memref<!tpu.dma_semaphore, #tpu.memory_space<semaphore_mem>>
        %dma_start3A_208 = arith.constant 6400 : i32
        %dma_start3A_209 = arith.constant 0 : i32
        %dma_start3A_210 = tpu.memref_slice %arg6[%arg0, %dma_start3A_208, %dma_start3A_209] : memref<2x10240x112xf32, #tpu.memory_space<hbm>> -> memref<1x640x112xf32, #tpu.memory_space<hbm>>
        %dma_start3A_211 = tpu.memref_squeeze %dma_start3A_210 : memref<1x640x112xf32, #tpu.memory_space<hbm>> -> memref<640x112xf32, #tpu.memory_space<hbm>>
        %dma_start3A_212 = arith.constant 6400 : i32
        %dma_start3A_213 = arith.constant 0 : i32
        %dma_start3A_214 = tpu.memref_slice %arg11[%dma_start3A_212, %dma_start3A_213] : memref<10240x112xf32, #tpu.memory_space<vmem_shared>> -> memref<640x112xf32, #tpu.memory_space<vmem_shared>>
        tpu.enqueue_dma source(%dma_start3A_214 : memref<640x112xf32, #tpu.memory_space<vmem_shared>>) target(%dma_start3A_211 : memref<640x112xf32, #tpu.memory_space<hbm>>) target_semaphore(%run_scoped3A : memref<!tpu.dma_semaphore, #tpu.memory_space<semaphore_mem>>)
        %dma_wait3A_215 = arith.constant 6400 : i32
        %dma_wait3A_216 = arith.constant 0 : i32
        %dma_wait3A_217 = tpu.memref_slice %arg6[%arg0, %dma_wait3A_215, %dma_wait3A_216] : memref<2x10240x112xf32, #tpu.memory_space<hbm>> -> memref<1x640x112xf32, #tpu.memory_space<hbm>>
        %dma_wait3A_218 = tpu.memref_squeeze %dma_wait3A_217 : memref<1x640x112xf32, #tpu.memory_space<hbm>> -> memref<640x112xf32, #tpu.memory_space<hbm>>
        %dma_wait3A_219 = arith.constant 6400 : i32
        %dma_wait3A_220 = arith.constant 0 : i32
        %dma_wait3A_221 = tpu.memref_slice %arg11[%dma_wait3A_219, %dma_wait3A_220] : memref<10240x112xf32, #tpu.memory_space<vmem_shared>> -> memref<640x112xf32, #tpu.memory_space<vmem_shared>>
        tpu.wait_dma2 semaphore(%run_scoped3A : memref<!tpu.dma_semaphore, #tpu.memory_space<semaphore_mem>>) src(%dma_wait3A_221 : memref<640x112xf32, #tpu.memory_space<vmem_shared>>) dst(%dma_wait3A_218 : memref<640x112xf32, #tpu.memory_space<hbm>>)
        tpu.yield
      }) : () -> ()
    } else {
    }
    %eq3A_183 = arith.constant 11 : i32
    %eq3A_184 = arith.cmpi eq, %arg1, %eq3A_183 : i32
    %convert_element_type3A_185 = arith.extui %eq3A_184 : i1 to i32
    %cond3A_186 = arith.constant 0 : i32
    %cond3A_187 = arith.cmpi ne, %convert_element_type3A_185, %cond3A_186 : i32
    scf.if %cond3A_187 {
      "tpu.region"() ({
        %run_scoped3A = tpu.sem_alloc : memref<!tpu.dma_semaphore, #tpu.memory_space<semaphore_mem>>
        %dma_start3A_208 = arith.constant 7040 : i32
        %dma_start3A_209 = arith.constant 0 : i32
        %dma_start3A_210 = tpu.memref_slice %arg6[%arg0, %dma_start3A_208, %dma_start3A_209] : memref<2x10240x112xf32, #tpu.memory_space<hbm>> -> memref<1x640x112xf32, #tpu.memory_space<hbm>>
        %dma_start3A_211 = tpu.memref_squeeze %dma_start3A_210 : memref<1x640x112xf32, #tpu.memory_space<hbm>> -> memref<640x112xf32, #tpu.memory_space<hbm>>
        %dma_start3A_212 = arith.constant 7040 : i32
        %dma_start3A_213 = arith.constant 0 : i32
        %dma_start3A_214 = tpu.memref_slice %arg11[%dma_start3A_212, %dma_start3A_213] : memref<10240x112xf32, #tpu.memory_space<vmem_shared>> -> memref<640x112xf32, #tpu.memory_space<vmem_shared>>
        tpu.enqueue_dma source(%dma_start3A_214 : memref<640x112xf32, #tpu.memory_space<vmem_shared>>) target(%dma_start3A_211 : memref<640x112xf32, #tpu.memory_space<hbm>>) target_semaphore(%run_scoped3A : memref<!tpu.dma_semaphore, #tpu.memory_space<semaphore_mem>>)
        %dma_wait3A_215 = arith.constant 7040 : i32
        %dma_wait3A_216 = arith.constant 0 : i32
        %dma_wait3A_217 = tpu.memref_slice %arg6[%arg0, %dma_wait3A_215, %dma_wait3A_216] : memref<2x10240x112xf32, #tpu.memory_space<hbm>> -> memref<1x640x112xf32, #tpu.memory_space<hbm>>
        %dma_wait3A_218 = tpu.memref_squeeze %dma_wait3A_217 : memref<1x640x112xf32, #tpu.memory_space<hbm>> -> memref<640x112xf32, #tpu.memory_space<hbm>>
        %dma_wait3A_219 = arith.constant 7040 : i32
        %dma_wait3A_220 = arith.constant 0 : i32
        %dma_wait3A_221 = tpu.memref_slice %arg11[%dma_wait3A_219, %dma_wait3A_220] : memref<10240x112xf32, #tpu.memory_space<vmem_shared>> -> memref<640x112xf32, #tpu.memory_space<vmem_shared>>
        tpu.wait_dma2 semaphore(%run_scoped3A : memref<!tpu.dma_semaphore, #tpu.memory_space<semaphore_mem>>) src(%dma_wait3A_221 : memref<640x112xf32, #tpu.memory_space<vmem_shared>>) dst(%dma_wait3A_218 : memref<640x112xf32, #tpu.memory_space<hbm>>)
        tpu.yield
      }) : () -> ()
    } else {
    }
    %eq3A_188 = arith.constant 12 : i32
    %eq3A_189 = arith.cmpi eq, %arg1, %eq3A_188 : i32
    %convert_element_type3A_190 = arith.extui %eq3A_189 : i1 to i32
    %cond3A_191 = arith.constant 0 : i32
    %cond3A_192 = arith.cmpi ne, %convert_element_type3A_190, %cond3A_191 : i32
    scf.if %cond3A_192 {
      "tpu.region"() ({
        %run_scoped3A = tpu.sem_alloc : memref<!tpu.dma_semaphore, #tpu.memory_space<semaphore_mem>>
        %dma_start3A_208 = arith.constant 7680 : i32
        %dma_start3A_209 = arith.constant 0 : i32
        %dma_start3A_210 = tpu.memref_slice %arg6[%arg0, %dma_start3A_208, %dma_start3A_209] : memref<2x10240x112xf32, #tpu.memory_space<hbm>> -> memref<1x640x112xf32, #tpu.memory_space<hbm>>
        %dma_start3A_211 = tpu.memref_squeeze %dma_start3A_210 : memref<1x640x112xf32, #tpu.memory_space<hbm>> -> memref<640x112xf32, #tpu.memory_space<hbm>>
        %dma_start3A_212 = arith.constant 7680 : i32
        %dma_start3A_213 = arith.constant 0 : i32
        %dma_start3A_214 = tpu.memref_slice %arg11[%dma_start3A_212, %dma_start3A_213] : memref<10240x112xf32, #tpu.memory_space<vmem_shared>> -> memref<640x112xf32, #tpu.memory_space<vmem_shared>>
        tpu.enqueue_dma source(%dma_start3A_214 : memref<640x112xf32, #tpu.memory_space<vmem_shared>>) target(%dma_start3A_211 : memref<640x112xf32, #tpu.memory_space<hbm>>) target_semaphore(%run_scoped3A : memref<!tpu.dma_semaphore, #tpu.memory_space<semaphore_mem>>)
        %dma_wait3A_215 = arith.constant 7680 : i32
        %dma_wait3A_216 = arith.constant 0 : i32
        %dma_wait3A_217 = tpu.memref_slice %arg6[%arg0, %dma_wait3A_215, %dma_wait3A_216] : memref<2x10240x112xf32, #tpu.memory_space<hbm>> -> memref<1x640x112xf32, #tpu.memory_space<hbm>>
        %dma_wait3A_218 = tpu.memref_squeeze %dma_wait3A_217 : memref<1x640x112xf32, #tpu.memory_space<hbm>> -> memref<640x112xf32, #tpu.memory_space<hbm>>
        %dma_wait3A_219 = arith.constant 7680 : i32
        %dma_wait3A_220 = arith.constant 0 : i32
        %dma_wait3A_221 = tpu.memref_slice %arg11[%dma_wait3A_219, %dma_wait3A_220] : memref<10240x112xf32, #tpu.memory_space<vmem_shared>> -> memref<640x112xf32, #tpu.memory_space<vmem_shared>>
        tpu.wait_dma2 semaphore(%run_scoped3A : memref<!tpu.dma_semaphore, #tpu.memory_space<semaphore_mem>>) src(%dma_wait3A_221 : memref<640x112xf32, #tpu.memory_space<vmem_shared>>) dst(%dma_wait3A_218 : memref<640x112xf32, #tpu.memory_space<hbm>>)
        tpu.yield
      }) : () -> ()
    } else {
    }
    %eq3A_193 = arith.constant 13 : i32
    %eq3A_194 = arith.cmpi eq, %arg1, %eq3A_193 : i32
    %convert_element_type3A_195 = arith.extui %eq3A_194 : i1 to i32
    %cond3A_196 = arith.constant 0 : i32
    %cond3A_197 = arith.cmpi ne, %convert_element_type3A_195, %cond3A_196 : i32
    scf.if %cond3A_197 {
      "tpu.region"() ({
        %run_scoped3A = tpu.sem_alloc : memref<!tpu.dma_semaphore, #tpu.memory_space<semaphore_mem>>
        %dma_start3A_208 = arith.constant 8320 : i32
        %dma_start3A_209 = arith.constant 0 : i32
        %dma_start3A_210 = tpu.memref_slice %arg6[%arg0, %dma_start3A_208, %dma_start3A_209] : memref<2x10240x112xf32, #tpu.memory_space<hbm>> -> memref<1x640x112xf32, #tpu.memory_space<hbm>>
        %dma_start3A_211 = tpu.memref_squeeze %dma_start3A_210 : memref<1x640x112xf32, #tpu.memory_space<hbm>> -> memref<640x112xf32, #tpu.memory_space<hbm>>
        %dma_start3A_212 = arith.constant 8320 : i32
        %dma_start3A_213 = arith.constant 0 : i32
        %dma_start3A_214 = tpu.memref_slice %arg11[%dma_start3A_212, %dma_start3A_213] : memref<10240x112xf32, #tpu.memory_space<vmem_shared>> -> memref<640x112xf32, #tpu.memory_space<vmem_shared>>
        tpu.enqueue_dma source(%dma_start3A_214 : memref<640x112xf32, #tpu.memory_space<vmem_shared>>) target(%dma_start3A_211 : memref<640x112xf32, #tpu.memory_space<hbm>>) target_semaphore(%run_scoped3A : memref<!tpu.dma_semaphore, #tpu.memory_space<semaphore_mem>>)
        %dma_wait3A_215 = arith.constant 8320 : i32
        %dma_wait3A_216 = arith.constant 0 : i32
        %dma_wait3A_217 = tpu.memref_slice %arg6[%arg0, %dma_wait3A_215, %dma_wait3A_216] : memref<2x10240x112xf32, #tpu.memory_space<hbm>> -> memref<1x640x112xf32, #tpu.memory_space<hbm>>
        %dma_wait3A_218 = tpu.memref_squeeze %dma_wait3A_217 : memref<1x640x112xf32, #tpu.memory_space<hbm>> -> memref<640x112xf32, #tpu.memory_space<hbm>>
        %dma_wait3A_219 = arith.constant 8320 : i32
        %dma_wait3A_220 = arith.constant 0 : i32
        %dma_wait3A_221 = tpu.memref_slice %arg11[%dma_wait3A_219, %dma_wait3A_220] : memref<10240x112xf32, #tpu.memory_space<vmem_shared>> -> memref<640x112xf32, #tpu.memory_space<vmem_shared>>
        tpu.wait_dma2 semaphore(%run_scoped3A : memref<!tpu.dma_semaphore, #tpu.memory_space<semaphore_mem>>) src(%dma_wait3A_221 : memref<640x112xf32, #tpu.memory_space<vmem_shared>>) dst(%dma_wait3A_218 : memref<640x112xf32, #tpu.memory_space<hbm>>)
        tpu.yield
      }) : () -> ()
    } else {
    }
    %eq3A_198 = arith.constant 14 : i32
    %eq3A_199 = arith.cmpi eq, %arg1, %eq3A_198 : i32
    %convert_element_type3A_200 = arith.extui %eq3A_199 : i1 to i32
    %cond3A_201 = arith.constant 0 : i32
    %cond3A_202 = arith.cmpi ne, %convert_element_type3A_200, %cond3A_201 : i32
    scf.if %cond3A_202 {
      "tpu.region"() ({
        %run_scoped3A = tpu.sem_alloc : memref<!tpu.dma_semaphore, #tpu.memory_space<semaphore_mem>>
        %dma_start3A_208 = arith.constant 8960 : i32
        %dma_start3A_209 = arith.constant 0 : i32
        %dma_start3A_210 = tpu.memref_slice %arg6[%arg0, %dma_start3A_208, %dma_start3A_209] : memref<2x10240x112xf32, #tpu.memory_space<hbm>> -> memref<1x640x112xf32, #tpu.memory_space<hbm>>
        %dma_start3A_211 = tpu.memref_squeeze %dma_start3A_210 : memref<1x640x112xf32, #tpu.memory_space<hbm>> -> memref<640x112xf32, #tpu.memory_space<hbm>>
        %dma_start3A_212 = arith.constant 8960 : i32
        %dma_start3A_213 = arith.constant 0 : i32
        %dma_start3A_214 = tpu.memref_slice %arg11[%dma_start3A_212, %dma_start3A_213] : memref<10240x112xf32, #tpu.memory_space<vmem_shared>> -> memref<640x112xf32, #tpu.memory_space<vmem_shared>>
        tpu.enqueue_dma source(%dma_start3A_214 : memref<640x112xf32, #tpu.memory_space<vmem_shared>>) target(%dma_start3A_211 : memref<640x112xf32, #tpu.memory_space<hbm>>) target_semaphore(%run_scoped3A : memref<!tpu.dma_semaphore, #tpu.memory_space<semaphore_mem>>)
        %dma_wait3A_215 = arith.constant 8960 : i32
        %dma_wait3A_216 = arith.constant 0 : i32
        %dma_wait3A_217 = tpu.memref_slice %arg6[%arg0, %dma_wait3A_215, %dma_wait3A_216] : memref<2x10240x112xf32, #tpu.memory_space<hbm>> -> memref<1x640x112xf32, #tpu.memory_space<hbm>>
        %dma_wait3A_218 = tpu.memref_squeeze %dma_wait3A_217 : memref<1x640x112xf32, #tpu.memory_space<hbm>> -> memref<640x112xf32, #tpu.memory_space<hbm>>
        %dma_wait3A_219 = arith.constant 8960 : i32
        %dma_wait3A_220 = arith.constant 0 : i32
        %dma_wait3A_221 = tpu.memref_slice %arg11[%dma_wait3A_219, %dma_wait3A_220] : memref<10240x112xf32, #tpu.memory_space<vmem_shared>> -> memref<640x112xf32, #tpu.memory_space<vmem_shared>>
        tpu.wait_dma2 semaphore(%run_scoped3A : memref<!tpu.dma_semaphore, #tpu.memory_space<semaphore_mem>>) src(%dma_wait3A_221 : memref<640x112xf32, #tpu.memory_space<vmem_shared>>) dst(%dma_wait3A_218 : memref<640x112xf32, #tpu.memory_space<hbm>>)
        tpu.yield
      }) : () -> ()
    } else {
    }
    %eq3A_203 = arith.constant 15 : i32
    %eq3A_204 = arith.cmpi eq, %arg1, %eq3A_203 : i32
    %convert_element_type3A_205 = arith.extui %eq3A_204 : i1 to i32
    %cond3A_206 = arith.constant 0 : i32
    %cond3A_207 = arith.cmpi ne, %convert_element_type3A_205, %cond3A_206 : i32
    scf.if %cond3A_207 {
      "tpu.region"() ({
        %run_scoped3A = tpu.sem_alloc : memref<!tpu.dma_semaphore, #tpu.memory_space<semaphore_mem>>
        %dma_start3A_208 = arith.constant 9600 : i32
        %dma_start3A_209 = arith.constant 0 : i32
        %dma_start3A_210 = tpu.memref_slice %arg6[%arg0, %dma_start3A_208, %dma_start3A_209] : memref<2x10240x112xf32, #tpu.memory_space<hbm>> -> memref<1x640x112xf32, #tpu.memory_space<hbm>>
        %dma_start3A_211 = tpu.memref_squeeze %dma_start3A_210 : memref<1x640x112xf32, #tpu.memory_space<hbm>> -> memref<640x112xf32, #tpu.memory_space<hbm>>
        %dma_start3A_212 = arith.constant 9600 : i32
        %dma_start3A_213 = arith.constant 0 : i32
        %dma_start3A_214 = tpu.memref_slice %arg11[%dma_start3A_212, %dma_start3A_213] : memref<10240x112xf32, #tpu.memory_space<vmem_shared>> -> memref<640x112xf32, #tpu.memory_space<vmem_shared>>
        tpu.enqueue_dma source(%dma_start3A_214 : memref<640x112xf32, #tpu.memory_space<vmem_shared>>) target(%dma_start3A_211 : memref<640x112xf32, #tpu.memory_space<hbm>>) target_semaphore(%run_scoped3A : memref<!tpu.dma_semaphore, #tpu.memory_space<semaphore_mem>>)
        %dma_wait3A_215 = arith.constant 9600 : i32
        %dma_wait3A_216 = arith.constant 0 : i32
        %dma_wait3A_217 = tpu.memref_slice %arg6[%arg0, %dma_wait3A_215, %dma_wait3A_216] : memref<2x10240x112xf32, #tpu.memory_space<hbm>> -> memref<1x640x112xf32, #tpu.memory_space<hbm>>
        %dma_wait3A_218 = tpu.memref_squeeze %dma_wait3A_217 : memref<1x640x112xf32, #tpu.memory_space<hbm>> -> memref<640x112xf32, #tpu.memory_space<hbm>>
        %dma_wait3A_219 = arith.constant 9600 : i32
        %dma_wait3A_220 = arith.constant 0 : i32
        %dma_wait3A_221 = tpu.memref_slice %arg11[%dma_wait3A_219, %dma_wait3A_220] : memref<10240x112xf32, #tpu.memory_space<vmem_shared>> -> memref<640x112xf32, #tpu.memory_space<vmem_shared>>
        tpu.wait_dma2 semaphore(%run_scoped3A : memref<!tpu.dma_semaphore, #tpu.memory_space<semaphore_mem>>) src(%dma_wait3A_221 : memref<640x112xf32, #tpu.memory_space<vmem_shared>>) dst(%dma_wait3A_218 : memref<640x112xf32, #tpu.memory_space<hbm>>)
        tpu.yield
      }) : () -> ()
    } else {
    }
    return
  }
}

module attributes {stable_mosaic.version = 14 : i64} {
  func.func @_k1_body(%arg0: i32, %arg1: memref<1024x128xf32, #tpu.memory_space<vmem>>, %arg2: memref<128x100xf32, #tpu.memory_space<vmem>>, %arg3: memref<1x100xf32, #tpu.memory_space<vmem>>, %arg4: memref<1x100xf32, #tpu.memory_space<vmem>>, %arg5: memref<1x100xf32, #tpu.memory_space<vmem>>, %arg6: memref<100x100xf32, #tpu.memory_space<vmem>>, %arg7: memref<1x100xf32, #tpu.memory_space<vmem>>, %arg8: memref<1x100xf32, #tpu.memory_space<vmem>>, %arg9: memref<1x100xf32, #tpu.memory_space<vmem>>, %arg10: memref<100x112xf32, #tpu.memory_space<vmem>>, %arg11: memref<100x112xf32, #tpu.memory_space<vmem>>, %arg12: memref<1x112xf32, #tpu.memory_space<vmem>>, %arg13: memref<1024x112xf32, #tpu.memory_space<vmem>>, %arg14: memref<1024x112xf32, #tpu.memory_space<vmem>>) attributes {dimension_semantics = [#tpu.dimension_semantics<arbitrary>], iteration_bounds = array<i64: 10>, scalar_prefetch = 0 : i64, scratch_operands = 0 : i64, tpu.core_type = #tpu.core_type<tc>, window_params = [{transform_indices = @transform_0, window_bounds = array<i64: 1024, 128>}, {pipeline_mode = #tpu.pipeline_mode<synchronous>, transform_indices = @transform_1, window_bounds = array<i64: 128, 100>}, {pipeline_mode = #tpu.pipeline_mode<synchronous>, transform_indices = @transform_2, window_bounds = array<i64: 1, 100>}, {pipeline_mode = #tpu.pipeline_mode<synchronous>, transform_indices = @transform_3, window_bounds = array<i64: 1, 100>}, {pipeline_mode = #tpu.pipeline_mode<synchronous>, transform_indices = @transform_4, window_bounds = array<i64: 1, 100>}, {pipeline_mode = #tpu.pipeline_mode<synchronous>, transform_indices = @transform_5, window_bounds = array<i64: 100, 100>}, {pipeline_mode = #tpu.pipeline_mode<synchronous>, transform_indices = @transform_6, window_bounds = array<i64: 1, 100>}, {pipeline_mode = #tpu.pipeline_mode<synchronous>, transform_indices = @transform_7, window_bounds = array<i64: 1, 100>}, {pipeline_mode = #tpu.pipeline_mode<synchronous>, transform_indices = @transform_8, window_bounds = array<i64: 1, 100>}, {pipeline_mode = #tpu.pipeline_mode<synchronous>, transform_indices = @transform_9, window_bounds = array<i64: 100, 112>}, {pipeline_mode = #tpu.pipeline_mode<synchronous>, transform_indices = @transform_10, window_bounds = array<i64: 100, 112>}, {pipeline_mode = #tpu.pipeline_mode<synchronous>, transform_indices = @transform_11, window_bounds = array<i64: 1, 112>}, {transform_indices = @transform_12, window_bounds = array<i64: 1024, 112>}, {transform_indices = @transform_13, window_bounds = array<i64: 1024, 112>}]} {
    %get3A = arith.constant 0 : index
    %get3A_0 = arith.constant 0 : index
    %get3A_1 = vector.load %arg1[%get3A, %get3A_0] : memref<1024x128xf32, #tpu.memory_space<vmem>>, vector<1024x128xf32>
    %get3A_2 = arith.constant 0 : index
    %get3A_3 = arith.constant 0 : index
    %get3A_4 = vector.load %arg2[%get3A_2, %get3A_3] : memref<128x100xf32, #tpu.memory_space<vmem>>, vector<128x100xf32>
    %dot_general3A = arith.constant dense<0.000000e+00> : vector<1024x100xf32>
    %dot_general3A_5 = tpu.matmul %get3A_1, %get3A_4, %dot_general3A {dimension_numbers = #tpu.dot_dimension_numbers<[1], [0], [0], [1], [0, 0, 1, 1], [], []>, transpose_lhs_hint = false} : vector<1024x128xf32>, vector<128x100xf32>, vector<1024x100xf32> -> vector<1024x100xf32>
    %get3A_6 = arith.constant 0 : index
    %get3A_7 = arith.constant 0 : index
    %get3A_8 = vector.load %arg3[%get3A_6, %get3A_7] : memref<1x100xf32, #tpu.memory_space<vmem>>, vector<1x100xf32>
    %add3A = vector.broadcast %get3A_8 : vector<1x100xf32> to vector<1024x100xf32>
    %add3A_9 = arith.addf %dot_general3A_5, %add3A : vector<1024x100xf32>
    %get3A_10 = arith.constant 0 : index
    %get3A_11 = arith.constant 0 : index
    %get3A_12 = vector.load %arg4[%get3A_10, %get3A_11] : memref<1x100xf32, #tpu.memory_space<vmem>>, vector<1x100xf32>
    %get3A_13 = arith.constant 0 : index
    %get3A_14 = arith.constant 0 : index
    %get3A_15 = vector.load %arg5[%get3A_13, %get3A_14] : memref<1x100xf32, #tpu.memory_space<vmem>>, vector<1x100xf32>
    %reduce_sum3A = arith.constant dense<0.000000e+00> : vector<1024xf32>
    %reduce_sum3A_16 = vector.multi_reduction <add>, %add3A_9, %reduce_sum3A [1] : vector<1024x100xf32> to vector<1024xf32>
    %broadcast_in_dim3A = vector.shape_cast %reduce_sum3A_16 : vector<1024xf32> to vector<1024x1xf32>
    %div3A = arith.constant 1.000000e+02 : f32
    %div3A_17 = vector.broadcast %div3A : f32 to vector<1024x1xf32>
    %div3A_18 = arith.divf %broadcast_in_dim3A, %div3A_17 : vector<1024x1xf32>
    %sub3A = vector.broadcast %div3A_18 : vector<1024x1xf32> to vector<1024x100xf32>
    %sub3A_19 = arith.subf %add3A_9, %sub3A : vector<1024x100xf32>
    %mul3A = arith.mulf %sub3A_19, %sub3A_19 : vector<1024x100xf32>
    %reduce_sum3A_20 = arith.constant dense<0.000000e+00> : vector<1024xf32>
    %reduce_sum3A_21 = vector.multi_reduction <add>, %mul3A, %reduce_sum3A_20 [1] : vector<1024x100xf32> to vector<1024xf32>
    %broadcast_in_dim3A_22 = vector.shape_cast %reduce_sum3A_21 : vector<1024xf32> to vector<1024x1xf32>
    %div3A_23 = arith.constant 1.000000e+02 : f32
    %div3A_24 = vector.broadcast %div3A_23 : f32 to vector<1024x1xf32>
    %div3A_25 = arith.divf %broadcast_in_dim3A_22, %div3A_24 : vector<1024x1xf32>
    %add3A_26 = arith.constant 9.99999974E-6 : f32
    %add3A_27 = vector.broadcast %add3A_26 : f32 to vector<1024x1xf32>
    %add3A_28 = arith.addf %div3A_25, %add3A_27 : vector<1024x1xf32>
    %rsqrt3A = math.rsqrt %add3A_28 : vector<1024x1xf32>
    %mul3A_29 = vector.broadcast %rsqrt3A : vector<1024x1xf32> to vector<1024x100xf32>
    %mul3A_30 = arith.mulf %sub3A_19, %mul3A_29 : vector<1024x100xf32>
    %mul3A_31 = vector.broadcast %get3A_12 : vector<1x100xf32> to vector<1024x100xf32>
    %mul3A_32 = arith.mulf %mul3A_30, %mul3A_31 : vector<1024x100xf32>
    %add3A_33 = vector.broadcast %get3A_15 : vector<1x100xf32> to vector<1024x100xf32>
    %add3A_34 = arith.addf %mul3A_32, %add3A_33 : vector<1024x100xf32>
    %max3A = arith.constant 0.000000e+00 : f32
    %max3A_35 = vector.broadcast %max3A : f32 to vector<1024x100xf32>
    %max3A_36 = arith.maximumf %add3A_34, %max3A_35 : vector<1024x100xf32>
    %get3A_37 = arith.constant 0 : index
    %get3A_38 = arith.constant 0 : index
    %get3A_39 = vector.load %arg6[%get3A_37, %get3A_38] : memref<100x100xf32, #tpu.memory_space<vmem>>, vector<100x100xf32>
    %dot_general3A_40 = arith.constant dense<0.000000e+00> : vector<1024x100xf32>
    %dot_general3A_41 = tpu.matmul %max3A_36, %get3A_39, %dot_general3A_40 {dimension_numbers = #tpu.dot_dimension_numbers<[1], [0], [0], [1], [0, 0, 1, 1], [], []>, transpose_lhs_hint = false} : vector<1024x100xf32>, vector<100x100xf32>, vector<1024x100xf32> -> vector<1024x100xf32>
    %get3A_42 = arith.constant 0 : index
    %get3A_43 = arith.constant 0 : index
    %get3A_44 = vector.load %arg7[%get3A_42, %get3A_43] : memref<1x100xf32, #tpu.memory_space<vmem>>, vector<1x100xf32>
    %add3A_45 = vector.broadcast %get3A_44 : vector<1x100xf32> to vector<1024x100xf32>
    %add3A_46 = arith.addf %dot_general3A_41, %add3A_45 : vector<1024x100xf32>
    %get3A_47 = arith.constant 0 : index
    %get3A_48 = arith.constant 0 : index
    %get3A_49 = vector.load %arg8[%get3A_47, %get3A_48] : memref<1x100xf32, #tpu.memory_space<vmem>>, vector<1x100xf32>
    %get3A_50 = arith.constant 0 : index
    %get3A_51 = arith.constant 0 : index
    %get3A_52 = vector.load %arg9[%get3A_50, %get3A_51] : memref<1x100xf32, #tpu.memory_space<vmem>>, vector<1x100xf32>
    %reduce_sum3A_53 = arith.constant dense<0.000000e+00> : vector<1024xf32>
    %reduce_sum3A_54 = vector.multi_reduction <add>, %add3A_46, %reduce_sum3A_53 [1] : vector<1024x100xf32> to vector<1024xf32>
    %broadcast_in_dim3A_55 = vector.shape_cast %reduce_sum3A_54 : vector<1024xf32> to vector<1024x1xf32>
    %div3A_56 = arith.constant 1.000000e+02 : f32
    %div3A_57 = vector.broadcast %div3A_56 : f32 to vector<1024x1xf32>
    %div3A_58 = arith.divf %broadcast_in_dim3A_55, %div3A_57 : vector<1024x1xf32>
    %sub3A_59 = vector.broadcast %div3A_58 : vector<1024x1xf32> to vector<1024x100xf32>
    %sub3A_60 = arith.subf %add3A_46, %sub3A_59 : vector<1024x100xf32>
    %mul3A_61 = arith.mulf %sub3A_60, %sub3A_60 : vector<1024x100xf32>
    %reduce_sum3A_62 = arith.constant dense<0.000000e+00> : vector<1024xf32>
    %reduce_sum3A_63 = vector.multi_reduction <add>, %mul3A_61, %reduce_sum3A_62 [1] : vector<1024x100xf32> to vector<1024xf32>
    %broadcast_in_dim3A_64 = vector.shape_cast %reduce_sum3A_63 : vector<1024xf32> to vector<1024x1xf32>
    %div3A_65 = arith.constant 1.000000e+02 : f32
    %div3A_66 = vector.broadcast %div3A_65 : f32 to vector<1024x1xf32>
    %div3A_67 = arith.divf %broadcast_in_dim3A_64, %div3A_66 : vector<1024x1xf32>
    %add3A_68 = arith.constant 9.99999974E-6 : f32
    %add3A_69 = vector.broadcast %add3A_68 : f32 to vector<1024x1xf32>
    %add3A_70 = arith.addf %div3A_67, %add3A_69 : vector<1024x1xf32>
    %rsqrt3A_71 = math.rsqrt %add3A_70 : vector<1024x1xf32>
    %mul3A_72 = vector.broadcast %rsqrt3A_71 : vector<1024x1xf32> to vector<1024x100xf32>
    %mul3A_73 = arith.mulf %sub3A_60, %mul3A_72 : vector<1024x100xf32>
    %mul3A_74 = vector.broadcast %get3A_49 : vector<1x100xf32> to vector<1024x100xf32>
    %mul3A_75 = arith.mulf %mul3A_73, %mul3A_74 : vector<1024x100xf32>
    %add3A_76 = vector.broadcast %get3A_52 : vector<1x100xf32> to vector<1024x100xf32>
    %add3A_77 = arith.addf %mul3A_75, %add3A_76 : vector<1024x100xf32>
    %max3A_78 = arith.constant 0.000000e+00 : f32
    %max3A_79 = vector.broadcast %max3A_78 : f32 to vector<1024x100xf32>
    %max3A_80 = arith.maximumf %add3A_77, %max3A_79 : vector<1024x100xf32>
    %get3A_81 = arith.constant 0 : index
    %get3A_82 = arith.constant 0 : index
    %get3A_83 = vector.load %arg10[%get3A_81, %get3A_82] : memref<100x112xf32, #tpu.memory_space<vmem>>, vector<100x112xf32>
    %dot_general3A_84 = arith.constant dense<0.000000e+00> : vector<1024x112xf32>
    %dot_general3A_85 = tpu.matmul %max3A_80, %get3A_83, %dot_general3A_84 {dimension_numbers = #tpu.dot_dimension_numbers<[1], [0], [0], [1], [0, 0, 1, 1], [], []>, transpose_lhs_hint = false} : vector<1024x100xf32>, vector<100x112xf32>, vector<1024x112xf32> -> vector<1024x112xf32>
    %iota3A = tpu.iota {dimensions = array<i32: 1>} : vector<1024x112xi32>
    %eq3A = arith.constant 100 : i32
    %eq3A_86 = vector.broadcast %eq3A : i32 to vector<1024x112xi32>
    %eq3A_87 = arith.cmpi eq, %iota3A, %eq3A_86 : vector<1024x112xi32>
    %convert_element_type3A = arith.extui %eq3A_87 : vector<1024x112xi1> to vector<1024x112xi32>
    %convert_element_type3A_88 = arith.sitofp %convert_element_type3A : vector<1024x112xi32> to vector<1024x112xf32>
    %add3A_89 = arith.addf %dot_general3A_85, %convert_element_type3A_88 : vector<1024x112xf32>
    %swap3A = arith.constant 0 : index
    %swap3A_90 = arith.constant 0 : index
    %swap3A_91 = vector.load %arg13[%swap3A, %swap3A_90] : memref<1024x112xf32, #tpu.memory_space<vmem>>, vector<1024x112xf32>
    tpu.vector_store %arg13[%swap3A, %swap3A_90], %add3A_89 {strides = array<i32>} : memref<1024x112xf32, #tpu.memory_space<vmem>>, vector<1024x112xf32>,
    %get3A_92 = arith.constant 0 : index
    %get3A_93 = arith.constant 0 : index
    %get3A_94 = vector.load %arg11[%get3A_92, %get3A_93] : memref<100x112xf32, #tpu.memory_space<vmem>>, vector<100x112xf32>
    %dot_general3A_95 = arith.constant dense<0.000000e+00> : vector<1024x112xf32>
    %dot_general3A_96 = tpu.matmul %max3A_80, %get3A_94, %dot_general3A_95 {dimension_numbers = #tpu.dot_dimension_numbers<[1], [0], [0], [1], [0, 0, 1, 1], [], []>, transpose_lhs_hint = false} : vector<1024x100xf32>, vector<100x112xf32>, vector<1024x112xf32> -> vector<1024x112xf32>
    %get3A_97 = arith.constant 0 : index
    %get3A_98 = arith.constant 0 : index
    %get3A_99 = vector.load %arg12[%get3A_97, %get3A_98] : memref<1x112xf32, #tpu.memory_space<vmem>>, vector<1x112xf32>
    %add3A_100 = vector.broadcast %get3A_99 : vector<1x112xf32> to vector<1024x112xf32>
    %add3A_101 = arith.addf %dot_general3A_96, %add3A_100 : vector<1024x112xf32>
    %swap3A_102 = arith.constant 0 : index
    %swap3A_103 = arith.constant 0 : index
    %swap3A_104 = vector.load %arg14[%swap3A_102, %swap3A_103] : memref<1024x112xf32, #tpu.memory_space<vmem>>, vector<1024x112xf32>
    tpu.vector_store %arg14[%swap3A_102, %swap3A_103], %add3A_101 {strides = array<i32>} : memref<1024x112xf32, #tpu.memory_space<vmem>>, vector<1024x112xf32>,
    return
  }
  func.func @transform_0(%arg0: i32) -> (i32, i32) {
    %c0_i32 = arith.constant 0 : i32
    %c0_i32_0 = arith.constant 0 : i32
    return %arg0, %c0_i32 : i32, i32
  }
  func.func @transform_1(%arg0: i32) -> (i32, i32) {
    %c0_i32 = arith.constant 0 : i32
    %c0_i32_0 = arith.constant 0 : i32
    %c0_i32_1 = arith.constant 0 : i32
    return %c0_i32, %c0_i32_0 : i32, i32
  }
  func.func @transform_2(%arg0: i32) -> (i32, i32) {
    %c0_i32 = arith.constant 0 : i32
    %c0_i32_0 = arith.constant 0 : i32
    %c0_i32_1 = arith.constant 0 : i32
    return %c0_i32, %c0_i32_0 : i32, i32
  }
  func.func @transform_3(%arg0: i32) -> (i32, i32) {
    %c0_i32 = arith.constant 0 : i32
    %c0_i32_0 = arith.constant 0 : i32
    %c0_i32_1 = arith.constant 0 : i32
    return %c0_i32, %c0_i32_0 : i32, i32
  }
  func.func @transform_4(%arg0: i32) -> (i32, i32) {
    %c0_i32 = arith.constant 0 : i32
    %c0_i32_0 = arith.constant 0 : i32
    %c0_i32_1 = arith.constant 0 : i32
    return %c0_i32, %c0_i32_0 : i32, i32
  }
  func.func @transform_5(%arg0: i32) -> (i32, i32) {
    %c0_i32 = arith.constant 0 : i32
    %c0_i32_0 = arith.constant 0 : i32
    %c0_i32_1 = arith.constant 0 : i32
    return %c0_i32, %c0_i32_0 : i32, i32
  }
  func.func @transform_6(%arg0: i32) -> (i32, i32) {
    %c0_i32 = arith.constant 0 : i32
    %c0_i32_0 = arith.constant 0 : i32
    %c0_i32_1 = arith.constant 0 : i32
    return %c0_i32, %c0_i32_0 : i32, i32
  }
  func.func @transform_7(%arg0: i32) -> (i32, i32) {
    %c0_i32 = arith.constant 0 : i32
    %c0_i32_0 = arith.constant 0 : i32
    %c0_i32_1 = arith.constant 0 : i32
    return %c0_i32, %c0_i32_0 : i32, i32
  }
  func.func @transform_8(%arg0: i32) -> (i32, i32) {
    %c0_i32 = arith.constant 0 : i32
    %c0_i32_0 = arith.constant 0 : i32
    %c0_i32_1 = arith.constant 0 : i32
    return %c0_i32, %c0_i32_0 : i32, i32
  }
  func.func @transform_9(%arg0: i32) -> (i32, i32) {
    %c0_i32 = arith.constant 0 : i32
    %c0_i32_0 = arith.constant 0 : i32
    %c0_i32_1 = arith.constant 0 : i32
    return %c0_i32, %c0_i32_0 : i32, i32
  }
  func.func @transform_10(%arg0: i32) -> (i32, i32) {
    %c0_i32 = arith.constant 0 : i32
    %c0_i32_0 = arith.constant 0 : i32
    %c0_i32_1 = arith.constant 0 : i32
    return %c0_i32, %c0_i32_0 : i32, i32
  }
  func.func @transform_11(%arg0: i32) -> (i32, i32) {
    %c0_i32 = arith.constant 0 : i32
    %c0_i32_0 = arith.constant 0 : i32
    %c0_i32_1 = arith.constant 0 : i32
    return %c0_i32, %c0_i32_0 : i32, i32
  }
  func.func @transform_12(%arg0: i32) -> (i32, i32) {
    %c0_i32 = arith.constant 0 : i32
    %c0_i32_0 = arith.constant 0 : i32
    return %arg0, %c0_i32 : i32, i32
  }
  func.func @transform_13(%arg0: i32) -> (i32, i32) {
    %c0_i32 = arith.constant 0 : i32
    %c0_i32_0 = arith.constant 0 : i32
    return %arg0, %c0_i32 : i32, i32
  }
}

module attributes {stable_mosaic.version = 14 : i64} {
  func.func @_k2_body(%arg0: i32, %arg1: memref<2x1024x112xf32, #tpu.memory_space<vmem>>, %arg2: memref<1024x112xf32, #tpu.memory_space<vmem>>, %arg3: memref<112x112xf32, #tpu.memory_space<vmem>>, %arg4: memref<1024x112xf32, #tpu.memory_space<vmem>>) attributes {dimension_semantics = [#tpu.dimension_semantics<arbitrary>], iteration_bounds = array<i64: 10>, scalar_prefetch = 0 : i64, scratch_operands = 0 : i64, tpu.core_type = #tpu.core_type<tc>, window_params = [{transform_indices = @transform_0, window_bounds = array<i64: 2, 1024, 112>}, {transform_indices = @transform_1, window_bounds = array<i64: 1024, 112>}, {pipeline_mode = #tpu.pipeline_mode<synchronous>, transform_indices = @transform_2, window_bounds = array<i64: 112, 112>}, {transform_indices = @transform_3, window_bounds = array<i64: 1024, 112>}]} {
    %get3A = arith.constant 0 : index
    %get3A_0 = arith.constant 0 : index
    %get3A_1 = arith.constant 0 : index
    %get3A_2 = vector.load %arg1[%get3A, %get3A_0, %get3A_1] : memref<2x1024x112xf32, #tpu.memory_space<vmem>>, vector<1x1024x112xf32>
    %get3A_3 = vector.shape_cast %get3A_2 : vector<1x1024x112xf32> to vector<1024x112xf32>
    %get3A_4 = arith.constant 1 : index
    %get3A_5 = arith.constant 0 : index
    %get3A_6 = arith.constant 0 : index
    %get3A_7 = vector.load %arg1[%get3A_4, %get3A_5, %get3A_6] : memref<2x1024x112xf32, #tpu.memory_space<vmem>>, vector<1x1024x112xf32>
    %get3A_8 = vector.shape_cast %get3A_7 : vector<1x1024x112xf32> to vector<1024x112xf32>
    %add3A = arith.addf %get3A_3, %get3A_8 : vector<1024x112xf32>
    %slice3A = vector.extract_strided_slice %add3A {offsets = [0, 100], sizes = [1024, 1], strides = [1, 1]} : vector<1024x112xf32> to vector<1024x1xf32>
    %get3A_9 = arith.constant 0 : index
    %get3A_10 = arith.constant 0 : index
    %get3A_11 = vector.load %arg2[%get3A_9, %get3A_10] : memref<1024x112xf32, #tpu.memory_space<vmem>>, vector<1024x112xf32>
    %max3A = arith.constant 1.000000e+00 : f32
    %max3A_12 = vector.broadcast %max3A : f32 to vector<1024x1xf32>
    %max3A_13 = arith.maximumf %slice3A, %max3A_12 : vector<1024x1xf32>
    %div3A = arith.constant 1.000000e+00 : f32
    %div3A_14 = vector.broadcast %div3A : f32 to vector<1024x1xf32>
    %div3A_15 = arith.divf %div3A_14, %max3A_13 : vector<1024x1xf32>
    %mul3A = vector.broadcast %div3A_15 : vector<1024x1xf32> to vector<1024x112xf32>
    %mul3A_16 = arith.mulf %add3A, %mul3A : vector<1024x112xf32>
    %add3A_17 = arith.addf %get3A_11, %mul3A_16 : vector<1024x112xf32>
    %max3A_18 = arith.constant 0.000000e+00 : f32
    %max3A_19 = vector.broadcast %max3A_18 : f32 to vector<1024x112xf32>
    %max3A_20 = arith.maximumf %add3A_17, %max3A_19 : vector<1024x112xf32>
    %add3A_21 = arith.constant 1.000000e+00 : f32
    %add3A_22 = vector.broadcast %add3A_21 : f32 to vector<1024x1xf32>
    %add3A_23 = arith.addf %slice3A, %add3A_22 : vector<1024x1xf32>
    %rsqrt3A = math.rsqrt %add3A_23 : vector<1024x1xf32>
    %get3A_24 = arith.constant 0 : index
    %get3A_25 = arith.constant 0 : index
    %get3A_26 = vector.load %arg3[%get3A_24, %get3A_25] : memref<112x112xf32, #tpu.memory_space<vmem>>, vector<112x112xf32>
    %dot_general3A = arith.constant dense<0.000000e+00> : vector<1024x112xf32>
    %dot_general3A_27 = tpu.matmul %max3A_20, %get3A_26, %dot_general3A {dimension_numbers = #tpu.dot_dimension_numbers<[1], [0], [0], [1], [0, 0, 1, 1], [], []>, transpose_lhs_hint = false} : vector<1024x112xf32>, vector<112x112xf32>, vector<1024x112xf32> -> vector<1024x112xf32>
    %mul3A_28 = vector.broadcast %rsqrt3A : vector<1024x1xf32> to vector<1024x112xf32>
    %mul3A_29 = arith.mulf %dot_general3A_27, %mul3A_28 : vector<1024x112xf32>
    %iota3A = tpu.iota {dimensions = array<i32: 1>} : vector<1024x112xi32>
    %eq3A = arith.constant 100 : i32
    %eq3A_30 = vector.broadcast %eq3A : i32 to vector<1024x112xi32>
    %eq3A_31 = arith.cmpi eq, %iota3A, %eq3A_30 : vector<1024x112xi32>
    %broadcast_in_dim3A = vector.shape_cast %rsqrt3A : vector<1024x1xf32> to vector<1024x1xf32>
    %broadcast_in_dim3A_32 = vector.broadcast %broadcast_in_dim3A : vector<1024x1xf32> to vector<1024x112xf32>
    %select_n3A = arith.select %eq3A_31, %broadcast_in_dim3A_32, %mul3A_29 : vector<1024x112xi1>, vector<1024x112xf32>
    %swap3A = arith.constant 0 : index
    %swap3A_33 = arith.constant 0 : index
    %swap3A_34 = vector.load %arg4[%swap3A, %swap3A_33] : memref<1024x112xf32, #tpu.memory_space<vmem>>, vector<1024x112xf32>
    tpu.vector_store %arg4[%swap3A, %swap3A_33], %select_n3A {strides = array<i32>} : memref<1024x112xf32, #tpu.memory_space<vmem>>, vector<1024x112xf32>,
    return
  }
  func.func @transform_0(%arg0: i32) -> (i32, i32, i32) {
    %c0_i32 = arith.constant 0 : i32
    %c0_i32_0 = arith.constant 0 : i32
    %c0_i32_1 = arith.constant 0 : i32
    return %c0_i32, %arg0, %c0_i32_0 : i32, i32, i32
  }
  func.func @transform_1(%arg0: i32) -> (i32, i32) {
    %c0_i32 = arith.constant 0 : i32
    %c0_i32_0 = arith.constant 0 : i32
    return %arg0, %c0_i32 : i32, i32
  }
  func.func @transform_2(%arg0: i32) -> (i32, i32) {
    %c0_i32 = arith.constant 0 : i32
    %c0_i32_0 = arith.constant 0 : i32
    %c0_i32_1 = arith.constant 0 : i32
    return %c0_i32, %c0_i32_0 : i32, i32
  }
  func.func @transform_3(%arg0: i32) -> (i32, i32) {
    %c0_i32 = arith.constant 0 : i32
    %c0_i32_0 = arith.constant 0 : i32
    return %arg0, %c0_i32 : i32, i32
  }
}

module attributes {stable_mosaic.version = 14 : i64} {
  func.func @_k3_body(%arg0: i32, %arg1: memref<2x1024x112xf32, #tpu.memory_space<vmem>>, %arg2: memref<1024x112xf32, #tpu.memory_space<vmem>>, %arg3: memref<1x112xf32, #tpu.memory_space<vmem>>, %arg4: memref<112x48xf32, #tpu.memory_space<vmem>>, %arg5: memref<1024x48xf32, #tpu.memory_space<vmem>>) attributes {dimension_semantics = [#tpu.dimension_semantics<arbitrary>], iteration_bounds = array<i64: 10>, scalar_prefetch = 0 : i64, scratch_operands = 0 : i64, tpu.core_type = #tpu.core_type<tc>, window_params = [{transform_indices = @transform_0, window_bounds = array<i64: 2, 1024, 112>}, {transform_indices = @transform_1, window_bounds = array<i64: 1024, 112>}, {pipeline_mode = #tpu.pipeline_mode<synchronous>, transform_indices = @transform_2, window_bounds = array<i64: 1, 112>}, {pipeline_mode = #tpu.pipeline_mode<synchronous>, transform_indices = @transform_3, window_bounds = array<i64: 112, 48>}, {transform_indices = @transform_4, window_bounds = array<i64: 1024, 48>}]} {
    %get3A = arith.constant 0 : index
    %get3A_0 = arith.constant 0 : index
    %get3A_1 = arith.constant 0 : index
    %get3A_2 = vector.load %arg1[%get3A, %get3A_0, %get3A_1] : memref<2x1024x112xf32, #tpu.memory_space<vmem>>, vector<1x1024x112xf32>
    %get3A_3 = vector.shape_cast %get3A_2 : vector<1x1024x112xf32> to vector<1024x112xf32>
    %get3A_4 = arith.constant 1 : index
    %get3A_5 = arith.constant 0 : index
    %get3A_6 = arith.constant 0 : index
    %get3A_7 = vector.load %arg1[%get3A_4, %get3A_5, %get3A_6] : memref<2x1024x112xf32, #tpu.memory_space<vmem>>, vector<1x1024x112xf32>
    %get3A_8 = vector.shape_cast %get3A_7 : vector<1x1024x112xf32> to vector<1024x112xf32>
    %add3A = arith.addf %get3A_3, %get3A_8 : vector<1024x112xf32>
    %get3A_9 = arith.constant 0 : index
    %get3A_10 = arith.constant 0 : index
    %get3A_11 = vector.load %arg2[%get3A_9, %get3A_10] : memref<1024x112xf32, #tpu.memory_space<vmem>>, vector<1024x112xf32>
    %slice3A = vector.extract_strided_slice %get3A_11 {offsets = [0, 100], sizes = [1024, 1], strides = [1, 1]} : vector<1024x112xf32> to vector<1024x1xf32>
    %add3A_12 = arith.addf %add3A, %get3A_11 : vector<1024x112xf32>
    %mul3A = vector.broadcast %slice3A : vector<1024x1xf32> to vector<1024x112xf32>
    %mul3A_13 = arith.mulf %mul3A, %add3A_12 : vector<1024x112xf32>
    %get3A_14 = arith.constant 0 : index
    %get3A_15 = arith.constant 0 : index
    %get3A_16 = vector.load %arg3[%get3A_14, %get3A_15] : memref<1x112xf32, #tpu.memory_space<vmem>>, vector<1x112xf32>
    %add3A_17 = vector.broadcast %get3A_16 : vector<1x112xf32> to vector<1024x112xf32>
    %add3A_18 = arith.addf %mul3A_13, %add3A_17 : vector<1024x112xf32>
    %max3A = arith.constant 0.000000e+00 : f32
    %max3A_19 = vector.broadcast %max3A : f32 to vector<1024x112xf32>
    %max3A_20 = arith.maximumf %add3A_18, %max3A_19 : vector<1024x112xf32>
    %get3A_21 = arith.constant 0 : index
    %get3A_22 = arith.constant 0 : index
    %get3A_23 = vector.load %arg4[%get3A_21, %get3A_22] : memref<112x48xf32, #tpu.memory_space<vmem>>, vector<112x48xf32>
    %dot_general3A = arith.constant dense<0.000000e+00> : vector<1024x48xf32>
    %dot_general3A_24 = tpu.matmul %max3A_20, %get3A_23, %dot_general3A {dimension_numbers = #tpu.dot_dimension_numbers<[1], [0], [0], [1], [0, 0, 1, 1], [], []>, transpose_lhs_hint = false} : vector<1024x112xf32>, vector<112x48xf32>, vector<1024x48xf32> -> vector<1024x48xf32>
    %mul3A_25 = vector.broadcast %slice3A : vector<1024x1xf32> to vector<1024x48xf32>
    %mul3A_26 = arith.mulf %dot_general3A_24, %mul3A_25 : vector<1024x48xf32>
    %iota3A = tpu.iota {dimensions = array<i32: 1>} : vector<1024x48xi32>
    %eq3A = arith.constant 40 : i32
    %eq3A_27 = vector.broadcast %eq3A : i32 to vector<1024x48xi32>
    %eq3A_28 = arith.cmpi eq, %iota3A, %eq3A_27 : vector<1024x48xi32>
    %broadcast_in_dim3A = vector.shape_cast %slice3A : vector<1024x1xf32> to vector<1024x1xf32>
    %broadcast_in_dim3A_29 = vector.broadcast %broadcast_in_dim3A : vector<1024x1xf32> to vector<1024x48xf32>
    %select_n3A = arith.select %eq3A_28, %broadcast_in_dim3A_29, %mul3A_26 : vector<1024x48xi1>, vector<1024x48xf32>
    %swap3A = arith.constant 0 : index
    %swap3A_30 = arith.constant 0 : index
    %swap3A_31 = vector.load %arg5[%swap3A, %swap3A_30] : memref<1024x48xf32, #tpu.memory_space<vmem>>, vector<1024x48xf32>
    tpu.vector_store %arg5[%swap3A, %swap3A_30], %select_n3A {strides = array<i32>} : memref<1024x48xf32, #tpu.memory_space<vmem>>, vector<1024x48xf32>,
    return
  }
  func.func @transform_0(%arg0: i32) -> (i32, i32, i32) {
    %c0_i32 = arith.constant 0 : i32
    %c0_i32_0 = arith.constant 0 : i32
    %c0_i32_1 = arith.constant 0 : i32
    return %c0_i32, %arg0, %c0_i32_0 : i32, i32, i32
  }
  func.func @transform_1(%arg0: i32) -> (i32, i32) {
    %c0_i32 = arith.constant 0 : i32
    %c0_i32_0 = arith.constant 0 : i32
    return %arg0, %c0_i32 : i32, i32
  }
  func.func @transform_2(%arg0: i32) -> (i32, i32) {
    %c0_i32 = arith.constant 0 : i32
    %c0_i32_0 = arith.constant 0 : i32
    %c0_i32_1 = arith.constant 0 : i32
    return %c0_i32, %c0_i32_0 : i32, i32
  }
  func.func @transform_3(%arg0: i32) -> (i32, i32) {
    %c0_i32 = arith.constant 0 : i32
    %c0_i32_0 = arith.constant 0 : i32
    %c0_i32_1 = arith.constant 0 : i32
    return %c0_i32, %c0_i32_0 : i32, i32
  }
  func.func @transform_4(%arg0: i32) -> (i32, i32) {
    %c0_i32 = arith.constant 0 : i32
    %c0_i32_0 = arith.constant 0 : i32
    return %arg0, %c0_i32 : i32, i32
  }
}

module attributes {stable_mosaic.version = 14 : i64} {
  func.func @_k4_body(%arg0: i32, %arg1: memref<2x1024x48xf32, #tpu.memory_space<vmem>>, %arg2: memref<1024x48xf32, #tpu.memory_space<vmem>>, %arg3: memref<1x40xf32, #tpu.memory_space<vmem>>, %arg4: memref<1024x40xf32, #tpu.memory_space<vmem>>) attributes {dimension_semantics = [#tpu.dimension_semantics<arbitrary>], iteration_bounds = array<i64: 10>, scalar_prefetch = 0 : i64, scratch_operands = 0 : i64, tpu.core_type = #tpu.core_type<tc>, window_params = [{transform_indices = @transform_0, window_bounds = array<i64: 2, 1024, 48>}, {transform_indices = @transform_1, window_bounds = array<i64: 1024, 48>}, {pipeline_mode = #tpu.pipeline_mode<synchronous>, transform_indices = @transform_2, window_bounds = array<i64: 1, 40>}, {transform_indices = @transform_3, window_bounds = array<i64: 1024, 40>}]} {
    %get3A = arith.constant 0 : index
    %get3A_0 = arith.constant 0 : index
    %get3A_1 = arith.constant 0 : index
    %get3A_2 = vector.load %arg1[%get3A, %get3A_0, %get3A_1] : memref<2x1024x48xf32, #tpu.memory_space<vmem>>, vector<1x1024x48xf32>
    %get3A_3 = vector.shape_cast %get3A_2 : vector<1x1024x48xf32> to vector<1024x48xf32>
    %get3A_4 = arith.constant 1 : index
    %get3A_5 = arith.constant 0 : index
    %get3A_6 = arith.constant 0 : index
    %get3A_7 = vector.load %arg1[%get3A_4, %get3A_5, %get3A_6] : memref<2x1024x48xf32, #tpu.memory_space<vmem>>, vector<1x1024x48xf32>
    %get3A_8 = vector.shape_cast %get3A_7 : vector<1x1024x48xf32> to vector<1024x48xf32>
    %add3A = arith.addf %get3A_3, %get3A_8 : vector<1024x48xf32>
    %get3A_9 = arith.constant 0 : index
    %get3A_10 = arith.constant 0 : index
    %get3A_11 = vector.load %arg2[%get3A_9, %get3A_10] : memref<1024x48xf32, #tpu.memory_space<vmem>>, vector<1024x48xf32>
    %slice3A = vector.extract_strided_slice %get3A_11 {offsets = [0, 40], sizes = [1024, 1], strides = [1, 1]} : vector<1024x48xf32> to vector<1024x1xf32>
    %slice3A_12 = vector.extract_strided_slice %add3A {offsets = [0, 0], sizes = [1024, 40], strides = [1, 1]} : vector<1024x48xf32> to vector<1024x40xf32>
    %slice3A_13 = vector.extract_strided_slice %get3A_11 {offsets = [0, 0], sizes = [1024, 40], strides = [1, 1]} : vector<1024x48xf32> to vector<1024x40xf32>
    %add3A_14 = arith.addf %slice3A_12, %slice3A_13 : vector<1024x40xf32>
    %mul3A = vector.broadcast %slice3A : vector<1024x1xf32> to vector<1024x40xf32>
    %mul3A_15 = arith.mulf %mul3A, %add3A_14 : vector<1024x40xf32>
    %get3A_16 = arith.constant 0 : index
    %get3A_17 = arith.constant 0 : index
    %get3A_18 = vector.load %arg3[%get3A_16, %get3A_17] : memref<1x40xf32, #tpu.memory_space<vmem>>, vector<1x40xf32>
    %add3A_19 = vector.broadcast %get3A_18 : vector<1x40xf32> to vector<1024x40xf32>
    %add3A_20 = arith.addf %mul3A_15, %add3A_19 : vector<1024x40xf32>
    %reduce_max3A = arith.constant dense<0xFF800000> : vector<1024xf32>
    %reduce_max3A_21 = vector.multi_reduction <maximumf>, %add3A_20, %reduce_max3A [1] : vector<1024x40xf32> to vector<1024xf32>
    %broadcast_in_dim3A = vector.shape_cast %reduce_max3A_21 : vector<1024xf32> to vector<1024x1xf32>
    %sub3A = vector.broadcast %broadcast_in_dim3A : vector<1024x1xf32> to vector<1024x40xf32>
    %sub3A_22 = arith.subf %add3A_20, %sub3A : vector<1024x40xf32>
    %exp3A = math.exp %sub3A_22 : vector<1024x40xf32>
    %reduce_sum3A = arith.constant dense<0.000000e+00> : vector<1024xf32>
    %reduce_sum3A_23 = vector.multi_reduction <add>, %exp3A, %reduce_sum3A [1] : vector<1024x40xf32> to vector<1024xf32>
    %broadcast_in_dim3A_24 = vector.shape_cast %reduce_sum3A_23 : vector<1024xf32> to vector<1024x1xf32>
    %log3A = math.log %broadcast_in_dim3A_24 : vector<1024x1xf32>
    %add3A_25 = arith.addf %log3A, %broadcast_in_dim3A : vector<1024x1xf32>
    %sub3A_26 = vector.broadcast %add3A_25 : vector<1024x1xf32> to vector<1024x40xf32>
    %sub3A_27 = arith.subf %add3A_20, %sub3A_26 : vector<1024x40xf32>
    %swap3A = arith.constant 0 : index
    %swap3A_28 = arith.constant 0 : index
    %swap3A_29 = vector.load %arg4[%swap3A, %swap3A_28] : memref<1024x40xf32, #tpu.memory_space<vmem>>, vector<1024x40xf32>
    tpu.vector_store %arg4[%swap3A, %swap3A_28], %sub3A_27 {strides = array<i32>} : memref<1024x40xf32, #tpu.memory_space<vmem>>, vector<1024x40xf32>,
    return
  }
  func.func @transform_0(%arg0: i32) -> (i32, i32, i32) {
    %c0_i32 = arith.constant 0 : i32
    %c0_i32_0 = arith.constant 0 : i32
    %c0_i32_1 = arith.constant 0 : i32
    return %c0_i32, %arg0, %c0_i32_0 : i32, i32, i32
  }
  func.func @transform_1(%arg0: i32) -> (i32, i32) {
    %c0_i32 = arith.constant 0 : i32
    %c0_i32_0 = arith.constant 0 : i32
    return %arg0, %c0_i32 : i32, i32
  }
  func.func @transform_2(%arg0: i32) -> (i32, i32) {
    %c0_i32 = arith.constant 0 : i32
    %c0_i32_0 = arith.constant 0 : i32
    %c0_i32_1 = arith.constant 0 : i32
    return %c0_i32, %c0_i32_0 : i32, i32
  }
  func.func @transform_3(%arg0: i32) -> (i32, i32) {
    %c0_i32 = arith.constant 0 : i32
    %c0_i32_0 = arith.constant 0 : i32
    return %arg0, %c0_i32 : i32, i32
  }
}

</mosaic_0001>

<sc_bundles>
// kernel: kernel.12.cloned.1.call-start
scs
__scs_entry_jumppad:
0x0: {  	(pc) =	sbr.rel $0x88, $3  }
0x1: {  	(tag) =	ssettag $0x0;
	lr =	simm.s32 $0x1  }
0x2: {  	[smem:$0x3F90] =	sst lr;
	_ =	strace $0xD0000000  }
0x3: {  	_ = 	snop  }
0x4: {  	_ = 	snop  }
0x5: {  	_ = 	snop  }
0x6: {  	_ = 	snop  }
0x7: {  	_ = 	snop  }
__scs_overlays_trampoline_lowered:
0x8: {  	[smem:$0x3F9F] =	sst s0  }
0x9: {  	[smem:$0x3FA0] =	sst s1  }
0xa: {  	[smem:$0x3FA1] =	sst s2  }
0xb: {  	[smem:$0x3FA2] =	sst s3  }
0xc: {  	[smem:$0x3FA3] =	sst s4  }
0xd: {  	[smem:$0x3FA4] =	sst s5  }
0xe: {  	[smem:$0x3FA5] =	sst s6  }
0xf: {  	[smem:$0x3FA6] =	sst s7  }
0x10: {  	[smem:$0x3FA7] =	sst s8  }
0x11: {  	[smem:$0x3FA8] =	sst s9;
	s0 =	simm.s32 @!p0 $0x0  }
0x12: {  	s1 =	sld [smem:$0x3F8E];
	s0 =	simm.s32 @p0 $0x1  }
0x13: {  	[smem:$0x3FA9] =	sst s0;
	s0 =	simm.s32 @!p1 $0x0  }
0x14: {  	s2 =	sld [smem:$0x3F8D];
	s0 =	simm.s32 @p1 $0x1  }
0x15: {  	[smem:$0x3FAA] =	sst s0;
	s0 =	simm.s32 @!p2 $0x0  }
0x16: {  	s3 =	sld [smem:$0x3FDB];
	s0 =	simm.s32 @p2 $0x1  }
0x17: {  	s4 =	simm.s32 $0x1BF5;
	[smem:$0x3FAC] =	sst s0  }
0x18: {  	s0 =	sld [smem:$0x3F8F];
	_ =	swait.ge [sflag:s4], $0x0  }
0x19: {  	s7 =	sld [smem:$0x3F90]  }
0x1a: {  	s8 =	sadd.s32 $0xFFFFE003, lr  }
0x1b: {  	s9 =	sadd.s32 $0xFFFFFEF7, lr;
	s5 =	simm.s32 $0xFFFFFFFF;
	p2 =	slt.u32 s8, $0xFFFFF086  }
0x1c: {  	p1 =	slt.u32 s9, $0xF7A;
	s5 =	simm.s32 @!p2 $0x0  }
0x1d: {  	s5 =	simm.s32 @p1 $0x1;
	p0 =	seq.s32 s7, s2  }
0x1e: {  	s7 =	smul.u32 @!p0 $0xF7A, s2;
	p2 =	seq.s32 @!p0 s5, $0x0  }
0x1f: {  	s9 =	smul.u32 $0xF7A, s1;
	s8 =	simm.s32 @!p0 $0x1BF5;
	p2 =	por !p2, p0  }
0x20: {  	[sflag:s8] =	ssyncset.s32 @!p0 $0xFFFFF086;
	s6 =	sadd.s32 @!p0 s3, s7;
	s7 =	simm.s32 @!p0 $0x108  }
0x21: {  	s3 =	sadd.s32 s3, s9;
	s6 =	sadd.s32 @!p0 $0x88, s6;
	s7 =	simm.s32 @p2 $0x1082  }
0x22: {  	[simem:s7], [sflag:s8] =	dma.local @!p0 [hbm:s6], $0xF7A  }
0x23: {  	s9 =	sor.u32 $0xD0000000, s2;
	s6 =	simm.s32 $0x108;
	_ =	swait.ge @!p0 [sflag:s8], $0x0  }
0x24: {  	s3 =	sadd.s32 $0x88, s3;
	s6 =	simm.s32 @!p1 $0x1082;
	[sflag:s4] =	ssyncset.s32 $0xFFFFF086  }
0x25: {  	[simem:s6], [sflag:s4] =	dma.local [hbm:s3], $0xF7A  }
0x26: {  	[smem:$0x3F90] =	sst s1;
	(tag) =	ssettag s2;
	_ =	strace s9  }
0x27: {  	s1 =	sld [smem:$0x3FA0]  }
0x28: {  	s2 =	sld [smem:$0x3FA1]  }
0x29: {  	s4 =	sld [smem:$0x3FA3]  }
0x2a: {  	p0 =	seq.s32 s5, $0x0;
	s5 =	sld [smem:$0x3FA4]  }
0x2b: {  	s6 =	sld [smem:$0x3FA5]  }
0x2c: {  	s7 =	sld [smem:$0x3FA6]  }
0x2d: {  	s3 =	simm.s32 $0x108;
	s8 =	sld [smem:$0x3FA7]  }
0x2e: {  	s3 =	simm.s32 @!p0 $0x1082;
	s9 =	sld [smem:$0x3FA8]  }
0x2f: {  	lr =	sadd.s32 s0, s3;
	s0 =	sld [smem:$0x3F9F]  }
0x30: {  	s3 =	sld [smem:$0x3FA2]  }
0x31: {  	[smem:$0x3FAB] =	sst s10  }
0x32: {  	s10 =	sld [smem:$0x3FA9];
	_ =	sdelay $0x3  }
0x33: {  	p0 =	seq.s32 s10, $0x1;
	s10 =	sld [smem:$0x3FAB];
	_ =	sdelay $0x3  }
0x34: {  	[smem:$0x3FAB] =	sst s10  }
0x35: {  	s10 =	sld [smem:$0x3FAA];
	_ =	sdelay $0x3  }
0x36: {  	p1 =	seq.s32 s10, $0x1;
	s10 =	sld [smem:$0x3FAB];
	_ =	sdelay $0x3  }
0x37: {  	[smem:$0x3FAB] =	sst s10  }
0x38: {  	s10 =	sld [smem:$0x3FAC]  }
0x39: {  	_ = 	snop;
	(pc) =	sbr.ind lr, $3  }
0x3a: {  	_ = 	snop  }
0x3b: {  	_ = 	snop  }
0x3c: {  	p2 =	seq.s32 s10, $0x1;
	s10 =	sld [smem:$0x3FAB]  }
0x3d: {  	_ =	shalt  }
0x3e: {  	_ =	shalt  }
0x3f: {  	_ =	shalt  }
0x40: {  	_ =	shalt  }
0x41: {  	_ =	shalt  }
0x42: {  	_ =	shalt  }
0x43: {  	_ =	shalt  }
0x44: {  	_ =	shalt  }
0x45: {  	_ =	shalt  }
0x46: {  	_ =	shalt  }
0x47: {  	_ =	shalt  }
0x48: {  	_ =	shalt  }
0x49: {  	_ =	shalt  }
0x4a: {  	_ =	shalt  }
0x4b: {  	_ =	shalt  }
0x4c: {  	_ =	shalt  }
0x4d: {  	_ =	shalt  }
0x4e: {  	_ =	shalt  }
0x4f: {  	_ =	shalt  }
0x50: {  	_ =	shalt  }
0x51: {  	_ =	shalt  }
0x52: {  	_ =	shalt  }
0x53: {  	_ =	shalt  }
0x54: {  	_ =	shalt  }
0x55: {  	_ =	shalt  }
0x56: {  	_ =	shalt  }
0x57: {  	_ =	shalt  }
0x58: {  	_ =	shalt  }
0x59: {  	_ =	shalt  }
0x5a: {  	_ =	shalt  }
0x5b: {  	_ =	shalt  }
0x5c: {  	_ =	shalt  }
0x5d: {  	_ =	shalt  }
0x5e: {  	_ =	shalt  }
0x5f: {  	_ =	shalt  }
0x60: {  	_ =	shalt  }
0x61: {  	_ =	shalt  }
0x62: {  	_ =	shalt  }
0x63: {  	_ =	shalt  }
0x64: {  	_ =	shalt  }
0x65: {  	_ =	shalt  }
0x66: {  	_ =	shalt  }
0x67: {  	_ =	shalt  }
0x68: {  	_ =	shalt  }
0x69: {  	_ =	shalt  }
0x6a: {  	_ =	shalt  }
0x6b: {  	_ =	shalt  }
0x6c: {  	_ =	shalt  }
0x6d: {  	_ =	shalt  }
0x6e: {  	_ =	shalt  }
0x6f: {  	_ =	shalt  }
0x70: {  	_ =	shalt  }
0x71: {  	_ =	shalt  }
0x72: {  	_ =	shalt  }
0x73: {  	_ =	shalt  }
0x74: {  	_ =	shalt  }
0x75: {  	_ =	shalt  }
0x76: {  	_ =	shalt  }
0x77: {  	_ =	shalt  }
0x78: {  	_ =	shalt  }
0x79: {  	_ =	shalt  }
0x7a: {  	_ =	shalt  }
0x7b: {  	_ =	shalt  }
0x7c: {  	_ =	shalt  }
0x7d: {  	_ =	shalt  }
0x7e: {  	_ =	shalt  }
0x7f: {  	_ =	shalt  }
0x80: {  	_ =	shalt  }
0x81: {  	_ =	shalt  }
0x82: {  	_ =	shalt  }
0x83: {  	_ =	shalt  }
0x84: {  	_ =	shalt  }
0x85: {  	_ =	shalt  }
0x86: {  	_ =	shalt  }
0x87: {  	_ =	shalt  }
.Lfunc_end0:
.L_simem_size_0:
called_computation.1_lowered:
.L_overlay_start_0:
0x88: {  	s2 =	sld [smem:$0x3FD9]  }
0x89: {  	s3 =	sld [smem:$0x3FFE];
	_ =	sdelay $0x1  }
0x8a: {  	s1 =	srdreg.scid  }
0x8b: {  	s0 =	sand.u32 $0x1, s1  }
0x8c: {  	s17 =	sshll.u32 s0, $0xA;
	s2 =	sadd.s32 s3, s2  }
0x8d: {  	s2 =	sadd.s32 s2, s17  }
0x8e: {  	[smem:$0x3FB7] =	sst s2  }
0x8f: {  	_ = 	snop  }
0x90: {  	s2 =	sld [smem:$0x3FD0];
	(tm) =	ssettm $0x1  }
0x91: {  	s18 =	sld [smem:$0x3FFB];
	_ =	sdelay $0x3  }
0x92: {  	_ =	strace s18  }
0x93: {  	s3 =	sld [smem:$0x3FFC];
	_ =	sdelay $0x3  }
0x94: {  	_ =	strace s3  }
0x95: {  	s3 =	sld [smem:$0x3FFD];
	_ =	sdelay $0x3  }
0x96: {  	_ =	strace s3  }
0x97: {  	_ =	strace $0x8FFFFFFF  }
0x98: {  	s19 =	sld [smem:$0x3FDB];
	_ =	sdelay $0x1  }
0x99: {  	s4 =	simm.s32 $_scs_section_size  }
0x9a: {  	s5 =	simm.s32 $_size__tile_overlayer_lowered;
	s6 =	simm.s32 $_tile_overlayer_lowered  }
0x9b: {  	s22 =	simm.s32 $0x1BFF;
	s21 =	sshll.u32 s6, $0x1;
	s3 =	sadd.s32 s4, s19  }
0x9c: {  	s7 =	simm.s32 $0x0;
	s20 =	sshll.u32 s5, $0x1;
	s5 =	sadd.s32 s21, s3  }
0x9d: {  	[timem:s7], [sflag:s22] =	dma.local [hbm:s5], s20  }
0x9e: {  	_ =	swait.ge [sflag:s22], s20  }
0x9f: {  	s4 =	ssub.s32 $0x0, s20;
	[sflag:s22] =	ssyncset.done $0x0  }
0xa0: {  	[sflag:s22] =	ssyncadd.s32 s4;
	_ =	sdelay $0x1  }
0xa1: {  	s23 =	simm.s32 $0x1B8B  }
0xa2: {  	_ =	swait.ge [sflag:s23], $0x1  }
0xa3: {  	[sflag:s23] =	ssyncset.done $0x0  }
0xa4: {  	s25 =	simm.s32 $0x1B8E;
	s24 =	sld [smem:$0x3FFE];
	[sflag:s23] =	ssyncadd.s32 $0xFFFFFFFF  }
0xa5: {  	s26 =	simm.s32 $execute0_lowered;
	[smem:$0x3FD2] =	sst s25  }
0xa6: {  	s5 =	sshll.u32 s26, $0x1;
	_ =	strace $0x80000049;
	[dreg:$0x1] =	wrdreg $0xFFFFFFFF  }
0xa7: {  	s28 =	simm.s32 $_size_execute0_lowered;
	s3 =	sadd.s32 s3, s5;
	[dreg:$0x0] =	wrdreg $0x0  }
0xa8: {  	s5 =	sshll.u32 s28, $0x1;
	[dreg:$0x2] =	wrdreg s3  }
0xa9: {  	[dreg:$0x3] =	wrdreg s5  }
0xaa: {  	[dreg:$0x4] =	wrdreg $0xC0  }
0xab: {  	_ =	task [dreg:s7], $0x5FFFF  }
0xac: {  	[dreg:$0x1] =	wrdreg $0xFFFFFFFF  }
0xad: {  	[dreg:$0x0] =	wrdreg $0x60  }
0xae: {  	[dreg:$0x2] =	wrdreg s24  }
0xaf: {  	[dreg:$0x3] =	wrdreg s2  }
0xb0: {  	[dreg:$0x4] =	wrdreg $0xC0000  }
0xb1: {  	[dreg:$0x5] =	wrdreg $0x9  }
0xb2: {  	_ =	task.clear_ibuf [dreg:s7], $0x6FFFF;
	_ =	strace $0x90000049  }
0xb3: {  	s29 =	simm.s32 $0x9;
	_ =	strace $0x8000004B  }
0xb4: {  	_ =	swait.ge [sflag:s29], $0x1  }
0xb5: {  	[sflag:s29] =	ssyncadd.s32 $0xFFFFFFFF  }
0xb6: {  	_ =	strace $0x9000004B  }
0xb7: {  	_ =	sfence  }
0xb8: {  	s30 =	sld [smem:$0x0];
	_ =	sdelay $0x2  }
0xb9: {  	s31 =	sshll.u32 s1, $0xD;
	s1 =	sshrl.u32 s1, $0x2  }
0xba: {  	s3 =	sand.u32 $0x4000, s31;
	s1 =	sadd.s32 s1, s30  }
0xbb: {  	s0 =	sor.u32 s3, s0;
	s1 =	sshll.u32 s1, $0x11  }
0xbc: {  	s0 =	sor.u32 s1, s0  }
0xbd: {  	s0 =	sadd.s32 $0x8F2B, s0  }
0xbe: {  	[sflag:s0] =	ssyncadd.remote.s32 $0x1  }
0xbf: {  	_ =	sfence.sel $0xFFFF  }
0xc0: {  	[dreg:$0x0] =	wrdreg $0xFFFFFFFF;
	(pc) =	sbr.abs _section_cstart, $3  }
0xc1: {  	[dreg:$0x1] =	wrdreg $0xFFFFFFFF  }
0xc2: {  	_ =	task.clear_ibuf [dreg:s7], $0x2FFFF;
	_ =	strace $0x9FFFFFFF  }
0xc3: {  	(tm) =	ssettm $0x7FFFFFFF  }
tec
execute0_lowered:
.L_overlay_start_1:
0x0: {  	(tag) =	ssettag $0x1  }
0x1: {  	s0 =	rddreg [dreg:$0x0];
	s1 =	srdreg.scid  }
0x2: {  	s7 =	rddreg [dreg:$0x1];
	s2 =	stileid.u32  }
0x3: {  	s3 =	simm.s32 $0x0;
	s6 =	sand.u32 $0x1, s1;
	s1 =	rddreg [dreg:$0x2]  }
0x4: {  	[smem:$0x7FF] =	sst s3;
	s5 =	sadd.s32 $0x2F600, s0;
	p1 =	sgt.s32 s2, $0x1  }
0x5: {  	s4 =	sshll.u32 s6, $0x4;
	_ =	strace $0x8000004A;
	s11 =	smul.u32 $0x118000, s6  }
0x6: {  	s10 =	ssub.s32 $0x2, s6;
	s23 =	smul.u32 $0x23000, s6;
	s24 =	sadd.s32 $0x106800, s1  }
0x7: {  	p0 =	seq.s32 @p1 s2, $0x2;
	s28 =	sadd.s32 $0xE3800, s1;
	s4 =	sor.u32 s2, s4  }
0x8: {  	s29 =	sadd.s32 $0xD2000, s1;
	s30 =	sadd.s32 $0xC0800, s1;
	s8 =	smul.u32 $0x500, s4  }
0x9: {  	s31 =	sadd.s32 $0xAF000, s1;
	[dreg:$0x4] =	wrdreg s24;
	s4 =	sadd.s32 $0x2600, s0  }
0xa: {  	s11 =	sshrl.u32 s11, $0x3;
	s9 =	sadd.s32 s8, s0;
	s8 =	sadd.s32 s7, s8  }
0xb: {  	s0 =	sadd.s32 $0x31A00, s0;
	s25 =	sadd.s32 $0x25600, s9;
	[dreg:$0x6] =	wrdreg s8  }
0xc: {  	s26 =	sadd.s32 s0, s11;
	s0 =	sadd.s32 s0, s23;
	[dreg:$0x5] =	wrdreg s25  }
0xd: {  	s12 =	sshrl.u32 s10, $0x1;
	[dreg:$0x7] =	wrdreg s0;
	s11 =	sadd.s32 $0x2300, s26  }
0xe: {  	s10 =	ssub.s32 s10, s12;
	s12 =	sadd.s32 $0x4600, s26;
	[dreg:$0x8] =	wrdreg s11  }
0xf: {  	p2 =	por !p0, !p1;
	s13 =	sadd.s32 $0x6900, s26;
	[dreg:$0x9] =	wrdreg s12  }
0x10: {  	p0 =	por p0, !p1;
	s14 =	sadd.s32 $0x8C00, s26;
	[dreg:$0xa] =	wrdreg s13  }
0x11: {  	s7 =	sadd.s32 $0x8C000, s1;
	s15 =	sadd.s32 $0xAF00, s26;
	[dreg:$0xb] =	wrdreg s14  }
0x12: {  	s8 =	sadd.s32 $0x7A800, s1;
	s16 =	sadd.s32 $0xD200, s26;
	[dreg:$0xc] =	wrdreg s15  }
0x13: {  	s9 =	sadd.s32 $0x69000, s1;
	s17 =	sadd.s32 $0xF500, s26;
	[dreg:$0xd] =	wrdreg s16  }
0x14: {  	s18 =	sadd.s32 $0x11800, s26;
	s0 =	simm.s32 @!p2 $0x0;
	[dreg:$0xe] =	wrdreg s17  }
0x15: {  	s19 =	sadd.s32 $0x13B00, s26;
	[dreg:$0xf] =	wrdreg s18;
	s0 =	simm.s32 @p2 $0x1  }
0x16: {  	s20 =	sadd.s32 $0x15E00, s26;
	[smem:$0x7F2] =	sst s0;
	s0 =	simm.s32 @!p0 $0x0  }
0x17: {  	[dreg:$0x10] =	wrdreg s19;
	s0 =	simm.s32 @p0 $0x1;
	p0 =	seq.s32 @!p1 s2, $0x0  }
0x18: {  	s21 =	sadd.s32 $0x18100, s26;
	[dreg:$0x11] =	wrdreg s20;
	p3 =	por !p0, p1  }
0x19: {  	s22 =	sadd.s32 $0x1A400, s26;
	[smem:$0x7F3] =	sst s0;
	s0 =	simm.s32 @!p3 $0x0  }
0x1a: {  	s23 =	sadd.s32 $0x1C700, s26;
	[dreg:$0x12] =	wrdreg s21;
	s0 =	simm.s32 @p3 $0x1  }
0x1b: {  	s24 =	sadd.s32 $0x1EA00, s26;
	[smem:$0x7F4] =	sst s0;
	s0 =	simm.s32 @!p1 $0x0  }
0x1c: {  	[dreg:$0x13] =	wrdreg s22;
	p0 =	por p0, p1;
	s0 =	simm.s32 @p1 $0x1  }
0x1d: {  	p2 =	sgt.s32 s2, $0x5;
	[smem:$0x7F5] =	sst s0;
	s0 =	simm.s32 @!p0 $0x0  }
0x1e: {  	[dreg:$0x14] =	wrdreg s23;
	s0 =	simm.s32 @p0 $0x1;
	p0 =	seq.s32 @p2 s2, $0x6  }
0x1f: {  	s25 =	sadd.s32 $0x20D00, s26;
	[dreg:$0x15] =	wrdreg s24;
	p1 =	por !p0, !p2  }
0x20: {  	s26 =	smax.u32 s10, $0x1;
	[smem:$0x7F6] =	sst s0;
	s0 =	simm.s32 @!p1 $0x0  }
0x21: {  	[dreg:$0x16] =	wrdreg s25;
	p0 =	por p0, !p2;
	s0 =	simm.s32 @p1 $0x1  }
0x22: {  	s10 =	sadd.s32 $0x57800, s1;
	[smem:$0x7F7] =	sst s0;
	s0 =	simm.s32 @!p0 $0x0  }
0x23: {  	[dreg:$0x17] =	wrdreg s26;
	s0 =	simm.s32 @p0 $0x1;
	p0 =	seq.s32 @!p2 s2, $0x4  }
0x24: {  	s26 =	sadd.s32 $0xF5000, s1;
	s11 =	sadd.s32 $0x46000, s1;
	p1 =	por !p0, p2  }
0x25: {  	s12 =	sadd.s32 $0x34800, s1;
	[smem:$0x7F8] =	sst s0;
	s0 =	simm.s32 @!p1 $0x0  }
0x26: {  	s13 =	sadd.s32 $0x23000, s1;
	s14 =	sadd.s32 $0x11800, s1;
	s0 =	simm.s32 @p1 $0x1  }
0x27: {  	s15 =	simm.s32 $0x5;
	[smem:$0x7F9] =	sst s0;
	s0 =	simm.s32 @!p2 $0x0  }
0x28: {  	s17 =	simm.s32 $0x1;
	p0 =	por p0, p2;
	s0 =	simm.s32 @p2 $0x1  }
0x29: {  	s18 =	simm.s32 $0x2;
	[smem:$0x7FA] =	sst s0;
	s0 =	simm.s32 @!p0 $0x0  }
0x2a: {  	s19 =	simm.s32 $0x80;
	s0 =	simm.s32 @p0 $0x1;
	p0 =	sgt.s32 s2, $0x7  }
.Ltmp0:
0x2b: {  	[smem:$0x7FB] =	sst s0;
	s0 =	simm.s32 @!p0 $0x0;
	(pc) =	sbr.rel .LBB2_1-.Ltmp0, $4  }
0x2c: {  	s20 =	simm.s32 $0x5000;
	s0 =	simm.s32 @p0 $0x1;
	p0 =	sgt.s32 s2, $0x3  }
0x2d: {  	s21 =	simm.s32 $0x8800;
	[smem:$0x7FC] =	sst s0;
	s0 =	simm.s32 @!p0 $0x0  }
0x2e: {  	s22 =	simm.s32 $0x3;
	s23 =	simm.s32 $0x4;
	s0 =	simm.s32 @p0 $0x1  }
0x2f: {  	s24 =	simm.s32 $0x0;
	[smem:$0x7FD] =	sst s0;
	s0 =	sadd.s32 $0x9D800, s1  }
.LBB2_11:
0x30: {  	_ =	swait.ge [sflag:s23], $0x3800  }
0x31: {  	[sflag:s23] =	ssyncset.done $0x0  }
0x32: {  	[sflag:s23] =	ssyncadd.s32 $0xFFFFC800  }
0x33: {  	p6 =	sne.s32 s2, $0x0;
	[bflag:$0x0] =	sbarrier.arrive $0xFFFF  }
0x34: {  	s6 =	sshrl.u32 @!p6 s1, $0x3;
	s16 =	simm.s32 @!p6 $0x1C05;
	s25 =	rddreg [dreg:$0x7]  }
0x35: {  	[hbm:s25], [sflag:s16] =	dma.local @!p6 [spmem:s6], $0x2300  }
0x36: {  	s6 =	simm.s32 @!p6 $0x5  }
0x37: {  	_ =	swait.ge @!p6 [sflag:s6], $0x2300  }
0x38: {  	s16 =	sshll.u32 @p1 s2, $0x6;
	[sflag:s6] =	ssyncset.done @!p6 $0x0;
	s25 =	rddreg [dreg:$0x8]  }
0x39: {  	[sflag:s6] =	ssyncadd.s32 @!p6 $0xFFFFDD00;
	s6 =	sor.u32 @p1 $0x1C05, s16;
	s16 =	sshrl.u32 @p1 s14, $0x3  }
0x3a: {  	[hbm:s25], [sflag:s6] =	dma.local @p1 [spmem:s16], $0x2300  }
0x3b: {  	s6 =	simm.s32 @p1 $0x5  }
0x3c: {  	_ =	swait.ge @p1 [sflag:s6], $0x2300  }
0x3d: {  	s16 =	sshll.u32 @p4 s2, $0x6;
	[sflag:s6] =	ssyncset.done @p1 $0x0;
	s25 =	rddreg [dreg:$0x9]  }
0x3e: {  	[sflag:s6] =	ssyncadd.s32 @p1 $0xFFFFDD00;
	s6 =	sor.u32 @p4 $0x1C05, s16;
	s16 =	sshrl.u32 @p4 s13, $0x3  }
0x3f: {  	[hbm:s25], [sflag:s6] =	dma.local @p4 [spmem:s16], $0x2300  }
0x40: {  	s6 =	simm.s32 @p4 $0x5  }
0x41: {  	_ =	swait.ge @p4 [sflag:s6], $0x2300  }
0x42: {  	s25 =	sld [smem:$0x7ED];
	_ =	sdelay $0x2  }
0x43: {  	[sflag:s6] =	ssyncset.done @p4 $0x0;
	p0 =	seq.s32 s25, $0x1  }
0x44: {  	[sflag:s6] =	ssyncadd.s32 @p4 $0xFFFFDD00;
	s16 =	sshll.u32 @p0 s2, $0x6  }
0x45: {  	s25 =	rddreg [dreg:$0xa];
	s6 =	sor.u32 @p0 $0x1C05, s16;
	s16 =	sshrl.u32 @p0 s12, $0x3  }
0x46: {  	[hbm:s25], [sflag:s6] =	dma.local @p0 [spmem:s16], $0x2300  }
0x47: {  	s6 =	simm.s32 @p0 $0x5  }
0x48: {  	_ =	swait.ge @p0 [sflag:s6], $0x2300  }
0x49: {  	s25 =	sld [smem:$0x7EE];
	_ =	sdelay $0x2  }
0x4a: {  	[sflag:s6] =	ssyncset.done @p0 $0x0;
	p2 =	seq.s32 s25, $0x1  }
0x4b: {  	[sflag:s6] =	ssyncadd.s32 @p0 $0xFFFFDD00;
	s16 =	sshll.u32 @p2 s2, $0x6  }
0x4c: {  	s25 =	rddreg [dreg:$0xb];
	s6 =	sor.u32 @p2 $0x1C05, s16;
	s16 =	sshrl.u32 @p2 s11, $0x3  }
0x4d: {  	[hbm:s25], [sflag:s6] =	dma.local @p2 [spmem:s16], $0x2300  }
0x4e: {  	s6 =	simm.s32 @p2 $0x5  }
0x4f: {  	_ =	swait.ge @p2 [sflag:s6], $0x2300  }
0x50: {  	s25 =	sld [smem:$0x7EC];
	_ =	sdelay $0x2  }
0x51: {  	[sflag:s6] =	ssyncset.done @p2 $0x0;
	p0 =	seq.s32 s25, $0x1  }
0x52: {  	[sflag:s6] =	ssyncadd.s32 @p2 $0xFFFFDD00;
	s16 =	sshll.u32 @p0 s2, $0x6  }
0x53: {  	s25 =	rddreg [dreg:$0xc];
	s6 =	sor.u32 @p0 $0x1C05, s16;
	s16 =	sshrl.u32 @p0 s10, $0x3  }
0x54: {  	[hbm:s25], [sflag:s6] =	dma.local @p0 [spmem:s16], $0x2300  }
0x55: {  	s6 =	simm.s32 @p0 $0x5  }
0x56: {  	_ =	swait.ge @p0 [sflag:s6], $0x2300  }
0x57: {  	s25 =	sld [smem:$0x7EF];
	_ =	sdelay $0x2  }
0x58: {  	[sflag:s6] =	ssyncset.done @p0 $0x0;
	p1 =	seq.s32 s25, $0x1  }
0x59: {  	[sflag:s6] =	ssyncadd.s32 @p0 $0xFFFFDD00;
	s16 =	sshll.u32 @p1 s2, $0x6  }
0x5a: {  	s25 =	rddreg [dreg:$0xd];
	s6 =	sor.u32 @p1 $0x1C05, s16;
	s16 =	sshrl.u32 @p1 s9, $0x3  }
0x5b: {  	[hbm:s25], [sflag:s6] =	dma.local @p1 [spmem:s16], $0x2300  }
0x5c: {  	s6 =	simm.s32 @p1 $0x5  }
0x5d: {  	_ =	swait.ge @p1 [sflag:s6], $0x2300  }
0x5e: {  	s25 =	sld [smem:$0x7EB];
	_ =	sdelay $0x2  }
0x5f: {  	[sflag:s6] =	ssyncset.done @p1 $0x0;
	p0 =	seq.s32 s25, $0x1  }
0x60: {  	[sflag:s6] =	ssyncadd.s32 @p1 $0xFFFFDD00;
	s16 =	sshll.u32 @p0 s2, $0x6  }
0x61: {  	s25 =	rddreg [dreg:$0xe];
	s6 =	sor.u32 @p0 $0x1C05, s16;
	s16 =	sshrl.u32 @p0 s8, $0x3  }
0x62: {  	[hbm:s25], [sflag:s6] =	dma.local @p0 [spmem:s16], $0x2300  }
0x63: {  	s6 =	simm.s32 @p0 $0x5  }
0x64: {  	_ =	swait.ge @p0 [sflag:s6], $0x2300  }
0x65: {  	s25 =	sld [smem:$0x7F0];
	_ =	sdelay $0x2  }
0x66: {  	[sflag:s6] =	ssyncset.done @p0 $0x0;
	p1 =	seq.s32 s25, $0x1  }
0x67: {  	[sflag:s6] =	ssyncadd.s32 @p0 $0xFFFFDD00;
	s16 =	sshll.u32 @p1 s2, $0x6  }
0x68: {  	s25 =	rddreg [dreg:$0xf];
	s6 =	sor.u32 @p1 $0x1C05, s16;
	s16 =	sshrl.u32 @p1 s7, $0x3  }
0x69: {  	[hbm:s25], [sflag:s6] =	dma.local @p1 [spmem:s16], $0x2300  }
0x6a: {  	s6 =	simm.s32 @p1 $0x5  }
0x6b: {  	_ =	swait.ge @p1 [sflag:s6], $0x2300  }
0x6c: {  	s25 =	sld [smem:$0x7EA];
	_ =	sdelay $0x2  }
0x6d: {  	[sflag:s6] =	ssyncset.done @p1 $0x0;
	p0 =	seq.s32 s25, $0x1  }
0x6e: {  	[sflag:s6] =	ssyncadd.s32 @p1 $0xFFFFDD00;
	s16 =	sshll.u32 @p0 s2, $0x6  }
0x6f: {  	s25 =	rddreg [dreg:$0x10];
	s6 =	sor.u32 @p0 $0x1C05, s16;
	s16 =	sshrl.u32 @p0 s0, $0x3  }
0x70: {  	[hbm:s25], [sflag:s6] =	dma.local @p0 [spmem:s16], $0x2300  }
0x71: {  	s6 =	simm.s32 @p0 $0x5  }
0x72: {  	_ =	swait.ge @p0 [sflag:s6], $0x2300  }
0x73: {  	s25 =	sld [smem:$0x7F1];
	_ =	sdelay $0x2  }
0x74: {  	[sflag:s6] =	ssyncset.done @p0 $0x0;
	p1 =	seq.s32 s25, $0x1  }
0x75: {  	[sflag:s6] =	ssyncadd.s32 @p0 $0xFFFFDD00;
	s16 =	sshll.u32 @p1 s2, $0x6  }
0x76: {  	s25 =	rddreg [dreg:$0x11];
	s6 =	sor.u32 @p1 $0x1C05, s16;
	s16 =	sshrl.u32 @p1 s31, $0x3  }
0x77: {  	[hbm:s25], [sflag:s6] =	dma.local @p1 [spmem:s16], $0x2300  }
0x78: {  	s6 =	simm.s32 @p1 $0x5  }
0x79: {  	_ =	swait.ge @p1 [sflag:s6], $0x2300  }
0x7a: {  	s25 =	sld [smem:$0x7E9];
	_ =	sdelay $0x2  }
0x7b: {  	[sflag:s6] =	ssyncset.done @p1 $0x0;
	p0 =	seq.s32 s25, $0x1  }
0x7c: {  	[sflag:s6] =	ssyncadd.s32 @p1 $0xFFFFDD00;
	s16 =	sshll.u32 @p0 s2, $0x6  }
0x7d: {  	s25 =	rddreg [dreg:$0x12];
	s6 =	sor.u32 @p0 $0x1C05, s16;
	s16 =	sshrl.u32 @p0 s30, $0x3  }
0x7e: {  	[hbm:s25], [sflag:s6] =	dma.local @p0 [spmem:s16], $0x2300  }
0x7f: {  	s6 =	simm.s32 @p0 $0x5  }
0x80: {  	_ =	swait.ge @p0 [sflag:s6], $0x2300  }
0x81: {  	s16 =	sshll.u32 @p5 s2, $0x6;
	[sflag:s6] =	ssyncset.done @p0 $0x0;
	s25 =	rddreg [dreg:$0x13]  }
0x82: {  	[sflag:s6] =	ssyncadd.s32 @p0 $0xFFFFDD00;
	s6 =	sor.u32 @p5 $0x1C05, s16;
	s16 =	sshrl.u32 @p5 s29, $0x3  }
0x83: {  	[hbm:s25], [sflag:s6] =	dma.local @p5 [spmem:s16], $0x2300  }
0x84: {  	s6 =	simm.s32 @p5 $0x5  }
0x85: {  	_ =	swait.ge @p5 [sflag:s6], $0x2300  }
0x86: {  	s25 =	sld [smem:$0x7E8];
	_ =	sdelay $0x2  }
0x87: {  	[sflag:s6] =	ssyncset.done @p5 $0x0;
	p0 =	seq.s32 s25, $0x1  }
0x88: {  	[sflag:s6] =	ssyncadd.s32 @p5 $0xFFFFDD00;
	s16 =	sshll.u32 @p0 s2, $0x6  }
0x89: {  	s25 =	rddreg [dreg:$0x14];
	s6 =	sor.u32 @p0 $0x1C05, s16;
	s16 =	sshrl.u32 @p0 s28, $0x3  }
0x8a: {  	[hbm:s25], [sflag:s6] =	dma.local @p0 [spmem:s16], $0x2300  }
0x8b: {  	s6 =	simm.s32 @p0 $0x5  }
0x8c: {  	_ =	swait.ge @p0 [sflag:s6], $0x2300  }
0x8d: {  	s16 =	sshll.u32 @p3 s2, $0x6;
	[sflag:s6] =	ssyncset.done @p0 $0x0;
	s25 =	rddreg [dreg:$0x15]  }
0x8e: {  	[sflag:s6] =	ssyncadd.s32 @p0 $0xFFFFDD00;
	s6 =	sor.u32 @p3 $0x1C05, s16;
	s16 =	sshrl.u32 @p3 s26, $0x3  }
0x8f: {  	[hbm:s25], [sflag:s6] =	dma.local @p3 [spmem:s16], $0x2300  }
0x90: {  	s6 =	simm.s32 @p3 $0x5  }
0x91: {  	_ =	swait.ge @p3 [sflag:s6], $0x2300  }
0x92: {  	s25 =	sld [smem:$0x7E7];
	_ =	sdelay $0x2  }
0x93: {  	p1 =	seq.s32 s25, $0x1  }
0x94: {  	[sflag:s6] =	ssyncset.done @p3 $0x0;
	s16 =	sshll.u32 @p1 s2, $0x6  }
0x95: {  	[sflag:s6] =	ssyncadd.s32 @p3 $0xFFFFDD00;
	s6 =	sor.u32 @p1 $0x1C05, s16;
	s16 =	rddreg [dreg:$0x4]  }
0x96: {  	s25 =	rddreg [dreg:$0x16];
	s16 =	sshrl.u32 @p1 s16, $0x3  }
0x97: {  	[hbm:s25], [sflag:s6] =	dma.local @p1 [spmem:s16], $0x2300  }
0x98: {  	s6 =	simm.s32 @p1 $0x5  }
0x99: {  	_ =	swait.ge @p1 [sflag:s6], $0x2300  }
0x9a: {  	s24 =	sadd.s32 $0x1, s24;
	s25 =	rddreg [dreg:$0x17]  }
0x9b: {  	p0 =	sne.s32 s24, s25  }
.Ltmp1:
0x9c: {  	_ = 	snop;
	(pc) =	sbr.rel @!p0 .LBB2_12-.Ltmp1, $3  }
0x9d: {  	_ =	sdelay $0x1  }
0x9e: {  	[sflag:s6] =	ssyncset.done @p1 $0x0  }
0x9f: {  	[sflag:s6] =	ssyncadd.s32 @p1 $0xFFFFDD00  }
.LBB2_1:
0xa0: {  	s6 =	sld [smem:$0x7FC];
	_ =	sdelay $0x2  }
0xa1: {  	p0 =	seq.s32 s6, $0x1  }
.Ltmp2:
0xa2: {  	_ = 	snop;
	(pc) =	sbr.rel @p0 .LBB2_5-.Ltmp2, $1  }
0xa3: {  	_ =	sdelay $0x3  }
0xa4: {  	s6 =	sld [smem:$0x7FD];
	_ =	sdelay $0x2  }
0xa5: {  	p0 =	seq.s32 s6, $0x1  }
.Ltmp3:
0xa6: {  	_ = 	snop;
	(pc) =	sbr.rel @p0 .LBB2_4-.Ltmp3, $1  }
0xa7: {  	_ =	sdelay $0x3  }
0xa8: {  	s6 =	sld [smem:$0x7F2];
	_ =	sdelay $0x2  }
0xa9: {  	p6 =	seq.s32 s6, $0x1  }
0xaa: {  	s16 =	sshrl.u32 @!p6 s13, $0x3;
	s25 =	simm.s32 @!p6 $0x1C85  }
0xab: {  	[spmem:s16], [sflag:s25] =	dma.local @!p6 [hbm:s5], $0x2300  }
0xac: {  	s25 =	sld [smem:$0x7F3];
	_ =	sdelay $0x2  }
0xad: {  	p2 =	seq.s32 s25, $0x1  }
0xae: {  	s16 =	sshrl.u32 @!p2 s12, $0x3;
	s25 =	simm.s32 @!p2 $0x1CC5  }
0xaf: {  	[spmem:s16], [sflag:s25] =	dma.local @!p2 [hbm:s5], $0x2300  }
0xb0: {  	s16 =	sld [smem:$0x7F4];
	_ =	sdelay $0x1  }
0xb1: {  	p5 =	por @!p2 $0x1, $0x1  }
0xb2: {  	p4 =	por @!p2 $0x0, $0x0;
	p3 =	por @!p2 $0x0, $0x0;
	p2 =	seq.s32 s16, $0x1  }
0xb3: {  	s16 =	sshrl.u32 @!p2 s1, $0x3;
	s25 =	simm.s32 @!p2 $0x1C05  }
0xb4: {  	[spmem:s16], [sflag:s25] =	dma.local @!p2 [hbm:s5], $0x2300  }
0xb5: {  	s25 =	sld [smem:$0x7F6];
	_ =	sdelay $0x1  }
0xb6: {  	p1 =	por @!p6 $0x0, $0x0  }
0xb7: {  	p3 =	por @!p6 p1, p1;
	p5 =	por @!p6 p1, p1;
	p0 =	seq.s32 s25, $0x1  }
0xb8: {  	p1 =	por @!p6 $0x1, $0x1;
	s16 =	sshrl.u32 @!p0 s14, $0x3;
	s25 =	simm.s32 @!p0 $0x1C45  }
0xb9: {  	[spmem:s16], [sflag:s25] =	dma.local @!p0 [hbm:s5], $0x2300  }
0xba: {  	s6 =	simm.s32 @!p5 $0x0;
	p4 =	por @!p6 p1, p1;
	s16 =	sld [smem:$0x7F5]  }
0xbb: {  	s6 =	simm.s32 @p5 $0x1;
	p6 =	por @!p2 $0x0, $0x0;
	p5 =	por @!p0 $0x1, $0x1  }
0xbc: {  	p0 =	por @!p0 $0x0, $0x0;
	p5 =	por @!p2 p6, p6  }
0xbd: {  	p0 =	por @!p2 p6, p6;
	p2 =	por p3, p3;
	p6 =	seq.s32 s16, $0x1  }
0xbe: {  	p1 =	por p3, p3;
	[smem:$0x7ED] =	sst s6;
	p2 =	por @!p6 p0, p0  }
0xbf: {  	p1 =	por @!p6 p5, p5;
	p5 =	por p3, p3;
	s6 =	simm.s32 @!p2 $0x0  }
0xc0: {  	p5 =	por @!p6 p0, p0;
	s6 =	simm.s32 @p2 $0x1  }
0xc1: {  	p2 =	por p3, p3;
	[smem:$0x7E7] =	sst s6;
	s6 =	simm.s32 @!p5 $0x0  }
0xc2: {  	p2 =	por @!p6 p0, p0;
	s6 =	simm.s32 @p5 $0x1  }
0xc3: {  	p5 =	por p3, p3;
	[smem:$0x7E8] =	sst s6;
	s6 =	simm.s32 @!p2 $0x0  }
0xc4: {  	p5 =	por @!p6 p0, p0;
	s6 =	simm.s32 @p2 $0x1  }
0xc5: {  	p2 =	por p3, p3;
	[smem:$0x7E9] =	sst s6;
	s6 =	simm.s32 @!p5 $0x0  }
0xc6: {  	s25 =	sld [smem:$0x7ED];
	p2 =	por @!p6 p0, p0;
	s6 =	simm.s32 @p5 $0x1  }
0xc7: {  	p5 =	por p3, p3;
	[smem:$0x7EA] =	sst s6;
	s6 =	simm.s32 @!p2 $0x0  }
0xc8: {  	p5 =	por @!p6 p0, p0;
	s6 =	simm.s32 @p2 $0x1  }
0xc9: {  	p2 =	seq.s32 s25, $0x1;
	[smem:$0x7EB] =	sst s6;
	s6 =	simm.s32 @!p5 $0x0  }
0xca: {  	p2 =	por @!p6 p0, p0;
	s6 =	simm.s32 @p5 $0x1  }
0xcb: {  	[smem:$0x7EC] =	sst s6;
	s6 =	simm.s32 @!p2 $0x0  }
0xcc: {  	s6 =	simm.s32 @p2 $0x1;
	p2 =	por p3, p3  }
0xcd: {  	p2 =	por @!p6 p0, p0  }
0xce: {  	p5 =	por p3, p3;
	[smem:$0x7ED] =	sst s6;
	s6 =	simm.s32 @!p2 $0x0  }
0xcf: {  	p5 =	por @!p6 p0, p0;
	s6 =	simm.s32 @p2 $0x1  }
0xd0: {  	p2 =	por p3, p3;
	[smem:$0x7EE] =	sst s6;
	s6 =	simm.s32 @!p5 $0x0  }
0xd1: {  	p2 =	por @!p6 p0, p0;
	s6 =	simm.s32 @p5 $0x1;
	p5 =	por p3, p3  }
.Ltmp4:
0xd2: {  	[smem:$0x7EF] =	sst s6;
	s6 =	simm.s32 @!p2 $0x0;
	(pc) =	sbr.rel .LBB2_8-.Ltmp4, $4  }
0xd3: {  	p5 =	por @!p6 p0, p0;
	s6 =	simm.s32 @p2 $0x1  }
0xd4: {  	[smem:$0x7F0] =	sst s6;
	s6 =	simm.s32 @!p5 $0x0  }
0xd5: {  	p4 =	por @!p6 p0, p0;
	s6 =	simm.s32 @p5 $0x1;
	p5 =	por p3, p3  }
0xd6: {  	p3 =	por @!p6 p0, p0;
	[smem:$0x7F1] =	sst s6;
	p5 =	por @!p6 p0, p0  }
.LBB2_5:
0xd7: {  	p0 =	sgt.s32 s2, $0xB  }
.Ltmp5:
0xd8: {  	_ = 	snop;
	(pc) =	sbr.rel @p0 .LBB2_7-.Ltmp5, $1  }
0xd9: {  	_ =	sdelay $0x3  }
0xda: {  	p6 =	sgt.s32 s2, $0x9  }
0xdb: {  	p1 =	seq.s32 @p6 s2, $0xA;
	p3 =	seq.s32 @!p6 s2, $0x8  }
0xdc: {  	p0 =	por !p1, !p6;
	p2 =	por p1, !p6;
	p1 =	por !p3, p6  }
0xdd: {  	s16 =	sshrl.u32 @!p0 s31, $0x3;
	s25 =	simm.s32 @!p0 $0x1E85;
	p4 =	por @!p2 $0x0, $0x0  }
0xde: {  	[spmem:s16], [sflag:s25] =	dma.local @!p0 [hbm:s5], $0x2300  }
0xdf: {  	s16 =	sshrl.u32 @!p2 s30, $0x3;
	s25 =	simm.s32 @!p2 $0x1EC5;
	s6 =	simm.s32 @!p4 $0x0  }
0xe0: {  	[spmem:s16], [sflag:s25] =	dma.local @!p2 [hbm:s5], $0x2300  }
0xe1: {  	s6 =	simm.s32 @p4 $0x1;
	s16 =	sshrl.u32 @!p1 s7, $0x3;
	p2 =	por @!p2 $0x1, $0x1  }
0xe2: {  	s25 =	simm.s32 @!p1 $0x1E05;
	[smem:$0x7F1] =	sst s6;
	s6 =	simm.s32 @!p2 $0x0  }
0xe3: {  	[spmem:s16], [sflag:s25] =	dma.local @!p1 [hbm:s5], $0x2300  }
0xe4: {  	s6 =	simm.s32 @p2 $0x1;
	p2 =	por p3, p6  }
0xe5: {  	[smem:$0x7E9] =	sst s6;
	s16 =	sshrl.u32 @!p2 s0, $0x3;
	s25 =	simm.s32 @!p2 $0x1E45  }
0xe6: {  	[spmem:s16], [sflag:s25] =	dma.local @!p2 [hbm:s5], $0x2300  }
0xe7: {  	s25 =	sld [smem:$0x7E9];
	_ =	sdelay $0x1  }
0xe8: {  	p5 =	por @!p0 $0x0, $0x0;
	p3 =	por p4, p4  }
0xe9: {  	p4 =	por @!p0 $0x0, $0x0;
	p3 =	por @!p0 p5, p5;
	p5 =	seq.s32 s25, $0x1  }
0xea: {  	p5 =	por @!p0 p4, p4  }
0xeb: {  	s16 =	sld [smem:$0x7F1];
	s6 =	simm.s32 @!p5 $0x0  }
0xec: {  	p4 =	por @!p2 $0x0, $0x0;
	s6 =	simm.s32 @p5 $0x1  }
0xed: {  	[smem:$0x7E9] =	sst s6;
	s6 =	simm.s32 @!p4 $0x0  }
0xee: {  	p5 =	por @!p0 $0x1, $0x1;
	s6 =	simm.s32 @p4 $0x1;
	p4 =	seq.s32 s16, $0x1  }
0xef: {  	p4 =	por @!p0 p5, p5  }
0xf0: {  	[smem:$0x7E5] =	sst s6;
	s6 =	simm.s32 @!p4 $0x0  }
0xf1: {  	s6 =	simm.s32 @p4 $0x1;
	p4 =	por @!p2 $0x1, $0x1;
	p2 =	por @!p1 $0x0, $0x0  }
0xf2: {  	s25 =	sld [smem:$0x7E5];
	p4 =	por @!p1 p2, p2  }
0xf3: {  	[smem:$0x7F1] =	sst s6;
	s6 =	simm.s32 @!p4 $0x0  }
0xf4: {  	s6 =	simm.s32 @p4 $0x1  }
0xf5: {  	[smem:$0x7E6] =	sst s6  }
0xf6: {  	p5 =	seq.s32 s25, $0x1;
	s6 =	sld [smem:$0x7E6]  }
0xf7: {  	p0 =	por p5, p5  }
0xf8: {  	p4 =	por @!p1 $0x1, $0x1;
	p0 =	por @!p1 p2, p2  }
0xf9: {  	p2 =	por p3, p3;
	p5 =	por @!p1 p4, p4;
	p1 =	seq.s32 s6, $0x1  }
0xfa: {  	p2 =	por @!p6 p1, p1  }
0xfb: {  	s6 =	simm.s32 @!p2 $0x0  }
0xfc: {  	s6 =	simm.s32 @p2 $0x1;
	p2 =	por p3, p3  }
0xfd: {  	p2 =	por @!p6 p5, p5  }
0xfe: {  	p1 =	por p3, p3;
	[smem:$0x7EA] =	sst s6;
	s6 =	simm.s32 @!p2 $0x0  }
0xff: {  	p1 =	por @!p6 p0, p0;
	s6 =	simm.s32 @p2 $0x1  }
0x100: {  	[smem:$0x7F0] =	sst s6;
	s6 =	simm.s32 @!p1 $0x0  }
0x101: {  	s16 =	sld [smem:$0x7E9];
	s6 =	simm.s32 @p1 $0x1;
	p1 =	por p3, p3  }
0x102: {  	p1 =	por @!p6 p0, p0  }
0x103: {  	[smem:$0x7E7] =	sst s6;
	s6 =	simm.s32 @!p1 $0x0  }
0x104: {  	s6 =	simm.s32 @p1 $0x1;
	p1 =	seq.s32 s16, $0x1  }
0x105: {  	p1 =	por @!p6 p0, p0  }
0x106: {  	[smem:$0x7E8] =	sst s6;
	s6 =	simm.s32 @!p1 $0x0  }
0x107: {  	s6 =	simm.s32 @p1 $0x1;
	p1 =	por p3, p3  }
0x108: {  	p1 =	por @!p6 p0, p0  }
0x109: {  	p2 =	por p3, p3;
	[smem:$0x7E9] =	sst s6;
	s6 =	simm.s32 @!p1 $0x0  }
0x10a: {  	p2 =	por @!p6 p0, p0;
	s6 =	simm.s32 @p1 $0x1  }
0x10b: {  	[smem:$0x7EB] =	sst s6;
	s6 =	simm.s32 @!p2 $0x0  }
0x10c: {  	s6 =	simm.s32 @p2 $0x1;
	p2 =	por p3, p3  }
0x10d: {  	p2 =	por @!p6 p0, p0  }
0x10e: {  	[smem:$0x7EC] =	sst s6;
	s6 =	simm.s32 @!p2 $0x0  }
0x10f: {  	s6 =	simm.s32 @p2 $0x1;
	p2 =	por p3, p3  }
0x110: {  	s25 =	sld [smem:$0x7F1];
	p2 =	por @!p6 p0, p0  }
0x111: {  	p5 =	por p3, p3;
	[smem:$0x7ED] =	sst s6;
	s6 =	simm.s32 @!p2 $0x0  }
0x112: {  	p5 =	por @!p6 p0, p0;
	s6 =	simm.s32 @p2 $0x1  }
0x113: {  	p4 =	por p3, p3;
	[smem:$0x7EE] =	sst s6;
	s6 =	simm.s32 @!p5 $0x0  }
.Ltmp6:
0x114: {  	s6 =	simm.s32 @p5 $0x1;
	p5 =	seq.s32 s25, $0x1;
	(pc) =	sbr.rel .LBB2_8-.Ltmp6, $4  }
0x115: {  	p4 =	por @!p6 p0, p0;
	p5 =	por @!p6 p0, p0  }
0x116: {  	p1 =	por p3, p3;
	[smem:$0x7EF] =	sst s6;
	s6 =	simm.s32 @!p5 $0x0  }
0x117: {  	p1 =	por @!p6 p0, p0;
	s6 =	simm.s32 @p5 $0x1;
	p5 =	por p3, p3  }
0x118: {  	p3 =	por @!p6 p0, p0;
	[smem:$0x7F1] =	sst s6;
	p5 =	por @!p6 p0, p0  }
.LBB2_4:
0x119: {  	s6 =	sld [smem:$0x7F7];
	_ =	sdelay $0x2  }
0x11a: {  	p2 =	seq.s32 s6, $0x1  }
0x11b: {  	s16 =	sshrl.u32 @!p2 s9, $0x3;
	s25 =	simm.s32 @!p2 $0x1D85  }
0x11c: {  	[spmem:s16], [sflag:s25] =	dma.local @!p2 [hbm:s5], $0x2300  }
0x11d: {  	s16 =	sld [smem:$0x7F8];
	_ =	sdelay $0x2  }
0x11e: {  	p1 =	por @!p2 $0x0, $0x0;
	p4 =	seq.s32 s16, $0x1  }
0x11f: {  	s16 =	sshrl.u32 @!p4 s8, $0x3;
	s25 =	simm.s32 @!p4 $0x1DC5;
	p5 =	por @!p4 $0x1, $0x1  }
0x120: {  	[spmem:s16], [sflag:s25] =	dma.local @!p4 [hbm:s5], $0x2300  }
0x121: {  	p0 =	por @!p2 $0x1, $0x1;
	p3 =	por @!p4 $0x0, $0x0;
	p5 =	por @!p2 p1, p1  }
0x122: {  	p4 =	por @!p4 $0x0, $0x0;
	s6 =	simm.s32 @!p5 $0x0;
	s25 =	sld [smem:$0x7F9]  }
0x123: {  	p4 =	por @!p2 p0, p0;
	s6 =	simm.s32 @p5 $0x1  }
0x124: {  	[smem:$0x7EB] =	sst s6;
	s6 =	simm.s32 @!p4 $0x0  }
0x125: {  	s6 =	simm.s32 @p4 $0x1;
	p4 =	seq.s32 s25, $0x1  }
0x126: {  	[smem:$0x7EF] =	sst s6;
	s16 =	sshrl.u32 @!p4 s11, $0x3;
	s25 =	simm.s32 @!p4 $0x1D05  }
0x127: {  	[spmem:s16], [sflag:s25] =	dma.local @!p4 [hbm:s5], $0x2300  }
0x128: {  	s16 =	sld [smem:$0x7FB];
	_ =	sdelay $0x2  }
0x129: {  	p5 =	seq.s32 s16, $0x1  }
0x12a: {  	s16 =	sshrl.u32 @!p5 s10, $0x3;
	s25 =	simm.s32 @!p5 $0x1D45  }
0x12b: {  	[spmem:s16], [sflag:s25] =	dma.local @!p5 [hbm:s5], $0x2300  }
0x12c: {  	p3 =	por @!p2 p1, p1;
	p0 =	por @!p4 $0x1, $0x1;
	s25 =	sld [smem:$0x7FA]  }
0x12d: {  	p1 =	por @!p4 $0x0, $0x0;
	p2 =	por @!p5 $0x1, $0x1;
	p6 =	por @!p5 $0x0, $0x0  }
0x12e: {  	p6 =	por @!p4 p1, p1;
	p2 =	por @!p4 p1, p1;
	p1 =	por @!p5 $0x0, $0x0  }
0x12f: {  	p5 =	por p3, p3;
	p1 =	por @!p4 p0, p0;
	p0 =	seq.s32 s25, $0x1  }
0x130: {  	p5 =	por @!p0 p2, p2  }
0x131: {  	p2 =	por p3, p3;
	s6 =	simm.s32 @!p5 $0x0  }
0x132: {  	p2 =	por @!p0 p1, p1;
	s6 =	simm.s32 @p5 $0x1  }
0x133: {  	p4 =	por p3, p3;
	[smem:$0x7EC] =	sst s6;
	s6 =	simm.s32 @!p2 $0x0  }
0x134: {  	p4 =	por @!p0 p6, p6;
	s6 =	simm.s32 @p2 $0x1  }
0x135: {  	[smem:$0x7EE] =	sst s6;
	s6 =	simm.s32 @!p4 $0x0  }
0x136: {  	s6 =	simm.s32 @p4 $0x1;
	p4 =	por p3, p3  }
0x137: {  	p4 =	por @!p0 p6, p6  }
0x138: {  	p1 =	por p3, p3;
	[smem:$0x7E7] =	sst s6;
	s6 =	simm.s32 @!p4 $0x0  }
0x139: {  	p1 =	por @!p0 p6, p6;
	s6 =	simm.s32 @p4 $0x1  }
0x13a: {  	[smem:$0x7E8] =	sst s6;
	s6 =	simm.s32 @!p1 $0x0  }
0x13b: {  	s16 =	sld [smem:$0x7EB];
	s6 =	simm.s32 @p1 $0x1;
	p1 =	por p3, p3  }
0x13c: {  	p1 =	por @!p0 p6, p6  }
0x13d: {  	[smem:$0x7E9] =	sst s6;
	s6 =	simm.s32 @!p1 $0x0  }
0x13e: {  	s6 =	simm.s32 @p1 $0x1;
	p1 =	seq.s32 s16, $0x1  }
0x13f: {  	s25 =	sld [smem:$0x7EF];
	p1 =	por @!p0 p6, p6  }
0x140: {  	p4 =	por p3, p3;
	[smem:$0x7EA] =	sst s6;
	s6 =	simm.s32 @!p1 $0x0  }
0x141: {  	p4 =	por @!p0 p6, p6;
	s6 =	simm.s32 @p1 $0x1  }
0x142: {  	p5 =	seq.s32 s25, $0x1;
	[smem:$0x7EB] =	sst s6;
	s6 =	simm.s32 @!p4 $0x0  }
0x143: {  	p5 =	por @!p0 p6, p6;
	p2 =	por p3, p3;
	s6 =	simm.s32 @p4 $0x1  }
0x144: {  	p2 =	por @!p0 p6, p6;
	[smem:$0x7ED] =	sst s6;
	s6 =	simm.s32 @!p5 $0x0  }
0x145: {  	p1 =	por p3, p3;
	s6 =	simm.s32 @p5 $0x1;
	p5 =	por p3, p3  }
.Ltmp7:
0x146: {  	[smem:$0x7EF] =	sst s6;
	s6 =	simm.s32 @!p2 $0x0;
	(pc) =	sbr.rel .LBB2_8-.Ltmp7, $4  }
0x147: {  	p1 =	por @!p0 p6, p6;
	p5 =	por @!p0 p6, p6;
	s6 =	simm.s32 @p2 $0x1  }
0x148: {  	p4 =	por p3, p3;
	[smem:$0x7F0] =	sst s6;
	s6 =	simm.s32 @!p5 $0x0  }
0x149: {  	p4 =	por @!p0 p6, p6;
	s6 =	simm.s32 @p5 $0x1;
	p5 =	por p3, p3  }
0x14a: {  	p3 =	por @!p0 p6, p6;
	[smem:$0x7F1] =	sst s6;
	p5 =	por @!p0 p6, p6  }
.LBB2_7:
0x14b: {  	p6 =	sgt.s32 s2, $0xD  }
0x14c: {  	p1 =	seq.s32 @p6 s2, $0xE  }
0x14d: {  	p0 =	por !p1, !p6  }
0x14e: {  	s16 =	sshrl.u32 @!p0 s26, $0x3;
	s25 =	simm.s32 @!p0 $0x1F85  }
0x14f: {  	[spmem:s16], [sflag:s25] =	dma.local @!p0 [hbm:s5], $0x2300  }
0x150: {  	p2 =	por p1, !p6;
	p1 =	seq.s32 @!p6 s2, $0xC;
	s6 =	rddreg [dreg:$0x4]  }
0x151: {  	p4 =	por !p1, p6;
	s25 =	simm.s32 @!p2 $0x1FC5;
	s16 =	sshrl.u32 @!p2 s6, $0x3  }
0x152: {  	[spmem:s16], [sflag:s25] =	dma.local @!p2 [hbm:s5], $0x2300  }
0x153: {  	p3 =	por @!p2 $0x0, $0x0;
	p5 =	por @!p2 $0x1, $0x1;
	s16 =	sshrl.u32 @!p4 s29, $0x3  }
0x154: {  	s25 =	simm.s32 @!p4 $0x1F05;
	p2 =	por p1, p6;
	p1 =	por @!p0 $0x0, $0x0  }
0x155: {  	[spmem:s16], [sflag:s25] =	dma.local @!p4 [hbm:s5], $0x2300  }
0x156: {  	p5 =	por @!p0 p1, p1  }
0x157: {  	s16 =	sshrl.u32 @!p2 s28, $0x3;
	s25 =	simm.s32 @!p2 $0x1F45;
	s6 =	simm.s32 @!p5 $0x0  }
0x158: {  	p1 =	por p3, p3;
	s6 =	simm.s32 @p5 $0x1;
	p5 =	por @!p0 $0x0, $0x0  }
0x159: {  	[smem:$0x7E7] =	sst s6;
	p1 =	por @!p0 p5, p5;
	p5 =	por @!p2 $0x0, $0x0  }
0x15a: {  	[spmem:s16], [sflag:s25] =	dma.local @!p2 [hbm:s5], $0x2300  }
0x15b: {  	s6 =	simm.s32 @!p5 $0x0  }
0x15c: {  	s6 =	simm.s32 @p5 $0x1  }
0x15d: {  	[smem:$0x7E1] =	sst s6  }
0x15e: {  	p5 =	por @!p0 $0x1, $0x1;
	s25 =	sld [smem:$0x7E1]  }
0x15f: {  	p3 =	por @!p0 p5, p5  }
0x160: {  	s6 =	simm.s32 @!p3 $0x0  }
0x161: {  	s6 =	simm.s32 @p3 $0x1;
	p3 =	por @!p2 $0x1, $0x1;
	p2 =	seq.s32 s25, $0x1  }
0x162: {  	p5 =	por @!p4 $0x0, $0x0;
	p0 =	por p2, p2  }
0x163: {  	p0 =	por @!p4 p5, p5;
	p5 =	por @!p4 $0x0, $0x0  }
0x164: {  	p3 =	por @!p4 p5, p5  }
0x165: {  	[smem:$0x7E3] =	sst s6;
	s6 =	simm.s32 @!p3 $0x0  }
0x166: {  	s6 =	simm.s32 @p3 $0x1  }
0x167: {  	[smem:$0x7E2] =	sst s6  }
0x168: {  	s6 =	sld [smem:$0x7E2];
	_ =	sdelay $0x1  }
0x169: {  	p5 =	por @!p4 $0x1, $0x1  }
0x16a: {  	p2 =	por @!p4 p5, p5;
	p3 =	por p1, p1;
	p4 =	seq.s32 s6, $0x1  }
0x16b: {  	p3 =	por @!p6 p4, p4  }
0x16c: {  	s6 =	simm.s32 @!p3 $0x0  }
0x16d: {  	s6 =	simm.s32 @p3 $0x1  }
0x16e: {  	[smem:$0x7E8] =	sst s6;
	s6 =	simm.s32 @!p1 $0x0  }
0x16f: {  	s6 =	simm.s32 @p1 $0x1  }
0x170: {  	[smem:$0x7E9] =	sst s6;
	s6 =	simm.s32 @!p1 $0x0  }
0x171: {  	s6 =	simm.s32 @p1 $0x1  }
0x172: {  	[smem:$0x7EA] =	sst s6;
	s6 =	simm.s32 @!p1 $0x0  }
0x173: {  	s6 =	simm.s32 @p1 $0x1  }
0x174: {  	[smem:$0x7EB] =	sst s6;
	s6 =	simm.s32 @!p1 $0x0  }
0x175: {  	s6 =	simm.s32 @p1 $0x1  }
0x176: {  	[smem:$0x7EC] =	sst s6;
	s6 =	simm.s32 @!p1 $0x0  }
0x177: {  	s6 =	simm.s32 @p1 $0x1  }
0x178: {  	[smem:$0x7ED] =	sst s6;
	s6 =	simm.s32 @!p1 $0x0  }
0x179: {  	s6 =	simm.s32 @p1 $0x1  }
0x17a: {  	[smem:$0x7E4] =	sst s6;
	s6 =	simm.s32 @!p1 $0x0  }
0x17b: {  	s25 =	sld [smem:$0x7E9];
	s6 =	simm.s32 @p1 $0x1  }
0x17c: {  	[smem:$0x7EE] =	sst s6;
	s6 =	simm.s32 @!p1 $0x0  }
0x17d: {  	s16 =	sld [smem:$0x7E7];
	s6 =	simm.s32 @p1 $0x1  }
0x17e: {  	[smem:$0x7EF] =	sst s6;
	s6 =	simm.s32 @!p1 $0x0  }
0x17f: {  	p3 =	seq.s32 s25, $0x1;
	s25 =	sld [smem:$0x7EA];
	s6 =	simm.s32 @p1 $0x1  }
0x180: {  	p5 =	por p1, p1;
	[smem:$0x7F0] =	sst s6;
	s6 =	simm.s32 @!p1 $0x0  }
0x181: {  	s6 =	simm.s32 @p1 $0x1;
	p1 =	por @!p6 p2, p2;
	p2 =	seq.s32 s16, $0x1  }
0x182: {  	s16 =	sld [smem:$0x7E3];
	p2 =	por @!p6 p0, p0  }
0x183: {  	p3 =	por @!p6 p0, p0;
	[smem:$0x7F1] =	sst s6;
	s6 =	simm.s32 @!p2 $0x0  }
0x184: {  	p4 =	seq.s32 s25, $0x1;
	s25 =	sld [smem:$0x7EB];
	s6 =	simm.s32 @p2 $0x1  }
0x185: {  	[smem:$0x7E7] =	sst s6;
	s6 =	simm.s32 @!p3 $0x0  }
0x186: {  	s6 =	simm.s32 @p3 $0x1;
	p3 =	seq.s32 s16, $0x1;
	s16 =	sld [smem:$0x7E4]  }
0x187: {  	p4 =	por @!p6 p0, p0  }
0x188: {  	p2 =	seq.s32 s25, $0x1;
	[smem:$0x7E9] =	sst s6;
	s6 =	simm.s32 @!p4 $0x0  }
0x189: {  	s6 =	simm.s32 @p4 $0x1;
	p4 =	seq.s32 s16, $0x1;
	s16 =	sld [smem:$0x7EC]  }
0x18a: {  	p2 =	por @!p6 p0, p0  }
0x18b: {  	[smem:$0x7EA] =	sst s6;
	s6 =	simm.s32 @!p2 $0x0  }
0x18c: {  	s25 =	sld [smem:$0x7ED];
	s6 =	simm.s32 @p2 $0x1;
	p2 =	seq.s32 s16, $0x1  }
0x18d: {  	p2 =	por @!p6 p0, p0  }
0x18e: {  	[smem:$0x7EB] =	sst s6;
	s6 =	simm.s32 @!p2 $0x0  }
0x18f: {  	s16 =	sld [smem:$0x7EE];
	s6 =	simm.s32 @p2 $0x1;
	p2 =	seq.s32 s25, $0x1  }
0x190: {  	s25 =	sld [smem:$0x7EF];
	p2 =	por @!p6 p0, p0  }
0x191: {  	p5 =	por @!p6 p0, p0;
	[smem:$0x7EC] =	sst s6;
	s6 =	simm.s32 @!p2 $0x0  }
0x192: {  	s6 =	simm.s32 @p2 $0x1;
	p2 =	por p5, p5;
	p5 =	seq.s32 s16, $0x1  }
0x193: {  	p5 =	por @!p6 p0, p0  }
0x194: {  	[smem:$0x7ED] =	sst s6;
	s6 =	simm.s32 @!p5 $0x0  }
0x195: {  	s16 =	sld [smem:$0x7F0];
	s6 =	simm.s32 @p5 $0x1;
	p5 =	seq.s32 s25, $0x1  }
0x196: {  	p5 =	por @!p6 p0, p0  }
0x197: {  	[smem:$0x7EE] =	sst s6;
	s6 =	simm.s32 @!p5 $0x0  }
0x198: {  	s25 =	sld [smem:$0x7F1];
	s6 =	simm.s32 @p5 $0x1;
	p5 =	seq.s32 s16, $0x1  }
0x199: {  	p5 =	por @!p6 p0, p0  }
0x19a: {  	[smem:$0x7EF] =	sst s6;
	s6 =	simm.s32 @!p5 $0x0  }
0x19b: {  	s6 =	simm.s32 @p5 $0x1;
	p5 =	seq.s32 s25, $0x1  }
0x19c: {  	p5 =	por @!p6 p0, p0  }
0x19d: {  	[smem:$0x7F0] =	sst s6;
	s6 =	simm.s32 @!p5 $0x0  }
0x19e: {  	p3 =	por @!p6 p0, p0;
	p4 =	por @!p6 p0, p0;
	s6 =	simm.s32 @p5 $0x1  }
0x19f: {  	p5 =	por p1, p1;
	p1 =	por p2, p2;
	[smem:$0x7F1] =	sst s6  }
.LBB2_8:
0x1a0: {  	_ =	swait.ge [sflag:s15], $0x2300  }
0x1a1: {  	[sflag:s15] =	ssyncset.done $0x0  }
0x1a2: {  	s6 =	rddreg [dreg:$0x5];
	[sflag:s15] =	ssyncadd.s32 $0xFFFFDD00  }
0x1a3: {  	[tilespmem:s3], [sflag:$0x1] =	stream.linear.gather [hbm4b:s6+s3], $0x2800, $0x38;
	[tilespmem:$0x1D800] =	vst v63  }
0x1a4: {  	s16 =	simm.s32 $0x2800;
	s25 =	rddreg [dreg:$0x6]  }
0x1a5: {  	[tilespmem:s16], [sflag:$0x2] =	stream.linear.gather [hbm4b:s25+s3], $0x2800, $0x38;
	[tilespmem:$0x1D800] =	vst v63  }
0x1a6: {  	[bflag:$0x0] =	sbarrier.arrive $0xFFFF  }
0x1a7: {  	_ =	swait.ge [sflag:s17], $0x2800  }
0x1a8: {  	[sflag:s17] =	ssyncset.done $0x0  }
0x1a9: {  	[sflag:s17] =	ssyncadd.s32 $0xFFFFD800  }
0x1aa: {  	_ =	swait.ge [sflag:s18], $0x2800  }
0x1ab: {  	[sflag:s18] =	ssyncset.done $0x0  }
0x1ac: {  	[sflag:s18] =	ssyncadd.s32 $0xFFFFD800  }
0x1ad: {  	[tilespmem:s20], [sflag:$0x1] =	stream.indirect.gather [hbm4b:s4+s19], $0x70, s3, s19, $0xb8;
	[tilespmem:$0x1D800] =	vst v63  }
0x1ae: {  	_ =	swait.ge [sflag:s17], $0x3800  }
0x1af: {  	[sflag:s17] =	ssyncset.done $0x0  }
0x1b0: {  	[sflag:s17] =	ssyncadd.s32 $0xFFFFC800  }
0x1b1: {  	[spmem:s1] =	stream.indirect.scatter.add.f32 [tilespmem:s20], [sflag:$0x3], $0x70, s16, s19, $0xb8;
	[tilespmem:$0x1D800] =	vst v63  }
0x1b2: {  	_ = 	snop  }
0x1b3: {  	[tilespmem:s21], [sflag:$0x2] =	stream.indirect.gather [hbm4b:s4+s19], $0x70, s19, s19, $0xb8;
	[tilespmem:$0x1D800] =	vst v63  }
0x1b4: {  	_ =	swait.ge [sflag:s18], $0x3800  }
0x1b5: {  	[sflag:s18] =	ssyncset.done $0x0  }
0x1b6: {  	[sflag:s18] =	ssyncadd.s32 $0xFFFFC800  }
0x1b7: {  	_ =	swait.ge [sflag:s22], $0x3800  }
0x1b8: {  	[sflag:s22] =	ssyncset.done $0x0  }
0x1b9: {  	s16 =	simm.s32 $0x2880;
	[sflag:s22] =	ssyncadd.s32 $0xFFFFC800  }
0x1ba: {  	[spmem:s1] =	stream.indirect.scatter.add.f32 [tilespmem:s21], [sflag:$0x4], $0x70, s16, s19, $0xb8;
	[tilespmem:$0x1D800] =	vst v63  }
0x1bb: {  	s25 =	simm.s32 $0x100  }
0x1bc: {  	[tilespmem:s20], [sflag:$0x1] =	stream.indirect.gather [hbm4b:s4+s19], $0x70, s25, s19, $0xb8;
	[tilespmem:$0x1D800] =	vst v63  }
0x1bd: {  	s25 =	simm.s32 $0xFFFF6800  }
.LBB2_9:
0x1be: {  	_ =	swait.ge [sflag:s17], $0x3800  }
0x1bf: {  	[sflag:s17] =	ssyncset.done $0x0  }
0x1c0: {  	[sflag:s17] =	ssyncadd.s32 $0xFFFFC800  }
0x1c1: {  	_ =	swait.ge [sflag:s23], $0x3800  }
0x1c2: {  	s16 =	sshra.s32 s25, $0x2;
	[sflag:s23] =	ssyncset.done $0x0  }
0x1c3: {  	s6 =	sadd.s32 $0x4F00, s16;
	[sflag:s23] =	ssyncadd.s32 $0xFFFFC800  }
0x1c4: {  	[spmem:s1] =	stream.indirect.scatter.add.f32 [tilespmem:s20], [sflag:$0x3], $0x70, s6, s19, $0xb8;
	[tilespmem:$0x1D800] =	vst v63  }
0x1c5: {  	s6 =	sadd.s32 $0x2780, s16  }
0x1c6: {  	[tilespmem:s21], [sflag:$0x2] =	stream.indirect.gather [hbm4b:s4+s19], $0x70, s6, s19, $0xb8;
	[tilespmem:$0x1D800] =	vst v63  }
0x1c7: {  	_ =	swait.ge [sflag:s18], $0x3800  }
0x1c8: {  	p0 =	seq.s32 s25, $0x0;
	[sflag:s18] =	ssyncset.done $0x0  }
.Ltmp8:
0x1c9: {  	[sflag:s18] =	ssyncadd.s32 $0xFFFFC800;
	(pc) =	sbr.rel @p0 .LBB2_11-.Ltmp8, $4  }
0x1ca: {  	_ =	swait.ge [sflag:s22], $0x3800  }
0x1cb: {  	[sflag:s22] =	ssyncset.done $0x0  }
0x1cc: {  	s6 =	sadd.s32 $0x4F80, s16;
	[sflag:s22] =	ssyncadd.s32 $0xFFFFC800  }
0x1cd: {  	[spmem:s1] =	stream.indirect.scatter.add.f32 [tilespmem:s21], [sflag:$0x4], $0x70, s6, s19, $0xb8;
	[tilespmem:$0x1D800] =	vst v63  }
.Ltmp9:
0x1ce: {  	(pc) =	sbr.rel .LBB2_9-.Ltmp9, $3  }
0x1cf: {  	_ =	sdelay $0x1  }
0x1d0: {  	s6 =	sadd.s32 $0x2800, s16;
	s25 =	sadd.s32 $0x400, s25  }
0x1d1: {  	[tilespmem:s20], [sflag:$0x1] =	stream.indirect.gather [hbm4b:s4+s19], $0x70, s6, s19, $0xb8;
	[tilespmem:$0x1D800] =	vst v63  }
.LBB2_12:
0x1d2: {  	_ =	sfence.sel $0x180000  }
0x1d3: {  	[bflag:$0x0] =	sbarrier.arrive $0xFFFF  }
0x1d4: {  	_ =	strace $0x9000004A  }
0x1d5: {  	[bflag:$0x2] =	sbarrier.arrive $0xFFFF  }
0x1d6: {  	s0 =	rddreg [dreg:$0x3]  }
0x1d7: {  	s0 =	sadd.s32 @!p6 $0x100000, s0  }
0x1d8: {  	[sflag:s0] =	ssyncadd.tile.s32 @!p6 $0x1;
	_ =	shalt  }
.Lfunc_end2:
_tile_overlayer_lowered:
.L_overlay_start_2:
0x1d9: {  	(tag) =	ssettag $0x2  }
0x1da: {  	s0 =	rddreg [dreg:$0x0];
	s2 =	stileid.u32  }
0x1db: {  	s1 =	rddreg [dreg:$0x1];
	p0 =	sne.s32 s2, $0x0  }
0x1dc: {  	s3 =	rddreg [dreg:$0x2];
	[bflag:$0x3] =	sbarrier.arrive $0xFFFF;
	s2 =	simm.s32 @!p0 $0x1C05  }
0x1dd: {  	[timem:s3], [sflag:s2] =	dma.local @!p0 [hbm:s0], s1  }
0x1de: {  	s0 =	simm.s32 @!p0 $0x5  }
0x1df: {  	_ =	swait.ge @!p0 [sflag:s0], s1  }
0x1e0: {  	s1 =	ssub.s32 @!p0 $0x0, s1;
	[sflag:s0] =	ssyncset.done @!p0 $0x0  }
0x1e1: {  	[sflag:s0] =	ssyncadd.s32 @!p0 s1  }
0x1e2: {  	[bflag:$0x3] =	sbarrier.arrive $0xFFFF  }
0x1e3: {  	_ =	shalt  }

// kernel: kernel.15.cloned.1.call-start
scs
__scs_entry_jumppad:
0x0: {  	(pc) =	sbr.rel $0x88, $3  }
0x1: {  	(tag) =	ssettag $0x0;
	lr =	simm.s32 $0x1  }
0x2: {  	[smem:$0x3F90] =	sst lr;
	_ =	strace $0xD0000000  }
0x3: {  	_ = 	snop  }
0x4: {  	_ = 	snop  }
0x5: {  	_ = 	snop  }
0x6: {  	_ = 	snop  }
0x7: {  	_ = 	snop  }
__scs_overlays_trampoline_lowered:
0x8: {  	[smem:$0x3F9F] =	sst s0  }
0x9: {  	[smem:$0x3FA0] =	sst s1  }
0xa: {  	[smem:$0x3FA1] =	sst s2  }
0xb: {  	[smem:$0x3FA2] =	sst s3  }
0xc: {  	[smem:$0x3FA3] =	sst s4  }
0xd: {  	[smem:$0x3FA4] =	sst s5  }
0xe: {  	[smem:$0x3FA5] =	sst s6  }
0xf: {  	[smem:$0x3FA6] =	sst s7  }
0x10: {  	[smem:$0x3FA7] =	sst s8  }
0x11: {  	[smem:$0x3FA8] =	sst s9;
	s0 =	simm.s32 @!p0 $0x0  }
0x12: {  	s1 =	sld [smem:$0x3F8E];
	s0 =	simm.s32 @p0 $0x1  }
0x13: {  	[smem:$0x3FA9] =	sst s0;
	s0 =	simm.s32 @!p1 $0x0  }
0x14: {  	s2 =	sld [smem:$0x3F8D];
	s0 =	simm.s32 @p1 $0x1  }
0x15: {  	[smem:$0x3FAA] =	sst s0;
	s0 =	simm.s32 @!p2 $0x0  }
0x16: {  	s3 =	sld [smem:$0x3FDB];
	s0 =	simm.s32 @p2 $0x1  }
0x17: {  	s4 =	simm.s32 $0x1BF5;
	[smem:$0x3FAC] =	sst s0  }
0x18: {  	s0 =	sld [smem:$0x3F8F];
	_ =	swait.ge [sflag:s4], $0x0  }
0x19: {  	s7 =	sld [smem:$0x3F90]  }
0x1a: {  	s8 =	sadd.s32 $0xFFFFE003, lr  }
0x1b: {  	s9 =	sadd.s32 $0xFFFFFEF7, lr;
	s5 =	simm.s32 $0xFFFFFFFF;
	p2 =	slt.u32 s8, $0xFFFFF086  }
0x1c: {  	p1 =	slt.u32 s9, $0xF7A;
	s5 =	simm.s32 @!p2 $0x0  }
0x1d: {  	s5 =	simm.s32 @p1 $0x1;
	p0 =	seq.s32 s7, s2  }
0x1e: {  	s7 =	smul.u32 @!p0 $0xF7A, s2;
	p2 =	seq.s32 @!p0 s5, $0x0  }
0x1f: {  	s9 =	smul.u32 $0xF7A, s1;
	s8 =	simm.s32 @!p0 $0x1BF5;
	p2 =	por !p2, p0  }
0x20: {  	[sflag:s8] =	ssyncset.s32 @!p0 $0xFFFFF086;
	s6 =	sadd.s32 @!p0 s3, s7;
	s7 =	simm.s32 @!p0 $0x108  }
0x21: {  	s3 =	sadd.s32 s3, s9;
	s6 =	sadd.s32 @!p0 $0x88, s6;
	s7 =	simm.s32 @p2 $0x1082  }
0x22: {  	[simem:s7], [sflag:s8] =	dma.local @!p0 [hbm:s6], $0xF7A  }
0x23: {  	s9 =	sor.u32 $0xD0000000, s2;
	s6 =	simm.s32 $0x108;
	_ =	swait.ge @!p0 [sflag:s8], $0x0  }
0x24: {  	s3 =	sadd.s32 $0x88, s3;
	s6 =	simm.s32 @!p1 $0x1082;
	[sflag:s4] =	ssyncset.s32 $0xFFFFF086  }
0x25: {  	[simem:s6], [sflag:s4] =	dma.local [hbm:s3], $0xF7A  }
0x26: {  	[smem:$0x3F90] =	sst s1;
	(tag) =	ssettag s2;
	_ =	strace s9  }
0x27: {  	s1 =	sld [smem:$0x3FA0]  }
0x28: {  	s2 =	sld [smem:$0x3FA1]  }
0x29: {  	s4 =	sld [smem:$0x3FA3]  }
0x2a: {  	p0 =	seq.s32 s5, $0x0;
	s5 =	sld [smem:$0x3FA4]  }
0x2b: {  	s6 =	sld [smem:$0x3FA5]  }
0x2c: {  	s7 =	sld [smem:$0x3FA6]  }
0x2d: {  	s3 =	simm.s32 $0x108;
	s8 =	sld [smem:$0x3FA7]  }
0x2e: {  	s3 =	simm.s32 @!p0 $0x1082;
	s9 =	sld [smem:$0x3FA8]  }
0x2f: {  	lr =	sadd.s32 s0, s3;
	s0 =	sld [smem:$0x3F9F]  }
0x30: {  	s3 =	sld [smem:$0x3FA2]  }
0x31: {  	[smem:$0x3FAB] =	sst s10  }
0x32: {  	s10 =	sld [smem:$0x3FA9];
	_ =	sdelay $0x3  }
0x33: {  	p0 =	seq.s32 s10, $0x1;
	s10 =	sld [smem:$0x3FAB];
	_ =	sdelay $0x3  }
0x34: {  	[smem:$0x3FAB] =	sst s10  }
0x35: {  	s10 =	sld [smem:$0x3FAA];
	_ =	sdelay $0x3  }
0x36: {  	p1 =	seq.s32 s10, $0x1;
	s10 =	sld [smem:$0x3FAB];
	_ =	sdelay $0x3  }
0x37: {  	[smem:$0x3FAB] =	sst s10  }
0x38: {  	s10 =	sld [smem:$0x3FAC]  }
0x39: {  	_ = 	snop;
	(pc) =	sbr.ind lr, $3  }
0x3a: {  	_ = 	snop  }
0x3b: {  	_ = 	snop  }
0x3c: {  	p2 =	seq.s32 s10, $0x1;
	s10 =	sld [smem:$0x3FAB]  }
0x3d: {  	_ =	shalt  }
0x3e: {  	_ =	shalt  }
0x3f: {  	_ =	shalt  }
0x40: {  	_ =	shalt  }
0x41: {  	_ =	shalt  }
0x42: {  	_ =	shalt  }
0x43: {  	_ =	shalt  }
0x44: {  	_ =	shalt  }
0x45: {  	_ =	shalt  }
0x46: {  	_ =	shalt  }
0x47: {  	_ =	shalt  }
0x48: {  	_ =	shalt  }
0x49: {  	_ =	shalt  }
0x4a: {  	_ =	shalt  }
0x4b: {  	_ =	shalt  }
0x4c: {  	_ =	shalt  }
0x4d: {  	_ =	shalt  }
0x4e: {  	_ =	shalt  }
0x4f: {  	_ =	shalt  }
0x50: {  	_ =	shalt  }
0x51: {  	_ =	shalt  }
0x52: {  	_ =	shalt  }
0x53: {  	_ =	shalt  }
0x54: {  	_ =	shalt  }
0x55: {  	_ =	shalt  }
0x56: {  	_ =	shalt  }
0x57: {  	_ =	shalt  }
0x58: {  	_ =	shalt  }
0x59: {  	_ =	shalt  }
0x5a: {  	_ =	shalt  }
0x5b: {  	_ =	shalt  }
0x5c: {  	_ =	shalt  }
0x5d: {  	_ =	shalt  }
0x5e: {  	_ =	shalt  }
0x5f: {  	_ =	shalt  }
0x60: {  	_ =	shalt  }
0x61: {  	_ =	shalt  }
0x62: {  	_ =	shalt  }
0x63: {  	_ =	shalt  }
0x64: {  	_ =	shalt  }
0x65: {  	_ =	shalt  }
0x66: {  	_ =	shalt  }
0x67: {  	_ =	shalt  }
0x68: {  	_ =	shalt  }
0x69: {  	_ =	shalt  }
0x6a: {  	_ =	shalt  }
0x6b: {  	_ =	shalt  }
0x6c: {  	_ =	shalt  }
0x6d: {  	_ =	shalt  }
0x6e: {  	_ =	shalt  }
0x6f: {  	_ =	shalt  }
0x70: {  	_ =	shalt  }
0x71: {  	_ =	shalt  }
0x72: {  	_ =	shalt  }
0x73: {  	_ =	shalt  }
0x74: {  	_ =	shalt  }
0x75: {  	_ =	shalt  }
0x76: {  	_ =	shalt  }
0x77: {  	_ =	shalt  }
0x78: {  	_ =	shalt  }
0x79: {  	_ =	shalt  }
0x7a: {  	_ =	shalt  }
0x7b: {  	_ =	shalt  }
0x7c: {  	_ =	shalt  }
0x7d: {  	_ =	shalt  }
0x7e: {  	_ =	shalt  }
0x7f: {  	_ =	shalt  }
0x80: {  	_ =	shalt  }
0x81: {  	_ =	shalt  }
0x82: {  	_ =	shalt  }
0x83: {  	_ =	shalt  }
0x84: {  	_ =	shalt  }
0x85: {  	_ =	shalt  }
0x86: {  	_ =	shalt  }
0x87: {  	_ =	shalt  }
.Lfunc_end0:
.L_simem_size_0:
called_computation.2_lowered:
.L_overlay_start_0:
0x88: {  	s2 =	sld [smem:$0x3FD9]  }
0x89: {  	s3 =	sld [smem:$0x3FFE];
	_ =	sdelay $0x1  }
0x8a: {  	s1 =	srdreg.scid  }
0x8b: {  	s0 =	sand.u32 $0x1, s1  }
0x8c: {  	s17 =	sshll.u32 s0, $0xA;
	s2 =	sadd.s32 s3, s2  }
0x8d: {  	s2 =	sadd.s32 s2, s17  }
0x8e: {  	[smem:$0x3FB7] =	sst s2  }
0x8f: {  	_ = 	snop  }
0x90: {  	s2 =	sld [smem:$0x3FD0];
	(tm) =	ssettm $0x1  }
0x91: {  	s18 =	sld [smem:$0x3FFB];
	_ =	sdelay $0x3  }
0x92: {  	_ =	strace s18  }
0x93: {  	s3 =	sld [smem:$0x3FFC];
	_ =	sdelay $0x3  }
0x94: {  	_ =	strace s3  }
0x95: {  	s3 =	sld [smem:$0x3FFD];
	_ =	sdelay $0x3  }
0x96: {  	_ =	strace s3  }
0x97: {  	_ =	strace $0x8FFFFFFF  }
0x98: {  	s19 =	sld [smem:$0x3FDB];
	_ =	sdelay $0x1  }
0x99: {  	s4 =	simm.s32 $_scs_section_size  }
0x9a: {  	s5 =	simm.s32 $_size__tile_overlayer_lowered;
	s6 =	simm.s32 $_tile_overlayer_lowered  }
0x9b: {  	s22 =	simm.s32 $0x1BFF;
	s21 =	sshll.u32 s6, $0x1;
	s3 =	sadd.s32 s4, s19  }
0x9c: {  	s7 =	simm.s32 $0x0;
	s20 =	sshll.u32 s5, $0x1;
	s5 =	sadd.s32 s21, s3  }
0x9d: {  	[timem:s7], [sflag:s22] =	dma.local [hbm:s5], s20  }
0x9e: {  	_ =	swait.ge [sflag:s22], s20  }
0x9f: {  	s4 =	ssub.s32 $0x0, s20;
	[sflag:s22] =	ssyncset.done $0x0  }
0xa0: {  	[sflag:s22] =	ssyncadd.s32 s4;
	_ =	sdelay $0x1  }
0xa1: {  	s23 =	simm.s32 $0x1B8B  }
0xa2: {  	_ =	swait.ge [sflag:s23], $0x1  }
0xa3: {  	[sflag:s23] =	ssyncset.done $0x0  }
0xa4: {  	s25 =	simm.s32 $0x1B8E;
	s24 =	sld [smem:$0x3FFE];
	[sflag:s23] =	ssyncadd.s32 $0xFFFFFFFF  }
0xa5: {  	s26 =	simm.s32 $execute0_lowered;
	[smem:$0x3FD2] =	sst s25  }
0xa6: {  	s5 =	sshll.u32 s26, $0x1;
	_ =	strace $0x8000004C;
	[dreg:$0x1] =	wrdreg $0xFFFFFFFF  }
0xa7: {  	s28 =	simm.s32 $_size_execute0_lowered;
	s3 =	sadd.s32 s3, s5;
	[dreg:$0x0] =	wrdreg $0x0  }
0xa8: {  	s5 =	sshll.u32 s28, $0x1;
	[dreg:$0x2] =	wrdreg s3  }
0xa9: {  	[dreg:$0x3] =	wrdreg s5  }
0xaa: {  	[dreg:$0x4] =	wrdreg $0xC0  }
0xab: {  	_ =	task [dreg:s7], $0x5FFFF  }
0xac: {  	[dreg:$0x1] =	wrdreg $0xFFFFFFFF  }
0xad: {  	[dreg:$0x0] =	wrdreg $0x60  }
0xae: {  	[dreg:$0x2] =	wrdreg s24  }
0xaf: {  	[dreg:$0x3] =	wrdreg s2  }
0xb0: {  	[dreg:$0x4] =	wrdreg $0x80000  }
0xb1: {  	[dreg:$0x5] =	wrdreg $0x9  }
0xb2: {  	_ =	task.clear_ibuf [dreg:s7], $0x6FFFF;
	_ =	strace $0x9000004C  }
0xb3: {  	s29 =	simm.s32 $0x9;
	_ =	strace $0x8000004E  }
0xb4: {  	_ =	swait.ge [sflag:s29], $0x1  }
0xb5: {  	[sflag:s29] =	ssyncadd.s32 $0xFFFFFFFF  }
0xb6: {  	_ =	strace $0x9000004E  }
0xb7: {  	_ =	sfence  }
0xb8: {  	s30 =	sld [smem:$0x0];
	_ =	sdelay $0x2  }
0xb9: {  	s31 =	sshll.u32 s1, $0xD;
	s1 =	sshrl.u32 s1, $0x2  }
0xba: {  	s3 =	sand.u32 $0x4000, s31;
	s1 =	sadd.s32 s1, s30  }
0xbb: {  	s0 =	sor.u32 s3, s0;
	s1 =	sshll.u32 s1, $0x11  }
0xbc: {  	s0 =	sor.u32 s1, s0  }
0xbd: {  	s0 =	sadd.s32 $0x8F2B, s0  }
0xbe: {  	[sflag:s0] =	ssyncadd.remote.s32 $0x1  }
0xbf: {  	_ =	sfence.sel $0xFFFF  }
0xc0: {  	[dreg:$0x0] =	wrdreg $0xFFFFFFFF;
	(pc) =	sbr.abs _section_cstart, $3  }
0xc1: {  	[dreg:$0x1] =	wrdreg $0xFFFFFFFF  }
0xc2: {  	_ =	task.clear_ibuf [dreg:s7], $0x2FFFF;
	_ =	strace $0x9FFFFFFF  }
0xc3: {  	(tm) =	ssettm $0x7FFFFFFF  }
tec
execute0_lowered:
.L_overlay_start_1:
0x0: {  	(tag) =	ssettag $0x1  }
0x1: {  	s0 =	rddreg [dreg:$0x0];
	s1 =	srdreg.scid  }
0x2: {  	s8 =	rddreg [dreg:$0x1];
	s2 =	stileid.u32  }
0x3: {  	s3 =	simm.s32 $0x0;
	s7 =	sand.u32 $0x1, s1;
	s1 =	rddreg [dreg:$0x2]  }
0x4: {  	[smem:$0x7FF] =	sst s3;
	s5 =	sadd.s32 $0x11600, s0;
	p1 =	sgt.s32 s2, $0x1  }
0x5: {  	s4 =	sshll.u32 s7, $0x4;
	_ =	strace $0x8000004D;
	s12 =	smul.u32 $0x78000, s7  }
0x6: {  	s6 =	ssub.s32 $0x2, s7;
	s24 =	sadd.s32 $0x70800, s1;
	s13 =	smul.u32 $0xF000, s7  }
0x7: {  	s7 =	sadd.s32 $0x69000, s1;
	p0 =	seq.s32 @p1 s2, $0x2;
	s4 =	sor.u32 s2, s4  }
0x8: {  	s28 =	sadd.s32 $0x5A000, s1;
	s11 =	sshrl.u32 s6, $0x1;
	s9 =	smul.u32 $0x500, s4  }
0x9: {  	[dreg:$0x4] =	wrdreg s24;
	p2 =	por !p0, !p1;
	s4 =	sadd.s32 $0x2600, s0  }
0xa: {  	s11 =	ssub.s32 s6, s11;
	s26 =	sshrl.u32 s12, $0x3;
	s10 =	sadd.s32 s9, s0  }
0xb: {  	s0 =	sadd.s32 $0x2F600, s0;
	s12 =	sadd.s32 s8, s9;
	s25 =	sadd.s32 $0x25600, s10  }
0xc: {  	[dreg:$0x6] =	wrdreg s12;
	s6 =	sadd.s32 s0, s13;
	s0 =	sadd.s32 s0, s26  }
0xd: {  	s26 =	smax.u32 s11, $0x1;
	[dreg:$0x5] =	wrdreg s25;
	s13 =	sadd.s32 $0x1E00, s0  }
0xe: {  	s14 =	sadd.s32 $0x2D00, s0;
	s15 =	sadd.s32 $0x3C00, s0;
	s16 =	sadd.s32 $0x4B00, s0  }
0xf: {  	s17 =	sadd.s32 $0x5A00, s0;
	s18 =	sadd.s32 $0x6900, s0;
	[dreg:$0x16] =	wrdreg s26  }
0x10: {  	s19 =	sadd.s32 $0x7800, s0;
	s20 =	sadd.s32 $0x8700, s0;
	[dreg:$0x7] =	wrdreg s6  }
0x11: {  	s21 =	sadd.s32 $0x9600, s0;
	s22 =	sadd.s32 $0xA500, s0;
	[dreg:$0x8] =	wrdreg s13  }
0x12: {  	s23 =	sadd.s32 $0xB400, s0;
	s24 =	sadd.s32 $0xC300, s0;
	[dreg:$0x9] =	wrdreg s14  }
0x13: {  	s25 =	sadd.s32 $0xD200, s0;
	s0 =	sadd.s32 $0xE100, s0;
	[dreg:$0xa] =	wrdreg s15  }
0x14: {  	s29 =	sadd.s32 $0x52800, s1;
	[dreg:$0x15] =	wrdreg s0;
	s0 =	simm.s32 @!p2 $0x0  }
0x15: {  	p0 =	por p0, !p1;
	[dreg:$0xb] =	wrdreg s16;
	s0 =	simm.s32 @p2 $0x1  }
0x16: {  	s30 =	sadd.s32 $0x4B000, s1;
	[smem:$0x7F2] =	sst s0;
	s0 =	simm.s32 @!p0 $0x0  }
0x17: {  	[dreg:$0xc] =	wrdreg s17;
	s0 =	simm.s32 @p0 $0x1;
	p0 =	seq.s32 @!p1 s2, $0x0  }
0x18: {  	s31 =	sadd.s32 $0x43800, s1;
	[dreg:$0xd] =	wrdreg s18;
	p3 =	por !p0, p1  }
0x19: {  	s8 =	sadd.s32 $0x34800, s1;
	[smem:$0x7F3] =	sst s0;
	s0 =	simm.s32 @!p3 $0x0  }
0x1a: {  	s9 =	sadd.s32 $0x2D000, s1;
	[dreg:$0xe] =	wrdreg s19;
	s0 =	simm.s32 @p3 $0x1  }
0x1b: {  	s11 =	sadd.s32 $0x25800, s1;
	[smem:$0x7F4] =	sst s0;
	s0 =	simm.s32 @!p1 $0x0  }
0x1c: {  	[dreg:$0xf] =	wrdreg s20;
	p0 =	por p0, p1;
	s0 =	simm.s32 @p1 $0x1  }
0x1d: {  	p2 =	sgt.s32 s2, $0x5;
	[smem:$0x7F5] =	sst s0;
	s0 =	simm.s32 @!p0 $0x0  }
0x1e: {  	[dreg:$0x10] =	wrdreg s21;
	s0 =	simm.s32 @p0 $0x1;
	p0 =	seq.s32 @p2 s2, $0x6  }
0x1f: {  	s12 =	sadd.s32 $0x1E000, s1;
	[dreg:$0x11] =	wrdreg s22;
	p1 =	por !p0, !p2  }
0x20: {  	s10 =	simm.s32 $0x3;
	[smem:$0x7F6] =	sst s0;
	s0 =	simm.s32 @!p1 $0x0  }
0x21: {  	[dreg:$0x12] =	wrdreg s23;
	p0 =	por p0, !p2;
	s0 =	simm.s32 @p1 $0x1  }
0x22: {  	s26 =	sadd.s32 $0x61800, s1;
	[smem:$0x7F7] =	sst s0;
	s0 =	simm.s32 @!p0 $0x0  }
0x23: {  	[dreg:$0x13] =	wrdreg s24;
	s0 =	simm.s32 @p0 $0x1;
	p0 =	seq.s32 @!p2 s2, $0x4  }
0x24: {  	s6 =	sadd.s32 $0xF00, s6;
	[dreg:$0x14] =	wrdreg s25;
	p1 =	por !p0, p2  }
0x25: {  	s13 =	sadd.s32 $0x16800, s1;
	[smem:$0x7F8] =	sst s0;
	s0 =	simm.s32 @!p1 $0x0  }
0x26: {  	s14 =	sadd.s32 $0xF000, s1;
	[dreg:$0x17] =	wrdreg s6;
	s0 =	simm.s32 @p1 $0x1  }
0x27: {  	s15 =	sadd.s32 $0x7800, s1;
	[smem:$0x7F9] =	sst s0;
	s0 =	simm.s32 @!p2 $0x0  }
0x28: {  	s17 =	simm.s32 $0x5;
	p0 =	por p0, p2;
	s0 =	simm.s32 @p2 $0x1  }
0x29: {  	s19 =	simm.s32 $0x1;
	[smem:$0x7FA] =	sst s0;
	s0 =	simm.s32 @!p0 $0x0  }
0x2a: {  	s20 =	simm.s32 $0x2;
	s0 =	simm.s32 @p0 $0x1;
	p0 =	sgt.s32 s2, $0x7  }
.Ltmp0:
0x2b: {  	[smem:$0x7FB] =	sst s0;
	s0 =	simm.s32 @!p0 $0x0;
	(pc) =	sbr.rel .LBB2_1-.Ltmp0, $4  }
0x2c: {  	s21 =	simm.s32 $0x80;
	s0 =	simm.s32 @p0 $0x1;
	p0 =	sgt.s32 s2, $0x3  }
0x2d: {  	s22 =	simm.s32 $0x5000;
	[smem:$0x7FC] =	sst s0;
	s0 =	simm.s32 @!p0 $0x0  }
0x2e: {  	s23 =	simm.s32 $0x6800;
	s24 =	simm.s32 $0x4;
	s0 =	simm.s32 @p0 $0x1  }
0x2f: {  	s25 =	simm.s32 $0x0;
	[smem:$0x7FD] =	sst s0;
	s0 =	sadd.s32 $0x3C000, s1  }
.LBB2_11:
0x30: {  	_ =	swait.ge [sflag:s24], $0x1800  }
0x31: {  	[sflag:s24] =	ssyncset.done $0x0  }
0x32: {  	[sflag:s24] =	ssyncadd.s32 $0xFFFFE800  }
0x33: {  	p6 =	sne.s32 s2, $0x0;
	[bflag:$0x0] =	sbarrier.arrive $0xFFFF  }
0x34: {  	s6 =	sshrl.u32 @!p6 s1, $0x3;
	s16 =	simm.s32 @!p6 $0x1C05;
	s18 =	rddreg [dreg:$0x7]  }
0x35: {  	[hbm:s18], [sflag:s16] =	dma.local @!p6 [spmem:s6], $0xF00  }
0x36: {  	s6 =	simm.s32 @!p6 $0x5  }
0x37: {  	_ =	swait.ge @!p6 [sflag:s6], $0xF00  }
0x38: {  	s16 =	sshll.u32 @p1 s2, $0x6;
	[sflag:s6] =	ssyncset.done @!p6 $0x0;
	s18 =	rddreg [dreg:$0x17]  }
0x39: {  	[sflag:s6] =	ssyncadd.s32 @!p6 $0xFFFFF100;
	s6 =	sor.u32 @p1 $0x1C05, s16;
	s16 =	sshrl.u32 @p1 s15, $0x3  }
0x3a: {  	[hbm:s18], [sflag:s6] =	dma.local @p1 [spmem:s16], $0xF00  }
0x3b: {  	s6 =	simm.s32 @p1 $0x5  }
0x3c: {  	_ =	swait.ge @p1 [sflag:s6], $0xF00  }
0x3d: {  	s16 =	sshll.u32 @p4 s2, $0x6;
	[sflag:s6] =	ssyncset.done @p1 $0x0;
	s18 =	rddreg [dreg:$0x8]  }
0x3e: {  	[sflag:s6] =	ssyncadd.s32 @p1 $0xFFFFF100;
	s6 =	sor.u32 @p4 $0x1C05, s16;
	s16 =	sshrl.u32 @p4 s14, $0x3  }
0x3f: {  	[hbm:s18], [sflag:s6] =	dma.local @p4 [spmem:s16], $0xF00  }
0x40: {  	s6 =	simm.s32 @p4 $0x5  }
0x41: {  	_ =	swait.ge @p4 [sflag:s6], $0xF00  }
0x42: {  	s18 =	sld [smem:$0x7ED];
	_ =	sdelay $0x2  }
0x43: {  	[sflag:s6] =	ssyncset.done @p4 $0x0;
	p0 =	seq.s32 s18, $0x1  }
0x44: {  	[sflag:s6] =	ssyncadd.s32 @p4 $0xFFFFF100;
	s16 =	sshll.u32 @p0 s2, $0x6  }
0x45: {  	s18 =	rddreg [dreg:$0x9];
	s6 =	sor.u32 @p0 $0x1C05, s16;
	s16 =	sshrl.u32 @p0 s13, $0x3  }
0x46: {  	[hbm:s18], [sflag:s6] =	dma.local @p0 [spmem:s16], $0xF00  }
0x47: {  	s6 =	simm.s32 @p0 $0x5  }
0x48: {  	_ =	swait.ge @p0 [sflag:s6], $0xF00  }
0x49: {  	s18 =	sld [smem:$0x7EE];
	_ =	sdelay $0x2  }
0x4a: {  	[sflag:s6] =	ssyncset.done @p0 $0x0;
	p2 =	seq.s32 s18, $0x1  }
0x4b: {  	[sflag:s6] =	ssyncadd.s32 @p0 $0xFFFFF100;
	s16 =	sshll.u32 @p2 s2, $0x6  }
0x4c: {  	s18 =	rddreg [dreg:$0xa];
	s6 =	sor.u32 @p2 $0x1C05, s16;
	s16 =	sshrl.u32 @p2 s12, $0x3  }
0x4d: {  	[hbm:s18], [sflag:s6] =	dma.local @p2 [spmem:s16], $0xF00  }
0x4e: {  	s6 =	simm.s32 @p2 $0x5  }
0x4f: {  	_ =	swait.ge @p2 [sflag:s6], $0xF00  }
0x50: {  	s18 =	sld [smem:$0x7EC];
	_ =	sdelay $0x2  }
0x51: {  	[sflag:s6] =	ssyncset.done @p2 $0x0;
	p0 =	seq.s32 s18, $0x1  }
0x52: {  	[sflag:s6] =	ssyncadd.s32 @p2 $0xFFFFF100;
	s16 =	sshll.u32 @p0 s2, $0x6  }
0x53: {  	s18 =	rddreg [dreg:$0xb];
	s6 =	sor.u32 @p0 $0x1C05, s16;
	s16 =	sshrl.u32 @p0 s11, $0x3  }
0x54: {  	[hbm:s18], [sflag:s6] =	dma.local @p0 [spmem:s16], $0xF00  }
0x55: {  	s6 =	simm.s32 @p0 $0x5  }
0x56: {  	_ =	swait.ge @p0 [sflag:s6], $0xF00  }
0x57: {  	s18 =	sld [smem:$0x7EF];
	_ =	sdelay $0x2  }
0x58: {  	[sflag:s6] =	ssyncset.done @p0 $0x0;
	p1 =	seq.s32 s18, $0x1  }
0x59: {  	[sflag:s6] =	ssyncadd.s32 @p0 $0xFFFFF100;
	s16 =	sshll.u32 @p1 s2, $0x6  }
0x5a: {  	s18 =	rddreg [dreg:$0xc];
	s6 =	sor.u32 @p1 $0x1C05, s16;
	s16 =	sshrl.u32 @p1 s9, $0x3  }
0x5b: {  	[hbm:s18], [sflag:s6] =	dma.local @p1 [spmem:s16], $0xF00  }
0x5c: {  	s6 =	simm.s32 @p1 $0x5  }
0x5d: {  	_ =	swait.ge @p1 [sflag:s6], $0xF00  }
0x5e: {  	s18 =	sld [smem:$0x7EB];
	_ =	sdelay $0x2  }
0x5f: {  	[sflag:s6] =	ssyncset.done @p1 $0x0;
	p0 =	seq.s32 s18, $0x1  }
0x60: {  	[sflag:s6] =	ssyncadd.s32 @p1 $0xFFFFF100;
	s16 =	sshll.u32 @p0 s2, $0x6  }
0x61: {  	s18 =	rddreg [dreg:$0xd];
	s6 =	sor.u32 @p0 $0x1C05, s16;
	s16 =	sshrl.u32 @p0 s8, $0x3  }
0x62: {  	[hbm:s18], [sflag:s6] =	dma.local @p0 [spmem:s16], $0xF00  }
0x63: {  	s6 =	simm.s32 @p0 $0x5  }
0x64: {  	_ =	swait.ge @p0 [sflag:s6], $0xF00  }
0x65: {  	s18 =	sld [smem:$0x7F0];
	_ =	sdelay $0x2  }
0x66: {  	[sflag:s6] =	ssyncset.done @p0 $0x0;
	p1 =	seq.s32 s18, $0x1  }
0x67: {  	[sflag:s6] =	ssyncadd.s32 @p0 $0xFFFFF100;
	s16 =	sshll.u32 @p1 s2, $0x6  }
0x68: {  	s18 =	rddreg [dreg:$0xe];
	s6 =	sor.u32 @p1 $0x1C05, s16;
	s16 =	sshrl.u32 @p1 s0, $0x3  }
0x69: {  	[hbm:s18], [sflag:s6] =	dma.local @p1 [spmem:s16], $0xF00  }
0x6a: {  	s6 =	simm.s32 @p1 $0x5  }
0x6b: {  	_ =	swait.ge @p1 [sflag:s6], $0xF00  }
0x6c: {  	s18 =	sld [smem:$0x7EA];
	_ =	sdelay $0x2  }
0x6d: {  	[sflag:s6] =	ssyncset.done @p1 $0x0;
	p0 =	seq.s32 s18, $0x1  }
0x6e: {  	[sflag:s6] =	ssyncadd.s32 @p1 $0xFFFFF100;
	s16 =	sshll.u32 @p0 s2, $0x6  }
0x6f: {  	s18 =	rddreg [dreg:$0xf];
	s6 =	sor.u32 @p0 $0x1C05, s16;
	s16 =	sshrl.u32 @p0 s31, $0x3  }
0x70: {  	[hbm:s18], [sflag:s6] =	dma.local @p0 [spmem:s16], $0xF00  }
0x71: {  	s6 =	simm.s32 @p0 $0x5  }
0x72: {  	_ =	swait.ge @p0 [sflag:s6], $0xF00  }
0x73: {  	s18 =	sld [smem:$0x7F1];
	_ =	sdelay $0x2  }
0x74: {  	[sflag:s6] =	ssyncset.done @p0 $0x0;
	p1 =	seq.s32 s18, $0x1  }
0x75: {  	[sflag:s6] =	ssyncadd.s32 @p0 $0xFFFFF100;
	s16 =	sshll.u32 @p1 s2, $0x6  }
0x76: {  	s18 =	rddreg [dreg:$0x10];
	s6 =	sor.u32 @p1 $0x1C05, s16;
	s16 =	sshrl.u32 @p1 s30, $0x3  }
0x77: {  	[hbm:s18], [sflag:s6] =	dma.local @p1 [spmem:s16], $0xF00  }
0x78: {  	s6 =	simm.s32 @p1 $0x5  }
0x79: {  	_ =	swait.ge @p1 [sflag:s6], $0xF00  }
0x7a: {  	s18 =	sld [smem:$0x7E9];
	_ =	sdelay $0x2  }
0x7b: {  	[sflag:s6] =	ssyncset.done @p1 $0x0;
	p0 =	seq.s32 s18, $0x1  }
0x7c: {  	[sflag:s6] =	ssyncadd.s32 @p1 $0xFFFFF100;
	s16 =	sshll.u32 @p0 s2, $0x6  }
0x7d: {  	s18 =	rddreg [dreg:$0x11];
	s6 =	sor.u32 @p0 $0x1C05, s16;
	s16 =	sshrl.u32 @p0 s29, $0x3  }
0x7e: {  	[hbm:s18], [sflag:s6] =	dma.local @p0 [spmem:s16], $0xF00  }
0x7f: {  	s6 =	simm.s32 @p0 $0x5  }
0x80: {  	_ =	swait.ge @p0 [sflag:s6], $0xF00  }
0x81: {  	s16 =	sshll.u32 @p5 s2, $0x6;
	[sflag:s6] =	ssyncset.done @p0 $0x0;
	s18 =	rddreg [dreg:$0x12]  }
0x82: {  	[sflag:s6] =	ssyncadd.s32 @p0 $0xFFFFF100;
	s6 =	sor.u32 @p5 $0x1C05, s16;
	s16 =	sshrl.u32 @p5 s28, $0x3  }
0x83: {  	[hbm:s18], [sflag:s6] =	dma.local @p5 [spmem:s16], $0xF00  }
0x84: {  	s6 =	simm.s32 @p5 $0x5  }
0x85: {  	_ =	swait.ge @p5 [sflag:s6], $0xF00  }
0x86: {  	s18 =	sld [smem:$0x7E8];
	_ =	sdelay $0x2  }
0x87: {  	[sflag:s6] =	ssyncset.done @p5 $0x0;
	p0 =	seq.s32 s18, $0x1  }
0x88: {  	[sflag:s6] =	ssyncadd.s32 @p5 $0xFFFFF100;
	s16 =	sshll.u32 @p0 s2, $0x6  }
0x89: {  	s18 =	rddreg [dreg:$0x13];
	s6 =	sor.u32 @p0 $0x1C05, s16;
	s16 =	sshrl.u32 @p0 s26, $0x3  }
0x8a: {  	[hbm:s18], [sflag:s6] =	dma.local @p0 [spmem:s16], $0xF00  }
0x8b: {  	s6 =	simm.s32 @p0 $0x5  }
0x8c: {  	_ =	swait.ge @p0 [sflag:s6], $0xF00  }
0x8d: {  	s16 =	sshll.u32 @p3 s2, $0x6;
	[sflag:s6] =	ssyncset.done @p0 $0x0;
	s18 =	rddreg [dreg:$0x14]  }
0x8e: {  	[sflag:s6] =	ssyncadd.s32 @p0 $0xFFFFF100;
	s6 =	sor.u32 @p3 $0x1C05, s16;
	s16 =	sshrl.u32 @p3 s7, $0x3  }
0x8f: {  	[hbm:s18], [sflag:s6] =	dma.local @p3 [spmem:s16], $0xF00  }
0x90: {  	s6 =	simm.s32 @p3 $0x5  }
0x91: {  	_ =	swait.ge @p3 [sflag:s6], $0xF00  }
0x92: {  	s18 =	sld [smem:$0x7E7];
	_ =	sdelay $0x2  }
0x93: {  	p1 =	seq.s32 s18, $0x1  }
0x94: {  	[sflag:s6] =	ssyncset.done @p3 $0x0;
	s16 =	sshll.u32 @p1 s2, $0x6  }
0x95: {  	[sflag:s6] =	ssyncadd.s32 @p3 $0xFFFFF100;
	s6 =	sor.u32 @p1 $0x1C05, s16;
	s16 =	rddreg [dreg:$0x4]  }
0x96: {  	s18 =	rddreg [dreg:$0x15];
	s16 =	sshrl.u32 @p1 s16, $0x3  }
0x97: {  	[hbm:s18], [sflag:s6] =	dma.local @p1 [spmem:s16], $0xF00  }
0x98: {  	s6 =	simm.s32 @p1 $0x5  }
0x99: {  	_ =	swait.ge @p1 [sflag:s6], $0xF00  }
0x9a: {  	s25 =	sadd.s32 $0x1, s25;
	s18 =	rddreg [dreg:$0x16]  }
0x9b: {  	p0 =	sne.s32 s25, s18  }
.Ltmp1:
0x9c: {  	_ = 	snop;
	(pc) =	sbr.rel @!p0 .LBB2_12-.Ltmp1, $3  }
0x9d: {  	_ =	sdelay $0x1  }
0x9e: {  	[sflag:s6] =	ssyncset.done @p1 $0x0  }
0x9f: {  	[sflag:s6] =	ssyncadd.s32 @p1 $0xFFFFF100  }
.LBB2_1:
0xa0: {  	s6 =	sld [smem:$0x7FC];
	_ =	sdelay $0x2  }
0xa1: {  	p0 =	seq.s32 s6, $0x1  }
.Ltmp2:
0xa2: {  	_ = 	snop;
	(pc) =	sbr.rel @p0 .LBB2_5-.Ltmp2, $1  }
0xa3: {  	_ =	sdelay $0x3  }
0xa4: {  	s6 =	sld [smem:$0x7FD];
	_ =	sdelay $0x2  }
0xa5: {  	p0 =	seq.s32 s6, $0x1  }
.Ltmp3:
0xa6: {  	_ = 	snop;
	(pc) =	sbr.rel @p0 .LBB2_4-.Ltmp3, $1  }
0xa7: {  	_ =	sdelay $0x3  }
0xa8: {  	s6 =	sld [smem:$0x7F2];
	_ =	sdelay $0x2  }
0xa9: {  	p6 =	seq.s32 s6, $0x1  }
0xaa: {  	s16 =	sshrl.u32 @!p6 s14, $0x3;
	s18 =	simm.s32 @!p6 $0x1C85  }
0xab: {  	[spmem:s16], [sflag:s18] =	dma.local @!p6 [hbm:s5], $0xF00  }
0xac: {  	s18 =	sld [smem:$0x7F3];
	_ =	sdelay $0x2  }
0xad: {  	p2 =	seq.s32 s18, $0x1  }
0xae: {  	s16 =	sshrl.u32 @!p2 s13, $0x3;
	s18 =	simm.s32 @!p2 $0x1CC5  }
0xaf: {  	[spmem:s16], [sflag:s18] =	dma.local @!p2 [hbm:s5], $0xF00  }
0xb0: {  	s16 =	sld [smem:$0x7F4];
	_ =	sdelay $0x1  }
0xb1: {  	p5 =	por @!p2 $0x1, $0x1  }
0xb2: {  	p4 =	por @!p2 $0x0, $0x0;
	p3 =	por @!p2 $0x0, $0x0;
	p2 =	seq.s32 s16, $0x1  }
0xb3: {  	s16 =	sshrl.u32 @!p2 s1, $0x3;
	s18 =	simm.s32 @!p2 $0x1C05  }
0xb4: {  	[spmem:s16], [sflag:s18] =	dma.local @!p2 [hbm:s5], $0xF00  }
0xb5: {  	s18 =	sld [smem:$0x7F6];
	_ =	sdelay $0x1  }
0xb6: {  	p1 =	por @!p6 $0x0, $0x0  }
0xb7: {  	p3 =	por @!p6 p1, p1;
	p5 =	por @!p6 p1, p1;
	p0 =	seq.s32 s18, $0x1  }
0xb8: {  	p1 =	por @!p6 $0x1, $0x1;
	s16 =	sshrl.u32 @!p0 s15, $0x3;
	s18 =	simm.s32 @!p0 $0x1C45  }
0xb9: {  	[spmem:s16], [sflag:s18] =	dma.local @!p0 [hbm:s5], $0xF00  }
0xba: {  	s6 =	simm.s32 @!p5 $0x0;
	p4 =	por @!p6 p1, p1;
	s16 =	sld [smem:$0x7F5]  }
0xbb: {  	s6 =	simm.s32 @p5 $0x1;
	p6 =	por @!p2 $0x0, $0x0;
	p5 =	por @!p0 $0x1, $0x1  }
0xbc: {  	p0 =	por @!p0 $0x0, $0x0;
	p5 =	por @!p2 p6, p6  }
0xbd: {  	p0 =	por @!p2 p6, p6;
	p2 =	por p3, p3;
	p6 =	seq.s32 s16, $0x1  }
0xbe: {  	p1 =	por p3, p3;
	[smem:$0x7ED] =	sst s6;
	p2 =	por @!p6 p0, p0  }
0xbf: {  	p1 =	por @!p6 p5, p5;
	p5 =	por p3, p3;
	s6 =	simm.s32 @!p2 $0x0  }
0xc0: {  	p5 =	por @!p6 p0, p0;
	s6 =	simm.s32 @p2 $0x1  }
0xc1: {  	p2 =	por p3, p3;
	[smem:$0x7E7] =	sst s6;
	s6 =	simm.s32 @!p5 $0x0  }
0xc2: {  	p2 =	por @!p6 p0, p0;
	s6 =	simm.s32 @p5 $0x1  }
0xc3: {  	p5 =	por p3, p3;
	[smem:$0x7E8] =	sst s6;
	s6 =	simm.s32 @!p2 $0x0  }
0xc4: {  	p5 =	por @!p6 p0, p0;
	s6 =	simm.s32 @p2 $0x1  }
0xc5: {  	p2 =	por p3, p3;
	[smem:$0x7E9] =	sst s6;
	s6 =	simm.s32 @!p5 $0x0  }
0xc6: {  	s18 =	sld [smem:$0x7ED];
	p2 =	por @!p6 p0, p0;
	s6 =	simm.s32 @p5 $0x1  }
0xc7: {  	p5 =	por p3, p3;
	[smem:$0x7EA] =	sst s6;
	s6 =	simm.s32 @!p2 $0x0  }
0xc8: {  	p5 =	por @!p6 p0, p0;
	s6 =	simm.s32 @p2 $0x1  }
0xc9: {  	p2 =	seq.s32 s18, $0x1;
	[smem:$0x7EB] =	sst s6;
	s6 =	simm.s32 @!p5 $0x0  }
0xca: {  	p2 =	por @!p6 p0, p0;
	s6 =	simm.s32 @p5 $0x1  }
0xcb: {  	[smem:$0x7EC] =	sst s6;
	s6 =	simm.s32 @!p2 $0x0  }
0xcc: {  	s6 =	simm.s32 @p2 $0x1;
	p2 =	por p3, p3  }
0xcd: {  	p2 =	por @!p6 p0, p0  }
0xce: {  	p5 =	por p3, p3;
	[smem:$0x7ED] =	sst s6;
	s6 =	simm.s32 @!p2 $0x0  }
0xcf: {  	p5 =	por @!p6 p0, p0;
	s6 =	simm.s32 @p2 $0x1  }
0xd0: {  	p2 =	por p3, p3;
	[smem:$0x7EE] =	sst s6;
	s6 =	simm.s32 @!p5 $0x0  }
0xd1: {  	p2 =	por @!p6 p0, p0;
	s6 =	simm.s32 @p5 $0x1;
	p5 =	por p3, p3  }
.Ltmp4:
0xd2: {  	[smem:$0x7EF] =	sst s6;
	s6 =	simm.s32 @!p2 $0x0;
	(pc) =	sbr.rel .LBB2_8-.Ltmp4, $4  }
0xd3: {  	p5 =	por @!p6 p0, p0;
	s6 =	simm.s32 @p2 $0x1  }
0xd4: {  	[smem:$0x7F0] =	sst s6;
	s6 =	simm.s32 @!p5 $0x0  }
0xd5: {  	p4 =	por @!p6 p0, p0;
	s6 =	simm.s32 @p5 $0x1;
	p5 =	por p3, p3  }
0xd6: {  	p3 =	por @!p6 p0, p0;
	[smem:$0x7F1] =	sst s6;
	p5 =	por @!p6 p0, p0  }
.LBB2_5:
0xd7: {  	p0 =	sgt.s32 s2, $0xB  }
.Ltmp5:
0xd8: {  	_ = 	snop;
	(pc) =	sbr.rel @p0 .LBB2_7-.Ltmp5, $1  }
0xd9: {  	_ =	sdelay $0x3  }
0xda: {  	p6 =	sgt.s32 s2, $0x9  }
0xdb: {  	p1 =	seq.s32 @p6 s2, $0xA;
	p3 =	seq.s32 @!p6 s2, $0x8  }
0xdc: {  	p0 =	por !p1, !p6;
	p2 =	por p1, !p6;
	p1 =	por !p3, p6  }
0xdd: {  	s16 =	sshrl.u32 @!p0 s30, $0x3;
	s18 =	simm.s32 @!p0 $0x1E85;
	p4 =	por @!p2 $0x0, $0x0  }
0xde: {  	[spmem:s16], [sflag:s18] =	dma.local @!p0 [hbm:s5], $0xF00  }
0xdf: {  	s16 =	sshrl.u32 @!p2 s29, $0x3;
	s18 =	simm.s32 @!p2 $0x1EC5;
	s6 =	simm.s32 @!p4 $0x0  }
0xe0: {  	[spmem:s16], [sflag:s18] =	dma.local @!p2 [hbm:s5], $0xF00  }
0xe1: {  	s6 =	simm.s32 @p4 $0x1;
	s16 =	sshrl.u32 @!p1 s0, $0x3;
	p2 =	por @!p2 $0x1, $0x1  }
0xe2: {  	s18 =	simm.s32 @!p1 $0x1E05;
	[smem:$0x7F1] =	sst s6;
	s6 =	simm.s32 @!p2 $0x0  }
0xe3: {  	[spmem:s16], [sflag:s18] =	dma.local @!p1 [hbm:s5], $0xF00  }
0xe4: {  	s6 =	simm.s32 @p2 $0x1;
	p2 =	por p3, p6  }
0xe5: {  	[smem:$0x7E9] =	sst s6;
	s16 =	sshrl.u32 @!p2 s31, $0x3;
	s18 =	simm.s32 @!p2 $0x1E45  }
0xe6: {  	[spmem:s16], [sflag:s18] =	dma.local @!p2 [hbm:s5], $0xF00  }
0xe7: {  	s18 =	sld [smem:$0x7E9];
	_ =	sdelay $0x1  }
0xe8: {  	p5 =	por @!p0 $0x0, $0x0;
	p3 =	por p4, p4  }
0xe9: {  	p4 =	por @!p0 $0x0, $0x0;
	p3 =	por @!p0 p5, p5;
	p5 =	seq.s32 s18, $0x1  }
0xea: {  	p5 =	por @!p0 p4, p4  }
0xeb: {  	s16 =	sld [smem:$0x7F1];
	s6 =	simm.s32 @!p5 $0x0  }
0xec: {  	p4 =	por @!p2 $0x0, $0x0;
	s6 =	simm.s32 @p5 $0x1  }
0xed: {  	[smem:$0x7E9] =	sst s6;
	s6 =	simm.s32 @!p4 $0x0  }
0xee: {  	p5 =	por @!p0 $0x1, $0x1;
	s6 =	simm.s32 @p4 $0x1;
	p4 =	seq.s32 s16, $0x1  }
0xef: {  	p4 =	por @!p0 p5, p5  }
0xf0: {  	[smem:$0x7E5] =	sst s6;
	s6 =	simm.s32 @!p4 $0x0  }
0xf1: {  	s6 =	simm.s32 @p4 $0x1;
	p4 =	por @!p2 $0x1, $0x1;
	p2 =	por @!p1 $0x0, $0x0  }
0xf2: {  	s18 =	sld [smem:$0x7E5];
	p4 =	por @!p1 p2, p2  }
0xf3: {  	[smem:$0x7F1] =	sst s6;
	s6 =	simm.s32 @!p4 $0x0  }
0xf4: {  	s6 =	simm.s32 @p4 $0x1  }
0xf5: {  	[smem:$0x7E6] =	sst s6  }
0xf6: {  	p5 =	seq.s32 s18, $0x1;
	s6 =	sld [smem:$0x7E6]  }
0xf7: {  	p0 =	por p5, p5  }
0xf8: {  	p4 =	por @!p1 $0x1, $0x1;
	p0 =	por @!p1 p2, p2  }
0xf9: {  	p2 =	por p3, p3;
	p5 =	por @!p1 p4, p4;
	p1 =	seq.s32 s6, $0x1  }
0xfa: {  	p2 =	por @!p6 p1, p1  }
0xfb: {  	s6 =	simm.s32 @!p2 $0x0  }
0xfc: {  	s6 =	simm.s32 @p2 $0x1;
	p2 =	por p3, p3  }
0xfd: {  	p2 =	por @!p6 p5, p5  }
0xfe: {  	p1 =	por p3, p3;
	[smem:$0x7EA] =	sst s6;
	s6 =	simm.s32 @!p2 $0x0  }
0xff: {  	p1 =	por @!p6 p0, p0;
	s6 =	simm.s32 @p2 $0x1  }
0x100: {  	[smem:$0x7F0] =	sst s6;
	s6 =	simm.s32 @!p1 $0x0  }
0x101: {  	s16 =	sld [smem:$0x7E9];
	s6 =	simm.s32 @p1 $0x1;
	p1 =	por p3, p3  }
0x102: {  	p1 =	por @!p6 p0, p0  }
0x103: {  	[smem:$0x7E7] =	sst s6;
	s6 =	simm.s32 @!p1 $0x0  }
0x104: {  	s6 =	simm.s32 @p1 $0x1;
	p1 =	seq.s32 s16, $0x1  }
0x105: {  	p1 =	por @!p6 p0, p0  }
0x106: {  	[smem:$0x7E8] =	sst s6;
	s6 =	simm.s32 @!p1 $0x0  }
0x107: {  	s6 =	simm.s32 @p1 $0x1;
	p1 =	por p3, p3  }
0x108: {  	p1 =	por @!p6 p0, p0  }
0x109: {  	p2 =	por p3, p3;
	[smem:$0x7E9] =	sst s6;
	s6 =	simm.s32 @!p1 $0x0  }
0x10a: {  	p2 =	por @!p6 p0, p0;
	s6 =	simm.s32 @p1 $0x1  }
0x10b: {  	[smem:$0x7EB] =	sst s6;
	s6 =	simm.s32 @!p2 $0x0  }
0x10c: {  	s6 =	simm.s32 @p2 $0x1;
	p2 =	por p3, p3  }
0x10d: {  	p2 =	por @!p6 p0, p0  }
0x10e: {  	[smem:$0x7EC] =	sst s6;
	s6 =	simm.s32 @!p2 $0x0  }
0x10f: {  	s6 =	simm.s32 @p2 $0x1;
	p2 =	por p3, p3  }
0x110: {  	s18 =	sld [smem:$0x7F1];
	p2 =	por @!p6 p0, p0  }
0x111: {  	p5 =	por p3, p3;
	[smem:$0x7ED] =	sst s6;
	s6 =	simm.s32 @!p2 $0x0  }
0x112: {  	p5 =	por @!p6 p0, p0;
	s6 =	simm.s32 @p2 $0x1  }
0x113: {  	p4 =	por p3, p3;
	[smem:$0x7EE] =	sst s6;
	s6 =	simm.s32 @!p5 $0x0  }
.Ltmp6:
0x114: {  	s6 =	simm.s32 @p5 $0x1;
	p5 =	seq.s32 s18, $0x1;
	(pc) =	sbr.rel .LBB2_8-.Ltmp6, $4  }
0x115: {  	p4 =	por @!p6 p0, p0;
	p5 =	por @!p6 p0, p0  }
0x116: {  	p1 =	por p3, p3;
	[smem:$0x7EF] =	sst s6;
	s6 =	simm.s32 @!p5 $0x0  }
0x117: {  	p1 =	por @!p6 p0, p0;
	s6 =	simm.s32 @p5 $0x1;
	p5 =	por p3, p3  }
0x118: {  	p3 =	por @!p6 p0, p0;
	[smem:$0x7F1] =	sst s6;
	p5 =	por @!p6 p0, p0  }
.LBB2_4:
0x119: {  	s6 =	sld [smem:$0x7F7];
	_ =	sdelay $0x2  }
0x11a: {  	p2 =	seq.s32 s6, $0x1  }
0x11b: {  	s16 =	sshrl.u32 @!p2 s9, $0x3;
	s18 =	simm.s32 @!p2 $0x1D85  }
0x11c: {  	[spmem:s16], [sflag:s18] =	dma.local @!p2 [hbm:s5], $0xF00  }
0x11d: {  	s16 =	sld [smem:$0x7F8];
	_ =	sdelay $0x2  }
0x11e: {  	p1 =	por @!p2 $0x0, $0x0;
	p4 =	seq.s32 s16, $0x1  }
0x11f: {  	s16 =	sshrl.u32 @!p4 s8, $0x3;
	s18 =	simm.s32 @!p4 $0x1DC5;
	p5 =	por @!p4 $0x1, $0x1  }
0x120: {  	[spmem:s16], [sflag:s18] =	dma.local @!p4 [hbm:s5], $0xF00  }
0x121: {  	p0 =	por @!p2 $0x1, $0x1;
	p3 =	por @!p4 $0x0, $0x0;
	p5 =	por @!p2 p1, p1  }
0x122: {  	p4 =	por @!p4 $0x0, $0x0;
	s6 =	simm.s32 @!p5 $0x0;
	s18 =	sld [smem:$0x7F9]  }
0x123: {  	p4 =	por @!p2 p0, p0;
	s6 =	simm.s32 @p5 $0x1  }
0x124: {  	[smem:$0x7EB] =	sst s6;
	s6 =	simm.s32 @!p4 $0x0  }
0x125: {  	s6 =	simm.s32 @p4 $0x1;
	p4 =	seq.s32 s18, $0x1  }
0x126: {  	[smem:$0x7EF] =	sst s6;
	s16 =	sshrl.u32 @!p4 s12, $0x3;
	s18 =	simm.s32 @!p4 $0x1D05  }
0x127: {  	[spmem:s16], [sflag:s18] =	dma.local @!p4 [hbm:s5], $0xF00  }
0x128: {  	s16 =	sld [smem:$0x7FB];
	_ =	sdelay $0x2  }
0x129: {  	p5 =	seq.s32 s16, $0x1  }
0x12a: {  	s16 =	sshrl.u32 @!p5 s11, $0x3;
	s18 =	simm.s32 @!p5 $0x1D45  }
0x12b: {  	[spmem:s16], [sflag:s18] =	dma.local @!p5 [hbm:s5], $0xF00  }
0x12c: {  	p3 =	por @!p2 p1, p1;
	p0 =	por @!p4 $0x1, $0x1;
	s18 =	sld [smem:$0x7FA]  }
0x12d: {  	p1 =	por @!p4 $0x0, $0x0;
	p2 =	por @!p5 $0x1, $0x1;
	p6 =	por @!p5 $0x0, $0x0  }
0x12e: {  	p6 =	por @!p4 p1, p1;
	p2 =	por @!p4 p1, p1;
	p1 =	por @!p5 $0x0, $0x0  }
0x12f: {  	p5 =	por p3, p3;
	p1 =	por @!p4 p0, p0;
	p0 =	seq.s32 s18, $0x1  }
0x130: {  	p5 =	por @!p0 p2, p2  }
0x131: {  	p2 =	por p3, p3;
	s6 =	simm.s32 @!p5 $0x0  }
0x132: {  	p2 =	por @!p0 p1, p1;
	s6 =	simm.s32 @p5 $0x1  }
0x133: {  	p4 =	por p3, p3;
	[smem:$0x7EC] =	sst s6;
	s6 =	simm.s32 @!p2 $0x0  }
0x134: {  	p4 =	por @!p0 p6, p6;
	s6 =	simm.s32 @p2 $0x1  }
0x135: {  	[smem:$0x7EE] =	sst s6;
	s6 =	simm.s32 @!p4 $0x0  }
0x136: {  	s6 =	simm.s32 @p4 $0x1;
	p4 =	por p3, p3  }
0x137: {  	p4 =	por @!p0 p6, p6  }
0x138: {  	p1 =	por p3, p3;
	[smem:$0x7E7] =	sst s6;
	s6 =	simm.s32 @!p4 $0x0  }
0x139: {  	p1 =	por @!p0 p6, p6;
	s6 =	simm.s32 @p4 $0x1  }
0x13a: {  	[smem:$0x7E8] =	sst s6;
	s6 =	simm.s32 @!p1 $0x0  }
0x13b: {  	s16 =	sld [smem:$0x7EB];
	s6 =	simm.s32 @p1 $0x1;
	p1 =	por p3, p3  }
0x13c: {  	p1 =	por @!p0 p6, p6  }
0x13d: {  	[smem:$0x7E9] =	sst s6;
	s6 =	simm.s32 @!p1 $0x0  }
0x13e: {  	s6 =	simm.s32 @p1 $0x1;
	p1 =	seq.s32 s16, $0x1  }
0x13f: {  	s18 =	sld [smem:$0x7EF];
	p1 =	por @!p0 p6, p6  }
0x140: {  	p4 =	por p3, p3;
	[smem:$0x7EA] =	sst s6;
	s6 =	simm.s32 @!p1 $0x0  }
0x141: {  	p4 =	por @!p0 p6, p6;
	s6 =	simm.s32 @p1 $0x1  }
0x142: {  	p5 =	seq.s32 s18, $0x1;
	[smem:$0x7EB] =	sst s6;
	s6 =	simm.s32 @!p4 $0x0  }
0x143: {  	p5 =	por @!p0 p6, p6;
	p2 =	por p3, p3;
	s6 =	simm.s32 @p4 $0x1  }
0x144: {  	p2 =	por @!p0 p6, p6;
	[smem:$0x7ED] =	sst s6;
	s6 =	simm.s32 @!p5 $0x0  }
0x145: {  	p1 =	por p3, p3;
	s6 =	simm.s32 @p5 $0x1;
	p5 =	por p3, p3  }
.Ltmp7:
0x146: {  	[smem:$0x7EF] =	sst s6;
	s6 =	simm.s32 @!p2 $0x0;
	(pc) =	sbr.rel .LBB2_8-.Ltmp7, $4  }
0x147: {  	p1 =	por @!p0 p6, p6;
	p5 =	por @!p0 p6, p6;
	s6 =	simm.s32 @p2 $0x1  }
0x148: {  	p4 =	por p3, p3;
	[smem:$0x7F0] =	sst s6;
	s6 =	simm.s32 @!p5 $0x0  }
0x149: {  	p4 =	por @!p0 p6, p6;
	s6 =	simm.s32 @p5 $0x1;
	p5 =	por p3, p3  }
0x14a: {  	p3 =	por @!p0 p6, p6;
	[smem:$0x7F1] =	sst s6;
	p5 =	por @!p0 p6, p6  }
.LBB2_7:
0x14b: {  	p6 =	sgt.s32 s2, $0xD  }
0x14c: {  	p1 =	seq.s32 @p6 s2, $0xE  }
0x14d: {  	p0 =	por !p1, !p6  }
0x14e: {  	s16 =	sshrl.u32 @!p0 s7, $0x3;
	s18 =	simm.s32 @!p0 $0x1F85  }
0x14f: {  	[spmem:s16], [sflag:s18] =	dma.local @!p0 [hbm:s5], $0xF00  }
0x150: {  	p2 =	por p1, !p6;
	p1 =	seq.s32 @!p6 s2, $0xC;
	s6 =	rddreg [dreg:$0x4]  }
0x151: {  	p4 =	por !p1, p6;
	s18 =	simm.s32 @!p2 $0x1FC5;
	s16 =	sshrl.u32 @!p2 s6, $0x3  }
0x152: {  	[spmem:s16], [sflag:s18] =	dma.local @!p2 [hbm:s5], $0xF00  }
0x153: {  	p3 =	por @!p2 $0x0, $0x0;
	p5 =	por @!p2 $0x1, $0x1;
	s16 =	sshrl.u32 @!p4 s28, $0x3  }
0x154: {  	s18 =	simm.s32 @!p4 $0x1F05;
	p2 =	por p1, p6;
	p1 =	por @!p0 $0x0, $0x0  }
0x155: {  	[spmem:s16], [sflag:s18] =	dma.local @!p4 [hbm:s5], $0xF00  }
0x156: {  	p5 =	por @!p0 p1, p1  }
0x157: {  	s16 =	sshrl.u32 @!p2 s26, $0x3;
	s18 =	simm.s32 @!p2 $0x1F45;
	s6 =	simm.s32 @!p5 $0x0  }
0x158: {  	p1 =	por p3, p3;
	s6 =	simm.s32 @p5 $0x1;
	p5 =	por @!p0 $0x0, $0x0  }
0x159: {  	[smem:$0x7E7] =	sst s6;
	p1 =	por @!p0 p5, p5;
	p5 =	por @!p2 $0x0, $0x0  }
0x15a: {  	[spmem:s16], [sflag:s18] =	dma.local @!p2 [hbm:s5], $0xF00  }
0x15b: {  	s6 =	simm.s32 @!p5 $0x0  }
0x15c: {  	s6 =	simm.s32 @p5 $0x1  }
0x15d: {  	[smem:$0x7E1] =	sst s6  }
0x15e: {  	p5 =	por @!p0 $0x1, $0x1;
	s18 =	sld [smem:$0x7E1]  }
0x15f: {  	p3 =	por @!p0 p5, p5  }
0x160: {  	s6 =	simm.s32 @!p3 $0x0  }
0x161: {  	s6 =	simm.s32 @p3 $0x1;
	p3 =	por @!p2 $0x1, $0x1;
	p2 =	seq.s32 s18, $0x1  }
0x162: {  	p5 =	por @!p4 $0x0, $0x0;
	p0 =	por p2, p2  }
0x163: {  	p0 =	por @!p4 p5, p5;
	p5 =	por @!p4 $0x0, $0x0  }
0x164: {  	p3 =	por @!p4 p5, p5  }
0x165: {  	[smem:$0x7E3] =	sst s6;
	s6 =	simm.s32 @!p3 $0x0  }
0x166: {  	s6 =	simm.s32 @p3 $0x1  }
0x167: {  	[smem:$0x7E2] =	sst s6  }
0x168: {  	s6 =	sld [smem:$0x7E2];
	_ =	sdelay $0x1  }
0x169: {  	p5 =	por @!p4 $0x1, $0x1  }
0x16a: {  	p2 =	por @!p4 p5, p5;
	p3 =	por p1, p1;
	p4 =	seq.s32 s6, $0x1  }
0x16b: {  	p3 =	por @!p6 p4, p4  }
0x16c: {  	s6 =	simm.s32 @!p3 $0x0  }
0x16d: {  	s6 =	simm.s32 @p3 $0x1  }
0x16e: {  	[smem:$0x7E8] =	sst s6;
	s6 =	simm.s32 @!p1 $0x0  }
0x16f: {  	s6 =	simm.s32 @p1 $0x1  }
0x170: {  	[smem:$0x7E9] =	sst s6;
	s6 =	simm.s32 @!p1 $0x0  }
0x171: {  	s6 =	simm.s32 @p1 $0x1  }
0x172: {  	[smem:$0x7EA] =	sst s6;
	s6 =	simm.s32 @!p1 $0x0  }
0x173: {  	s6 =	simm.s32 @p1 $0x1  }
0x174: {  	[smem:$0x7EB] =	sst s6;
	s6 =	simm.s32 @!p1 $0x0  }
0x175: {  	s6 =	simm.s32 @p1 $0x1  }
0x176: {  	[smem:$0x7EC] =	sst s6;
	s6 =	simm.s32 @!p1 $0x0  }
0x177: {  	s6 =	simm.s32 @p1 $0x1  }
0x178: {  	[smem:$0x7ED] =	sst s6;
	s6 =	simm.s32 @!p1 $0x0  }
0x179: {  	s6 =	simm.s32 @p1 $0x1  }
0x17a: {  	[smem:$0x7E4] =	sst s6;
	s6 =	simm.s32 @!p1 $0x0  }
0x17b: {  	s18 =	sld [smem:$0x7E9];
	s6 =	simm.s32 @p1 $0x1  }
0x17c: {  	[smem:$0x7EE] =	sst s6;
	s6 =	simm.s32 @!p1 $0x0  }
0x17d: {  	s16 =	sld [smem:$0x7E7];
	s6 =	simm.s32 @p1 $0x1  }
0x17e: {  	[smem:$0x7EF] =	sst s6;
	s6 =	simm.s32 @!p1 $0x0  }
0x17f: {  	p3 =	seq.s32 s18, $0x1;
	s18 =	sld [smem:$0x7EA];
	s6 =	simm.s32 @p1 $0x1  }
0x180: {  	p5 =	por p1, p1;
	[smem:$0x7F0] =	sst s6;
	s6 =	simm.s32 @!p1 $0x0  }
0x181: {  	s6 =	simm.s32 @p1 $0x1;
	p1 =	por @!p6 p2, p2;
	p2 =	seq.s32 s16, $0x1  }
0x182: {  	s16 =	sld [smem:$0x7E3];
	p2 =	por @!p6 p0, p0  }
0x183: {  	p3 =	por @!p6 p0, p0;
	[smem:$0x7F1] =	sst s6;
	s6 =	simm.s32 @!p2 $0x0  }
0x184: {  	p4 =	seq.s32 s18, $0x1;
	s18 =	sld [smem:$0x7EB];
	s6 =	simm.s32 @p2 $0x1  }
0x185: {  	[smem:$0x7E7] =	sst s6;
	s6 =	simm.s32 @!p3 $0x0  }
0x186: {  	s6 =	simm.s32 @p3 $0x1;
	p3 =	seq.s32 s16, $0x1;
	s16 =	sld [smem:$0x7E4]  }
0x187: {  	p4 =	por @!p6 p0, p0  }
0x188: {  	p2 =	seq.s32 s18, $0x1;
	[smem:$0x7E9] =	sst s6;
	s6 =	simm.s32 @!p4 $0x0  }
0x189: {  	s6 =	simm.s32 @p4 $0x1;
	p4 =	seq.s32 s16, $0x1;
	s16 =	sld [smem:$0x7EC]  }
0x18a: {  	p2 =	por @!p6 p0, p0  }
0x18b: {  	[smem:$0x7EA] =	sst s6;
	s6 =	simm.s32 @!p2 $0x0  }
0x18c: {  	s18 =	sld [smem:$0x7ED];
	s6 =	simm.s32 @p2 $0x1;
	p2 =	seq.s32 s16, $0x1  }
0x18d: {  	p2 =	por @!p6 p0, p0  }
0x18e: {  	[smem:$0x7EB] =	sst s6;
	s6 =	simm.s32 @!p2 $0x0  }
0x18f: {  	s16 =	sld [smem:$0x7EE];
	s6 =	simm.s32 @p2 $0x1;
	p2 =	seq.s32 s18, $0x1  }
0x190: {  	s18 =	sld [smem:$0x7EF];
	p2 =	por @!p6 p0, p0  }
0x191: {  	p5 =	por @!p6 p0, p0;
	[smem:$0x7EC] =	sst s6;
	s6 =	simm.s32 @!p2 $0x0  }
0x192: {  	s6 =	simm.s32 @p2 $0x1;
	p2 =	por p5, p5;
	p5 =	seq.s32 s16, $0x1  }
0x193: {  	p5 =	por @!p6 p0, p0  }
0x194: {  	[smem:$0x7ED] =	sst s6;
	s6 =	simm.s32 @!p5 $0x0  }
0x195: {  	s16 =	sld [smem:$0x7F0];
	s6 =	simm.s32 @p5 $0x1;
	p5 =	seq.s32 s18, $0x1  }
0x196: {  	p5 =	por @!p6 p0, p0  }
0x197: {  	[smem:$0x7EE] =	sst s6;
	s6 =	simm.s32 @!p5 $0x0  }
0x198: {  	s18 =	sld [smem:$0x7F1];
	s6 =	simm.s32 @p5 $0x1;
	p5 =	seq.s32 s16, $0x1  }
0x199: {  	p5 =	por @!p6 p0, p0  }
0x19a: {  	[smem:$0x7EF] =	sst s6;
	s6 =	simm.s32 @!p5 $0x0  }
0x19b: {  	s6 =	simm.s32 @p5 $0x1;
	p5 =	seq.s32 s18, $0x1  }
0x19c: {  	p5 =	por @!p6 p0, p0  }
0x19d: {  	[smem:$0x7F0] =	sst s6;
	s6 =	simm.s32 @!p5 $0x0  }
0x19e: {  	p3 =	por @!p6 p0, p0;
	p4 =	por @!p6 p0, p0;
	s6 =	simm.s32 @p5 $0x1  }
0x19f: {  	p5 =	por p1, p1;
	p1 =	por p2, p2;
	[smem:$0x7F1] =	sst s6  }
.LBB2_8:
0x1a0: {  	_ =	swait.ge [sflag:s17], $0xF00  }
0x1a1: {  	[sflag:s17] =	ssyncset.done $0x0  }
0x1a2: {  	s6 =	rddreg [dreg:$0x5];
	[sflag:s17] =	ssyncadd.s32 $0xFFFFF100  }
0x1a3: {  	[tilespmem:s3], [sflag:$0x1] =	stream.linear.gather [hbm4b:s6+s3], $0x2800, $0x38;
	[tilespmem:$0xF800] =	vst v63  }
0x1a4: {  	s16 =	simm.s32 $0x2800;
	s18 =	rddreg [dreg:$0x6]  }
0x1a5: {  	[tilespmem:s16], [sflag:$0x2] =	stream.linear.gather [hbm4b:s18+s3], $0x2800, $0x38;
	[tilespmem:$0xF800] =	vst v63  }
0x1a6: {  	[bflag:$0x0] =	sbarrier.arrive $0xFFFF  }
0x1a7: {  	_ =	swait.ge [sflag:s19], $0x2800  }
0x1a8: {  	[sflag:s19] =	ssyncset.done $0x0  }
0x1a9: {  	[sflag:s19] =	ssyncadd.s32 $0xFFFFD800  }
0x1aa: {  	_ =	swait.ge [sflag:s20], $0x2800  }
0x1ab: {  	[sflag:s20] =	ssyncset.done $0x0  }
0x1ac: {  	[sflag:s20] =	ssyncadd.s32 $0xFFFFD800  }
0x1ad: {  	[tilespmem:s22], [sflag:$0x1] =	stream.indirect.gather [hbm4b:s4+s21], $0x30, s3, s21, $0xb8;
	[tilespmem:$0xF800] =	vst v63  }
0x1ae: {  	_ =	swait.ge [sflag:s19], $0x1800  }
0x1af: {  	[sflag:s19] =	ssyncset.done $0x0  }
0x1b0: {  	[sflag:s19] =	ssyncadd.s32 $0xFFFFE800  }
0x1b1: {  	[spmem:s1] =	stream.indirect.scatter.add.f32 [tilespmem:s22], [sflag:$0x3], $0x30, s16, s21, $0xb8;
	[tilespmem:$0xF800] =	vst v63  }
0x1b2: {  	_ = 	snop  }
0x1b3: {  	[tilespmem:s23], [sflag:$0x2] =	stream.indirect.gather [hbm4b:s4+s21], $0x30, s21, s21, $0xb8;
	[tilespmem:$0xF800] =	vst v63  }
0x1b4: {  	_ =	swait.ge [sflag:s20], $0x1800  }
0x1b5: {  	[sflag:s20] =	ssyncset.done $0x0  }
0x1b6: {  	[sflag:s20] =	ssyncadd.s32 $0xFFFFE800  }
0x1b7: {  	_ =	swait.ge [sflag:s10], $0x1800  }
0x1b8: {  	[sflag:s10] =	ssyncset.done $0x0  }
0x1b9: {  	s16 =	simm.s32 $0x2880;
	[sflag:s10] =	ssyncadd.s32 $0xFFFFE800  }
0x1ba: {  	[spmem:s1] =	stream.indirect.scatter.add.f32 [tilespmem:s23], [sflag:$0x4], $0x30, s16, s21, $0xb8;
	[tilespmem:$0xF800] =	vst v63  }
0x1bb: {  	s18 =	simm.s32 $0x100  }
0x1bc: {  	[tilespmem:s22], [sflag:$0x1] =	stream.indirect.gather [hbm4b:s4+s21], $0x30, s18, s21, $0xb8;
	[tilespmem:$0xF800] =	vst v63  }
0x1bd: {  	s18 =	simm.s32 $0xFFFF6800  }
.LBB2_9:
0x1be: {  	_ =	swait.ge [sflag:s19], $0x1800  }
0x1bf: {  	[sflag:s19] =	ssyncset.done $0x0  }
0x1c0: {  	[sflag:s19] =	ssyncadd.s32 $0xFFFFE800  }
0x1c1: {  	_ =	swait.ge [sflag:s24], $0x1800  }
0x1c2: {  	s16 =	sshra.s32 s18, $0x2;
	[sflag:s24] =	ssyncset.done $0x0  }
0x1c3: {  	s6 =	sadd.s32 $0x4F00, s16;
	[sflag:s24] =	ssyncadd.s32 $0xFFFFE800  }
0x1c4: {  	[spmem:s1] =	stream.indirect.scatter.add.f32 [tilespmem:s22], [sflag:$0x3], $0x30, s6, s21, $0xb8;
	[tilespmem:$0xF800] =	vst v63  }
0x1c5: {  	s6 =	sadd.s32 $0x2780, s16  }
0x1c6: {  	[tilespmem:s23], [sflag:$0x2] =	stream.indirect.gather [hbm4b:s4+s21], $0x30, s6, s21, $0xb8;
	[tilespmem:$0xF800] =	vst v63  }
0x1c7: {  	_ =	swait.ge [sflag:s20], $0x1800  }
0x1c8: {  	p0 =	seq.s32 s18, $0x0;
	[sflag:s20] =	ssyncset.done $0x0  }
.Ltmp8:
0x1c9: {  	[sflag:s20] =	ssyncadd.s32 $0xFFFFE800;
	(pc) =	sbr.rel @p0 .LBB2_11-.Ltmp8, $4  }
0x1ca: {  	_ =	swait.ge [sflag:s10], $0x1800  }
0x1cb: {  	[sflag:s10] =	ssyncset.done $0x0  }
0x1cc: {  	s6 =	sadd.s32 $0x4F80, s16;
	[sflag:s10] =	ssyncadd.s32 $0xFFFFE800  }
0x1cd: {  	[spmem:s1] =	stream.indirect.scatter.add.f32 [tilespmem:s23], [sflag:$0x4], $0x30, s6, s21, $0xb8;
	[tilespmem:$0xF800] =	vst v63  }
.Ltmp9:
0x1ce: {  	(pc) =	sbr.rel .LBB2_9-.Ltmp9, $3  }
0x1cf: {  	_ =	sdelay $0x1  }
0x1d0: {  	s6 =	sadd.s32 $0x2800, s16;
	s18 =	sadd.s32 $0x400, s18  }
0x1d1: {  	[tilespmem:s22], [sflag:$0x1] =	stream.indirect.gather [hbm4b:s4+s21], $0x30, s6, s21, $0xb8;
	[tilespmem:$0xF800] =	vst v63  }
.LBB2_12:
0x1d2: {  	_ =	sfence.sel $0x180000  }
0x1d3: {  	[bflag:$0x0] =	sbarrier.arrive $0xFFFF  }
0x1d4: {  	_ =	strace $0x9000004D  }
0x1d5: {  	[bflag:$0x2] =	sbarrier.arrive $0xFFFF  }
0x1d6: {  	s0 =	rddreg [dreg:$0x3]  }
0x1d7: {  	s0 =	sadd.s32 @!p6 $0x100000, s0  }
0x1d8: {  	[sflag:s0] =	ssyncadd.tile.s32 @!p6 $0x1;
	_ =	shalt  }
.Lfunc_end2:
_tile_overlayer_lowered:
.L_overlay_start_2:
0x1d9: {  	(tag) =	ssettag $0x2  }
0x1da: {  	s0 =	rddreg [dreg:$0x0];
	s2 =	stileid.u32  }
0x1db: {  	s1 =	rddreg [dreg:$0x1];
	p0 =	sne.s32 s2, $0x0  }
0x1dc: {  	s3 =	rddreg [dreg:$0x2];
	[bflag:$0x3] =	sbarrier.arrive $0xFFFF;
	s2 =	simm.s32 @!p0 $0x1C05  }
0x1dd: {  	[timem:s3], [sflag:s2] =	dma.local @!p0 [hbm:s0], s1  }
0x1de: {  	s0 =	simm.s32 @!p0 $0x5  }
0x1df: {  	_ =	swait.ge @!p0 [sflag:s0], s1  }
0x1e0: {  	s1 =	ssub.s32 @!p0 $0x0, s1;
	[sflag:s0] =	ssyncset.done @!p0 $0x0  }
0x1e1: {  	[sflag:s0] =	ssyncadd.s32 @!p0 s1  }
0x1e2: {  	[bflag:$0x3] =	sbarrier.arrive $0xFFFF  }
0x1e3: {  	_ =	shalt  }

// kernel: kernel.9.cloned.1.call-start
scs
__scs_entry_jumppad:
0x0: {  	(pc) =	sbr.rel $0x88, $3  }
0x1: {  	(tag) =	ssettag $0x0;
	lr =	simm.s32 $0x1  }
0x2: {  	[smem:$0x3F90] =	sst lr;
	_ =	strace $0xD0000000  }
0x3: {  	_ = 	snop  }
0x4: {  	_ = 	snop  }
0x5: {  	_ = 	snop  }
0x6: {  	_ = 	snop  }
0x7: {  	_ = 	snop  }
__scs_overlays_trampoline_lowered:
0x8: {  	[smem:$0x3F9F] =	sst s0  }
0x9: {  	[smem:$0x3FA0] =	sst s1  }
0xa: {  	[smem:$0x3FA1] =	sst s2  }
0xb: {  	[smem:$0x3FA2] =	sst s3  }
0xc: {  	[smem:$0x3FA3] =	sst s4  }
0xd: {  	[smem:$0x3FA4] =	sst s5  }
0xe: {  	[smem:$0x3FA5] =	sst s6  }
0xf: {  	[smem:$0x3FA6] =	sst s7  }
0x10: {  	[smem:$0x3FA7] =	sst s8  }
0x11: {  	[smem:$0x3FA8] =	sst s9;
	s0 =	simm.s32 @!p0 $0x0  }
0x12: {  	s1 =	sld [smem:$0x3F8E];
	s0 =	simm.s32 @p0 $0x1  }
0x13: {  	[smem:$0x3FA9] =	sst s0;
	s0 =	simm.s32 @!p1 $0x0  }
0x14: {  	s2 =	sld [smem:$0x3F8D];
	s0 =	simm.s32 @p1 $0x1  }
0x15: {  	[smem:$0x3FAA] =	sst s0;
	s0 =	simm.s32 @!p2 $0x0  }
0x16: {  	s3 =	sld [smem:$0x3FDB];
	s0 =	simm.s32 @p2 $0x1  }
0x17: {  	s4 =	simm.s32 $0x1BF5;
	[smem:$0x3FAC] =	sst s0  }
0x18: {  	s0 =	sld [smem:$0x3F8F];
	_ =	swait.ge [sflag:s4], $0x0  }
0x19: {  	s7 =	sld [smem:$0x3F90]  }
0x1a: {  	s8 =	sadd.s32 $0xFFFFE003, lr  }
0x1b: {  	s9 =	sadd.s32 $0xFFFFFEF7, lr;
	s5 =	simm.s32 $0xFFFFFFFF;
	p2 =	slt.u32 s8, $0xFFFFF086  }
0x1c: {  	p1 =	slt.u32 s9, $0xF7A;
	s5 =	simm.s32 @!p2 $0x0  }
0x1d: {  	s5 =	simm.s32 @p1 $0x1;
	p0 =	seq.s32 s7, s2  }
0x1e: {  	s7 =	smul.u32 @!p0 $0xF7A, s2;
	p2 =	seq.s32 @!p0 s5, $0x0  }
0x1f: {  	s9 =	smul.u32 $0xF7A, s1;
	s8 =	simm.s32 @!p0 $0x1BF5;
	p2 =	por !p2, p0  }
0x20: {  	[sflag:s8] =	ssyncset.s32 @!p0 $0xFFFFF086;
	s6 =	sadd.s32 @!p0 s3, s7;
	s7 =	simm.s32 @!p0 $0x108  }
0x21: {  	s3 =	sadd.s32 s3, s9;
	s6 =	sadd.s32 @!p0 $0x88, s6;
	s7 =	simm.s32 @p2 $0x1082  }
0x22: {  	[simem:s7], [sflag:s8] =	dma.local @!p0 [hbm:s6], $0xF7A  }
0x23: {  	s9 =	sor.u32 $0xD0000000, s2;
	s6 =	simm.s32 $0x108;
	_ =	swait.ge @!p0 [sflag:s8], $0x0  }
0x24: {  	s3 =	sadd.s32 $0x88, s3;
	s6 =	simm.s32 @!p1 $0x1082;
	[sflag:s4] =	ssyncset.s32 $0xFFFFF086  }
0x25: {  	[simem:s6], [sflag:s4] =	dma.local [hbm:s3], $0xF7A  }
0x26: {  	[smem:$0x3F90] =	sst s1;
	(tag) =	ssettag s2;
	_ =	strace s9  }
0x27: {  	s1 =	sld [smem:$0x3FA0]  }
0x28: {  	s2 =	sld [smem:$0x3FA1]  }
0x29: {  	s4 =	sld [smem:$0x3FA3]  }
0x2a: {  	p0 =	seq.s32 s5, $0x0;
	s5 =	sld [smem:$0x3FA4]  }
0x2b: {  	s6 =	sld [smem:$0x3FA5]  }
0x2c: {  	s7 =	sld [smem:$0x3FA6]  }
0x2d: {  	s3 =	simm.s32 $0x108;
	s8 =	sld [smem:$0x3FA7]  }
0x2e: {  	s3 =	simm.s32 @!p0 $0x1082;
	s9 =	sld [smem:$0x3FA8]  }
0x2f: {  	lr =	sadd.s32 s0, s3;
	s0 =	sld [smem:$0x3F9F]  }
0x30: {  	s3 =	sld [smem:$0x3FA2]  }
0x31: {  	[smem:$0x3FAB] =	sst s10  }
0x32: {  	s10 =	sld [smem:$0x3FA9];
	_ =	sdelay $0x3  }
0x33: {  	p0 =	seq.s32 s10, $0x1;
	s10 =	sld [smem:$0x3FAB];
	_ =	sdelay $0x3  }
0x34: {  	[smem:$0x3FAB] =	sst s10  }
0x35: {  	s10 =	sld [smem:$0x3FAA];
	_ =	sdelay $0x3  }
0x36: {  	p1 =	seq.s32 s10, $0x1;
	s10 =	sld [smem:$0x3FAB];
	_ =	sdelay $0x3  }
0x37: {  	[smem:$0x3FAB] =	sst s10  }
0x38: {  	s10 =	sld [smem:$0x3FAC]  }
0x39: {  	_ = 	snop;
	(pc) =	sbr.ind lr, $3  }
0x3a: {  	_ = 	snop  }
0x3b: {  	_ = 	snop  }
0x3c: {  	p2 =	seq.s32 s10, $0x1;
	s10 =	sld [smem:$0x3FAB]  }
0x3d: {  	_ =	shalt  }
0x3e: {  	_ =	shalt  }
0x3f: {  	_ =	shalt  }
0x40: {  	_ =	shalt  }
0x41: {  	_ =	shalt  }
0x42: {  	_ =	shalt  }
0x43: {  	_ =	shalt  }
0x44: {  	_ =	shalt  }
0x45: {  	_ =	shalt  }
0x46: {  	_ =	shalt  }
0x47: {  	_ =	shalt  }
0x48: {  	_ =	shalt  }
0x49: {  	_ =	shalt  }
0x4a: {  	_ =	shalt  }
0x4b: {  	_ =	shalt  }
0x4c: {  	_ =	shalt  }
0x4d: {  	_ =	shalt  }
0x4e: {  	_ =	shalt  }
0x4f: {  	_ =	shalt  }
0x50: {  	_ =	shalt  }
0x51: {  	_ =	shalt  }
0x52: {  	_ =	shalt  }
0x53: {  	_ =	shalt  }
0x54: {  	_ =	shalt  }
0x55: {  	_ =	shalt  }
0x56: {  	_ =	shalt  }
0x57: {  	_ =	shalt  }
0x58: {  	_ =	shalt  }
0x59: {  	_ =	shalt  }
0x5a: {  	_ =	shalt  }
0x5b: {  	_ =	shalt  }
0x5c: {  	_ =	shalt  }
0x5d: {  	_ =	shalt  }
0x5e: {  	_ =	shalt  }
0x5f: {  	_ =	shalt  }
0x60: {  	_ =	shalt  }
0x61: {  	_ =	shalt  }
0x62: {  	_ =	shalt  }
0x63: {  	_ =	shalt  }
0x64: {  	_ =	shalt  }
0x65: {  	_ =	shalt  }
0x66: {  	_ =	shalt  }
0x67: {  	_ =	shalt  }
0x68: {  	_ =	shalt  }
0x69: {  	_ =	shalt  }
0x6a: {  	_ =	shalt  }
0x6b: {  	_ =	shalt  }
0x6c: {  	_ =	shalt  }
0x6d: {  	_ =	shalt  }
0x6e: {  	_ =	shalt  }
0x6f: {  	_ =	shalt  }
0x70: {  	_ =	shalt  }
0x71: {  	_ =	shalt  }
0x72: {  	_ =	shalt  }
0x73: {  	_ =	shalt  }
0x74: {  	_ =	shalt  }
0x75: {  	_ =	shalt  }
0x76: {  	_ =	shalt  }
0x77: {  	_ =	shalt  }
0x78: {  	_ =	shalt  }
0x79: {  	_ =	shalt  }
0x7a: {  	_ =	shalt  }
0x7b: {  	_ =	shalt  }
0x7c: {  	_ =	shalt  }
0x7d: {  	_ =	shalt  }
0x7e: {  	_ =	shalt  }
0x7f: {  	_ =	shalt  }
0x80: {  	_ =	shalt  }
0x81: {  	_ =	shalt  }
0x82: {  	_ =	shalt  }
0x83: {  	_ =	shalt  }
0x84: {  	_ =	shalt  }
0x85: {  	_ =	shalt  }
0x86: {  	_ =	shalt  }
0x87: {  	_ =	shalt  }
.Lfunc_end0:
.L_simem_size_0:
called_computation_lowered:
.L_overlay_start_0:
0x88: {  	s2 =	sld [smem:$0x3FD9]  }
0x89: {  	s3 =	sld [smem:$0x3FFE];
	_ =	sdelay $0x1  }
0x8a: {  	s1 =	srdreg.scid  }
0x8b: {  	s0 =	sand.u32 $0x1, s1  }
0x8c: {  	s17 =	sshll.u32 s0, $0xA;
	s2 =	sadd.s32 s3, s2  }
0x8d: {  	s2 =	sadd.s32 s2, s17  }
0x8e: {  	[smem:$0x3FB7] =	sst s2  }
0x8f: {  	_ = 	snop  }
0x90: {  	s2 =	sld [smem:$0x3FD0];
	(tm) =	ssettm $0x1  }
0x91: {  	s18 =	sld [smem:$0x3FFB];
	_ =	sdelay $0x3  }
0x92: {  	_ =	strace s18  }
0x93: {  	s3 =	sld [smem:$0x3FFC];
	_ =	sdelay $0x3  }
0x94: {  	_ =	strace s3  }
0x95: {  	s3 =	sld [smem:$0x3FFD];
	_ =	sdelay $0x3  }
0x96: {  	_ =	strace s3  }
0x97: {  	_ =	strace $0x8FFFFFFF  }
0x98: {  	s19 =	sld [smem:$0x3FDB];
	_ =	sdelay $0x1  }
0x99: {  	s4 =	simm.s32 $_scs_section_size  }
0x9a: {  	s5 =	simm.s32 $_size__tile_overlayer_lowered;
	s6 =	simm.s32 $_tile_overlayer_lowered  }
0x9b: {  	s22 =	simm.s32 $0x1BFF;
	s21 =	sshll.u32 s6, $0x1;
	s3 =	sadd.s32 s4, s19  }
0x9c: {  	s7 =	simm.s32 $0x0;
	s20 =	sshll.u32 s5, $0x1;
	s5 =	sadd.s32 s21, s3  }
0x9d: {  	[timem:s7], [sflag:s22] =	dma.local [hbm:s5], s20  }
0x9e: {  	_ =	swait.ge [sflag:s22], s20  }
0x9f: {  	s4 =	ssub.s32 $0x0, s20;
	[sflag:s22] =	ssyncset.done $0x0  }
0xa0: {  	[sflag:s22] =	ssyncadd.s32 s4;
	_ =	sdelay $0x1  }
0xa1: {  	s23 =	simm.s32 $0x1B8B  }
0xa2: {  	_ =	swait.ge [sflag:s23], $0x1  }
0xa3: {  	[sflag:s23] =	ssyncset.done $0x0  }
0xa4: {  	s25 =	simm.s32 $0x1B8E;
	s24 =	sld [smem:$0x3FFE];
	[sflag:s23] =	ssyncadd.s32 $0xFFFFFFFF  }
0xa5: {  	s26 =	simm.s32 $execute0_lowered;
	[smem:$0x3FD2] =	sst s25  }
0xa6: {  	s5 =	sshll.u32 s26, $0x1;
	_ =	strace $0x80000046;
	[dreg:$0x1] =	wrdreg $0xFFFFFFFF  }
0xa7: {  	s28 =	simm.s32 $_size_execute0_lowered;
	s3 =	sadd.s32 s3, s5;
	[dreg:$0x0] =	wrdreg $0x0  }
0xa8: {  	s5 =	sshll.u32 s28, $0x1;
	[dreg:$0x2] =	wrdreg s3  }
0xa9: {  	[dreg:$0x3] =	wrdreg s5  }
0xaa: {  	[dreg:$0x4] =	wrdreg $0xC0  }
0xab: {  	_ =	task [dreg:s7], $0x5FFFF  }
0xac: {  	[dreg:$0x1] =	wrdreg $0xFFFFFFFF  }
0xad: {  	[dreg:$0x0] =	wrdreg $0x60  }
0xae: {  	[dreg:$0x2] =	wrdreg s24  }
0xaf: {  	[dreg:$0x3] =	wrdreg s2  }
0xb0: {  	[dreg:$0x4] =	wrdreg $0xC0000  }
0xb1: {  	[dreg:$0x5] =	wrdreg $0x9  }
0xb2: {  	_ =	task.clear_ibuf [dreg:s7], $0x6FFFF;
	_ =	strace $0x90000046  }
0xb3: {  	s29 =	simm.s32 $0x9;
	_ =	strace $0x80000048  }
0xb4: {  	_ =	swait.ge [sflag:s29], $0x1  }
0xb5: {  	[sflag:s29] =	ssyncadd.s32 $0xFFFFFFFF  }
0xb6: {  	_ =	strace $0x90000048  }
0xb7: {  	_ =	sfence  }
0xb8: {  	s30 =	sld [smem:$0x0];
	_ =	sdelay $0x2  }
0xb9: {  	s31 =	sshll.u32 s1, $0xD;
	s1 =	sshrl.u32 s1, $0x2  }
0xba: {  	s3 =	sand.u32 $0x4000, s31;
	s1 =	sadd.s32 s1, s30  }
0xbb: {  	s0 =	sor.u32 s3, s0;
	s1 =	sshll.u32 s1, $0x11  }
0xbc: {  	s0 =	sor.u32 s1, s0  }
0xbd: {  	s0 =	sadd.s32 $0x8F2B, s0  }
0xbe: {  	[sflag:s0] =	ssyncadd.remote.s32 $0x1  }
0xbf: {  	_ =	sfence.sel $0xFFFF  }
0xc0: {  	[dreg:$0x0] =	wrdreg $0xFFFFFFFF;
	(pc) =	sbr.abs _section_cstart, $3  }
0xc1: {  	[dreg:$0x1] =	wrdreg $0xFFFFFFFF  }
0xc2: {  	_ =	task.clear_ibuf [dreg:s7], $0x2FFFF;
	_ =	strace $0x9FFFFFFF  }
0xc3: {  	(tm) =	ssettm $0x7FFFFFFF  }
tec
execute0_lowered:
.L_overlay_start_1:
0x0: {  	(tag) =	ssettag $0x1  }
0x1: {  	s0 =	rddreg [dreg:$0x0];
	s1 =	srdreg.scid  }
0x2: {  	s7 =	rddreg [dreg:$0x1];
	s2 =	stileid.u32  }
0x3: {  	s3 =	simm.s32 $0x0;
	s6 =	sand.u32 $0x1, s1;
	s1 =	rddreg [dreg:$0x2]  }
0x4: {  	[smem:$0x7FF] =	sst s3;
	s5 =	sadd.s32 $0x2F600, s0;
	p1 =	sgt.s32 s2, $0x1  }
0x5: {  	s4 =	sshll.u32 s6, $0x4;
	_ =	strace $0x80000047;
	s11 =	smul.u32 $0x118000, s6  }
0x6: {  	s10 =	ssub.s32 $0x2, s6;
	s23 =	smul.u32 $0x23000, s6;
	s24 =	sadd.s32 $0x106800, s1  }
0x7: {  	p0 =	seq.s32 @p1 s2, $0x2;
	s28 =	sadd.s32 $0xE3800, s1;
	s4 =	sor.u32 s2, s4  }
0x8: {  	s29 =	sadd.s32 $0xD2000, s1;
	s30 =	sadd.s32 $0xC0800, s1;
	s8 =	smul.u32 $0x500, s4  }
0x9: {  	s31 =	sadd.s32 $0xAF000, s1;
	[dreg:$0x4] =	wrdreg s24;
	s4 =	sadd.s32 $0x2600, s0  }
0xa: {  	s11 =	sshrl.u32 s11, $0x3;
	s9 =	sadd.s32 s8, s0;
	s8 =	sadd.s32 s7, s8  }
0xb: {  	s0 =	sadd.s32 $0x31A00, s0;
	s25 =	sadd.s32 $0x25600, s9;
	[dreg:$0x6] =	wrdreg s8  }
0xc: {  	s26 =	sadd.s32 s0, s11;
	s0 =	sadd.s32 s0, s23;
	[dreg:$0x5] =	wrdreg s25  }
0xd: {  	s12 =	sshrl.u32 s10, $0x1;
	[dreg:$0x7] =	wrdreg s0;
	s11 =	sadd.s32 $0x2300, s26  }
0xe: {  	s10 =	ssub.s32 s10, s12;
	s12 =	sadd.s32 $0x4600, s26;
	[dreg:$0x8] =	wrdreg s11  }
0xf: {  	p2 =	por !p0, !p1;
	s13 =	sadd.s32 $0x6900, s26;
	[dreg:$0x9] =	wrdreg s12  }
0x10: {  	p0 =	por p0, !p1;
	s14 =	sadd.s32 $0x8C00, s26;
	[dreg:$0xa] =	wrdreg s13  }
0x11: {  	s7 =	sadd.s32 $0x8C000, s1;
	s15 =	sadd.s32 $0xAF00, s26;
	[dreg:$0xb] =	wrdreg s14  }
0x12: {  	s8 =	sadd.s32 $0x7A800, s1;
	s16 =	sadd.s32 $0xD200, s26;
	[dreg:$0xc] =	wrdreg s15  }
0x13: {  	s9 =	sadd.s32 $0x69000, s1;
	s17 =	sadd.s32 $0xF500, s26;
	[dreg:$0xd] =	wrdreg s16  }
0x14: {  	s18 =	sadd.s32 $0x11800, s26;
	s0 =	simm.s32 @!p2 $0x0;
	[dreg:$0xe] =	wrdreg s17  }
0x15: {  	s19 =	sadd.s32 $0x13B00, s26;
	[dreg:$0xf] =	wrdreg s18;
	s0 =	simm.s32 @p2 $0x1  }
0x16: {  	s20 =	sadd.s32 $0x15E00, s26;
	[smem:$0x7F2] =	sst s0;
	s0 =	simm.s32 @!p0 $0x0  }
0x17: {  	[dreg:$0x10] =	wrdreg s19;
	s0 =	simm.s32 @p0 $0x1;
	p0 =	seq.s32 @!p1 s2, $0x0  }
0x18: {  	s21 =	sadd.s32 $0x18100, s26;
	[dreg:$0x11] =	wrdreg s20;
	p3 =	por !p0, p1  }
0x19: {  	s22 =	sadd.s32 $0x1A400, s26;
	[smem:$0x7F3] =	sst s0;
	s0 =	simm.s32 @!p3 $0x0  }
0x1a: {  	s23 =	sadd.s32 $0x1C700, s26;
	[dreg:$0x12] =	wrdreg s21;
	s0 =	simm.s32 @p3 $0x1  }
0x1b: {  	s24 =	sadd.s32 $0x1EA00, s26;
	[smem:$0x7F4] =	sst s0;
	s0 =	simm.s32 @!p1 $0x0  }
0x1c: {  	[dreg:$0x13] =	wrdreg s22;
	p0 =	por p0, p1;
	s0 =	simm.s32 @p1 $0x1  }
0x1d: {  	p2 =	sgt.s32 s2, $0x5;
	[smem:$0x7F5] =	sst s0;
	s0 =	simm.s32 @!p0 $0x0  }
0x1e: {  	[dreg:$0x14] =	wrdreg s23;
	s0 =	simm.s32 @p0 $0x1;
	p0 =	seq.s32 @p2 s2, $0x6  }
0x1f: {  	s25 =	sadd.s32 $0x20D00, s26;
	[dreg:$0x15] =	wrdreg s24;
	p1 =	por !p0, !p2  }
0x20: {  	s26 =	smax.u32 s10, $0x1;
	[smem:$0x7F6] =	sst s0;
	s0 =	simm.s32 @!p1 $0x0  }
0x21: {  	[dreg:$0x16] =	wrdreg s25;
	p0 =	por p0, !p2;
	s0 =	simm.s32 @p1 $0x1  }
0x22: {  	s10 =	sadd.s32 $0x57800, s1;
	[smem:$0x7F7] =	sst s0;
	s0 =	simm.s32 @!p0 $0x0  }
0x23: {  	[dreg:$0x17] =	wrdreg s26;
	s0 =	simm.s32 @p0 $0x1;
	p0 =	seq.s32 @!p2 s2, $0x4  }
0x24: {  	s26 =	sadd.s32 $0xF5000, s1;
	s11 =	sadd.s32 $0x46000, s1;
	p1 =	por !p0, p2  }
0x25: {  	s12 =	sadd.s32 $0x34800, s1;
	[smem:$0x7F8] =	sst s0;
	s0 =	simm.s32 @!p1 $0x0  }
0x26: {  	s13 =	sadd.s32 $0x23000, s1;
	s14 =	sadd.s32 $0x11800, s1;
	s0 =	simm.s32 @p1 $0x1  }
0x27: {  	s15 =	simm.s32 $0x5;
	[smem:$0x7F9] =	sst s0;
	s0 =	simm.s32 @!p2 $0x0  }
0x28: {  	s17 =	simm.s32 $0x1;
	p0 =	por p0, p2;
	s0 =	simm.s32 @p2 $0x1  }
0x29: {  	s18 =	simm.s32 $0x2;
	[smem:$0x7FA] =	sst s0;
	s0 =	simm.s32 @!p0 $0x0  }
0x2a: {  	s19 =	simm.s32 $0x80;
	s0 =	simm.s32 @p0 $0x1;
	p0 =	sgt.s32 s2, $0x7  }
.Ltmp0:
0x2b: {  	[smem:$0x7FB] =	sst s0;
	s0 =	simm.s32 @!p0 $0x0;
	(pc) =	sbr.rel .LBB2_1-.Ltmp0, $4  }
0x2c: {  	s20 =	simm.s32 $0x5000;
	s0 =	simm.s32 @p0 $0x1;
	p0 =	sgt.s32 s2, $0x3  }
0x2d: {  	s21 =	simm.s32 $0x8800;
	[smem:$0x7FC] =	sst s0;
	s0 =	simm.s32 @!p0 $0x0  }
0x2e: {  	s22 =	simm.s32 $0x3;
	s23 =	simm.s32 $0x4;
	s0 =	simm.s32 @p0 $0x1  }
0x2f: {  	s24 =	simm.s32 $0x0;
	[smem:$0x7FD] =	sst s0;
	s0 =	sadd.s32 $0x9D800, s1  }
.LBB2_11:
0x30: {  	_ =	swait.ge [sflag:s23], $0x3800  }
0x31: {  	[sflag:s23] =	ssyncset.done $0x0  }
0x32: {  	[sflag:s23] =	ssyncadd.s32 $0xFFFFC800  }
0x33: {  	p6 =	sne.s32 s2, $0x0;
	[bflag:$0x0] =	sbarrier.arrive $0xFFFF  }
0x34: {  	s6 =	sshrl.u32 @!p6 s1, $0x3;
	s16 =	simm.s32 @!p6 $0x1C05;
	s25 =	rddreg [dreg:$0x7]  }
0x35: {  	[hbm:s25], [sflag:s16] =	dma.local @!p6 [spmem:s6], $0x2300  }
0x36: {  	s6 =	simm.s32 @!p6 $0x5  }
0x37: {  	_ =	swait.ge @!p6 [sflag:s6], $0x2300  }
0x38: {  	s16 =	sshll.u32 @p1 s2, $0x6;
	[sflag:s6] =	ssyncset.done @!p6 $0x0;
	s25 =	rddreg [dreg:$0x8]  }
0x39: {  	[sflag:s6] =	ssyncadd.s32 @!p6 $0xFFFFDD00;
	s6 =	sor.u32 @p1 $0x1C05, s16;
	s16 =	sshrl.u32 @p1 s14, $0x3  }
0x3a: {  	[hbm:s25], [sflag:s6] =	dma.local @p1 [spmem:s16], $0x2300  }
0x3b: {  	s6 =	simm.s32 @p1 $0x5  }
0x3c: {  	_ =	swait.ge @p1 [sflag:s6], $0x2300  }
0x3d: {  	s16 =	sshll.u32 @p4 s2, $0x6;
	[sflag:s6] =	ssyncset.done @p1 $0x0;
	s25 =	rddreg [dreg:$0x9]  }
0x3e: {  	[sflag:s6] =	ssyncadd.s32 @p1 $0xFFFFDD00;
	s6 =	sor.u32 @p4 $0x1C05, s16;
	s16 =	sshrl.u32 @p4 s13, $0x3  }
0x3f: {  	[hbm:s25], [sflag:s6] =	dma.local @p4 [spmem:s16], $0x2300  }
0x40: {  	s6 =	simm.s32 @p4 $0x5  }
0x41: {  	_ =	swait.ge @p4 [sflag:s6], $0x2300  }
0x42: {  	s25 =	sld [smem:$0x7ED];
	_ =	sdelay $0x2  }
0x43: {  	[sflag:s6] =	ssyncset.done @p4 $0x0;
	p0 =	seq.s32 s25, $0x1  }
0x44: {  	[sflag:s6] =	ssyncadd.s32 @p4 $0xFFFFDD00;
	s16 =	sshll.u32 @p0 s2, $0x6  }
0x45: {  	s25 =	rddreg [dreg:$0xa];
	s6 =	sor.u32 @p0 $0x1C05, s16;
	s16 =	sshrl.u32 @p0 s12, $0x3  }
0x46: {  	[hbm:s25], [sflag:s6] =	dma.local @p0 [spmem:s16], $0x2300  }
0x47: {  	s6 =	simm.s32 @p0 $0x5  }
0x48: {  	_ =	swait.ge @p0 [sflag:s6], $0x2300  }
0x49: {  	s25 =	sld [smem:$0x7EE];
	_ =	sdelay $0x2  }
0x4a: {  	[sflag:s6] =	ssyncset.done @p0 $0x0;
	p2 =	seq.s32 s25, $0x1  }
0x4b: {  	[sflag:s6] =	ssyncadd.s32 @p0 $0xFFFFDD00;
	s16 =	sshll.u32 @p2 s2, $0x6  }
0x4c: {  	s25 =	rddreg [dreg:$0xb];
	s6 =	sor.u32 @p2 $0x1C05, s16;
	s16 =	sshrl.u32 @p2 s11, $0x3  }
0x4d: {  	[hbm:s25], [sflag:s6] =	dma.local @p2 [spmem:s16], $0x2300  }
0x4e: {  	s6 =	simm.s32 @p2 $0x5  }
0x4f: {  	_ =	swait.ge @p2 [sflag:s6], $0x2300  }
0x50: {  	s25 =	sld [smem:$0x7EC];
	_ =	sdelay $0x2  }
0x51: {  	[sflag:s6] =	ssyncset.done @p2 $0x0;
	p0 =	seq.s32 s25, $0x1  }
0x52: {  	[sflag:s6] =	ssyncadd.s32 @p2 $0xFFFFDD00;
	s16 =	sshll.u32 @p0 s2, $0x6  }
0x53: {  	s25 =	rddreg [dreg:$0xc];
	s6 =	sor.u32 @p0 $0x1C05, s16;
	s16 =	sshrl.u32 @p0 s10, $0x3  }
0x54: {  	[hbm:s25], [sflag:s6] =	dma.local @p0 [spmem:s16], $0x2300  }
0x55: {  	s6 =	simm.s32 @p0 $0x5  }
0x56: {  	_ =	swait.ge @p0 [sflag:s6], $0x2300  }
0x57: {  	s25 =	sld [smem:$0x7EF];
	_ =	sdelay $0x2  }
0x58: {  	[sflag:s6] =	ssyncset.done @p0 $0x0;
	p1 =	seq.s32 s25, $0x1  }
0x59: {  	[sflag:s6] =	ssyncadd.s32 @p0 $0xFFFFDD00;
	s16 =	sshll.u32 @p1 s2, $0x6  }
0x5a: {  	s25 =	rddreg [dreg:$0xd];
	s6 =	sor.u32 @p1 $0x1C05, s16;
	s16 =	sshrl.u32 @p1 s9, $0x3  }
0x5b: {  	[hbm:s25], [sflag:s6] =	dma.local @p1 [spmem:s16], $0x2300  }
0x5c: {  	s6 =	simm.s32 @p1 $0x5  }
0x5d: {  	_ =	swait.ge @p1 [sflag:s6], $0x2300  }
0x5e: {  	s25 =	sld [smem:$0x7EB];
	_ =	sdelay $0x2  }
0x5f: {  	[sflag:s6] =	ssyncset.done @p1 $0x0;
	p0 =	seq.s32 s25, $0x1  }
0x60: {  	[sflag:s6] =	ssyncadd.s32 @p1 $0xFFFFDD00;
	s16 =	sshll.u32 @p0 s2, $0x6  }
0x61: {  	s25 =	rddreg [dreg:$0xe];
	s6 =	sor.u32 @p0 $0x1C05, s16;
	s16 =	sshrl.u32 @p0 s8, $0x3  }
0x62: {  	[hbm:s25], [sflag:s6] =	dma.local @p0 [spmem:s16], $0x2300  }
0x63: {  	s6 =	simm.s32 @p0 $0x5  }
0x64: {  	_ =	swait.ge @p0 [sflag:s6], $0x2300  }
0x65: {  	s25 =	sld [smem:$0x7F0];
	_ =	sdelay $0x2  }
0x66: {  	[sflag:s6] =	ssyncset.done @p0 $0x0;
	p1 =	seq.s32 s25, $0x1  }
0x67: {  	[sflag:s6] =	ssyncadd.s32 @p0 $0xFFFFDD00;
	s16 =	sshll.u32 @p1 s2, $0x6  }
0x68: {  	s25 =	rddreg [dreg:$0xf];
	s6 =	sor.u32 @p1 $0x1C05, s16;
	s16 =	sshrl.u32 @p1 s7, $0x3  }
0x69: {  	[hbm:s25], [sflag:s6] =	dma.local @p1 [spmem:s16], $0x2300  }
0x6a: {  	s6 =	simm.s32 @p1 $0x5  }
0x6b: {  	_ =	swait.ge @p1 [sflag:s6], $0x2300  }
0x6c: {  	s25 =	sld [smem:$0x7EA];
	_ =	sdelay $0x2  }
0x6d: {  	[sflag:s6] =	ssyncset.done @p1 $0x0;
	p0 =	seq.s32 s25, $0x1  }
0x6e: {  	[sflag:s6] =	ssyncadd.s32 @p1 $0xFFFFDD00;
	s16 =	sshll.u32 @p0 s2, $0x6  }
0x6f: {  	s25 =	rddreg [dreg:$0x10];
	s6 =	sor.u32 @p0 $0x1C05, s16;
	s16 =	sshrl.u32 @p0 s0, $0x3  }
0x70: {  	[hbm:s25], [sflag:s6] =	dma.local @p0 [spmem:s16], $0x2300  }
0x71: {  	s6 =	simm.s32 @p0 $0x5  }
0x72: {  	_ =	swait.ge @p0 [sflag:s6], $0x2300  }
0x73: {  	s25 =	sld [smem:$0x7F1];
	_ =	sdelay $0x2  }
0x74: {  	[sflag:s6] =	ssyncset.done @p0 $0x0;
	p1 =	seq.s32 s25, $0x1  }
0x75: {  	[sflag:s6] =	ssyncadd.s32 @p0 $0xFFFFDD00;
	s16 =	sshll.u32 @p1 s2, $0x6  }
0x76: {  	s25 =	rddreg [dreg:$0x11];
	s6 =	sor.u32 @p1 $0x1C05, s16;
	s16 =	sshrl.u32 @p1 s31, $0x3  }
0x77: {  	[hbm:s25], [sflag:s6] =	dma.local @p1 [spmem:s16], $0x2300  }
0x78: {  	s6 =	simm.s32 @p1 $0x5  }
0x79: {  	_ =	swait.ge @p1 [sflag:s6], $0x2300  }
0x7a: {  	s25 =	sld [smem:$0x7E9];
	_ =	sdelay $0x2  }
0x7b: {  	[sflag:s6] =	ssyncset.done @p1 $0x0;
	p0 =	seq.s32 s25, $0x1  }
0x7c: {  	[sflag:s6] =	ssyncadd.s32 @p1 $0xFFFFDD00;
	s16 =	sshll.u32 @p0 s2, $0x6  }
0x7d: {  	s25 =	rddreg [dreg:$0x12];
	s6 =	sor.u32 @p0 $0x1C05, s16;
	s16 =	sshrl.u32 @p0 s30, $0x3  }
0x7e: {  	[hbm:s25], [sflag:s6] =	dma.local @p0 [spmem:s16], $0x2300  }
0x7f: {  	s6 =	simm.s32 @p0 $0x5  }
0x80: {  	_ =	swait.ge @p0 [sflag:s6], $0x2300  }
0x81: {  	s16 =	sshll.u32 @p5 s2, $0x6;
	[sflag:s6] =	ssyncset.done @p0 $0x0;
	s25 =	rddreg [dreg:$0x13]  }
0x82: {  	[sflag:s6] =	ssyncadd.s32 @p0 $0xFFFFDD00;
	s6 =	sor.u32 @p5 $0x1C05, s16;
	s16 =	sshrl.u32 @p5 s29, $0x3  }
0x83: {  	[hbm:s25], [sflag:s6] =	dma.local @p5 [spmem:s16], $0x2300  }
0x84: {  	s6 =	simm.s32 @p5 $0x5  }
0x85: {  	_ =	swait.ge @p5 [sflag:s6], $0x2300  }
0x86: {  	s25 =	sld [smem:$0x7E8];
	_ =	sdelay $0x2  }
0x87: {  	[sflag:s6] =	ssyncset.done @p5 $0x0;
	p0 =	seq.s32 s25, $0x1  }
0x88: {  	[sflag:s6] =	ssyncadd.s32 @p5 $0xFFFFDD00;
	s16 =	sshll.u32 @p0 s2, $0x6  }
0x89: {  	s25 =	rddreg [dreg:$0x14];
	s6 =	sor.u32 @p0 $0x1C05, s16;
	s16 =	sshrl.u32 @p0 s28, $0x3  }
0x8a: {  	[hbm:s25], [sflag:s6] =	dma.local @p0 [spmem:s16], $0x2300  }
0x8b: {  	s6 =	simm.s32 @p0 $0x5  }
0x8c: {  	_ =	swait.ge @p0 [sflag:s6], $0x2300  }
0x8d: {  	s16 =	sshll.u32 @p3 s2, $0x6;
	[sflag:s6] =	ssyncset.done @p0 $0x0;
	s25 =	rddreg [dreg:$0x15]  }
0x8e: {  	[sflag:s6] =	ssyncadd.s32 @p0 $0xFFFFDD00;
	s6 =	sor.u32 @p3 $0x1C05, s16;
	s16 =	sshrl.u32 @p3 s26, $0x3  }
0x8f: {  	[hbm:s25], [sflag:s6] =	dma.local @p3 [spmem:s16], $0x2300  }
0x90: {  	s6 =	simm.s32 @p3 $0x5  }
0x91: {  	_ =	swait.ge @p3 [sflag:s6], $0x2300  }
0x92: {  	s25 =	sld [smem:$0x7E7];
	_ =	sdelay $0x2  }
0x93: {  	p1 =	seq.s32 s25, $0x1  }
0x94: {  	[sflag:s6] =	ssyncset.done @p3 $0x0;
	s16 =	sshll.u32 @p1 s2, $0x6  }
0x95: {  	[sflag:s6] =	ssyncadd.s32 @p3 $0xFFFFDD00;
	s6 =	sor.u32 @p1 $0x1C05, s16;
	s16 =	rddreg [dreg:$0x4]  }
0x96: {  	s25 =	rddreg [dreg:$0x16];
	s16 =	sshrl.u32 @p1 s16, $0x3  }
0x97: {  	[hbm:s25], [sflag:s6] =	dma.local @p1 [spmem:s16], $0x2300  }
0x98: {  	s6 =	simm.s32 @p1 $0x5  }
0x99: {  	_ =	swait.ge @p1 [sflag:s6], $0x2300  }
0x9a: {  	s24 =	sadd.s32 $0x1, s24;
	s25 =	rddreg [dreg:$0x17]  }
0x9b: {  	p0 =	sne.s32 s24, s25  }
.Ltmp1:
0x9c: {  	_ = 	snop;
	(pc) =	sbr.rel @!p0 .LBB2_12-.Ltmp1, $3  }
0x9d: {  	_ =	sdelay $0x1  }
0x9e: {  	[sflag:s6] =	ssyncset.done @p1 $0x0  }
0x9f: {  	[sflag:s6] =	ssyncadd.s32 @p1 $0xFFFFDD00  }
.LBB2_1:
0xa0: {  	s6 =	sld [smem:$0x7FC];
	_ =	sdelay $0x2  }
0xa1: {  	p0 =	seq.s32 s6, $0x1  }
.Ltmp2:
0xa2: {  	_ = 	snop;
	(pc) =	sbr.rel @p0 .LBB2_5-.Ltmp2, $1  }
0xa3: {  	_ =	sdelay $0x3  }
0xa4: {  	s6 =	sld [smem:$0x7FD];
	_ =	sdelay $0x2  }
0xa5: {  	p0 =	seq.s32 s6, $0x1  }
.Ltmp3:
0xa6: {  	_ = 	snop;
	(pc) =	sbr.rel @p0 .LBB2_4-.Ltmp3, $1  }
0xa7: {  	_ =	sdelay $0x3  }
0xa8: {  	s6 =	sld [smem:$0x7F2];
	_ =	sdelay $0x2  }
0xa9: {  	p6 =	seq.s32 s6, $0x1  }
0xaa: {  	s16 =	sshrl.u32 @!p6 s13, $0x3;
	s25 =	simm.s32 @!p6 $0x1C85  }
0xab: {  	[spmem:s16], [sflag:s25] =	dma.local @!p6 [hbm:s5], $0x2300  }
0xac: {  	s25 =	sld [smem:$0x7F3];
	_ =	sdelay $0x2  }
0xad: {  	p2 =	seq.s32 s25, $0x1  }
0xae: {  	s16 =	sshrl.u32 @!p2 s12, $0x3;
	s25 =	simm.s32 @!p2 $0x1CC5  }
0xaf: {  	[spmem:s16], [sflag:s25] =	dma.local @!p2 [hbm:s5], $0x2300  }
0xb0: {  	s16 =	sld [smem:$0x7F4];
	_ =	sdelay $0x1  }
0xb1: {  	p5 =	por @!p2 $0x1, $0x1  }
0xb2: {  	p4 =	por @!p2 $0x0, $0x0;
	p3 =	por @!p2 $0x0, $0x0;
	p2 =	seq.s32 s16, $0x1  }
0xb3: {  	s16 =	sshrl.u32 @!p2 s1, $0x3;
	s25 =	simm.s32 @!p2 $0x1C05  }
0xb4: {  	[spmem:s16], [sflag:s25] =	dma.local @!p2 [hbm:s5], $0x2300  }
0xb5: {  	s25 =	sld [smem:$0x7F6];
	_ =	sdelay $0x1  }
0xb6: {  	p1 =	por @!p6 $0x0, $0x0  }
0xb7: {  	p3 =	por @!p6 p1, p1;
	p5 =	por @!p6 p1, p1;
	p0 =	seq.s32 s25, $0x1  }
0xb8: {  	p1 =	por @!p6 $0x1, $0x1;
	s16 =	sshrl.u32 @!p0 s14, $0x3;
	s25 =	simm.s32 @!p0 $0x1C45  }
0xb9: {  	[spmem:s16], [sflag:s25] =	dma.local @!p0 [hbm:s5], $0x2300  }
0xba: {  	s6 =	simm.s32 @!p5 $0x0;
	p4 =	por @!p6 p1, p1;
	s16 =	sld [smem:$0x7F5]  }
0xbb: {  	s6 =	simm.s32 @p5 $0x1;
	p6 =	por @!p2 $0x0, $0x0;
	p5 =	por @!p0 $0x1, $0x1  }
0xbc: {  	p0 =	por @!p0 $0x0, $0x0;
	p5 =	por @!p2 p6, p6  }
0xbd: {  	p0 =	por @!p2 p6, p6;
	p2 =	por p3, p3;
	p6 =	seq.s32 s16, $0x1  }
0xbe: {  	p1 =	por p3, p3;
	[smem:$0x7ED] =	sst s6;
	p2 =	por @!p6 p0, p0  }
0xbf: {  	p1 =	por @!p6 p5, p5;
	p5 =	por p3, p3;
	s6 =	simm.s32 @!p2 $0x0  }
0xc0: {  	p5 =	por @!p6 p0, p0;
	s6 =	simm.s32 @p2 $0x1  }
0xc1: {  	p2 =	por p3, p3;
	[smem:$0x7E7] =	sst s6;
	s6 =	simm.s32 @!p5 $0x0  }
0xc2: {  	p2 =	por @!p6 p0, p0;
	s6 =	simm.s32 @p5 $0x1  }
0xc3: {  	p5 =	por p3, p3;
	[smem:$0x7E8] =	sst s6;
	s6 =	simm.s32 @!p2 $0x0  }
0xc4: {  	p5 =	por @!p6 p0, p0;
	s6 =	simm.s32 @p2 $0x1  }
0xc5: {  	p2 =	por p3, p3;
	[smem:$0x7E9] =	sst s6;
	s6 =	simm.s32 @!p5 $0x0  }
0xc6: {  	s25 =	sld [smem:$0x7ED];
	p2 =	por @!p6 p0, p0;
	s6 =	simm.s32 @p5 $0x1  }
0xc7: {  	p5 =	por p3, p3;
	[smem:$0x7EA] =	sst s6;
	s6 =	simm.s32 @!p2 $0x0  }
0xc8: {  	p5 =	por @!p6 p0, p0;
	s6 =	simm.s32 @p2 $0x1  }
0xc9: {  	p2 =	seq.s32 s25, $0x1;
	[smem:$0x7EB] =	sst s6;
	s6 =	simm.s32 @!p5 $0x0  }
0xca: {  	p2 =	por @!p6 p0, p0;
	s6 =	simm.s32 @p5 $0x1  }
0xcb: {  	[smem:$0x7EC] =	sst s6;
	s6 =	simm.s32 @!p2 $0x0  }
0xcc: {  	s6 =	simm.s32 @p2 $0x1;
	p2 =	por p3, p3  }
0xcd: {  	p2 =	por @!p6 p0, p0  }
0xce: {  	p5 =	por p3, p3;
	[smem:$0x7ED] =	sst s6;
	s6 =	simm.s32 @!p2 $0x0  }
0xcf: {  	p5 =	por @!p6 p0, p0;
	s6 =	simm.s32 @p2 $0x1  }
0xd0: {  	p2 =	por p3, p3;
	[smem:$0x7EE] =	sst s6;
	s6 =	simm.s32 @!p5 $0x0  }
0xd1: {  	p2 =	por @!p6 p0, p0;
	s6 =	simm.s32 @p5 $0x1;
	p5 =	por p3, p3  }
.Ltmp4:
0xd2: {  	[smem:$0x7EF] =	sst s6;
	s6 =	simm.s32 @!p2 $0x0;
	(pc) =	sbr.rel .LBB2_8-.Ltmp4, $4  }
0xd3: {  	p5 =	por @!p6 p0, p0;
	s6 =	simm.s32 @p2 $0x1  }
0xd4: {  	[smem:$0x7F0] =	sst s6;
	s6 =	simm.s32 @!p5 $0x0  }
0xd5: {  	p4 =	por @!p6 p0, p0;
	s6 =	simm.s32 @p5 $0x1;
	p5 =	por p3, p3  }
0xd6: {  	p3 =	por @!p6 p0, p0;
	[smem:$0x7F1] =	sst s6;
	p5 =	por @!p6 p0, p0  }
.LBB2_5:
0xd7: {  	p0 =	sgt.s32 s2, $0xB  }
.Ltmp5:
0xd8: {  	_ = 	snop;
	(pc) =	sbr.rel @p0 .LBB2_7-.Ltmp5, $1  }
0xd9: {  	_ =	sdelay $0x3  }
0xda: {  	p6 =	sgt.s32 s2, $0x9  }
0xdb: {  	p1 =	seq.s32 @p6 s2, $0xA;
	p3 =	seq.s32 @!p6 s2, $0x8  }
0xdc: {  	p0 =	por !p1, !p6;
	p2 =	por p1, !p6;
	p1 =	por !p3, p6  }
0xdd: {  	s16 =	sshrl.u32 @!p0 s31, $0x3;
	s25 =	simm.s32 @!p0 $0x1E85;
	p4 =	por @!p2 $0x0, $0x0  }
0xde: {  	[spmem:s16], [sflag:s25] =	dma.local @!p0 [hbm:s5], $0x2300  }
0xdf: {  	s16 =	sshrl.u32 @!p2 s30, $0x3;
	s25 =	simm.s32 @!p2 $0x1EC5;
	s6 =	simm.s32 @!p4 $0x0  }
0xe0: {  	[spmem:s16], [sflag:s25] =	dma.local @!p2 [hbm:s5], $0x2300  }
0xe1: {  	s6 =	simm.s32 @p4 $0x1;
	s16 =	sshrl.u32 @!p1 s7, $0x3;
	p2 =	por @!p2 $0x1, $0x1  }
0xe2: {  	s25 =	simm.s32 @!p1 $0x1E05;
	[smem:$0x7F1] =	sst s6;
	s6 =	simm.s32 @!p2 $0x0  }
0xe3: {  	[spmem:s16], [sflag:s25] =	dma.local @!p1 [hbm:s5], $0x2300  }
0xe4: {  	s6 =	simm.s32 @p2 $0x1;
	p2 =	por p3, p6  }
0xe5: {  	[smem:$0x7E9] =	sst s6;
	s16 =	sshrl.u32 @!p2 s0, $0x3;
	s25 =	simm.s32 @!p2 $0x1E45  }
0xe6: {  	[spmem:s16], [sflag:s25] =	dma.local @!p2 [hbm:s5], $0x2300  }
0xe7: {  	s25 =	sld [smem:$0x7E9];
	_ =	sdelay $0x1  }
0xe8: {  	p5 =	por @!p0 $0x0, $0x0;
	p3 =	por p4, p4  }
0xe9: {  	p4 =	por @!p0 $0x0, $0x0;
	p3 =	por @!p0 p5, p5;
	p5 =	seq.s32 s25, $0x1  }
0xea: {  	p5 =	por @!p0 p4, p4  }
0xeb: {  	s16 =	sld [smem:$0x7F1];
	s6 =	simm.s32 @!p5 $0x0  }
0xec: {  	p4 =	por @!p2 $0x0, $0x0;
	s6 =	simm.s32 @p5 $0x1  }
0xed: {  	[smem:$0x7E9] =	sst s6;
	s6 =	simm.s32 @!p4 $0x0  }
0xee: {  	p5 =	por @!p0 $0x1, $0x1;
	s6 =	simm.s32 @p4 $0x1;
	p4 =	seq.s32 s16, $0x1  }
0xef: {  	p4 =	por @!p0 p5, p5  }
0xf0: {  	[smem:$0x7E5] =	sst s6;
	s6 =	simm.s32 @!p4 $0x0  }
0xf1: {  	s6 =	simm.s32 @p4 $0x1;
	p4 =	por @!p2 $0x1, $0x1;
	p2 =	por @!p1 $0x0, $0x0  }
0xf2: {  	s25 =	sld [smem:$0x7E5];
	p4 =	por @!p1 p2, p2  }
0xf3: {  	[smem:$0x7F1] =	sst s6;
	s6 =	simm.s32 @!p4 $0x0  }
0xf4: {  	s6 =	simm.s32 @p4 $0x1  }
0xf5: {  	[smem:$0x7E6] =	sst s6  }
0xf6: {  	p5 =	seq.s32 s25, $0x1;
	s6 =	sld [smem:$0x7E6]  }
0xf7: {  	p0 =	por p5, p5  }
0xf8: {  	p4 =	por @!p1 $0x1, $0x1;
	p0 =	por @!p1 p2, p2  }
0xf9: {  	p2 =	por p3, p3;
	p5 =	por @!p1 p4, p4;
	p1 =	seq.s32 s6, $0x1  }
0xfa: {  	p2 =	por @!p6 p1, p1  }
0xfb: {  	s6 =	simm.s32 @!p2 $0x0  }
0xfc: {  	s6 =	simm.s32 @p2 $0x1;
	p2 =	por p3, p3  }
0xfd: {  	p2 =	por @!p6 p5, p5  }
0xfe: {  	p1 =	por p3, p3;
	[smem:$0x7EA] =	sst s6;
	s6 =	simm.s32 @!p2 $0x0  }
0xff: {  	p1 =	por @!p6 p0, p0;
	s6 =	simm.s32 @p2 $0x1  }
0x100: {  	[smem:$0x7F0] =	sst s6;
	s6 =	simm.s32 @!p1 $0x0  }
0x101: {  	s16 =	sld [smem:$0x7E9];
	s6 =	simm.s32 @p1 $0x1;
	p1 =	por p3, p3  }
0x102: {  	p1 =	por @!p6 p0, p0  }
0x103: {  	[smem:$0x7E7] =	sst s6;
	s6 =	simm.s32 @!p1 $0x0  }
0x104: {  	s6 =	simm.s32 @p1 $0x1;
	p1 =	seq.s32 s16, $0x1  }
0x105: {  	p1 =	por @!p6 p0, p0  }
0x106: {  	[smem:$0x7E8] =	sst s6;
	s6 =	simm.s32 @!p1 $0x0  }
0x107: {  	s6 =	simm.s32 @p1 $0x1;
	p1 =	por p3, p3  }
0x108: {  	p1 =	por @!p6 p0, p0  }
0x109: {  	p2 =	por p3, p3;
	[smem:$0x7E9] =	sst s6;
	s6 =	simm.s32 @!p1 $0x0  }
0x10a: {  	p2 =	por @!p6 p0, p0;
	s6 =	simm.s32 @p1 $0x1  }
0x10b: {  	[smem:$0x7EB] =	sst s6;
	s6 =	simm.s32 @!p2 $0x0  }
0x10c: {  	s6 =	simm.s32 @p2 $0x1;
	p2 =	por p3, p3  }
0x10d: {  	p2 =	por @!p6 p0, p0  }
0x10e: {  	[smem:$0x7EC] =	sst s6;
	s6 =	simm.s32 @!p2 $0x0  }
0x10f: {  	s6 =	simm.s32 @p2 $0x1;
	p2 =	por p3, p3  }
0x110: {  	s25 =	sld [smem:$0x7F1];
	p2 =	por @!p6 p0, p0  }
0x111: {  	p5 =	por p3, p3;
	[smem:$0x7ED] =	sst s6;
	s6 =	simm.s32 @!p2 $0x0  }
0x112: {  	p5 =	por @!p6 p0, p0;
	s6 =	simm.s32 @p2 $0x1  }
0x113: {  	p4 =	por p3, p3;
	[smem:$0x7EE] =	sst s6;
	s6 =	simm.s32 @!p5 $0x0  }
.Ltmp6:
0x114: {  	s6 =	simm.s32 @p5 $0x1;
	p5 =	seq.s32 s25, $0x1;
	(pc) =	sbr.rel .LBB2_8-.Ltmp6, $4  }
0x115: {  	p4 =	por @!p6 p0, p0;
	p5 =	por @!p6 p0, p0  }
0x116: {  	p1 =	por p3, p3;
	[smem:$0x7EF] =	sst s6;
	s6 =	simm.s32 @!p5 $0x0  }
0x117: {  	p1 =	por @!p6 p0, p0;
	s6 =	simm.s32 @p5 $0x1;
	p5 =	por p3, p3  }
0x118: {  	p3 =	por @!p6 p0, p0;
	[smem:$0x7F1] =	sst s6;
	p5 =	por @!p6 p0, p0  }
.LBB2_4:
0x119: {  	s6 =	sld [smem:$0x7F7];
	_ =	sdelay $0x2  }
0x11a: {  	p2 =	seq.s32 s6, $0x1  }
0x11b: {  	s16 =	sshrl.u32 @!p2 s9, $0x3;
	s25 =	simm.s32 @!p2 $0x1D85  }
0x11c: {  	[spmem:s16], [sflag:s25] =	dma.local @!p2 [hbm:s5], $0x2300  }
0x11d: {  	s16 =	sld [smem:$0x7F8];
	_ =	sdelay $0x2  }
0x11e: {  	p1 =	por @!p2 $0x0, $0x0;
	p4 =	seq.s32 s16, $0x1  }
0x11f: {  	s16 =	sshrl.u32 @!p4 s8, $0x3;
	s25 =	simm.s32 @!p4 $0x1DC5;
	p5 =	por @!p4 $0x1, $0x1  }
0x120: {  	[spmem:s16], [sflag:s25] =	dma.local @!p4 [hbm:s5], $0x2300  }
0x121: {  	p0 =	por @!p2 $0x1, $0x1;
	p3 =	por @!p4 $0x0, $0x0;
	p5 =	por @!p2 p1, p1  }
0x122: {  	p4 =	por @!p4 $0x0, $0x0;
	s6 =	simm.s32 @!p5 $0x0;
	s25 =	sld [smem:$0x7F9]  }
0x123: {  	p4 =	por @!p2 p0, p0;
	s6 =	simm.s32 @p5 $0x1  }
0x124: {  	[smem:$0x7EB] =	sst s6;
	s6 =	simm.s32 @!p4 $0x0  }
0x125: {  	s6 =	simm.s32 @p4 $0x1;
	p4 =	seq.s32 s25, $0x1  }
0x126: {  	[smem:$0x7EF] =	sst s6;
	s16 =	sshrl.u32 @!p4 s11, $0x3;
	s25 =	simm.s32 @!p4 $0x1D05  }
0x127: {  	[spmem:s16], [sflag:s25] =	dma.local @!p4 [hbm:s5], $0x2300  }
0x128: {  	s16 =	sld [smem:$0x7FB];
	_ =	sdelay $0x2  }
0x129: {  	p5 =	seq.s32 s16, $0x1  }
0x12a: {  	s16 =	sshrl.u32 @!p5 s10, $0x3;
	s25 =	simm.s32 @!p5 $0x1D45  }
0x12b: {  	[spmem:s16], [sflag:s25] =	dma.local @!p5 [hbm:s5], $0x2300  }
0x12c: {  	p3 =	por @!p2 p1, p1;
	p0 =	por @!p4 $0x1, $0x1;
	s25 =	sld [smem:$0x7FA]  }
0x12d: {  	p1 =	por @!p4 $0x0, $0x0;
	p2 =	por @!p5 $0x1, $0x1;
	p6 =	por @!p5 $0x0, $0x0  }
0x12e: {  	p6 =	por @!p4 p1, p1;
	p2 =	por @!p4 p1, p1;
	p1 =	por @!p5 $0x0, $0x0  }
0x12f: {  	p5 =	por p3, p3;
	p1 =	por @!p4 p0, p0;
	p0 =	seq.s32 s25, $0x1  }
0x130: {  	p5 =	por @!p0 p2, p2  }
0x131: {  	p2 =	por p3, p3;
	s6 =	simm.s32 @!p5 $0x0  }
0x132: {  	p2 =	por @!p0 p1, p1;
	s6 =	simm.s32 @p5 $0x1  }
0x133: {  	p4 =	por p3, p3;
	[smem:$0x7EC] =	sst s6;
	s6 =	simm.s32 @!p2 $0x0  }
0x134: {  	p4 =	por @!p0 p6, p6;
	s6 =	simm.s32 @p2 $0x1  }
0x135: {  	[smem:$0x7EE] =	sst s6;
	s6 =	simm.s32 @!p4 $0x0  }
0x136: {  	s6 =	simm.s32 @p4 $0x1;
	p4 =	por p3, p3  }
0x137: {  	p4 =	por @!p0 p6, p6  }
0x138: {  	p1 =	por p3, p3;
	[smem:$0x7E7] =	sst s6;
	s6 =	simm.s32 @!p4 $0x0  }
0x139: {  	p1 =	por @!p0 p6, p6;
	s6 =	simm.s32 @p4 $0x1  }
0x13a: {  	[smem:$0x7E8] =	sst s6;
	s6 =	simm.s32 @!p1 $0x0  }
0x13b: {  	s16 =	sld [smem:$0x7EB];
	s6 =	simm.s32 @p1 $0x1;
	p1 =	por p3, p3  }
0x13c: {  	p1 =	por @!p0 p6, p6  }
0x13d: {  	[smem:$0x7E9] =	sst s6;
	s6 =	simm.s32 @!p1 $0x0  }
0x13e: {  	s6 =	simm.s32 @p1 $0x1;
	p1 =	seq.s32 s16, $0x1  }
0x13f: {  	s25 =	sld [smem:$0x7EF];
	p1 =	por @!p0 p6, p6  }
0x140: {  	p4 =	por p3, p3;
	[smem:$0x7EA] =	sst s6;
	s6 =	simm.s32 @!p1 $0x0  }
0x141: {  	p4 =	por @!p0 p6, p6;
	s6 =	simm.s32 @p1 $0x1  }
0x142: {  	p5 =	seq.s32 s25, $0x1;
	[smem:$0x7EB] =	sst s6;
	s6 =	simm.s32 @!p4 $0x0  }
0x143: {  	p5 =	por @!p0 p6, p6;
	p2 =	por p3, p3;
	s6 =	simm.s32 @p4 $0x1  }
0x144: {  	p2 =	por @!p0 p6, p6;
	[smem:$0x7ED] =	sst s6;
	s6 =	simm.s32 @!p5 $0x0  }
0x145: {  	p1 =	por p3, p3;
	s6 =	simm.s32 @p5 $0x1;
	p5 =	por p3, p3  }
.Ltmp7:
0x146: {  	[smem:$0x7EF] =	sst s6;
	s6 =	simm.s32 @!p2 $0x0;
	(pc) =	sbr.rel .LBB2_8-.Ltmp7, $4  }
0x147: {  	p1 =	por @!p0 p6, p6;
	p5 =	por @!p0 p6, p6;
	s6 =	simm.s32 @p2 $0x1  }
0x148: {  	p4 =	por p3, p3;
	[smem:$0x7F0] =	sst s6;
	s6 =	simm.s32 @!p5 $0x0  }
0x149: {  	p4 =	por @!p0 p6, p6;
	s6 =	simm.s32 @p5 $0x1;
	p5 =	por p3, p3  }
0x14a: {  	p3 =	por @!p0 p6, p6;
	[smem:$0x7F1] =	sst s6;
	p5 =	por @!p0 p6, p6  }
.LBB2_7:
0x14b: {  	p6 =	sgt.s32 s2, $0xD  }
0x14c: {  	p1 =	seq.s32 @p6 s2, $0xE  }
0x14d: {  	p0 =	por !p1, !p6  }
0x14e: {  	s16 =	sshrl.u32 @!p0 s26, $0x3;
	s25 =	simm.s32 @!p0 $0x1F85  }
0x14f: {  	[spmem:s16], [sflag:s25] =	dma.local @!p0 [hbm:s5], $0x2300  }
0x150: {  	p2 =	por p1, !p6;
	p1 =	seq.s32 @!p6 s2, $0xC;
	s6 =	rddreg [dreg:$0x4]  }
0x151: {  	p4 =	por !p1, p6;
	s25 =	simm.s32 @!p2 $0x1FC5;
	s16 =	sshrl.u32 @!p2 s6, $0x3  }
0x152: {  	[spmem:s16], [sflag:s25] =	dma.local @!p2 [hbm:s5], $0x2300  }
0x153: {  	p3 =	por @!p2 $0x0, $0x0;
	p5 =	por @!p2 $0x1, $0x1;
	s16 =	sshrl.u32 @!p4 s29, $0x3  }
0x154: {  	s25 =	simm.s32 @!p4 $0x1F05;
	p2 =	por p1, p6;
	p1 =	por @!p0 $0x0, $0x0  }
0x155: {  	[spmem:s16], [sflag:s25] =	dma.local @!p4 [hbm:s5], $0x2300  }
0x156: {  	p5 =	por @!p0 p1, p1  }
0x157: {  	s16 =	sshrl.u32 @!p2 s28, $0x3;
	s25 =	simm.s32 @!p2 $0x1F45;
	s6 =	simm.s32 @!p5 $0x0  }
0x158: {  	p1 =	por p3, p3;
	s6 =	simm.s32 @p5 $0x1;
	p5 =	por @!p0 $0x0, $0x0  }
0x159: {  	[smem:$0x7E7] =	sst s6;
	p1 =	por @!p0 p5, p5;
	p5 =	por @!p2 $0x0, $0x0  }
0x15a: {  	[spmem:s16], [sflag:s25] =	dma.local @!p2 [hbm:s5], $0x2300  }
0x15b: {  	s6 =	simm.s32 @!p5 $0x0  }
0x15c: {  	s6 =	simm.s32 @p5 $0x1  }
0x15d: {  	[smem:$0x7E1] =	sst s6  }
0x15e: {  	p5 =	por @!p0 $0x1, $0x1;
	s25 =	sld [smem:$0x7E1]  }
0x15f: {  	p3 =	por @!p0 p5, p5  }
0x160: {  	s6 =	simm.s32 @!p3 $0x0  }
0x161: {  	s6 =	simm.s32 @p3 $0x1;
	p3 =	por @!p2 $0x1, $0x1;
	p2 =	seq.s32 s25, $0x1  }
0x162: {  	p5 =	por @!p4 $0x0, $0x0;
	p0 =	por p2, p2  }
0x163: {  	p0 =	por @!p4 p5, p5;
	p5 =	por @!p4 $0x0, $0x0  }
0x164: {  	p3 =	por @!p4 p5, p5  }
0x165: {  	[smem:$0x7E3] =	sst s6;
	s6 =	simm.s32 @!p3 $0x0  }
0x166: {  	s6 =	simm.s32 @p3 $0x1  }
0x167: {  	[smem:$0x7E2] =	sst s6  }
0x168: {  	s6 =	sld [smem:$0x7E2];
	_ =	sdelay $0x1  }
0x169: {  	p5 =	por @!p4 $0x1, $0x1  }
0x16a: {  	p2 =	por @!p4 p5, p5;
	p3 =	por p1, p1;
	p4 =	seq.s32 s6, $0x1  }
0x16b: {  	p3 =	por @!p6 p4, p4  }
0x16c: {  	s6 =	simm.s32 @!p3 $0x0  }
0x16d: {  	s6 =	simm.s32 @p3 $0x1  }
0x16e: {  	[smem:$0x7E8] =	sst s6;
	s6 =	simm.s32 @!p1 $0x0  }
0x16f: {  	s6 =	simm.s32 @p1 $0x1  }
0x170: {  	[smem:$0x7E9] =	sst s6;
	s6 =	simm.s32 @!p1 $0x0  }
0x171: {  	s6 =	simm.s32 @p1 $0x1  }
0x172: {  	[smem:$0x7EA] =	sst s6;
	s6 =	simm.s32 @!p1 $0x0  }
0x173: {  	s6 =	simm.s32 @p1 $0x1  }
0x174: {  	[smem:$0x7EB] =	sst s6;
	s6 =	simm.s32 @!p1 $0x0  }
0x175: {  	s6 =	simm.s32 @p1 $0x1  }
0x176: {  	[smem:$0x7EC] =	sst s6;
	s6 =	simm.s32 @!p1 $0x0  }
0x177: {  	s6 =	simm.s32 @p1 $0x1  }
0x178: {  	[smem:$0x7ED] =	sst s6;
	s6 =	simm.s32 @!p1 $0x0  }
0x179: {  	s6 =	simm.s32 @p1 $0x1  }
0x17a: {  	[smem:$0x7E4] =	sst s6;
	s6 =	simm.s32 @!p1 $0x0  }
0x17b: {  	s25 =	sld [smem:$0x7E9];
	s6 =	simm.s32 @p1 $0x1  }
0x17c: {  	[smem:$0x7EE] =	sst s6;
	s6 =	simm.s32 @!p1 $0x0  }
0x17d: {  	s16 =	sld [smem:$0x7E7];
	s6 =	simm.s32 @p1 $0x1  }
0x17e: {  	[smem:$0x7EF] =	sst s6;
	s6 =	simm.s32 @!p1 $0x0  }
0x17f: {  	p3 =	seq.s32 s25, $0x1;
	s25 =	sld [smem:$0x7EA];
	s6 =	simm.s32 @p1 $0x1  }
0x180: {  	p5 =	por p1, p1;
	[smem:$0x7F0] =	sst s6;
	s6 =	simm.s32 @!p1 $0x0  }
0x181: {  	s6 =	simm.s32 @p1 $0x1;
	p1 =	por @!p6 p2, p2;
	p2 =	seq.s32 s16, $0x1  }
0x182: {  	s16 =	sld [smem:$0x7E3];
	p2 =	por @!p6 p0, p0  }
0x183: {  	p3 =	por @!p6 p0, p0;
	[smem:$0x7F1] =	sst s6;
	s6 =	simm.s32 @!p2 $0x0  }
0x184: {  	p4 =	seq.s32 s25, $0x1;
	s25 =	sld [smem:$0x7EB];
	s6 =	simm.s32 @p2 $0x1  }
0x185: {  	[smem:$0x7E7] =	sst s6;
	s6 =	simm.s32 @!p3 $0x0  }
0x186: {  	s6 =	simm.s32 @p3 $0x1;
	p3 =	seq.s32 s16, $0x1;
	s16 =	sld [smem:$0x7E4]  }
0x187: {  	p4 =	por @!p6 p0, p0  }
0x188: {  	p2 =	seq.s32 s25, $0x1;
	[smem:$0x7E9] =	sst s6;
	s6 =	simm.s32 @!p4 $0x0  }
0x189: {  	s6 =	simm.s32 @p4 $0x1;
	p4 =	seq.s32 s16, $0x1;
	s16 =	sld [smem:$0x7EC]  }
0x18a: {  	p2 =	por @!p6 p0, p0  }
0x18b: {  	[smem:$0x7EA] =	sst s6;
	s6 =	simm.s32 @!p2 $0x0  }
0x18c: {  	s25 =	sld [smem:$0x7ED];
	s6 =	simm.s32 @p2 $0x1;
	p2 =	seq.s32 s16, $0x1  }
0x18d: {  	p2 =	por @!p6 p0, p0  }
0x18e: {  	[smem:$0x7EB] =	sst s6;
	s6 =	simm.s32 @!p2 $0x0  }
0x18f: {  	s16 =	sld [smem:$0x7EE];
	s6 =	simm.s32 @p2 $0x1;
	p2 =	seq.s32 s25, $0x1  }
0x190: {  	s25 =	sld [smem:$0x7EF];
	p2 =	por @!p6 p0, p0  }
0x191: {  	p5 =	por @!p6 p0, p0;
	[smem:$0x7EC] =	sst s6;
	s6 =	simm.s32 @!p2 $0x0  }
0x192: {  	s6 =	simm.s32 @p2 $0x1;
	p2 =	por p5, p5;
	p5 =	seq.s32 s16, $0x1  }
0x193: {  	p5 =	por @!p6 p0, p0  }
0x194: {  	[smem:$0x7ED] =	sst s6;
	s6 =	simm.s32 @!p5 $0x0  }
0x195: {  	s16 =	sld [smem:$0x7F0];
	s6 =	simm.s32 @p5 $0x1;
	p5 =	seq.s32 s25, $0x1  }
0x196: {  	p5 =	por @!p6 p0, p0  }
0x197: {  	[smem:$0x7EE] =	sst s6;
	s6 =	simm.s32 @!p5 $0x0  }
0x198: {  	s25 =	sld [smem:$0x7F1];
	s6 =	simm.s32 @p5 $0x1;
	p5 =	seq.s32 s16, $0x1  }
0x199: {  	p5 =	por @!p6 p0, p0  }
0x19a: {  	[smem:$0x7EF] =	sst s6;
	s6 =	simm.s32 @!p5 $0x0  }
0x19b: {  	s6 =	simm.s32 @p5 $0x1;
	p5 =	seq.s32 s25, $0x1  }
0x19c: {  	p5 =	por @!p6 p0, p0  }
0x19d: {  	[smem:$0x7F0] =	sst s6;
	s6 =	simm.s32 @!p5 $0x0  }
0x19e: {  	p3 =	por @!p6 p0, p0;
	p4 =	por @!p6 p0, p0;
	s6 =	simm.s32 @p5 $0x1  }
0x19f: {  	p5 =	por p1, p1;
	p1 =	por p2, p2;
	[smem:$0x7F1] =	sst s6  }
.LBB2_8:
0x1a0: {  	_ =	swait.ge [sflag:s15], $0x2300  }
0x1a1: {  	[sflag:s15] =	ssyncset.done $0x0  }
0x1a2: {  	s6 =	rddreg [dreg:$0x5];
	[sflag:s15] =	ssyncadd.s32 $0xFFFFDD00  }
0x1a3: {  	[tilespmem:s3], [sflag:$0x1] =	stream.linear.gather [hbm4b:s6+s3], $0x2800, $0x38;
	[tilespmem:$0x1D800] =	vst v63  }
0x1a4: {  	s16 =	simm.s32 $0x2800;
	s25 =	rddreg [dreg:$0x6]  }
0x1a5: {  	[tilespmem:s16], [sflag:$0x2] =	stream.linear.gather [hbm4b:s25+s3], $0x2800, $0x38;
	[tilespmem:$0x1D800] =	vst v63  }
0x1a6: {  	[bflag:$0x0] =	sbarrier.arrive $0xFFFF  }
0x1a7: {  	_ =	swait.ge [sflag:s17], $0x2800  }
0x1a8: {  	[sflag:s17] =	ssyncset.done $0x0  }
0x1a9: {  	[sflag:s17] =	ssyncadd.s32 $0xFFFFD800  }
0x1aa: {  	_ =	swait.ge [sflag:s18], $0x2800  }
0x1ab: {  	[sflag:s18] =	ssyncset.done $0x0  }
0x1ac: {  	[sflag:s18] =	ssyncadd.s32 $0xFFFFD800  }
0x1ad: {  	[tilespmem:s20], [sflag:$0x1] =	stream.indirect.gather [hbm4b:s4+s19], $0x70, s3, s19, $0xb8;
	[tilespmem:$0x1D800] =	vst v63  }
0x1ae: {  	_ =	swait.ge [sflag:s17], $0x3800  }
0x1af: {  	[sflag:s17] =	ssyncset.done $0x0  }
0x1b0: {  	[sflag:s17] =	ssyncadd.s32 $0xFFFFC800  }
0x1b1: {  	[spmem:s1] =	stream.indirect.scatter.add.f32 [tilespmem:s20], [sflag:$0x3], $0x70, s16, s19, $0xb8;
	[tilespmem:$0x1D800] =	vst v63  }
0x1b2: {  	_ = 	snop  }
0x1b3: {  	[tilespmem:s21], [sflag:$0x2] =	stream.indirect.gather [hbm4b:s4+s19], $0x70, s19, s19, $0xb8;
	[tilespmem:$0x1D800] =	vst v63  }
0x1b4: {  	_ =	swait.ge [sflag:s18], $0x3800  }
0x1b5: {  	[sflag:s18] =	ssyncset.done $0x0  }
0x1b6: {  	[sflag:s18] =	ssyncadd.s32 $0xFFFFC800  }
0x1b7: {  	_ =	swait.ge [sflag:s22], $0x3800  }
0x1b8: {  	[sflag:s22] =	ssyncset.done $0x0  }
0x1b9: {  	s16 =	simm.s32 $0x2880;
	[sflag:s22] =	ssyncadd.s32 $0xFFFFC800  }
0x1ba: {  	[spmem:s1] =	stream.indirect.scatter.add.f32 [tilespmem:s21], [sflag:$0x4], $0x70, s16, s19, $0xb8;
	[tilespmem:$0x1D800] =	vst v63  }
0x1bb: {  	s25 =	simm.s32 $0x100  }
0x1bc: {  	[tilespmem:s20], [sflag:$0x1] =	stream.indirect.gather [hbm4b:s4+s19], $0x70, s25, s19, $0xb8;
	[tilespmem:$0x1D800] =	vst v63  }
0x1bd: {  	s25 =	simm.s32 $0xFFFF6800  }
.LBB2_9:
0x1be: {  	_ =	swait.ge [sflag:s17], $0x3800  }
0x1bf: {  	[sflag:s17] =	ssyncset.done $0x0  }
0x1c0: {  	[sflag:s17] =	ssyncadd.s32 $0xFFFFC800  }
0x1c1: {  	_ =	swait.ge [sflag:s23], $0x3800  }
0x1c2: {  	s16 =	sshra.s32 s25, $0x2;
	[sflag:s23] =	ssyncset.done $0x0  }
0x1c3: {  	s6 =	sadd.s32 $0x4F00, s16;
	[sflag:s23] =	ssyncadd.s32 $0xFFFFC800  }
0x1c4: {  	[spmem:s1] =	stream.indirect.scatter.add.f32 [tilespmem:s20], [sflag:$0x3], $0x70, s6, s19, $0xb8;
	[tilespmem:$0x1D800] =	vst v63  }
0x1c5: {  	s6 =	sadd.s32 $0x2780, s16  }
0x1c6: {  	[tilespmem:s21], [sflag:$0x2] =	stream.indirect.gather [hbm4b:s4+s19], $0x70, s6, s19, $0xb8;
	[tilespmem:$0x1D800] =	vst v63  }
0x1c7: {  	_ =	swait.ge [sflag:s18], $0x3800  }
0x1c8: {  	p0 =	seq.s32 s25, $0x0;
	[sflag:s18] =	ssyncset.done $0x0  }
.Ltmp8:
0x1c9: {  	[sflag:s18] =	ssyncadd.s32 $0xFFFFC800;
	(pc) =	sbr.rel @p0 .LBB2_11-.Ltmp8, $4  }
0x1ca: {  	_ =	swait.ge [sflag:s22], $0x3800  }
0x1cb: {  	[sflag:s22] =	ssyncset.done $0x0  }
0x1cc: {  	s6 =	sadd.s32 $0x4F80, s16;
	[sflag:s22] =	ssyncadd.s32 $0xFFFFC800  }
0x1cd: {  	[spmem:s1] =	stream.indirect.scatter.add.f32 [tilespmem:s21], [sflag:$0x4], $0x70, s6, s19, $0xb8;
	[tilespmem:$0x1D800] =	vst v63  }
.Ltmp9:
0x1ce: {  	(pc) =	sbr.rel .LBB2_9-.Ltmp9, $3  }
0x1cf: {  	_ =	sdelay $0x1  }
0x1d0: {  	s6 =	sadd.s32 $0x2800, s16;
	s25 =	sadd.s32 $0x400, s25  }
0x1d1: {  	[tilespmem:s20], [sflag:$0x1] =	stream.indirect.gather [hbm4b:s4+s19], $0x70, s6, s19, $0xb8;
	[tilespmem:$0x1D800] =	vst v63  }
.LBB2_12:
0x1d2: {  	_ =	sfence.sel $0x180000  }
0x1d3: {  	[bflag:$0x0] =	sbarrier.arrive $0xFFFF  }
0x1d4: {  	_ =	strace $0x90000047  }
0x1d5: {  	[bflag:$0x2] =	sbarrier.arrive $0xFFFF  }
0x1d6: {  	s0 =	rddreg [dreg:$0x3]  }
0x1d7: {  	s0 =	sadd.s32 @!p6 $0x100000, s0  }
0x1d8: {  	[sflag:s0] =	ssyncadd.tile.s32 @!p6 $0x1;
	_ =	shalt  }
.Lfunc_end2:
_tile_overlayer_lowered:
.L_overlay_start_2:
0x1d9: {  	(tag) =	ssettag $0x2  }
0x1da: {  	s0 =	rddreg [dreg:$0x0];
	s2 =	stileid.u32  }
0x1db: {  	s1 =	rddreg [dreg:$0x1];
	p0 =	sne.s32 s2, $0x0  }
0x1dc: {  	s3 =	rddreg [dreg:$0x2];
	[bflag:$0x3] =	sbarrier.arrive $0xFFFF;
	s2 =	simm.s32 @!p0 $0x1C05  }
0x1dd: {  	[timem:s3], [sflag:s2] =	dma.local @!p0 [hbm:s0], s1  }
0x1de: {  	s0 =	simm.s32 @!p0 $0x5  }
0x1df: {  	_ =	swait.ge @!p0 [sflag:s0], s1  }
0x1e0: {  	s1 =	ssub.s32 @!p0 $0x0, s1;
	[sflag:s0] =	ssyncset.done @!p0 $0x0  }
0x1e1: {  	[sflag:s0] =	ssyncadd.s32 @!p0 s1  }
0x1e2: {  	[bflag:$0x3] =	sbarrier.arrive $0xFFFF  }
0x1e3: {  	_ =	shalt  }

</sc_bundles>
